<compile_context>
chip_gen: v7x
topology: tpu7x:2x2x1
jax: 0.10.2.dev20260603
libtpu: 0.0.44.dev20260713+nightly
codegen_flags: <defaults>
</compile_context>

<pallas_src>
import functools

import jax
import jax.numpy as jnp
from jax import lax
from jax.experimental import pallas as pl
from jax.experimental.pallas import tpu as pltpu
from jax.experimental.pallas import tpu_sc as plsc

_NC = 2
_NS = 16
_NW = _NC * _NS
_B = 128

_DNUMS = lax.GatherDimensionNumbers(
    offset_dims=(), collapsed_slice_dims=(0,), start_index_map=(0,)
)


def _bcast_lane(v, k):
    kv = jnp.full((16, 1), k, jnp.int32)
    return lax.gather(
        v, kv, _DNUMS, (1,), mode=lax.GatherScatterMode.PROMISE_IN_BOUNDS
    )


def _hermite_weights(t):
    t2 = t * t
    t3 = t2 * t
    w0 = -0.5 * t3 + t2 - 0.5 * t
    w1 = 1.5 * t3 - 2.5 * t2 + 1.0
    w2 = -1.5 * t3 + 2.0 * t2 + 0.5 * t
    w3 = 0.5 * t3 - 0.5 * t2
    return w0, w1, w2, w3


def _prep_block(x_ref, y_ref, idx_ref, w_ref, *, Hc, Wc, bR):
    x = jnp.clip(x_ref[...], 1.0, float(Hc) - 3.0)[:, None, :]
    y = jnp.clip(y_ref[...], 1.0, float(Wc) - 3.0)[:, None, :]
    bxf = jnp.floor(x)
    byf = jnp.floor(y)
    tx = x - bxf
    ty = y - byf
    bx = bxf.astype(jnp.int32)
    by = byf.astype(jnp.int32)

    wx0, wx1, wx2, wx3 = _hermite_weights(tx)
    wy0, wy1, wy2, wy3 = _hermite_weights(ty)

    k = lax.broadcasted_iota(jnp.int32, (bR, 16, 128), 1)
    di = k // 4
    dj = k % 4

    wx = jnp.where(di == 0, wx0, jnp.where(di == 1, wx1, jnp.where(di == 2, wx2, wx3)))
    wy = jnp.where(dj == 0, wy0, jnp.where(dj == 1, wy1, jnp.where(dj == 2, wy2, wy3)))
    w_ref[...] = wx * wy
    idx_ref[...] = (bx + di - 1) * Wc + (by + dj - 1)


@functools.cache
def _build(N, H, W, C):
    R = N // _B
    bR = 256

    prep = pl.pallas_call(
        functools.partial(_prep_block, Hc=H, Wc=W, bR=bR),
        grid=(R // bR,),
        in_specs=[
            pl.BlockSpec((bR, _B), lambda i: (i, 0)),
            pl.BlockSpec((bR, _B), lambda i: (i, 0)),
        ],
        out_specs=[
            pl.BlockSpec((bR, 16, _B), lambda i: (i, 0, 0)),
            pl.BlockSpec((bR, 16, _B), lambda i: (i, 0, 0)),
        ],
        out_shape=[
            jax.ShapeDtypeStruct((R, 16, _B), jnp.int32),
            jax.ShapeDtypeStruct((R, 16, _B), jnp.float32),
        ],
    )

    nchunks = R // _NW
    mesh = plsc.VectorSubcoreMesh(core_axis_name="c", subcore_axis_name="s")
    hper = H // _NW

    @functools.partial(
        pl.kernel,
        mesh=mesh,
        out_type=jax.ShapeDtypeStruct((H * W * C // 128, 128), jnp.float32),
        scratch_types=[
            pltpu.VMEM((2, 16, 8, 128), jnp.float32),
            pltpu.VMEM((2, 128, 128), jnp.float32),
            pltpu.SemaphoreType.DMA,
            pltpu.SemaphoreType.DMA,
            pltpu.SemaphoreType.DMA,
            pltpu.SemaphoreType.DMA,
        ],
        compiler_params=pltpu.CompilerParams(
            use_tc_tiling_on_sc=False, needs_layout_passes=False
        ),
    )
    def sc_relayout(v_hbm, t_hbm, src_v, out_v, lsem0, lsem1, osem0, osem1):
        lsem = (lsem0, lsem1)
        osem = (osem0, osem1)
        iot16 = lax.iota(jnp.int32, 16)
        c8v8 = (iot16 // 8) * 8
        c8r = iot16 % 8
        wid = lax.axis_index("s") * _NC + lax.axis_index("c")
        steps = hper * 2

        def src_copies(s, b):
            h = wid * hper + s // 2
            half = s % 2
            return [
                pltpu.make_async_copy(
                    v_hbm.at[pl.ds((h * 2 + c8i) * 16 + half * 8, 8)],
                    src_v.at[b, pl.ds(c8i * 8, 8)],
                    lsem[b],
                )
                for c8i in (0, 1)
            ]

        def out_copy(s, b):
            h = wid * hper + s // 2
            half = s % 2
            r0 = pl.multiple_of(h * (W * C // 128) + half * 128, 128)
            return pltpu.make_async_copy(
                out_v.at[b], t_hbm.at[pl.ds(r0, 128)], osem[b]
            )

        for cp in src_copies(0, 0):
            cp.start()
        for cp in src_copies(1, 1):
            cp.start()

        @pl.loop(0, steps, step=2)
        def _pair(si):
            for b in (0, 1):
                s = si + b
                for cp in src_copies(s, b):
                    cp.wait()

                @pl.when(s >= 2)
                def _():
                    out_copy(s - 2, b).wait()

                @plsc.parallel_loop(0, 128, unroll=4)
                def _(r):
                    w0 = r * 8
                    idx0 = c8v8 + w0 // _B
                    for j in range(8):
                        wlv = jnp.full((16,), w0 % _B + j, jnp.int32)
                        vals = plsc.load_gather(src_v.at[b], [idx0, c8r, wlv])
                        out_v[b, r, pl.ds(j * 16, 16)] = vals

                out_copy(s, b).start()

                @pl.when(s + 2 < steps)
                def _():
                    for cp in src_copies(s + 2, b):
                        cp.start()

        out_copy(steps - 2, 0).wait()
        out_copy(steps - 1, 1).wait()

    @functools.partial(
        pl.kernel,
        mesh=mesh,
        out_type=jax.ShapeDtypeStruct((C // 8, R, 8, _B), jnp.float32),
        scratch_types=[
            pltpu.VMEM((2, 16, _B), jnp.int32),
            pltpu.VMEM((2, 16, _B), jnp.float32),
            pltpu.VMEM((2, 16 * _B, C), jnp.float32),
            pltpu.VMEM((2, C, _B), jnp.float32),
            pltpu.SemaphoreType.DMA,
            pltpu.SemaphoreType.DMA,
            pltpu.SemaphoreType.DMA,
            pltpu.SemaphoreType.DMA,
            pltpu.SemaphoreType.DMA,
            pltpu.SemaphoreType.DMA,
            pltpu.SemaphoreType.DMA,
            pltpu.SemaphoreType.DMA,
        ],
        compiler_params=pltpu.CompilerParams(
            use_tc_tiling_on_sc=False, needs_layout_passes=False
        ),
    )
    def sc_main(
        table_ref,
        idx_hbm,
        w_hbm,
        out_hbm,
        idx_v,
        w_v,
        rows_v,
        out_v,
        isem0,
        isem1,
        wsem0,
        wsem1,
        gsem0,
        gsem1,
        osem0,
        osem1,
    ):
        isem = (isem0, isem1)
        wsem = (wsem0, wsem1)
        gsem = (gsem0, gsem1)
        osem = (osem0, osem1)

        iot16 = lax.iota(jnp.int32, 16)
        wid = lax.axis_index("s") * _NC + lax.axis_index("c")
        base_g = wid * nchunks

        def idx_copy(g, b):
            src = idx_hbm.at[pl.ds(pl.multiple_of(g * 16, 16), 16)]
            return pltpu.make_async_copy(src, idx_v.at[b], isem[b])

        def w_copy(g, b):
            src = w_hbm.at[pl.ds(pl.multiple_of(g * 16, 16), 16)]
            return pltpu.make_async_copy(src, w_v.at[b], wsem[b])

        def gather_copy(j, b):
            return pltpu.make_async_copy(
                table_ref.at[idx_v.at[b, j]],
                rows_v.at[b, pl.ds(j * _B, _B)],
                gsem[b],
            )

        def out_copy(g, b):
            return (
                pltpu.make_async_copy(
                    out_v.at[b, pl.ds(0, 8)], out_hbm.at[0, g], osem[b]
                ),
                pltpu.make_async_copy(
                    out_v.at[b, pl.ds(8, 8)], out_hbm.at[1, g], osem[b]
                ),
            )

        def combine(b):
            @plsc.parallel_loop(0, _B, unroll=4)
            def _(p):
                pcol = jnp.full((16,), p, jnp.int32)
                wv = plsc.load_gather(w_v.at[b], [iot16, pcol])
                t = [
                    rows_v[b, k * _B + p] * _bcast_lane(wv, k) for k in range(16)
                ]
                while len(t) > 1:
                    t = [t[i] + t[i + 1] for i in range(0, len(t), 2)]
                plsc.store_scatter(out_v.at[b], [iot16, pcol], t[0])

        idx_copy(base_g, 0).start()
        w_copy(base_g, 0).start()
        idx_copy(base_g + 1, 1).start()
        w_copy(base_g + 1, 1).start()
        idx_copy(base_g, 0).wait()
        for j in range(16):
            gather_copy(j, 0).start()

        @pl.loop(0, nchunks, step=2)
        def _pair(ci):
            for b in (0, 1):
                c = ci + b
                g = base_g + c
                nb = 1 - b

                @pl.when(c + 1 < nchunks)
                def _():
                    idx_copy(g + 1, nb).wait()
                    for j in range(16):
                        gather_copy(j, nb).start()

                for j in range(16):
                    gather_copy(j, b).wait()

                @pl.when(c + 2 < nchunks)
                def _():
                    idx_copy(g + 2, b).start()

                @pl.when(c >= 2)
                def _():
                    for cp in out_copy(g - 2, b):
                        cp.wait()

                w_copy(g, b).wait()
                combine(b)
                for cp in out_copy(g, b):
                    cp.start()

                @pl.when(c + 2 < nchunks)
                def _():
                    w_copy(g + 2, b).start()

        for cp in out_copy(base_g + nchunks - 2, 0):
            cp.wait()
        for cp in out_copy(base_g + nchunks - 1, 1):
            cp.wait()

    return prep, sc_relayout, sc_main


def kernel(coords, visible):
    H, W, C = visible.shape
    N = coords.shape[0]
    R = N // _B
    prep, sc_relayout, sc_main = _build(N, H, W, C)
    xs = coords[:, 0].reshape(R, _B)
    ys = coords[:, 1].reshape(R, _B)
    idx3, w3 = prep(xs, ys)
    v_tiled = (
        visible.reshape(H, W // 128, 128, C // 8, 8)
        .transpose(0, 3, 1, 4, 2)
        .reshape(H * (C // 8) * (W // 128), 8, 128)
    )
    table = sc_relayout(v_tiled).reshape(H * W, C)
    out = sc_main(table, idx3.reshape(R * 16, _B), w3.reshape(R * 16, _B))
    return out.transpose(1, 3, 0, 2).reshape(N, C)

# --- scband reference (transcript-rebuilt; emitter-appended) ---
"""Pipeline reference for scband-idx2-pixel-bclayer-7541962572383 (READ-ONLY COPY).

The authoritative reference and input builder live on the scoring server;
editing this copy changes nothing except your own understanding.
"""

import jax, jax.numpy as jnp
import numpy as np

H, W, C = 2048, 2048, 16
N = 262144


def setup_inputs(seed: int = 0) -> dict:
    key = jax.random.key(seed)
    k1, k2 = jax.random.split(key)
    # coords must land in the valid interpolation window [1, H-3] x [1, W-3]
    coords = 1.0 + jax.random.uniform(k1, (N, 2), dtype=jnp.float32) * (H - 4)
    visible = jax.random.normal(k2, (H, W, C), dtype=jnp.float32)
    return {"coords": coords, "visible": visible}


def _hermite(A, B, Cc, D, t):
    # Catmull-Rom cubic Hermite spline, identical math to the TF reference
    a = A * -0.5 + B * 1.5 + Cc * -1.5 + D * 0.5
    b = A + B * -2.5 + Cc * 2.0 + D * -0.5
    c = A * -0.5 + Cc * 0.5
    d = B
    t = t[:, None]  # einsum('i,ij->ij', t, m) == t[:, None] * m
    return t * (t * (t * a)) + t * (t * b) + t * c + d


def reference(coords, visible):
    hw = jnp.array(visible.shape[:-1], dtype=jnp.float32)
    coords = jnp.maximum(coords, jnp.ones((2,), dtype=jnp.float32))
    coords = jnp.minimum(coords, hw - 3.0)
    idx_low = jnp.floor(coords)
    delta = (coords - idx_low).astype(jnp.float32)
    x_t = delta[:, 0]
    y_t = delta[:, 1]
    base = idx_low.astype(jnp.int32)

    def g(dx, dy):
        # tf.gather_nd(visible, idx_low + [dx, dy]) -> [N, C]
        return visible[base[:, 0] + dx, base[:, 1] + dy]

    col_0 = _hermite(g(-1, -1), g(0, -1), g(1, -1), g(2, -1), x_t)
    col_1 = _hermite(g(-1, 0), g(0, 0), g(1, 0), g(2, 0), x_t)
    col_2 = _hermite(g(-1, 1), g(0, 1), g(1, 1), g(2, 1), x_t)
    col_3 = _hermite(g(-1, 2), g(0, 2), g(1, 2), g(2, 2), x_t)
    interpolation = _hermite(col_0, col_1, col_2, col_3, y_t)
    return interpolation

if __name__ == "__main__":
    import jax
    _d = setup_inputs()
    print(jax.jit(kernel)(*tuple(_d.values())))

</pallas_src>

<mosaic_0001>
#map = affine_map<(d0, d1) -> (0, 0, 0)>
#map1 = affine_map<(d0, d1) -> (0, 0)>
module attributes {stable_mosaic.version = 14 : i64} {
  func.func @sc_relayout(%arg0: i32, %arg1: i32, %arg2: memref<65536x8x128xf32, #tpu.memory_space<hbm>>, %arg3: memref<524288x128xf32, #tpu.memory_space<hbm>>, %arg4: memref<2x16x8x128xf32, #tpu.memory_space<vmem>>, %arg5: memref<2x128x128xf32, #tpu.memory_space<vmem>>, %arg6: memref<!tpu.dma_semaphore, #tpu.memory_space<semaphore_mem>>, %arg7: memref<!tpu.dma_semaphore, #tpu.memory_space<semaphore_mem>>, %arg8: memref<!tpu.dma_semaphore, #tpu.memory_space<semaphore_mem>>, %arg9: memref<!tpu.dma_semaphore, #tpu.memory_space<semaphore_mem>>) attributes {dimension_semantics = [#tpu.dimension_semantics<core_parallel>, #tpu.dimension_semantics<subcore_parallel>], iteration_bounds = array<i64: 2, 16>, scalar_prefetch = 0 : i64, scratch_operands = 6 : i64, tpu.core_type = #tpu.core_type<sc_vector_subcore>, window_params = [{transform_indices = #map}, {transform_indices = #map1}]} {
    %iota3A = tpu.iota {dimensions = array<i32: 0>} : vector<16xi32>
    %jit3A = arith.constant 8 : i32
    %div3A = vector.broadcast %jit3A : i32 to vector<16xi32>
    %div3A_0 = arith.divsi %iota3A, %div3A : vector<16xi32>
    %sign3A = arith.constant 0 : i32
    %sign3A_1 = vector.broadcast %sign3A : i32 to vector<16xi32>
    %sign3A_2 = arith.cmpi sgt, %iota3A, %sign3A_1 : vector<16xi32>
    %sign3A_3 = arith.extui %sign3A_2 : vector<16xi1> to vector<16xi32>
    %sign3A_4 = arith.constant 0 : i32
    %sign3A_5 = vector.broadcast %sign3A_4 : i32 to vector<16xi32>
    %sign3A_6 = arith.cmpi slt, %iota3A, %sign3A_5 : vector<16xi32>
    %sign3A_7 = arith.extui %sign3A_6 : vector<16xi1> to vector<16xi32>
    %sign3A_8 = arith.subi %sign3A_3, %sign3A_7 : vector<16xi32>
    %sign3A_9 = arith.constant 0 : i32
    %sign3A_10 = arith.cmpi sgt, %jit3A, %sign3A_9 : i32
    %sign3A_11 = arith.extui %sign3A_10 : i1 to i32
    %sign3A_12 = arith.constant 0 : i32
    %sign3A_13 = arith.cmpi slt, %jit3A, %sign3A_12 : i32
    %sign3A_14 = arith.extui %sign3A_13 : i1 to i32
    %sign3A_15 = arith.subi %sign3A_11, %sign3A_14 : i32
    %ne3A = vector.broadcast %sign3A_15 : i32 to vector<16xi32>
    %ne3A_16 = arith.cmpi ne, %sign3A_8, %ne3A : vector<16xi32>
    %rem3A = vector.broadcast %jit3A : i32 to vector<16xi32>
    %rem3A_17 = arith.remsi %iota3A, %rem3A : vector<16xi32>
    %ne3A_18 = arith.constant 0 : i32
    %ne3A_19 = vector.broadcast %ne3A_18 : i32 to vector<16xi32>
    %ne3A_20 = arith.cmpi ne, %rem3A_17, %ne3A_19 : vector<16xi32>
    %and3A = arith.andi %ne3A_16, %ne3A_20 : vector<16xi1>
    %sub3A = arith.constant 1 : i32
    %sub3A_21 = vector.broadcast %sub3A : i32 to vector<16xi32>
    %sub3A_22 = arith.subi %div3A_0, %sub3A_21 : vector<16xi32>
    %select_n3A = arith.select %and3A, %sub3A_22, %div3A_0 : vector<16xi1>, vector<16xi32>
    %mul3A = arith.constant 8 : i32
    %mul3A_23 = vector.broadcast %mul3A : i32 to vector<16xi32>
    %mul3A_24 = arith.muli %select_n3A, %mul3A_23 : vector<16xi32>
    %jit3A_25 = arith.constant 8 : i32
    %eq3A = arith.constant 0 : i32
    %eq3A_26 = arith.cmpi eq, %jit3A_25, %eq3A : i32
    %jit3A_27 = arith.constant 1 : i32
    %select_n3A_28 = arith.select %eq3A_26, %jit3A_27, %jit3A_25 : i32
    %rem3A_29 = vector.broadcast %select_n3A_28 : i32 to vector<16xi32>
    %rem3A_30 = arith.remsi %iota3A, %rem3A_29 : vector<16xi32>
    %ne3A_31 = arith.constant 0 : i32
    %ne3A_32 = vector.broadcast %ne3A_31 : i32 to vector<16xi32>
    %ne3A_33 = arith.cmpi ne, %rem3A_30, %ne3A_32 : vector<16xi32>
    %lt3A = arith.constant 0 : i32
    %lt3A_34 = vector.broadcast %lt3A : i32 to vector<16xi32>
    %lt3A_35 = arith.cmpi slt, %rem3A_30, %lt3A_34 : vector<16xi32>
    %lt3A_36 = arith.constant 0 : i32
    %lt3A_37 = arith.cmpi slt, %select_n3A_28, %lt3A_36 : i32
    %ne3A_38 = vector.broadcast %lt3A_37 : i1 to vector<16xi1>
    %ne3A_39 = vector.broadcast %ne3A_38 : vector<16xi1> to vector<16xi1>
    %ne3A_40 = arith.xori %lt3A_35, %ne3A_39 : vector<16xi1>
    %and3A_41 = arith.andi %ne3A_40, %ne3A_33 : vector<16xi1>
    %add3A = vector.broadcast %select_n3A_28 : i32 to vector<16xi32>
    %add3A_42 = arith.addi %rem3A_30, %add3A : vector<16xi32>
    %select_n3A_43 = arith.select %and3A_41, %add3A_42, %rem3A_30 : vector<16xi1>, vector<16xi32>
    %mul3A_44 = arith.constant 2 : i32
    %mul3A_45 = arith.muli %arg1, %mul3A_44 : i32
    %add3A_46 = arith.addi %mul3A_45, %arg0 : i32
    %mul3A_47 = arith.constant 64 : i32
    %mul3A_48 = arith.muli %add3A_46, %mul3A_47 : i32
    %add3A_49 = arith.constant 0 : i32
    %add3A_50 = arith.addi %mul3A_48, %add3A_49 : i32
    %mul3A_51 = arith.constant 2 : i32
    %mul3A_52 = arith.muli %add3A_50, %mul3A_51 : i32
    %add3A_53 = arith.constant 0 : i32
    %add3A_54 = arith.addi %mul3A_52, %add3A_53 : i32
    %mul3A_55 = arith.constant 16 : i32
    %mul3A_56 = arith.muli %add3A_54, %mul3A_55 : i32
    %add3A_57 = arith.constant 0 : i32
    %add3A_58 = arith.addi %mul3A_56, %add3A_57 : i32
    %mul3A_59 = arith.constant 2 : i32
    %mul3A_60 = arith.muli %add3A_50, %mul3A_59 : i32
    %add3A_61 = arith.constant 1 : i32
    %add3A_62 = arith.addi %mul3A_60, %add3A_61 : i32
    %mul3A_63 = arith.constant 16 : i32
    %mul3A_64 = arith.muli %add3A_62, %mul3A_63 : i32
    %add3A_65 = arith.constant 0 : i32
    %add3A_66 = arith.addi %mul3A_64, %add3A_65 : i32
    %dma_start3A = arith.constant 0 : i32
    %dma_start3A_67 = arith.constant 0 : i32
    %dma_start3A_68 = arith.constant 0 : i32
    %dma_start3A_69 = arith.constant 0 : i32
    %dma_start3A_70 = tpu.memref_slice %arg4[%dma_start3A, %dma_start3A_67, %dma_start3A_68, %dma_start3A_69] : memref<2x16x8x128xf32, #tpu.memory_space<vmem>> -> memref<1x8x8x128xf32, #tpu.memory_space<vmem>>
    %dma_start3A_71 = tpu.memref_squeeze %dma_start3A_70 : memref<1x8x8x128xf32, #tpu.memory_space<vmem>> -> memref<8x8x128xf32, #tpu.memory_space<vmem>>
    %dma_start3A_72 = arith.constant 0 : i32
    %dma_start3A_73 = arith.constant 0 : i32
    %dma_start3A_74 = tpu.memref_slice %arg2[%add3A_58, %dma_start3A_72, %dma_start3A_73] : memref<65536x8x128xf32, #tpu.memory_space<hbm>> -> memref<8x8x128xf32, #tpu.memory_space<hbm>>
    %dma_start3A_75 = arith.constant 0 : i32
    %dma_start3A_76 = arith.constant 0 : i32
    %dma_start3A_77 = arith.constant 0 : i32
    %dma_start3A_78 = tpu.memref_slice %arg4[%dma_start3A, %dma_start3A_75, %dma_start3A_76, %dma_start3A_77] : memref<2x16x8x128xf32, #tpu.memory_space<vmem>> -> memref<1x8x8x128xf32, #tpu.memory_space<vmem>>
    %dma_start3A_79 = tpu.memref_squeeze %dma_start3A_78 : memref<1x8x8x128xf32, #tpu.memory_space<vmem>> -> memref<8x8x128xf32, #tpu.memory_space<vmem>>
    %dma_start3A_80 = arith.constant 0 : i32
    %dma_start3A_81 = arith.constant 0 : i32
    %dma_start3A_82 = tpu.memref_slice %arg2[%add3A_58, %dma_start3A_80, %dma_start3A_81] : memref<65536x8x128xf32, #tpu.memory_space<hbm>> -> memref<8x8x128xf32, #tpu.memory_space<hbm>>
    tpu.enqueue_dma source(%dma_start3A_82 : memref<8x8x128xf32, #tpu.memory_space<hbm>>) target(%dma_start3A_79 : memref<8x8x128xf32, #tpu.memory_space<vmem>>) target_semaphore(%arg6 : memref<!tpu.dma_semaphore, #tpu.memory_space<semaphore_mem>>)
    %dma_start3A_83 = arith.constant 0 : i32
    %dma_start3A_84 = arith.constant 8 : i32
    %dma_start3A_85 = arith.constant 0 : i32
    %dma_start3A_86 = arith.constant 0 : i32
    %dma_start3A_87 = tpu.memref_slice %arg4[%dma_start3A_83, %dma_start3A_84, %dma_start3A_85, %dma_start3A_86] : memref<2x16x8x128xf32, #tpu.memory_space<vmem>> -> memref<1x8x8x128xf32, #tpu.memory_space<vmem>>
    %dma_start3A_88 = tpu.memref_squeeze %dma_start3A_87 : memref<1x8x8x128xf32, #tpu.memory_space<vmem>> -> memref<8x8x128xf32, #tpu.memory_space<vmem>>
    %dma_start3A_89 = arith.constant 0 : i32
    %dma_start3A_90 = arith.constant 0 : i32
    %dma_start3A_91 = tpu.memref_slice %arg2[%add3A_66, %dma_start3A_89, %dma_start3A_90] : memref<65536x8x128xf32, #tpu.memory_space<hbm>> -> memref<8x8x128xf32, #tpu.memory_space<hbm>>
    %dma_start3A_92 = arith.constant 8 : i32
    %dma_start3A_93 = arith.constant 0 : i32
    %dma_start3A_94 = arith.constant 0 : i32
    %dma_start3A_95 = tpu.memref_slice %arg4[%dma_start3A_83, %dma_start3A_92, %dma_start3A_93, %dma_start3A_94] : memref<2x16x8x128xf32, #tpu.memory_space<vmem>> -> memref<1x8x8x128xf32, #tpu.memory_space<vmem>>
    %dma_start3A_96 = tpu.memref_squeeze %dma_start3A_95 : memref<1x8x8x128xf32, #tpu.memory_space<vmem>> -> memref<8x8x128xf32, #tpu.memory_space<vmem>>
    %dma_start3A_97 = arith.constant 0 : i32
    %dma_start3A_98 = arith.constant 0 : i32
    %dma_start3A_99 = tpu.memref_slice %arg2[%add3A_66, %dma_start3A_97, %dma_start3A_98] : memref<65536x8x128xf32, #tpu.memory_space<hbm>> -> memref<8x8x128xf32, #tpu.memory_space<hbm>>
    tpu.enqueue_dma source(%dma_start3A_99 : memref<8x8x128xf32, #tpu.memory_space<hbm>>) target(%dma_start3A_96 : memref<8x8x128xf32, #tpu.memory_space<vmem>>) target_semaphore(%arg6 : memref<!tpu.dma_semaphore, #tpu.memory_space<semaphore_mem>>)
    %mul3A_100 = arith.constant 64 : i32
    %mul3A_101 = arith.muli %add3A_46, %mul3A_100 : i32
    %add3A_102 = arith.constant 0 : i32
    %add3A_103 = arith.addi %mul3A_101, %add3A_102 : i32
    %mul3A_104 = arith.constant 2 : i32
    %mul3A_105 = arith.muli %add3A_103, %mul3A_104 : i32
    %add3A_106 = arith.constant 0 : i32
    %add3A_107 = arith.addi %mul3A_105, %add3A_106 : i32
    %mul3A_108 = arith.constant 16 : i32
    %mul3A_109 = arith.muli %add3A_107, %mul3A_108 : i32
    %add3A_110 = arith.constant 8 : i32
    %add3A_111 = arith.addi %mul3A_109, %add3A_110 : i32
    %mul3A_112 = arith.constant 2 : i32
    %mul3A_113 = arith.muli %add3A_103, %mul3A_112 : i32
    %add3A_114 = arith.constant 1 : i32
    %add3A_115 = arith.addi %mul3A_113, %add3A_114 : i32
    %mul3A_116 = arith.constant 16 : i32
    %mul3A_117 = arith.muli %add3A_115, %mul3A_116 : i32
    %add3A_118 = arith.constant 8 : i32
    %add3A_119 = arith.addi %mul3A_117, %add3A_118 : i32
    %dma_start3A_120 = arith.constant 1 : i32
    %dma_start3A_121 = arith.constant 0 : i32
    %dma_start3A_122 = arith.constant 0 : i32
    %dma_start3A_123 = arith.constant 0 : i32
    %dma_start3A_124 = tpu.memref_slice %arg4[%dma_start3A_120, %dma_start3A_121, %dma_start3A_122, %dma_start3A_123] : memref<2x16x8x128xf32, #tpu.memory_space<vmem>> -> memref<1x8x8x128xf32, #tpu.memory_space<vmem>>
    %dma_start3A_125 = tpu.memref_squeeze %dma_start3A_124 : memref<1x8x8x128xf32, #tpu.memory_space<vmem>> -> memref<8x8x128xf32, #tpu.memory_space<vmem>>
    %dma_start3A_126 = arith.constant 0 : i32
    %dma_start3A_127 = arith.constant 0 : i32
    %dma_start3A_128 = tpu.memref_slice %arg2[%add3A_111, %dma_start3A_126, %dma_start3A_127] : memref<65536x8x128xf32, #tpu.memory_space<hbm>> -> memref<8x8x128xf32, #tpu.memory_space<hbm>>
    %dma_start3A_129 = arith.constant 0 : i32
    %dma_start3A_130 = arith.constant 0 : i32
    %dma_start3A_131 = arith.constant 0 : i32
    %dma_start3A_132 = tpu.memref_slice %arg4[%dma_start3A_120, %dma_start3A_129, %dma_start3A_130, %dma_start3A_131] : memref<2x16x8x128xf32, #tpu.memory_space<vmem>> -> memref<1x8x8x128xf32, #tpu.memory_space<vmem>>
    %dma_start3A_133 = tpu.memref_squeeze %dma_start3A_132 : memref<1x8x8x128xf32, #tpu.memory_space<vmem>> -> memref<8x8x128xf32, #tpu.memory_space<vmem>>
    %dma_start3A_134 = arith.constant 0 : i32
    %dma_start3A_135 = arith.constant 0 : i32
    %dma_start3A_136 = tpu.memref_slice %arg2[%add3A_111, %dma_start3A_134, %dma_start3A_135] : memref<65536x8x128xf32, #tpu.memory_space<hbm>> -> memref<8x8x128xf32, #tpu.memory_space<hbm>>
    tpu.enqueue_dma source(%dma_start3A_136 : memref<8x8x128xf32, #tpu.memory_space<hbm>>) target(%dma_start3A_133 : memref<8x8x128xf32, #tpu.memory_space<vmem>>) target_semaphore(%arg7 : memref<!tpu.dma_semaphore, #tpu.memory_space<semaphore_mem>>)
    %dma_start3A_137 = arith.constant 1 : i32
    %dma_start3A_138 = arith.constant 8 : i32
    %dma_start3A_139 = arith.constant 0 : i32
    %dma_start3A_140 = arith.constant 0 : i32
    %dma_start3A_141 = tpu.memref_slice %arg4[%dma_start3A_137, %dma_start3A_138, %dma_start3A_139, %dma_start3A_140] : memref<2x16x8x128xf32, #tpu.memory_space<vmem>> -> memref<1x8x8x128xf32, #tpu.memory_space<vmem>>
    %dma_start3A_142 = tpu.memref_squeeze %dma_start3A_141 : memref<1x8x8x128xf32, #tpu.memory_space<vmem>> -> memref<8x8x128xf32, #tpu.memory_space<vmem>>
    %dma_start3A_143 = arith.constant 0 : i32
    %dma_start3A_144 = arith.constant 0 : i32
    %dma_start3A_145 = tpu.memref_slice %arg2[%add3A_119, %dma_start3A_143, %dma_start3A_144] : memref<65536x8x128xf32, #tpu.memory_space<hbm>> -> memref<8x8x128xf32, #tpu.memory_space<hbm>>
    %dma_start3A_146 = arith.constant 8 : i32
    %dma_start3A_147 = arith.constant 0 : i32
    %dma_start3A_148 = arith.constant 0 : i32
    %dma_start3A_149 = tpu.memref_slice %arg4[%dma_start3A_137, %dma_start3A_146, %dma_start3A_147, %dma_start3A_148] : memref<2x16x8x128xf32, #tpu.memory_space<vmem>> -> memref<1x8x8x128xf32, #tpu.memory_space<vmem>>
    %dma_start3A_150 = tpu.memref_squeeze %dma_start3A_149 : memref<1x8x8x128xf32, #tpu.memory_space<vmem>> -> memref<8x8x128xf32, #tpu.memory_space<vmem>>
    %dma_start3A_151 = arith.constant 0 : i32
    %dma_start3A_152 = arith.constant 0 : i32
    %dma_start3A_153 = tpu.memref_slice %arg2[%add3A_119, %dma_start3A_151, %dma_start3A_152] : memref<65536x8x128xf32, #tpu.memory_space<hbm>> -> memref<8x8x128xf32, #tpu.memory_space<hbm>>
    tpu.enqueue_dma source(%dma_start3A_153 : memref<8x8x128xf32, #tpu.memory_space<hbm>>) target(%dma_start3A_150 : memref<8x8x128xf32, #tpu.memory_space<vmem>>) target_semaphore(%arg7 : memref<!tpu.dma_semaphore, #tpu.memory_space<semaphore_mem>>)
    %scan3A = arith.constant 0 : i32
    %scan3A_154 = arith.constant 64 : i32
    %scan3A_155 = arith.addi %scan3A, %scan3A_154 : i32
    %scan3A_156 = arith.constant 1 : i32
    scf.for %scan3A_200 = %scan3A to %scan3A_155 step %scan3A_156  : i32 {
      %mul3A_201 = arith.constant 2 : i32
      %mul3A_202 = arith.muli %scan3A_200, %mul3A_201 : i32
      %add3A_203 = arith.constant 0 : i32
      %add3A_204 = arith.addi %add3A_203, %mul3A_202 : i32
      %add3A_205 = arith.constant 0 : i32
      %add3A_206 = arith.addi %add3A_204, %add3A_205 : i32
      %mul3A_207 = arith.constant 64 : i32
      %mul3A_208 = arith.muli %add3A_46, %mul3A_207 : i32
      %jit3A_209 = arith.constant 2 : i32
      %div3A_210 = arith.divsi %add3A_206, %jit3A_209 : i32
      %sign3A_211 = arith.constant 0 : i32
      %sign3A_212 = arith.cmpi sgt, %add3A_206, %sign3A_211 : i32
      %sign3A_213 = arith.extui %sign3A_212 : i1 to i32
      %sign3A_214 = arith.constant 0 : i32
      %sign3A_215 = arith.cmpi slt, %add3A_206, %sign3A_214 : i32
      %sign3A_216 = arith.extui %sign3A_215 : i1 to i32
      %sign3A_217 = arith.subi %sign3A_213, %sign3A_216 : i32
      %sign3A_218 = arith.constant 0 : i32
      %sign3A_219 = arith.cmpi sgt, %jit3A_209, %sign3A_218 : i32
      %sign3A_220 = arith.extui %sign3A_219 : i1 to i32
      %sign3A_221 = arith.constant 0 : i32
      %sign3A_222 = arith.cmpi slt, %jit3A_209, %sign3A_221 : i32
      %sign3A_223 = arith.extui %sign3A_222 : i1 to i32
      %sign3A_224 = arith.subi %sign3A_220, %sign3A_223 : i32
      %ne3A_225 = arith.cmpi ne, %sign3A_217, %sign3A_224 : i32
      %rem3A_226 = arith.remsi %add3A_206, %jit3A_209 : i32
      %ne3A_227 = arith.constant 0 : i32
      %ne3A_228 = arith.cmpi ne, %rem3A_226, %ne3A_227 : i32
      %and3A_229 = arith.andi %ne3A_225, %ne3A_228 : i1
      %sub3A_230 = arith.constant 1 : i32
      %sub3A_231 = arith.subi %div3A_210, %sub3A_230 : i32
      %select_n3A_232 = arith.select %and3A_229, %sub3A_231, %div3A_210 : i32
      %add3A_233 = arith.addi %mul3A_208, %select_n3A_232 : i32
      %jit3A_234 = arith.constant 2 : i32
      %eq3A_235 = arith.constant 0 : i32
      %eq3A_236 = arith.cmpi eq, %jit3A_234, %eq3A_235 : i32
      %jit3A_237 = arith.constant 1 : i32
      %select_n3A_238 = arith.select %eq3A_236, %jit3A_237, %jit3A_234 : i32
      %rem3A_239 = arith.remsi %add3A_206, %select_n3A_238 : i32
      %ne3A_240 = arith.constant 0 : i32
      %ne3A_241 = arith.cmpi ne, %rem3A_239, %ne3A_240 : i32
      %lt3A_242 = arith.constant 0 : i32
      %lt3A_243 = arith.cmpi slt, %rem3A_239, %lt3A_242 : i32
      %lt3A_244 = arith.constant 0 : i32
      %lt3A_245 = arith.cmpi slt, %select_n3A_238, %lt3A_244 : i32
      %ne3A_246 = arith.xori %lt3A_243, %lt3A_245 : i1
      %and3A_247 = arith.andi %ne3A_246, %ne3A_241 : i1
      %add3A_248 = arith.addi %rem3A_239, %select_n3A_238 : i32
      %select_n3A_249 = arith.select %and3A_247, %add3A_248, %rem3A_239 : i32
      %mul3A_250 = arith.constant 2 : i32
      %mul3A_251 = arith.muli %add3A_233, %mul3A_250 : i32
      %add3A_252 = arith.constant 0 : i32
      %add3A_253 = arith.addi %mul3A_251, %add3A_252 : i32
      %mul3A_254 = arith.constant 16 : i32
      %mul3A_255 = arith.muli %add3A_253, %mul3A_254 : i32
      %mul3A_256 = arith.constant 8 : i32
      %mul3A_257 = arith.muli %select_n3A_249, %mul3A_256 : i32
      %add3A_258 = arith.addi %mul3A_255, %mul3A_257 : i32
      %mul3A_259 = arith.constant 2 : i32
      %mul3A_260 = arith.muli %add3A_233, %mul3A_259 : i32
      %add3A_261 = arith.constant 1 : i32
      %add3A_262 = arith.addi %mul3A_260, %add3A_261 : i32
      %mul3A_263 = arith.constant 16 : i32
      %mul3A_264 = arith.muli %add3A_262, %mul3A_263 : i32
      %mul3A_265 = arith.constant 8 : i32
      %mul3A_266 = arith.muli %select_n3A_249, %mul3A_265 : i32
      %add3A_267 = arith.addi %mul3A_264, %mul3A_266 : i32
      %dma_wait3A_268 = arith.constant 0 : i32
      %dma_wait3A_269 = arith.constant 0 : i32
      %dma_wait3A_270 = arith.constant 0 : i32
      %dma_wait3A_271 = arith.constant 0 : i32
      %dma_wait3A_272 = tpu.memref_slice %arg4[%dma_wait3A_268, %dma_wait3A_269, %dma_wait3A_270, %dma_wait3A_271] : memref<2x16x8x128xf32, #tpu.memory_space<vmem>> -> memref<1x8x8x128xf32, #tpu.memory_space<vmem>>
      %dma_wait3A_273 = tpu.memref_squeeze %dma_wait3A_272 : memref<1x8x8x128xf32, #tpu.memory_space<vmem>> -> memref<8x8x128xf32, #tpu.memory_space<vmem>>
      %dma_wait3A_274 = arith.constant 0 : i32
      %dma_wait3A_275 = arith.constant 0 : i32
      %dma_wait3A_276 = tpu.memref_slice %arg2[%add3A_258, %dma_wait3A_274, %dma_wait3A_275] : memref<65536x8x128xf32, #tpu.memory_space<hbm>> -> memref<8x8x128xf32, #tpu.memory_space<hbm>>
      %dma_wait3A_277 = arith.constant 0 : i32
      %dma_wait3A_278 = arith.constant 0 : i32
      %dma_wait3A_279 = arith.constant 0 : i32
      %dma_wait3A_280 = tpu.memref_slice %arg4[%dma_wait3A_268, %dma_wait3A_277, %dma_wait3A_278, %dma_wait3A_279] : memref<2x16x8x128xf32, #tpu.memory_space<vmem>> -> memref<1x8x8x128xf32, #tpu.memory_space<vmem>>
      %dma_wait3A_281 = tpu.memref_squeeze %dma_wait3A_280 : memref<1x8x8x128xf32, #tpu.memory_space<vmem>> -> memref<8x8x128xf32, #tpu.memory_space<vmem>>
      %dma_wait3A_282 = arith.constant 0 : i32
      %dma_wait3A_283 = arith.constant 0 : i32
      %dma_wait3A_284 = tpu.memref_slice %arg2[%add3A_258, %dma_wait3A_282, %dma_wait3A_283] : memref<65536x8x128xf32, #tpu.memory_space<hbm>> -> memref<8x8x128xf32, #tpu.memory_space<hbm>>
      tpu.wait_dma2 semaphore(%arg6 : memref<!tpu.dma_semaphore, #tpu.memory_space<semaphore_mem>>) src(%dma_wait3A_284 : memref<8x8x128xf32, #tpu.memory_space<hbm>>) dst(%dma_wait3A_281 : memref<8x8x128xf32, #tpu.memory_space<vmem>>)
      %dma_wait3A_285 = arith.constant 0 : i32
      %dma_wait3A_286 = arith.constant 8 : i32
      %dma_wait3A_287 = arith.constant 0 : i32
      %dma_wait3A_288 = arith.constant 0 : i32
      %dma_wait3A_289 = tpu.memref_slice %arg4[%dma_wait3A_285, %dma_wait3A_286, %dma_wait3A_287, %dma_wait3A_288] : memref<2x16x8x128xf32, #tpu.memory_space<vmem>> -> memref<1x8x8x128xf32, #tpu.memory_space<vmem>>
      %dma_wait3A_290 = tpu.memref_squeeze %dma_wait3A_289 : memref<1x8x8x128xf32, #tpu.memory_space<vmem>> -> memref<8x8x128xf32, #tpu.memory_space<vmem>>
      %dma_wait3A_291 = arith.constant 0 : i32
      %dma_wait3A_292 = arith.constant 0 : i32
      %dma_wait3A_293 = tpu.memref_slice %arg2[%add3A_267, %dma_wait3A_291, %dma_wait3A_292] : memref<65536x8x128xf32, #tpu.memory_space<hbm>> -> memref<8x8x128xf32, #tpu.memory_space<hbm>>
      %dma_wait3A_294 = arith.constant 8 : i32
      %dma_wait3A_295 = arith.constant 0 : i32
      %dma_wait3A_296 = arith.constant 0 : i32
      %dma_wait3A_297 = tpu.memref_slice %arg4[%dma_wait3A_285, %dma_wait3A_294, %dma_wait3A_295, %dma_wait3A_296] : memref<2x16x8x128xf32, #tpu.memory_space<vmem>> -> memref<1x8x8x128xf32, #tpu.memory_space<vmem>>
      %dma_wait3A_298 = tpu.memref_squeeze %dma_wait3A_297 : memref<1x8x8x128xf32, #tpu.memory_space<vmem>> -> memref<8x8x128xf32, #tpu.memory_space<vmem>>
      %dma_wait3A_299 = arith.constant 0 : i32
      %dma_wait3A_300 = arith.constant 0 : i32
      %dma_wait3A_301 = tpu.memref_slice %arg2[%add3A_267, %dma_wait3A_299, %dma_wait3A_300] : memref<65536x8x128xf32, #tpu.memory_space<hbm>> -> memref<8x8x128xf32, #tpu.memory_space<hbm>>
      tpu.wait_dma2 semaphore(%arg6 : memref<!tpu.dma_semaphore, #tpu.memory_space<semaphore_mem>>) src(%dma_wait3A_301 : memref<8x8x128xf32, #tpu.memory_space<hbm>>) dst(%dma_wait3A_298 : memref<8x8x128xf32, #tpu.memory_space<vmem>>)
      %ge3A = arith.constant 2 : i32
      %ge3A_302 = arith.cmpi sge, %add3A_206, %ge3A : i32
      %convert_element_type3A = arith.extui %ge3A_302 : i1 to i32
      %cond3A = arith.constant 0 : i32
      %cond3A_303 = arith.cmpi ne, %convert_element_type3A, %cond3A : i32
      scf.if %cond3A_303 {
        %sub3A_549 = arith.constant 2 : i32
        %sub3A_550 = arith.subi %add3A_206, %sub3A_549 : i32
        %mul3A_551 = arith.constant 64 : i32
        %mul3A_552 = arith.muli %add3A_46, %mul3A_551 : i32
        %jit3A_553 = arith.constant 2 : i32
        %div3A_554 = arith.divsi %sub3A_550, %jit3A_553 : i32
        %sign3A_555 = arith.constant 0 : i32
        %sign3A_556 = arith.cmpi sgt, %sub3A_550, %sign3A_555 : i32
        %sign3A_557 = arith.extui %sign3A_556 : i1 to i32
        %sign3A_558 = arith.constant 0 : i32
        %sign3A_559 = arith.cmpi slt, %sub3A_550, %sign3A_558 : i32
        %sign3A_560 = arith.extui %sign3A_559 : i1 to i32
        %sign3A_561 = arith.subi %sign3A_557, %sign3A_560 : i32
        %sign3A_562 = arith.constant 0 : i32
        %sign3A_563 = arith.cmpi sgt, %jit3A_553, %sign3A_562 : i32
        %sign3A_564 = arith.extui %sign3A_563 : i1 to i32
        %sign3A_565 = arith.constant 0 : i32
        %sign3A_566 = arith.cmpi slt, %jit3A_553, %sign3A_565 : i32
        %sign3A_567 = arith.extui %sign3A_566 : i1 to i32
        %sign3A_568 = arith.subi %sign3A_564, %sign3A_567 : i32
        %ne3A_569 = arith.cmpi ne, %sign3A_561, %sign3A_568 : i32
        %rem3A_570 = arith.remsi %sub3A_550, %jit3A_553 : i32
        %ne3A_571 = arith.constant 0 : i32
        %ne3A_572 = arith.cmpi ne, %rem3A_570, %ne3A_571 : i32
        %and3A_573 = arith.andi %ne3A_569, %ne3A_572 : i1
        %sub3A_574 = arith.constant 1 : i32
        %sub3A_575 = arith.subi %div3A_554, %sub3A_574 : i32
        %select_n3A_576 = arith.select %and3A_573, %sub3A_575, %div3A_554 : i32
        %add3A_577 = arith.addi %mul3A_552, %select_n3A_576 : i32
        %jit3A_578 = arith.constant 2 : i32
        %eq3A_579 = arith.constant 0 : i32
        %eq3A_580 = arith.cmpi eq, %jit3A_578, %eq3A_579 : i32
        %jit3A_581 = arith.constant 1 : i32
        %select_n3A_582 = arith.select %eq3A_580, %jit3A_581, %jit3A_578 : i32
        %rem3A_583 = arith.remsi %sub3A_550, %select_n3A_582 : i32
        %ne3A_584 = arith.constant 0 : i32
        %ne3A_585 = arith.cmpi ne, %rem3A_583, %ne3A_584 : i32
        %lt3A_586 = arith.constant 0 : i32
        %lt3A_587 = arith.cmpi slt, %rem3A_583, %lt3A_586 : i32
        %lt3A_588 = arith.constant 0 : i32
        %lt3A_589 = arith.cmpi slt, %select_n3A_582, %lt3A_588 : i32
        %ne3A_590 = arith.xori %lt3A_587, %lt3A_589 : i1
        %and3A_591 = arith.andi %ne3A_590, %ne3A_585 : i1
        %add3A_592 = arith.addi %rem3A_583, %select_n3A_582 : i32
        %select_n3A_593 = arith.select %and3A_591, %add3A_592, %rem3A_583 : i32
        %mul3A_594 = arith.constant 256 : i32
        %mul3A_595 = arith.muli %add3A_577, %mul3A_594 : i32
        %mul3A_596 = arith.constant 128 : i32
        %mul3A_597 = arith.muli %select_n3A_593, %mul3A_596 : i32
        %add3A_598 = arith.addi %mul3A_595, %mul3A_597 : i32
        %multiple_of3A_599 = tpu.assume_multiple %add3A_598, 128 : i32
        %dma_wait3A_600 = arith.constant 0 : i32
        %dma_wait3A_601 = arith.constant 0 : i32
        %dma_wait3A_602 = arith.constant 0 : i32
        %dma_wait3A_603 = tpu.memref_slice %arg5[%dma_wait3A_600, %dma_wait3A_601, %dma_wait3A_602] : memref<2x128x128xf32, #tpu.memory_space<vmem>> -> memref<1x128x128xf32, #tpu.memory_space<vmem>>
        %dma_wait3A_604 = tpu.memref_squeeze %dma_wait3A_603 : memref<1x128x128xf32, #tpu.memory_space<vmem>> -> memref<128x128xf32, #tpu.memory_space<vmem>>
        %dma_wait3A_605 = arith.constant 0 : i32
        %dma_wait3A_606 = tpu.memref_slice %arg3[%multiple_of3A_599, %dma_wait3A_605] : memref<524288x128xf32, #tpu.memory_space<hbm>> -> memref<128x128xf32, #tpu.memory_space<hbm>>
        %dma_wait3A_607 = arith.constant 0 : i32
        %dma_wait3A_608 = tpu.memref_slice %arg3[%multiple_of3A_599, %dma_wait3A_607] : memref<524288x128xf32, #tpu.memory_space<hbm>> -> memref<128x128xf32, #tpu.memory_space<hbm>>
        %dma_wait3A_609 = arith.constant 0 : i32
        %dma_wait3A_610 = arith.constant 0 : i32
        %dma_wait3A_611 = tpu.memref_slice %arg5[%dma_wait3A_600, %dma_wait3A_609, %dma_wait3A_610] : memref<2x128x128xf32, #tpu.memory_space<vmem>> -> memref<1x128x128xf32, #tpu.memory_space<vmem>>
        %dma_wait3A_612 = tpu.memref_squeeze %dma_wait3A_611 : memref<1x128x128xf32, #tpu.memory_space<vmem>> -> memref<128x128xf32, #tpu.memory_space<vmem>>
        tpu.wait_dma2 semaphore(%arg8 : memref<!tpu.dma_semaphore, #tpu.memory_space<semaphore_mem>>) src(%dma_wait3A_612 : memref<128x128xf32, #tpu.memory_space<vmem>>) dst(%dma_wait3A_608 : memref<128x128xf32, #tpu.memory_space<hbm>>)
      } else {
      }
      %parallel_loop3A = arith.constant 0 : i32
      %parallel_loop3A_304 = arith.constant 128 : i32
      %parallel_loop3A_305 = arith.constant 1 : i32
      scf.for %parallel_loop3A_549 = %parallel_loop3A to %parallel_loop3A_304 step %parallel_loop3A_305  : i32 {
        %parallel_loop3A_550 = arith.constant 8 : i32
        %parallel_loop3A_551 = arith.muli %parallel_loop3A_549, %parallel_loop3A_550 : i32
        %parallel_loop3A_552 = arith.constant 128 : i32
        %parallel_loop3A_553 = arith.divsi %parallel_loop3A_551, %parallel_loop3A_552 : i32
        %parallel_loop3A_554 = arith.constant 0 : i32
        %parallel_loop3A_555 = arith.cmpi sgt, %parallel_loop3A_551, %parallel_loop3A_554 : i32
        %parallel_loop3A_556 = arith.extui %parallel_loop3A_555 : i1 to i32
        %parallel_loop3A_557 = arith.constant 0 : i32
        %parallel_loop3A_558 = arith.cmpi slt, %parallel_loop3A_551, %parallel_loop3A_557 : i32
        %parallel_loop3A_559 = arith.extui %parallel_loop3A_558 : i1 to i32
        %parallel_loop3A_560 = arith.subi %parallel_loop3A_556, %parallel_loop3A_559 : i32
        %parallel_loop3A_561 = arith.constant 0 : i32
        %parallel_loop3A_562 = arith.cmpi sgt, %parallel_loop3A_552, %parallel_loop3A_561 : i32
        %parallel_loop3A_563 = arith.extui %parallel_loop3A_562 : i1 to i32
        %parallel_loop3A_564 = arith.constant 0 : i32
        %parallel_loop3A_565 = arith.cmpi slt, %parallel_loop3A_552, %parallel_loop3A_564 : i32
        %parallel_loop3A_566 = arith.extui %parallel_loop3A_565 : i1 to i32
        %parallel_loop3A_567 = arith.subi %parallel_loop3A_563, %parallel_loop3A_566 : i32
        %parallel_loop3A_568 = arith.cmpi ne, %parallel_loop3A_560, %parallel_loop3A_567 : i32
        %parallel_loop3A_569 = arith.remsi %parallel_loop3A_551, %parallel_loop3A_552 : i32
        %parallel_loop3A_570 = arith.constant 0 : i32
        %parallel_loop3A_571 = arith.cmpi ne, %parallel_loop3A_569, %parallel_loop3A_570 : i32
        %parallel_loop3A_572 = arith.andi %parallel_loop3A_568, %parallel_loop3A_571 : i1
        %parallel_loop3A_573 = arith.constant 1 : i32
        %parallel_loop3A_574 = arith.subi %parallel_loop3A_553, %parallel_loop3A_573 : i32
        %parallel_loop3A_575 = arith.select %parallel_loop3A_572, %parallel_loop3A_574, %parallel_loop3A_553 : i32
        %parallel_loop3A_576 = vector.broadcast %parallel_loop3A_575 : i32 to vector<16xi32>
        %parallel_loop3A_577 = arith.addi %mul3A_24, %parallel_loop3A_576 : vector<16xi32>
        %parallel_loop3A_578 = arith.constant 128 : i32
        %parallel_loop3A_579 = arith.constant 0 : i32
        %parallel_loop3A_580 = arith.cmpi eq, %parallel_loop3A_578, %parallel_loop3A_579 : i32
        %parallel_loop3A_581 = arith.constant 1 : i32
        %parallel_loop3A_582 = arith.select %parallel_loop3A_580, %parallel_loop3A_581, %parallel_loop3A_578 : i32
        %parallel_loop3A_583 = arith.remsi %parallel_loop3A_551, %parallel_loop3A_582 : i32
        %parallel_loop3A_584 = arith.constant 0 : i32
        %parallel_loop3A_585 = arith.cmpi ne, %parallel_loop3A_583, %parallel_loop3A_584 : i32
        %parallel_loop3A_586 = arith.constant 0 : i32
        %parallel_loop3A_587 = arith.cmpi slt, %parallel_loop3A_583, %parallel_loop3A_586 : i32
        %parallel_loop3A_588 = arith.constant 0 : i32
        %parallel_loop3A_589 = arith.cmpi slt, %parallel_loop3A_582, %parallel_loop3A_588 : i32
        %parallel_loop3A_590 = arith.xori %parallel_loop3A_587, %parallel_loop3A_589 : i1
        %parallel_loop3A_591 = arith.andi %parallel_loop3A_590, %parallel_loop3A_585 : i1
        %parallel_loop3A_592 = arith.addi %parallel_loop3A_583, %parallel_loop3A_582 : i32
        %parallel_loop3A_593 = arith.select %parallel_loop3A_591, %parallel_loop3A_592, %parallel_loop3A_583 : i32
        %parallel_loop3A_594 = arith.constant 0 : i32
        %parallel_loop3A_595 = arith.addi %parallel_loop3A_593, %parallel_loop3A_594 : i32
        %parallel_loop3A_596 = vector.broadcast %parallel_loop3A_595 : i32 to vector<16xi32>
        %parallel_loop3A_597 = arith.constant 0 : i32
        %parallel_loop3A_598 = arith.constant 0 : i32
        %parallel_loop3A_599 = arith.constant 0 : i32
        %parallel_loop3A_600 = arith.constant 0 : i32
        %parallel_loop3A_601 = tpu.memref_slice %arg4[%parallel_loop3A_597, %parallel_loop3A_598, %parallel_loop3A_599, %parallel_loop3A_600] : memref<2x16x8x128xf32, #tpu.memory_space<vmem>> -> memref<1x16x8x128xf32, #tpu.memory_space<vmem>>
        %parallel_loop3A_602 = tpu.memref_squeeze %parallel_loop3A_601 : memref<1x16x8x128xf32, #tpu.memory_space<vmem>> -> memref<16x8x128xf32, #tpu.memory_space<vmem>>
        %parallel_loop3A_603 = tpu.vector_load_idx %parallel_loop3A_602[%parallel_loop3A_577, %select_n3A_43, %parallel_loop3A_596] : memref<16x8x128xf32, #tpu.memory_space<vmem>>[vector<16xi32>, vector<16xi32>, vector<16xi32>], vector<16xf32>,
        %parallel_loop3A_604 = arith.constant 0 : i32
        %parallel_loop3A_605 = arith.index_cast %parallel_loop3A_604 : i32 to index
        %parallel_loop3A_606 = arith.index_cast %parallel_loop3A_549 : i32 to index
        %parallel_loop3A_607 = arith.constant 0 : index
        %parallel_loop3A_608 = tpu.vector_load %arg5[%parallel_loop3A_605, %parallel_loop3A_606, %parallel_loop3A_607] {strides = array<i32>} : memref<2x128x128xf32, #tpu.memory_space<vmem>>, vector<16xf32>,
        tpu.vector_store %arg5[%parallel_loop3A_605, %parallel_loop3A_606, %parallel_loop3A_607], %parallel_loop3A_603 {strides = array<i32>} : memref<2x128x128xf32, #tpu.memory_space<vmem>>, vector<16xf32>,
        %parallel_loop3A_609 = arith.constant 128 : i32
        %parallel_loop3A_610 = arith.constant 0 : i32
        %parallel_loop3A_611 = arith.cmpi eq, %parallel_loop3A_609, %parallel_loop3A_610 : i32
        %parallel_loop3A_612 = arith.constant 1 : i32
        %parallel_loop3A_613 = arith.select %parallel_loop3A_611, %parallel_loop3A_612, %parallel_loop3A_609 : i32
        %parallel_loop3A_614 = arith.remsi %parallel_loop3A_551, %parallel_loop3A_613 : i32
        %parallel_loop3A_615 = arith.constant 0 : i32
        %parallel_loop3A_616 = arith.cmpi ne, %parallel_loop3A_614, %parallel_loop3A_615 : i32
        %parallel_loop3A_617 = arith.constant 0 : i32
        %parallel_loop3A_618 = arith.cmpi slt, %parallel_loop3A_614, %parallel_loop3A_617 : i32
        %parallel_loop3A_619 = arith.constant 0 : i32
        %parallel_loop3A_620 = arith.cmpi slt, %parallel_loop3A_613, %parallel_loop3A_619 : i32
        %parallel_loop3A_621 = arith.xori %parallel_loop3A_618, %parallel_loop3A_620 : i1
        %parallel_loop3A_622 = arith.andi %parallel_loop3A_621, %parallel_loop3A_616 : i1
        %parallel_loop3A_623 = arith.addi %parallel_loop3A_614, %parallel_loop3A_613 : i32
        %parallel_loop3A_624 = arith.select %parallel_loop3A_622, %parallel_loop3A_623, %parallel_loop3A_614 : i32
        %parallel_loop3A_625 = arith.constant 1 : i32
        %parallel_loop3A_626 = arith.addi %parallel_loop3A_624, %parallel_loop3A_625 : i32
        %parallel_loop3A_627 = vector.broadcast %parallel_loop3A_626 : i32 to vector<16xi32>
        %parallel_loop3A_628 = arith.constant 0 : i32
        %parallel_loop3A_629 = arith.constant 0 : i32
        %parallel_loop3A_630 = arith.constant 0 : i32
        %parallel_loop3A_631 = arith.constant 0 : i32
        %parallel_loop3A_632 = tpu.memref_slice %arg4[%parallel_loop3A_628, %parallel_loop3A_629, %parallel_loop3A_630, %parallel_loop3A_631] : memref<2x16x8x128xf32, #tpu.memory_space<vmem>> -> memref<1x16x8x128xf32, #tpu.memory_space<vmem>>
        %parallel_loop3A_633 = tpu.memref_squeeze %parallel_loop3A_632 : memref<1x16x8x128xf32, #tpu.memory_space<vmem>> -> memref<16x8x128xf32, #tpu.memory_space<vmem>>
        %parallel_loop3A_634 = tpu.vector_load_idx %parallel_loop3A_633[%parallel_loop3A_577, %select_n3A_43, %parallel_loop3A_627] : memref<16x8x128xf32, #tpu.memory_space<vmem>>[vector<16xi32>, vector<16xi32>, vector<16xi32>], vector<16xf32>,
        %parallel_loop3A_635 = arith.constant 0 : i32
        %parallel_loop3A_636 = arith.index_cast %parallel_loop3A_635 : i32 to index
        %parallel_loop3A_637 = arith.index_cast %parallel_loop3A_549 : i32 to index
        %parallel_loop3A_638 = arith.constant 16 : index
        %parallel_loop3A_639 = tpu.vector_load %arg5[%parallel_loop3A_636, %parallel_loop3A_637, %parallel_loop3A_638] {strides = array<i32>} : memref<2x128x128xf32, #tpu.memory_space<vmem>>, vector<16xf32>,
        tpu.vector_store %arg5[%parallel_loop3A_636, %parallel_loop3A_637, %parallel_loop3A_638], %parallel_loop3A_634 {strides = array<i32>} : memref<2x128x128xf32, #tpu.memory_space<vmem>>, vector<16xf32>,
        %parallel_loop3A_640 = arith.constant 128 : i32
        %parallel_loop3A_641 = arith.constant 0 : i32
        %parallel_loop3A_642 = arith.cmpi eq, %parallel_loop3A_640, %parallel_loop3A_641 : i32
        %parallel_loop3A_643 = arith.constant 1 : i32
        %parallel_loop3A_644 = arith.select %parallel_loop3A_642, %parallel_loop3A_643, %parallel_loop3A_640 : i32
        %parallel_loop3A_645 = arith.remsi %parallel_loop3A_551, %parallel_loop3A_644 : i32
        %parallel_loop3A_646 = arith.constant 0 : i32
        %parallel_loop3A_647 = arith.cmpi ne, %parallel_loop3A_645, %parallel_loop3A_646 : i32
        %parallel_loop3A_648 = arith.constant 0 : i32
        %parallel_loop3A_649 = arith.cmpi slt, %parallel_loop3A_645, %parallel_loop3A_648 : i32
        %parallel_loop3A_650 = arith.constant 0 : i32
        %parallel_loop3A_651 = arith.cmpi slt, %parallel_loop3A_644, %parallel_loop3A_650 : i32
        %parallel_loop3A_652 = arith.xori %parallel_loop3A_649, %parallel_loop3A_651 : i1
        %parallel_loop3A_653 = arith.andi %parallel_loop3A_652, %parallel_loop3A_647 : i1
        %parallel_loop3A_654 = arith.addi %parallel_loop3A_645, %parallel_loop3A_644 : i32
        %parallel_loop3A_655 = arith.select %parallel_loop3A_653, %parallel_loop3A_654, %parallel_loop3A_645 : i32
        %parallel_loop3A_656 = arith.constant 2 : i32
        %parallel_loop3A_657 = arith.addi %parallel_loop3A_655, %parallel_loop3A_656 : i32
        %parallel_loop3A_658 = vector.broadcast %parallel_loop3A_657 : i32 to vector<16xi32>
        %parallel_loop3A_659 = arith.constant 0 : i32
        %parallel_loop3A_660 = arith.constant 0 : i32
        %parallel_loop3A_661 = arith.constant 0 : i32
        %parallel_loop3A_662 = arith.constant 0 : i32
        %parallel_loop3A_663 = tpu.memref_slice %arg4[%parallel_loop3A_659, %parallel_loop3A_660, %parallel_loop3A_661, %parallel_loop3A_662] : memref<2x16x8x128xf32, #tpu.memory_space<vmem>> -> memref<1x16x8x128xf32, #tpu.memory_space<vmem>>
        %parallel_loop3A_664 = tpu.memref_squeeze %parallel_loop3A_663 : memref<1x16x8x128xf32, #tpu.memory_space<vmem>> -> memref<16x8x128xf32, #tpu.memory_space<vmem>>
        %parallel_loop3A_665 = tpu.vector_load_idx %parallel_loop3A_664[%parallel_loop3A_577, %select_n3A_43, %parallel_loop3A_658] : memref<16x8x128xf32, #tpu.memory_space<vmem>>[vector<16xi32>, vector<16xi32>, vector<16xi32>], vector<16xf32>,
        %parallel_loop3A_666 = arith.constant 0 : i32
        %parallel_loop3A_667 = arith.index_cast %parallel_loop3A_666 : i32 to index
        %parallel_loop3A_668 = arith.index_cast %parallel_loop3A_549 : i32 to index
        %parallel_loop3A_669 = arith.constant 32 : index
        %parallel_loop3A_670 = tpu.vector_load %arg5[%parallel_loop3A_667, %parallel_loop3A_668, %parallel_loop3A_669] {strides = array<i32>} : memref<2x128x128xf32, #tpu.memory_space<vmem>>, vector<16xf32>,
        tpu.vector_store %arg5[%parallel_loop3A_667, %parallel_loop3A_668, %parallel_loop3A_669], %parallel_loop3A_665 {strides = array<i32>} : memref<2x128x128xf32, #tpu.memory_space<vmem>>, vector<16xf32>,
        %parallel_loop3A_671 = arith.constant 128 : i32
        %parallel_loop3A_672 = arith.constant 0 : i32
        %parallel_loop3A_673 = arith.cmpi eq, %parallel_loop3A_671, %parallel_loop3A_672 : i32
        %parallel_loop3A_674 = arith.constant 1 : i32
        %parallel_loop3A_675 = arith.select %parallel_loop3A_673, %parallel_loop3A_674, %parallel_loop3A_671 : i32
        %parallel_loop3A_676 = arith.remsi %parallel_loop3A_551, %parallel_loop3A_675 : i32
        %parallel_loop3A_677 = arith.constant 0 : i32
        %parallel_loop3A_678 = arith.cmpi ne, %parallel_loop3A_676, %parallel_loop3A_677 : i32
        %parallel_loop3A_679 = arith.constant 0 : i32
        %parallel_loop3A_680 = arith.cmpi slt, %parallel_loop3A_676, %parallel_loop3A_679 : i32
        %parallel_loop3A_681 = arith.constant 0 : i32
        %parallel_loop3A_682 = arith.cmpi slt, %parallel_loop3A_675, %parallel_loop3A_681 : i32
        %parallel_loop3A_683 = arith.xori %parallel_loop3A_680, %parallel_loop3A_682 : i1
        %parallel_loop3A_684 = arith.andi %parallel_loop3A_683, %parallel_loop3A_678 : i1
        %parallel_loop3A_685 = arith.addi %parallel_loop3A_676, %parallel_loop3A_675 : i32
        %parallel_loop3A_686 = arith.select %parallel_loop3A_684, %parallel_loop3A_685, %parallel_loop3A_676 : i32
        %parallel_loop3A_687 = arith.constant 3 : i32
        %parallel_loop3A_688 = arith.addi %parallel_loop3A_686, %parallel_loop3A_687 : i32
        %parallel_loop3A_689 = vector.broadcast %parallel_loop3A_688 : i32 to vector<16xi32>
        %parallel_loop3A_690 = arith.constant 0 : i32
        %parallel_loop3A_691 = arith.constant 0 : i32
        %parallel_loop3A_692 = arith.constant 0 : i32
        %parallel_loop3A_693 = arith.constant 0 : i32
        %parallel_loop3A_694 = tpu.memref_slice %arg4[%parallel_loop3A_690, %parallel_loop3A_691, %parallel_loop3A_692, %parallel_loop3A_693] : memref<2x16x8x128xf32, #tpu.memory_space<vmem>> -> memref<1x16x8x128xf32, #tpu.memory_space<vmem>>
        %parallel_loop3A_695 = tpu.memref_squeeze %parallel_loop3A_694 : memref<1x16x8x128xf32, #tpu.memory_space<vmem>> -> memref<16x8x128xf32, #tpu.memory_space<vmem>>
        %parallel_loop3A_696 = tpu.vector_load_idx %parallel_loop3A_695[%parallel_loop3A_577, %select_n3A_43, %parallel_loop3A_689] : memref<16x8x128xf32, #tpu.memory_space<vmem>>[vector<16xi32>, vector<16xi32>, vector<16xi32>], vector<16xf32>,
        %parallel_loop3A_697 = arith.constant 0 : i32
        %parallel_loop3A_698 = arith.index_cast %parallel_loop3A_697 : i32 to index
        %parallel_loop3A_699 = arith.index_cast %parallel_loop3A_549 : i32 to index
        %parallel_loop3A_700 = arith.constant 48 : index
        %parallel_loop3A_701 = tpu.vector_load %arg5[%parallel_loop3A_698, %parallel_loop3A_699, %parallel_loop3A_700] {strides = array<i32>} : memref<2x128x128xf32, #tpu.memory_space<vmem>>, vector<16xf32>,
        tpu.vector_store %arg5[%parallel_loop3A_698, %parallel_loop3A_699, %parallel_loop3A_700], %parallel_loop3A_696 {strides = array<i32>} : memref<2x128x128xf32, #tpu.memory_space<vmem>>, vector<16xf32>,
        %parallel_loop3A_702 = arith.constant 128 : i32
        %parallel_loop3A_703 = arith.constant 0 : i32
        %parallel_loop3A_704 = arith.cmpi eq, %parallel_loop3A_702, %parallel_loop3A_703 : i32
        %parallel_loop3A_705 = arith.constant 1 : i32
        %parallel_loop3A_706 = arith.select %parallel_loop3A_704, %parallel_loop3A_705, %parallel_loop3A_702 : i32
        %parallel_loop3A_707 = arith.remsi %parallel_loop3A_551, %parallel_loop3A_706 : i32
        %parallel_loop3A_708 = arith.constant 0 : i32
        %parallel_loop3A_709 = arith.cmpi ne, %parallel_loop3A_707, %parallel_loop3A_708 : i32
        %parallel_loop3A_710 = arith.constant 0 : i32
        %parallel_loop3A_711 = arith.cmpi slt, %parallel_loop3A_707, %parallel_loop3A_710 : i32
        %parallel_loop3A_712 = arith.constant 0 : i32
        %parallel_loop3A_713 = arith.cmpi slt, %parallel_loop3A_706, %parallel_loop3A_712 : i32
        %parallel_loop3A_714 = arith.xori %parallel_loop3A_711, %parallel_loop3A_713 : i1
        %parallel_loop3A_715 = arith.andi %parallel_loop3A_714, %parallel_loop3A_709 : i1
        %parallel_loop3A_716 = arith.addi %parallel_loop3A_707, %parallel_loop3A_706 : i32
        %parallel_loop3A_717 = arith.select %parallel_loop3A_715, %parallel_loop3A_716, %parallel_loop3A_707 : i32
        %parallel_loop3A_718 = arith.constant 4 : i32
        %parallel_loop3A_719 = arith.addi %parallel_loop3A_717, %parallel_loop3A_718 : i32
        %parallel_loop3A_720 = vector.broadcast %parallel_loop3A_719 : i32 to vector<16xi32>
        %parallel_loop3A_721 = arith.constant 0 : i32
        %parallel_loop3A_722 = arith.constant 0 : i32
        %parallel_loop3A_723 = arith.constant 0 : i32
        %parallel_loop3A_724 = arith.constant 0 : i32
        %parallel_loop3A_725 = tpu.memref_slice %arg4[%parallel_loop3A_721, %parallel_loop3A_722, %parallel_loop3A_723, %parallel_loop3A_724] : memref<2x16x8x128xf32, #tpu.memory_space<vmem>> -> memref<1x16x8x128xf32, #tpu.memory_space<vmem>>
        %parallel_loop3A_726 = tpu.memref_squeeze %parallel_loop3A_725 : memref<1x16x8x128xf32, #tpu.memory_space<vmem>> -> memref<16x8x128xf32, #tpu.memory_space<vmem>>
        %parallel_loop3A_727 = tpu.vector_load_idx %parallel_loop3A_726[%parallel_loop3A_577, %select_n3A_43, %parallel_loop3A_720] : memref<16x8x128xf32, #tpu.memory_space<vmem>>[vector<16xi32>, vector<16xi32>, vector<16xi32>], vector<16xf32>,
        %parallel_loop3A_728 = arith.constant 0 : i32
        %parallel_loop3A_729 = arith.index_cast %parallel_loop3A_728 : i32 to index
        %parallel_loop3A_730 = arith.index_cast %parallel_loop3A_549 : i32 to index
        %parallel_loop3A_731 = arith.constant 64 : index
        %parallel_loop3A_732 = tpu.vector_load %arg5[%parallel_loop3A_729, %parallel_loop3A_730, %parallel_loop3A_731] {strides = array<i32>} : memref<2x128x128xf32, #tpu.memory_space<vmem>>, vector<16xf32>,
        tpu.vector_store %arg5[%parallel_loop3A_729, %parallel_loop3A_730, %parallel_loop3A_731], %parallel_loop3A_727 {strides = array<i32>} : memref<2x128x128xf32, #tpu.memory_space<vmem>>, vector<16xf32>,
        %parallel_loop3A_733 = arith.constant 128 : i32
        %parallel_loop3A_734 = arith.constant 0 : i32
        %parallel_loop3A_735 = arith.cmpi eq, %parallel_loop3A_733, %parallel_loop3A_734 : i32
        %parallel_loop3A_736 = arith.constant 1 : i32
        %parallel_loop3A_737 = arith.select %parallel_loop3A_735, %parallel_loop3A_736, %parallel_loop3A_733 : i32
        %parallel_loop3A_738 = arith.remsi %parallel_loop3A_551, %parallel_loop3A_737 : i32
        %parallel_loop3A_739 = arith.constant 0 : i32
        %parallel_loop3A_740 = arith.cmpi ne, %parallel_loop3A_738, %parallel_loop3A_739 : i32
        %parallel_loop3A_741 = arith.constant 0 : i32
        %parallel_loop3A_742 = arith.cmpi slt, %parallel_loop3A_738, %parallel_loop3A_741 : i32
        %parallel_loop3A_743 = arith.constant 0 : i32
        %parallel_loop3A_744 = arith.cmpi slt, %parallel_loop3A_737, %parallel_loop3A_743 : i32
        %parallel_loop3A_745 = arith.xori %parallel_loop3A_742, %parallel_loop3A_744 : i1
        %parallel_loop3A_746 = arith.andi %parallel_loop3A_745, %parallel_loop3A_740 : i1
        %parallel_loop3A_747 = arith.addi %parallel_loop3A_738, %parallel_loop3A_737 : i32
        %parallel_loop3A_748 = arith.select %parallel_loop3A_746, %parallel_loop3A_747, %parallel_loop3A_738 : i32
        %parallel_loop3A_749 = arith.constant 5 : i32
        %parallel_loop3A_750 = arith.addi %parallel_loop3A_748, %parallel_loop3A_749 : i32
        %parallel_loop3A_751 = vector.broadcast %parallel_loop3A_750 : i32 to vector<16xi32>
        %parallel_loop3A_752 = arith.constant 0 : i32
        %parallel_loop3A_753 = arith.constant 0 : i32
        %parallel_loop3A_754 = arith.constant 0 : i32
        %parallel_loop3A_755 = arith.constant 0 : i32
        %parallel_loop3A_756 = tpu.memref_slice %arg4[%parallel_loop3A_752, %parallel_loop3A_753, %parallel_loop3A_754, %parallel_loop3A_755] : memref<2x16x8x128xf32, #tpu.memory_space<vmem>> -> memref<1x16x8x128xf32, #tpu.memory_space<vmem>>
        %parallel_loop3A_757 = tpu.memref_squeeze %parallel_loop3A_756 : memref<1x16x8x128xf32, #tpu.memory_space<vmem>> -> memref<16x8x128xf32, #tpu.memory_space<vmem>>
        %parallel_loop3A_758 = tpu.vector_load_idx %parallel_loop3A_757[%parallel_loop3A_577, %select_n3A_43, %parallel_loop3A_751] : memref<16x8x128xf32, #tpu.memory_space<vmem>>[vector<16xi32>, vector<16xi32>, vector<16xi32>], vector<16xf32>,
        %parallel_loop3A_759 = arith.constant 0 : i32
        %parallel_loop3A_760 = arith.index_cast %parallel_loop3A_759 : i32 to index
        %parallel_loop3A_761 = arith.index_cast %parallel_loop3A_549 : i32 to index
        %parallel_loop3A_762 = arith.constant 80 : index
        %parallel_loop3A_763 = tpu.vector_load %arg5[%parallel_loop3A_760, %parallel_loop3A_761, %parallel_loop3A_762] {strides = array<i32>} : memref<2x128x128xf32, #tpu.memory_space<vmem>>, vector<16xf32>,
        tpu.vector_store %arg5[%parallel_loop3A_760, %parallel_loop3A_761, %parallel_loop3A_762], %parallel_loop3A_758 {strides = array<i32>} : memref<2x128x128xf32, #tpu.memory_space<vmem>>, vector<16xf32>,
        %parallel_loop3A_764 = arith.constant 128 : i32
        %parallel_loop3A_765 = arith.constant 0 : i32
        %parallel_loop3A_766 = arith.cmpi eq, %parallel_loop3A_764, %parallel_loop3A_765 : i32
        %parallel_loop3A_767 = arith.constant 1 : i32
        %parallel_loop3A_768 = arith.select %parallel_loop3A_766, %parallel_loop3A_767, %parallel_loop3A_764 : i32
        %parallel_loop3A_769 = arith.remsi %parallel_loop3A_551, %parallel_loop3A_768 : i32
        %parallel_loop3A_770 = arith.constant 0 : i32
        %parallel_loop3A_771 = arith.cmpi ne, %parallel_loop3A_769, %parallel_loop3A_770 : i32
        %parallel_loop3A_772 = arith.constant 0 : i32
        %parallel_loop3A_773 = arith.cmpi slt, %parallel_loop3A_769, %parallel_loop3A_772 : i32
        %parallel_loop3A_774 = arith.constant 0 : i32
        %parallel_loop3A_775 = arith.cmpi slt, %parallel_loop3A_768, %parallel_loop3A_774 : i32
        %parallel_loop3A_776 = arith.xori %parallel_loop3A_773, %parallel_loop3A_775 : i1
        %parallel_loop3A_777 = arith.andi %parallel_loop3A_776, %parallel_loop3A_771 : i1
        %parallel_loop3A_778 = arith.addi %parallel_loop3A_769, %parallel_loop3A_768 : i32
        %parallel_loop3A_779 = arith.select %parallel_loop3A_777, %parallel_loop3A_778, %parallel_loop3A_769 : i32
        %parallel_loop3A_780 = arith.constant 6 : i32
        %parallel_loop3A_781 = arith.addi %parallel_loop3A_779, %parallel_loop3A_780 : i32
        %parallel_loop3A_782 = vector.broadcast %parallel_loop3A_781 : i32 to vector<16xi32>
        %parallel_loop3A_783 = arith.constant 0 : i32
        %parallel_loop3A_784 = arith.constant 0 : i32
        %parallel_loop3A_785 = arith.constant 0 : i32
        %parallel_loop3A_786 = arith.constant 0 : i32
        %parallel_loop3A_787 = tpu.memref_slice %arg4[%parallel_loop3A_783, %parallel_loop3A_784, %parallel_loop3A_785, %parallel_loop3A_786] : memref<2x16x8x128xf32, #tpu.memory_space<vmem>> -> memref<1x16x8x128xf32, #tpu.memory_space<vmem>>
        %parallel_loop3A_788 = tpu.memref_squeeze %parallel_loop3A_787 : memref<1x16x8x128xf32, #tpu.memory_space<vmem>> -> memref<16x8x128xf32, #tpu.memory_space<vmem>>
        %parallel_loop3A_789 = tpu.vector_load_idx %parallel_loop3A_788[%parallel_loop3A_577, %select_n3A_43, %parallel_loop3A_782] : memref<16x8x128xf32, #tpu.memory_space<vmem>>[vector<16xi32>, vector<16xi32>, vector<16xi32>], vector<16xf32>,
        %parallel_loop3A_790 = arith.constant 0 : i32
        %parallel_loop3A_791 = arith.index_cast %parallel_loop3A_790 : i32 to index
        %parallel_loop3A_792 = arith.index_cast %parallel_loop3A_549 : i32 to index
        %parallel_loop3A_793 = arith.constant 96 : index
        %parallel_loop3A_794 = tpu.vector_load %arg5[%parallel_loop3A_791, %parallel_loop3A_792, %parallel_loop3A_793] {strides = array<i32>} : memref<2x128x128xf32, #tpu.memory_space<vmem>>, vector<16xf32>,
        tpu.vector_store %arg5[%parallel_loop3A_791, %parallel_loop3A_792, %parallel_loop3A_793], %parallel_loop3A_789 {strides = array<i32>} : memref<2x128x128xf32, #tpu.memory_space<vmem>>, vector<16xf32>,
        %parallel_loop3A_795 = arith.constant 128 : i32
        %parallel_loop3A_796 = arith.constant 0 : i32
        %parallel_loop3A_797 = arith.cmpi eq, %parallel_loop3A_795, %parallel_loop3A_796 : i32
        %parallel_loop3A_798 = arith.constant 1 : i32
        %parallel_loop3A_799 = arith.select %parallel_loop3A_797, %parallel_loop3A_798, %parallel_loop3A_795 : i32
        %parallel_loop3A_800 = arith.remsi %parallel_loop3A_551, %parallel_loop3A_799 : i32
        %parallel_loop3A_801 = arith.constant 0 : i32
        %parallel_loop3A_802 = arith.cmpi ne, %parallel_loop3A_800, %parallel_loop3A_801 : i32
        %parallel_loop3A_803 = arith.constant 0 : i32
        %parallel_loop3A_804 = arith.cmpi slt, %parallel_loop3A_800, %parallel_loop3A_803 : i32
        %parallel_loop3A_805 = arith.constant 0 : i32
        %parallel_loop3A_806 = arith.cmpi slt, %parallel_loop3A_799, %parallel_loop3A_805 : i32
        %parallel_loop3A_807 = arith.xori %parallel_loop3A_804, %parallel_loop3A_806 : i1
        %parallel_loop3A_808 = arith.andi %parallel_loop3A_807, %parallel_loop3A_802 : i1
        %parallel_loop3A_809 = arith.addi %parallel_loop3A_800, %parallel_loop3A_799 : i32
        %parallel_loop3A_810 = arith.select %parallel_loop3A_808, %parallel_loop3A_809, %parallel_loop3A_800 : i32
        %parallel_loop3A_811 = arith.constant 7 : i32
        %parallel_loop3A_812 = arith.addi %parallel_loop3A_810, %parallel_loop3A_811 : i32
        %parallel_loop3A_813 = vector.broadcast %parallel_loop3A_812 : i32 to vector<16xi32>
        %parallel_loop3A_814 = arith.constant 0 : i32
        %parallel_loop3A_815 = arith.constant 0 : i32
        %parallel_loop3A_816 = arith.constant 0 : i32
        %parallel_loop3A_817 = arith.constant 0 : i32
        %parallel_loop3A_818 = tpu.memref_slice %arg4[%parallel_loop3A_814, %parallel_loop3A_815, %parallel_loop3A_816, %parallel_loop3A_817] : memref<2x16x8x128xf32, #tpu.memory_space<vmem>> -> memref<1x16x8x128xf32, #tpu.memory_space<vmem>>
        %parallel_loop3A_819 = tpu.memref_squeeze %parallel_loop3A_818 : memref<1x16x8x128xf32, #tpu.memory_space<vmem>> -> memref<16x8x128xf32, #tpu.memory_space<vmem>>
        %parallel_loop3A_820 = tpu.vector_load_idx %parallel_loop3A_819[%parallel_loop3A_577, %select_n3A_43, %parallel_loop3A_813] : memref<16x8x128xf32, #tpu.memory_space<vmem>>[vector<16xi32>, vector<16xi32>, vector<16xi32>], vector<16xf32>,
        %parallel_loop3A_821 = arith.constant 0 : i32
        %parallel_loop3A_822 = arith.index_cast %parallel_loop3A_821 : i32 to index
        %parallel_loop3A_823 = arith.index_cast %parallel_loop3A_549 : i32 to index
        %parallel_loop3A_824 = arith.constant 112 : index
        %parallel_loop3A_825 = tpu.vector_load %arg5[%parallel_loop3A_822, %parallel_loop3A_823, %parallel_loop3A_824] {strides = array<i32>} : memref<2x128x128xf32, #tpu.memory_space<vmem>>, vector<16xf32>,
        tpu.vector_store %arg5[%parallel_loop3A_822, %parallel_loop3A_823, %parallel_loop3A_824], %parallel_loop3A_820 {strides = array<i32>} : memref<2x128x128xf32, #tpu.memory_space<vmem>>, vector<16xf32>,
      } {sc.loop_unroll_factor = 4 : i64, sc.parallel_access}
      %mul3A_306 = arith.constant 64 : i32
      %mul3A_307 = arith.muli %add3A_46, %mul3A_306 : i32
      %jit3A_308 = arith.constant 2 : i32
      %div3A_309 = arith.divsi %add3A_206, %jit3A_308 : i32
      %sign3A_310 = arith.constant 0 : i32
      %sign3A_311 = arith.cmpi sgt, %add3A_206, %sign3A_310 : i32
      %sign3A_312 = arith.extui %sign3A_311 : i1 to i32
      %sign3A_313 = arith.constant 0 : i32
      %sign3A_314 = arith.cmpi slt, %add3A_206, %sign3A_313 : i32
      %sign3A_315 = arith.extui %sign3A_314 : i1 to i32
      %sign3A_316 = arith.subi %sign3A_312, %sign3A_315 : i32
      %sign3A_317 = arith.constant 0 : i32
      %sign3A_318 = arith.cmpi sgt, %jit3A_308, %sign3A_317 : i32
      %sign3A_319 = arith.extui %sign3A_318 : i1 to i32
      %sign3A_320 = arith.constant 0 : i32
      %sign3A_321 = arith.cmpi slt, %jit3A_308, %sign3A_320 : i32
      %sign3A_322 = arith.extui %sign3A_321 : i1 to i32
      %sign3A_323 = arith.subi %sign3A_319, %sign3A_322 : i32
      %ne3A_324 = arith.cmpi ne, %sign3A_316, %sign3A_323 : i32
      %rem3A_325 = arith.remsi %add3A_206, %jit3A_308 : i32
      %ne3A_326 = arith.constant 0 : i32
      %ne3A_327 = arith.cmpi ne, %rem3A_325, %ne3A_326 : i32
      %and3A_328 = arith.andi %ne3A_324, %ne3A_327 : i1
      %sub3A_329 = arith.constant 1 : i32
      %sub3A_330 = arith.subi %div3A_309, %sub3A_329 : i32
      %select_n3A_331 = arith.select %and3A_328, %sub3A_330, %div3A_309 : i32
      %add3A_332 = arith.addi %mul3A_307, %select_n3A_331 : i32
      %jit3A_333 = arith.constant 2 : i32
      %eq3A_334 = arith.constant 0 : i32
      %eq3A_335 = arith.cmpi eq, %jit3A_333, %eq3A_334 : i32
      %jit3A_336 = arith.constant 1 : i32
      %select_n3A_337 = arith.select %eq3A_335, %jit3A_336, %jit3A_333 : i32
      %rem3A_338 = arith.remsi %add3A_206, %select_n3A_337 : i32
      %ne3A_339 = arith.constant 0 : i32
      %ne3A_340 = arith.cmpi ne, %rem3A_338, %ne3A_339 : i32
      %lt3A_341 = arith.constant 0 : i32
      %lt3A_342 = arith.cmpi slt, %rem3A_338, %lt3A_341 : i32
      %lt3A_343 = arith.constant 0 : i32
      %lt3A_344 = arith.cmpi slt, %select_n3A_337, %lt3A_343 : i32
      %ne3A_345 = arith.xori %lt3A_342, %lt3A_344 : i1
      %and3A_346 = arith.andi %ne3A_345, %ne3A_340 : i1
      %add3A_347 = arith.addi %rem3A_338, %select_n3A_337 : i32
      %select_n3A_348 = arith.select %and3A_346, %add3A_347, %rem3A_338 : i32
      %mul3A_349 = arith.constant 256 : i32
      %mul3A_350 = arith.muli %add3A_332, %mul3A_349 : i32
      %mul3A_351 = arith.constant 128 : i32
      %mul3A_352 = arith.muli %select_n3A_348, %mul3A_351 : i32
      %add3A_353 = arith.addi %mul3A_350, %mul3A_352 : i32
      %multiple_of3A_354 = tpu.assume_multiple %add3A_353, 128 : i32
      %dma_start3A_355 = arith.constant 0 : i32
      %dma_start3A_356 = arith.constant 0 : i32
      %dma_start3A_357 = arith.constant 0 : i32
      %dma_start3A_358 = tpu.memref_slice %arg5[%dma_start3A_355, %dma_start3A_356, %dma_start3A_357] : memref<2x128x128xf32, #tpu.memory_space<vmem>> -> memref<1x128x128xf32, #tpu.memory_space<vmem>>
      %dma_start3A_359 = tpu.memref_squeeze %dma_start3A_358 : memref<1x128x128xf32, #tpu.memory_space<vmem>> -> memref<128x128xf32, #tpu.memory_space<vmem>>
      %dma_start3A_360 = arith.constant 0 : i32
      %dma_start3A_361 = tpu.memref_slice %arg3[%multiple_of3A_354, %dma_start3A_360] : memref<524288x128xf32, #tpu.memory_space<hbm>> -> memref<128x128xf32, #tpu.memory_space<hbm>>
      %dma_start3A_362 = arith.constant 0 : i32
      %dma_start3A_363 = tpu.memref_slice %arg3[%multiple_of3A_354, %dma_start3A_362] : memref<524288x128xf32, #tpu.memory_space<hbm>> -> memref<128x128xf32, #tpu.memory_space<hbm>>
      %dma_start3A_364 = arith.constant 0 : i32
      %dma_start3A_365 = arith.constant 0 : i32
      %dma_start3A_366 = tpu.memref_slice %arg5[%dma_start3A_355, %dma_start3A_364, %dma_start3A_365] : memref<2x128x128xf32, #tpu.memory_space<vmem>> -> memref<1x128x128xf32, #tpu.memory_space<vmem>>
      %dma_start3A_367 = tpu.memref_squeeze %dma_start3A_366 : memref<1x128x128xf32, #tpu.memory_space<vmem>> -> memref<128x128xf32, #tpu.memory_space<vmem>>
      tpu.enqueue_dma source(%dma_start3A_367 : memref<128x128xf32, #tpu.memory_space<vmem>>) target(%dma_start3A_363 : memref<128x128xf32, #tpu.memory_space<hbm>>) target_semaphore(%arg8 : memref<!tpu.dma_semaphore, #tpu.memory_space<semaphore_mem>>)
      %add3A_368 = arith.constant 2 : i32
      %add3A_369 = arith.addi %add3A_206, %add3A_368 : i32
      %lt3A_370 = arith.constant 128 : i32
      %lt3A_371 = arith.cmpi slt, %add3A_369, %lt3A_370 : i32
      %convert_element_type3A_372 = arith.extui %lt3A_371 : i1 to i32
      %cond3A_373 = arith.constant 0 : i32
      %cond3A_374 = arith.cmpi ne, %convert_element_type3A_372, %cond3A_373 : i32
      scf.if %cond3A_374 {
        %add3A_549 = arith.constant 2 : i32
        %add3A_550 = arith.addi %add3A_206, %add3A_549 : i32
        %mul3A_551 = arith.constant 64 : i32
        %mul3A_552 = arith.muli %add3A_46, %mul3A_551 : i32
        %jit3A_553 = arith.constant 2 : i32
        %div3A_554 = arith.divsi %add3A_550, %jit3A_553 : i32
        %sign3A_555 = arith.constant 0 : i32
        %sign3A_556 = arith.cmpi sgt, %add3A_550, %sign3A_555 : i32
        %sign3A_557 = arith.extui %sign3A_556 : i1 to i32
        %sign3A_558 = arith.constant 0 : i32
        %sign3A_559 = arith.cmpi slt, %add3A_550, %sign3A_558 : i32
        %sign3A_560 = arith.extui %sign3A_559 : i1 to i32
        %sign3A_561 = arith.subi %sign3A_557, %sign3A_560 : i32
        %sign3A_562 = arith.constant 0 : i32
        %sign3A_563 = arith.cmpi sgt, %jit3A_553, %sign3A_562 : i32
        %sign3A_564 = arith.extui %sign3A_563 : i1 to i32
        %sign3A_565 = arith.constant 0 : i32
        %sign3A_566 = arith.cmpi slt, %jit3A_553, %sign3A_565 : i32
        %sign3A_567 = arith.extui %sign3A_566 : i1 to i32
        %sign3A_568 = arith.subi %sign3A_564, %sign3A_567 : i32
        %ne3A_569 = arith.cmpi ne, %sign3A_561, %sign3A_568 : i32
        %rem3A_570 = arith.remsi %add3A_550, %jit3A_553 : i32
        %ne3A_571 = arith.constant 0 : i32
        %ne3A_572 = arith.cmpi ne, %rem3A_570, %ne3A_571 : i32
        %and3A_573 = arith.andi %ne3A_569, %ne3A_572 : i1
        %sub3A_574 = arith.constant 1 : i32
        %sub3A_575 = arith.subi %div3A_554, %sub3A_574 : i32
        %select_n3A_576 = arith.select %and3A_573, %sub3A_575, %div3A_554 : i32
        %add3A_577 = arith.addi %mul3A_552, %select_n3A_576 : i32
        %jit3A_578 = arith.constant 2 : i32
        %eq3A_579 = arith.constant 0 : i32
        %eq3A_580 = arith.cmpi eq, %jit3A_578, %eq3A_579 : i32
        %jit3A_581 = arith.constant 1 : i32
        %select_n3A_582 = arith.select %eq3A_580, %jit3A_581, %jit3A_578 : i32
        %rem3A_583 = arith.remsi %add3A_550, %select_n3A_582 : i32
        %ne3A_584 = arith.constant 0 : i32
        %ne3A_585 = arith.cmpi ne, %rem3A_583, %ne3A_584 : i32
        %lt3A_586 = arith.constant 0 : i32
        %lt3A_587 = arith.cmpi slt, %rem3A_583, %lt3A_586 : i32
        %lt3A_588 = arith.constant 0 : i32
        %lt3A_589 = arith.cmpi slt, %select_n3A_582, %lt3A_588 : i32
        %ne3A_590 = arith.xori %lt3A_587, %lt3A_589 : i1
        %and3A_591 = arith.andi %ne3A_590, %ne3A_585 : i1
        %add3A_592 = arith.addi %rem3A_583, %select_n3A_582 : i32
        %select_n3A_593 = arith.select %and3A_591, %add3A_592, %rem3A_583 : i32
        %mul3A_594 = arith.constant 2 : i32
        %mul3A_595 = arith.muli %add3A_577, %mul3A_594 : i32
        %add3A_596 = arith.constant 0 : i32
        %add3A_597 = arith.addi %mul3A_595, %add3A_596 : i32
        %mul3A_598 = arith.constant 16 : i32
        %mul3A_599 = arith.muli %add3A_597, %mul3A_598 : i32
        %mul3A_600 = arith.constant 8 : i32
        %mul3A_601 = arith.muli %select_n3A_593, %mul3A_600 : i32
        %add3A_602 = arith.addi %mul3A_599, %mul3A_601 : i32
        %mul3A_603 = arith.constant 2 : i32
        %mul3A_604 = arith.muli %add3A_577, %mul3A_603 : i32
        %add3A_605 = arith.constant 1 : i32
        %add3A_606 = arith.addi %mul3A_604, %add3A_605 : i32
        %mul3A_607 = arith.constant 16 : i32
        %mul3A_608 = arith.muli %add3A_606, %mul3A_607 : i32
        %mul3A_609 = arith.constant 8 : i32
        %mul3A_610 = arith.muli %select_n3A_593, %mul3A_609 : i32
        %add3A_611 = arith.addi %mul3A_608, %mul3A_610 : i32
        %dma_start3A_612 = arith.constant 0 : i32
        %dma_start3A_613 = arith.constant 0 : i32
        %dma_start3A_614 = arith.constant 0 : i32
        %dma_start3A_615 = arith.constant 0 : i32
        %dma_start3A_616 = tpu.memref_slice %arg4[%dma_start3A_612, %dma_start3A_613, %dma_start3A_614, %dma_start3A_615] : memref<2x16x8x128xf32, #tpu.memory_space<vmem>> -> memref<1x8x8x128xf32, #tpu.memory_space<vmem>>
        %dma_start3A_617 = tpu.memref_squeeze %dma_start3A_616 : memref<1x8x8x128xf32, #tpu.memory_space<vmem>> -> memref<8x8x128xf32, #tpu.memory_space<vmem>>
        %dma_start3A_618 = arith.constant 0 : i32
        %dma_start3A_619 = arith.constant 0 : i32
        %dma_start3A_620 = tpu.memref_slice %arg2[%add3A_602, %dma_start3A_618, %dma_start3A_619] : memref<65536x8x128xf32, #tpu.memory_space<hbm>> -> memref<8x8x128xf32, #tpu.memory_space<hbm>>
        %dma_start3A_621 = arith.constant 0 : i32
        %dma_start3A_622 = arith.constant 0 : i32
        %dma_start3A_623 = arith.constant 0 : i32
        %dma_start3A_624 = tpu.memref_slice %arg4[%dma_start3A_612, %dma_start3A_621, %dma_start3A_622, %dma_start3A_623] : memref<2x16x8x128xf32, #tpu.memory_space<vmem>> -> memref<1x8x8x128xf32, #tpu.memory_space<vmem>>
        %dma_start3A_625 = tpu.memref_squeeze %dma_start3A_624 : memref<1x8x8x128xf32, #tpu.memory_space<vmem>> -> memref<8x8x128xf32, #tpu.memory_space<vmem>>
        %dma_start3A_626 = arith.constant 0 : i32
        %dma_start3A_627 = arith.constant 0 : i32
        %dma_start3A_628 = tpu.memref_slice %arg2[%add3A_602, %dma_start3A_626, %dma_start3A_627] : memref<65536x8x128xf32, #tpu.memory_space<hbm>> -> memref<8x8x128xf32, #tpu.memory_space<hbm>>
        tpu.enqueue_dma source(%dma_start3A_628 : memref<8x8x128xf32, #tpu.memory_space<hbm>>) target(%dma_start3A_625 : memref<8x8x128xf32, #tpu.memory_space<vmem>>) target_semaphore(%arg6 : memref<!tpu.dma_semaphore, #tpu.memory_space<semaphore_mem>>)
        %dma_start3A_629 = arith.constant 0 : i32
        %dma_start3A_630 = arith.constant 8 : i32
        %dma_start3A_631 = arith.constant 0 : i32
        %dma_start3A_632 = arith.constant 0 : i32
        %dma_start3A_633 = tpu.memref_slice %arg4[%dma_start3A_629, %dma_start3A_630, %dma_start3A_631, %dma_start3A_632] : memref<2x16x8x128xf32, #tpu.memory_space<vmem>> -> memref<1x8x8x128xf32, #tpu.memory_space<vmem>>
        %dma_start3A_634 = tpu.memref_squeeze %dma_start3A_633 : memref<1x8x8x128xf32, #tpu.memory_space<vmem>> -> memref<8x8x128xf32, #tpu.memory_space<vmem>>
        %dma_start3A_635 = arith.constant 0 : i32
        %dma_start3A_636 = arith.constant 0 : i32
        %dma_start3A_637 = tpu.memref_slice %arg2[%add3A_611, %dma_start3A_635, %dma_start3A_636] : memref<65536x8x128xf32, #tpu.memory_space<hbm>> -> memref<8x8x128xf32, #tpu.memory_space<hbm>>
        %dma_start3A_638 = arith.constant 8 : i32
        %dma_start3A_639 = arith.constant 0 : i32
        %dma_start3A_640 = arith.constant 0 : i32
        %dma_start3A_641 = tpu.memref_slice %arg4[%dma_start3A_629, %dma_start3A_638, %dma_start3A_639, %dma_start3A_640] : memref<2x16x8x128xf32, #tpu.memory_space<vmem>> -> memref<1x8x8x128xf32, #tpu.memory_space<vmem>>
        %dma_start3A_642 = tpu.memref_squeeze %dma_start3A_641 : memref<1x8x8x128xf32, #tpu.memory_space<vmem>> -> memref<8x8x128xf32, #tpu.memory_space<vmem>>
        %dma_start3A_643 = arith.constant 0 : i32
        %dma_start3A_644 = arith.constant 0 : i32
        %dma_start3A_645 = tpu.memref_slice %arg2[%add3A_611, %dma_start3A_643, %dma_start3A_644] : memref<65536x8x128xf32, #tpu.memory_space<hbm>> -> memref<8x8x128xf32, #tpu.memory_space<hbm>>
        tpu.enqueue_dma source(%dma_start3A_645 : memref<8x8x128xf32, #tpu.memory_space<hbm>>) target(%dma_start3A_642 : memref<8x8x128xf32, #tpu.memory_space<vmem>>) target_semaphore(%arg6 : memref<!tpu.dma_semaphore, #tpu.memory_space<semaphore_mem>>)
      } else {
      }
      %add3A_375 = arith.constant 1 : i32
      %add3A_376 = arith.addi %add3A_204, %add3A_375 : i32
      %mul3A_377 = arith.constant 64 : i32
      %mul3A_378 = arith.muli %add3A_46, %mul3A_377 : i32
      %jit3A_379 = arith.constant 2 : i32
      %div3A_380 = arith.divsi %add3A_376, %jit3A_379 : i32
      %sign3A_381 = arith.constant 0 : i32
      %sign3A_382 = arith.cmpi sgt, %add3A_376, %sign3A_381 : i32
      %sign3A_383 = arith.extui %sign3A_382 : i1 to i32
      %sign3A_384 = arith.constant 0 : i32
      %sign3A_385 = arith.cmpi slt, %add3A_376, %sign3A_384 : i32
      %sign3A_386 = arith.extui %sign3A_385 : i1 to i32
      %sign3A_387 = arith.subi %sign3A_383, %sign3A_386 : i32
      %sign3A_388 = arith.constant 0 : i32
      %sign3A_389 = arith.cmpi sgt, %jit3A_379, %sign3A_388 : i32
      %sign3A_390 = arith.extui %sign3A_389 : i1 to i32
      %sign3A_391 = arith.constant 0 : i32
      %sign3A_392 = arith.cmpi slt, %jit3A_379, %sign3A_391 : i32
      %sign3A_393 = arith.extui %sign3A_392 : i1 to i32
      %sign3A_394 = arith.subi %sign3A_390, %sign3A_393 : i32
      %ne3A_395 = arith.cmpi ne, %sign3A_387, %sign3A_394 : i32
      %rem3A_396 = arith.remsi %add3A_376, %jit3A_379 : i32
      %ne3A_397 = arith.constant 0 : i32
      %ne3A_398 = arith.cmpi ne, %rem3A_396, %ne3A_397 : i32
      %and3A_399 = arith.andi %ne3A_395, %ne3A_398 : i1
      %sub3A_400 = arith.constant 1 : i32
      %sub3A_401 = arith.subi %div3A_380, %sub3A_400 : i32
      %select_n3A_402 = arith.select %and3A_399, %sub3A_401, %div3A_380 : i32
      %add3A_403 = arith.addi %mul3A_378, %select_n3A_402 : i32
      %jit3A_404 = arith.constant 2 : i32
      %eq3A_405 = arith.constant 0 : i32
      %eq3A_406 = arith.cmpi eq, %jit3A_404, %eq3A_405 : i32
      %jit3A_407 = arith.constant 1 : i32
      %select_n3A_408 = arith.select %eq3A_406, %jit3A_407, %jit3A_404 : i32
      %rem3A_409 = arith.remsi %add3A_376, %select_n3A_408 : i32
      %ne3A_410 = arith.constant 0 : i32
      %ne3A_411 = arith.cmpi ne, %rem3A_409, %ne3A_410 : i32
      %lt3A_412 = arith.constant 0 : i32
      %lt3A_413 = arith.cmpi slt, %rem3A_409, %lt3A_412 : i32
      %lt3A_414 = arith.constant 0 : i32
      %lt3A_415 = arith.cmpi slt, %select_n3A_408, %lt3A_414 : i32
      %ne3A_416 = arith.xori %lt3A_413, %lt3A_415 : i1
      %and3A_417 = arith.andi %ne3A_416, %ne3A_411 : i1
      %add3A_418 = arith.addi %rem3A_409, %select_n3A_408 : i32
      %select_n3A_419 = arith.select %and3A_417, %add3A_418, %rem3A_409 : i32
      %mul3A_420 = arith.constant 2 : i32
      %mul3A_421 = arith.muli %add3A_403, %mul3A_420 : i32
      %add3A_422 = arith.constant 0 : i32
      %add3A_423 = arith.addi %mul3A_421, %add3A_422 : i32
      %mul3A_424 = arith.constant 16 : i32
      %mul3A_425 = arith.muli %add3A_423, %mul3A_424 : i32
      %mul3A_426 = arith.constant 8 : i32
      %mul3A_427 = arith.muli %select_n3A_419, %mul3A_426 : i32
      %add3A_428 = arith.addi %mul3A_425, %mul3A_427 : i32
      %mul3A_429 = arith.constant 2 : i32
      %mul3A_430 = arith.muli %add3A_403, %mul3A_429 : i32
      %add3A_431 = arith.constant 1 : i32
      %add3A_432 = arith.addi %mul3A_430, %add3A_431 : i32
      %mul3A_433 = arith.constant 16 : i32
      %mul3A_434 = arith.muli %add3A_432, %mul3A_433 : i32
      %mul3A_435 = arith.constant 8 : i32
      %mul3A_436 = arith.muli %select_n3A_419, %mul3A_435 : i32
      %add3A_437 = arith.addi %mul3A_434, %mul3A_436 : i32
      %dma_wait3A_438 = arith.constant 1 : i32
      %dma_wait3A_439 = arith.constant 0 : i32
      %dma_wait3A_440 = arith.constant 0 : i32
      %dma_wait3A_441 = arith.constant 0 : i32
      %dma_wait3A_442 = tpu.memref_slice %arg4[%dma_wait3A_438, %dma_wait3A_439, %dma_wait3A_440, %dma_wait3A_441] : memref<2x16x8x128xf32, #tpu.memory_space<vmem>> -> memref<1x8x8x128xf32, #tpu.memory_space<vmem>>
      %dma_wait3A_443 = tpu.memref_squeeze %dma_wait3A_442 : memref<1x8x8x128xf32, #tpu.memory_space<vmem>> -> memref<8x8x128xf32, #tpu.memory_space<vmem>>
      %dma_wait3A_444 = arith.constant 0 : i32
      %dma_wait3A_445 = arith.constant 0 : i32
      %dma_wait3A_446 = tpu.memref_slice %arg2[%add3A_428, %dma_wait3A_444, %dma_wait3A_445] : memref<65536x8x128xf32, #tpu.memory_space<hbm>> -> memref<8x8x128xf32, #tpu.memory_space<hbm>>
      %dma_wait3A_447 = arith.constant 0 : i32
      %dma_wait3A_448 = arith.constant 0 : i32
      %dma_wait3A_449 = arith.constant 0 : i32
      %dma_wait3A_450 = tpu.memref_slice %arg4[%dma_wait3A_438, %dma_wait3A_447, %dma_wait3A_448, %dma_wait3A_449] : memref<2x16x8x128xf32, #tpu.memory_space<vmem>> -> memref<1x8x8x128xf32, #tpu.memory_space<vmem>>
      %dma_wait3A_451 = tpu.memref_squeeze %dma_wait3A_450 : memref<1x8x8x128xf32, #tpu.memory_space<vmem>> -> memref<8x8x128xf32, #tpu.memory_space<vmem>>
      %dma_wait3A_452 = arith.constant 0 : i32
      %dma_wait3A_453 = arith.constant 0 : i32
      %dma_wait3A_454 = tpu.memref_slice %arg2[%add3A_428, %dma_wait3A_452, %dma_wait3A_453] : memref<65536x8x128xf32, #tpu.memory_space<hbm>> -> memref<8x8x128xf32, #tpu.memory_space<hbm>>
      tpu.wait_dma2 semaphore(%arg7 : memref<!tpu.dma_semaphore, #tpu.memory_space<semaphore_mem>>) src(%dma_wait3A_454 : memref<8x8x128xf32, #tpu.memory_space<hbm>>) dst(%dma_wait3A_451 : memref<8x8x128xf32, #tpu.memory_space<vmem>>)
      %dma_wait3A_455 = arith.constant 1 : i32
      %dma_wait3A_456 = arith.constant 8 : i32
      %dma_wait3A_457 = arith.constant 0 : i32
      %dma_wait3A_458 = arith.constant 0 : i32
      %dma_wait3A_459 = tpu.memref_slice %arg4[%dma_wait3A_455, %dma_wait3A_456, %dma_wait3A_457, %dma_wait3A_458] : memref<2x16x8x128xf32, #tpu.memory_space<vmem>> -> memref<1x8x8x128xf32, #tpu.memory_space<vmem>>
      %dma_wait3A_460 = tpu.memref_squeeze %dma_wait3A_459 : memref<1x8x8x128xf32, #tpu.memory_space<vmem>> -> memref<8x8x128xf32, #tpu.memory_space<vmem>>
      %dma_wait3A_461 = arith.constant 0 : i32
      %dma_wait3A_462 = arith.constant 0 : i32
      %dma_wait3A_463 = tpu.memref_slice %arg2[%add3A_437, %dma_wait3A_461, %dma_wait3A_462] : memref<65536x8x128xf32, #tpu.memory_space<hbm>> -> memref<8x8x128xf32, #tpu.memory_space<hbm>>
      %dma_wait3A_464 = arith.constant 8 : i32
      %dma_wait3A_465 = arith.constant 0 : i32
      %dma_wait3A_466 = arith.constant 0 : i32
      %dma_wait3A_467 = tpu.memref_slice %arg4[%dma_wait3A_455, %dma_wait3A_464, %dma_wait3A_465, %dma_wait3A_466] : memref<2x16x8x128xf32, #tpu.memory_space<vmem>> -> memref<1x8x8x128xf32, #tpu.memory_space<vmem>>
      %dma_wait3A_468 = tpu.memref_squeeze %dma_wait3A_467 : memref<1x8x8x128xf32, #tpu.memory_space<vmem>> -> memref<8x8x128xf32, #tpu.memory_space<vmem>>
      %dma_wait3A_469 = arith.constant 0 : i32
      %dma_wait3A_470 = arith.constant 0 : i32
      %dma_wait3A_471 = tpu.memref_slice %arg2[%add3A_437, %dma_wait3A_469, %dma_wait3A_470] : memref<65536x8x128xf32, #tpu.memory_space<hbm>> -> memref<8x8x128xf32, #tpu.memory_space<hbm>>
      tpu.wait_dma2 semaphore(%arg7 : memref<!tpu.dma_semaphore, #tpu.memory_space<semaphore_mem>>) src(%dma_wait3A_471 : memref<8x8x128xf32, #tpu.memory_space<hbm>>) dst(%dma_wait3A_468 : memref<8x8x128xf32, #tpu.memory_space<vmem>>)
      %ge3A_472 = arith.constant 2 : i32
      %ge3A_473 = arith.cmpi sge, %add3A_376, %ge3A_472 : i32
      %convert_element_type3A_474 = arith.extui %ge3A_473 : i1 to i32
      %cond3A_475 = arith.constant 0 : i32
      %cond3A_476 = arith.cmpi ne, %convert_element_type3A_474, %cond3A_475 : i32
      scf.if %cond3A_476 {
        %sub3A_549 = arith.constant 2 : i32
        %sub3A_550 = arith.subi %add3A_376, %sub3A_549 : i32
        %mul3A_551 = arith.constant 64 : i32
        %mul3A_552 = arith.muli %add3A_46, %mul3A_551 : i32
        %jit3A_553 = arith.constant 2 : i32
        %div3A_554 = arith.divsi %sub3A_550, %jit3A_553 : i32
        %sign3A_555 = arith.constant 0 : i32
        %sign3A_556 = arith.cmpi sgt, %sub3A_550, %sign3A_555 : i32
        %sign3A_557 = arith.extui %sign3A_556 : i1 to i32
        %sign3A_558 = arith.constant 0 : i32
        %sign3A_559 = arith.cmpi slt, %sub3A_550, %sign3A_558 : i32
        %sign3A_560 = arith.extui %sign3A_559 : i1 to i32
        %sign3A_561 = arith.subi %sign3A_557, %sign3A_560 : i32
        %sign3A_562 = arith.constant 0 : i32
        %sign3A_563 = arith.cmpi sgt, %jit3A_553, %sign3A_562 : i32
        %sign3A_564 = arith.extui %sign3A_563 : i1 to i32
        %sign3A_565 = arith.constant 0 : i32
        %sign3A_566 = arith.cmpi slt, %jit3A_553, %sign3A_565 : i32
        %sign3A_567 = arith.extui %sign3A_566 : i1 to i32
        %sign3A_568 = arith.subi %sign3A_564, %sign3A_567 : i32
        %ne3A_569 = arith.cmpi ne, %sign3A_561, %sign3A_568 : i32
        %rem3A_570 = arith.remsi %sub3A_550, %jit3A_553 : i32
        %ne3A_571 = arith.constant 0 : i32
        %ne3A_572 = arith.cmpi ne, %rem3A_570, %ne3A_571 : i32
        %and3A_573 = arith.andi %ne3A_569, %ne3A_572 : i1
        %sub3A_574 = arith.constant 1 : i32
        %sub3A_575 = arith.subi %div3A_554, %sub3A_574 : i32
        %select_n3A_576 = arith.select %and3A_573, %sub3A_575, %div3A_554 : i32
        %add3A_577 = arith.addi %mul3A_552, %select_n3A_576 : i32
        %jit3A_578 = arith.constant 2 : i32
        %eq3A_579 = arith.constant 0 : i32
        %eq3A_580 = arith.cmpi eq, %jit3A_578, %eq3A_579 : i32
        %jit3A_581 = arith.constant 1 : i32
        %select_n3A_582 = arith.select %eq3A_580, %jit3A_581, %jit3A_578 : i32
        %rem3A_583 = arith.remsi %sub3A_550, %select_n3A_582 : i32
        %ne3A_584 = arith.constant 0 : i32
        %ne3A_585 = arith.cmpi ne, %rem3A_583, %ne3A_584 : i32
        %lt3A_586 = arith.constant 0 : i32
        %lt3A_587 = arith.cmpi slt, %rem3A_583, %lt3A_586 : i32
        %lt3A_588 = arith.constant 0 : i32
        %lt3A_589 = arith.cmpi slt, %select_n3A_582, %lt3A_588 : i32
        %ne3A_590 = arith.xori %lt3A_587, %lt3A_589 : i1
        %and3A_591 = arith.andi %ne3A_590, %ne3A_585 : i1
        %add3A_592 = arith.addi %rem3A_583, %select_n3A_582 : i32
        %select_n3A_593 = arith.select %and3A_591, %add3A_592, %rem3A_583 : i32
        %mul3A_594 = arith.constant 256 : i32
        %mul3A_595 = arith.muli %add3A_577, %mul3A_594 : i32
        %mul3A_596 = arith.constant 128 : i32
        %mul3A_597 = arith.muli %select_n3A_593, %mul3A_596 : i32
        %add3A_598 = arith.addi %mul3A_595, %mul3A_597 : i32
        %multiple_of3A_599 = tpu.assume_multiple %add3A_598, 128 : i32
        %dma_wait3A_600 = arith.constant 1 : i32
        %dma_wait3A_601 = arith.constant 0 : i32
        %dma_wait3A_602 = arith.constant 0 : i32
        %dma_wait3A_603 = tpu.memref_slice %arg5[%dma_wait3A_600, %dma_wait3A_601, %dma_wait3A_602] : memref<2x128x128xf32, #tpu.memory_space<vmem>> -> memref<1x128x128xf32, #tpu.memory_space<vmem>>
        %dma_wait3A_604 = tpu.memref_squeeze %dma_wait3A_603 : memref<1x128x128xf32, #tpu.memory_space<vmem>> -> memref<128x128xf32, #tpu.memory_space<vmem>>
        %dma_wait3A_605 = arith.constant 0 : i32
        %dma_wait3A_606 = tpu.memref_slice %arg3[%multiple_of3A_599, %dma_wait3A_605] : memref<524288x128xf32, #tpu.memory_space<hbm>> -> memref<128x128xf32, #tpu.memory_space<hbm>>
        %dma_wait3A_607 = arith.constant 0 : i32
        %dma_wait3A_608 = tpu.memref_slice %arg3[%multiple_of3A_599, %dma_wait3A_607] : memref<524288x128xf32, #tpu.memory_space<hbm>> -> memref<128x128xf32, #tpu.memory_space<hbm>>
        %dma_wait3A_609 = arith.constant 0 : i32
        %dma_wait3A_610 = arith.constant 0 : i32
        %dma_wait3A_611 = tpu.memref_slice %arg5[%dma_wait3A_600, %dma_wait3A_609, %dma_wait3A_610] : memref<2x128x128xf32, #tpu.memory_space<vmem>> -> memref<1x128x128xf32, #tpu.memory_space<vmem>>
        %dma_wait3A_612 = tpu.memref_squeeze %dma_wait3A_611 : memref<1x128x128xf32, #tpu.memory_space<vmem>> -> memref<128x128xf32, #tpu.memory_space<vmem>>
        tpu.wait_dma2 semaphore(%arg9 : memref<!tpu.dma_semaphore, #tpu.memory_space<semaphore_mem>>) src(%dma_wait3A_612 : memref<128x128xf32, #tpu.memory_space<vmem>>) dst(%dma_wait3A_608 : memref<128x128xf32, #tpu.memory_space<hbm>>)
      } else {
      }
      %parallel_loop3A_477 = arith.constant 0 : i32
      %parallel_loop3A_478 = arith.constant 128 : i32
      %parallel_loop3A_479 = arith.constant 1 : i32
      scf.for %parallel_loop3A_549 = %parallel_loop3A_477 to %parallel_loop3A_478 step %parallel_loop3A_479  : i32 {
        %parallel_loop3A_550 = arith.constant 8 : i32
        %parallel_loop3A_551 = arith.muli %parallel_loop3A_549, %parallel_loop3A_550 : i32
        %parallel_loop3A_552 = arith.constant 128 : i32
        %parallel_loop3A_553 = arith.divsi %parallel_loop3A_551, %parallel_loop3A_552 : i32
        %parallel_loop3A_554 = arith.constant 0 : i32
        %parallel_loop3A_555 = arith.cmpi sgt, %parallel_loop3A_551, %parallel_loop3A_554 : i32
        %parallel_loop3A_556 = arith.extui %parallel_loop3A_555 : i1 to i32
        %parallel_loop3A_557 = arith.constant 0 : i32
        %parallel_loop3A_558 = arith.cmpi slt, %parallel_loop3A_551, %parallel_loop3A_557 : i32
        %parallel_loop3A_559 = arith.extui %parallel_loop3A_558 : i1 to i32
        %parallel_loop3A_560 = arith.subi %parallel_loop3A_556, %parallel_loop3A_559 : i32
        %parallel_loop3A_561 = arith.constant 0 : i32
        %parallel_loop3A_562 = arith.cmpi sgt, %parallel_loop3A_552, %parallel_loop3A_561 : i32
        %parallel_loop3A_563 = arith.extui %parallel_loop3A_562 : i1 to i32
        %parallel_loop3A_564 = arith.constant 0 : i32
        %parallel_loop3A_565 = arith.cmpi slt, %parallel_loop3A_552, %parallel_loop3A_564 : i32
        %parallel_loop3A_566 = arith.extui %parallel_loop3A_565 : i1 to i32
        %parallel_loop3A_567 = arith.subi %parallel_loop3A_563, %parallel_loop3A_566 : i32
        %parallel_loop3A_568 = arith.cmpi ne, %parallel_loop3A_560, %parallel_loop3A_567 : i32
        %parallel_loop3A_569 = arith.remsi %parallel_loop3A_551, %parallel_loop3A_552 : i32
        %parallel_loop3A_570 = arith.constant 0 : i32
        %parallel_loop3A_571 = arith.cmpi ne, %parallel_loop3A_569, %parallel_loop3A_570 : i32
        %parallel_loop3A_572 = arith.andi %parallel_loop3A_568, %parallel_loop3A_571 : i1
        %parallel_loop3A_573 = arith.constant 1 : i32
        %parallel_loop3A_574 = arith.subi %parallel_loop3A_553, %parallel_loop3A_573 : i32
        %parallel_loop3A_575 = arith.select %parallel_loop3A_572, %parallel_loop3A_574, %parallel_loop3A_553 : i32
        %parallel_loop3A_576 = vector.broadcast %parallel_loop3A_575 : i32 to vector<16xi32>
        %parallel_loop3A_577 = arith.addi %mul3A_24, %parallel_loop3A_576 : vector<16xi32>
        %parallel_loop3A_578 = arith.constant 128 : i32
        %parallel_loop3A_579 = arith.constant 0 : i32
        %parallel_loop3A_580 = arith.cmpi eq, %parallel_loop3A_578, %parallel_loop3A_579 : i32
        %parallel_loop3A_581 = arith.constant 1 : i32
        %parallel_loop3A_582 = arith.select %parallel_loop3A_580, %parallel_loop3A_581, %parallel_loop3A_578 : i32
        %parallel_loop3A_583 = arith.remsi %parallel_loop3A_551, %parallel_loop3A_582 : i32
        %parallel_loop3A_584 = arith.constant 0 : i32
        %parallel_loop3A_585 = arith.cmpi ne, %parallel_loop3A_583, %parallel_loop3A_584 : i32
        %parallel_loop3A_586 = arith.constant 0 : i32
        %parallel_loop3A_587 = arith.cmpi slt, %parallel_loop3A_583, %parallel_loop3A_586 : i32
        %parallel_loop3A_588 = arith.constant 0 : i32
        %parallel_loop3A_589 = arith.cmpi slt, %parallel_loop3A_582, %parallel_loop3A_588 : i32
        %parallel_loop3A_590 = arith.xori %parallel_loop3A_587, %parallel_loop3A_589 : i1
        %parallel_loop3A_591 = arith.andi %parallel_loop3A_590, %parallel_loop3A_585 : i1
        %parallel_loop3A_592 = arith.addi %parallel_loop3A_583, %parallel_loop3A_582 : i32
        %parallel_loop3A_593 = arith.select %parallel_loop3A_591, %parallel_loop3A_592, %parallel_loop3A_583 : i32
        %parallel_loop3A_594 = arith.constant 0 : i32
        %parallel_loop3A_595 = arith.addi %parallel_loop3A_593, %parallel_loop3A_594 : i32
        %parallel_loop3A_596 = vector.broadcast %parallel_loop3A_595 : i32 to vector<16xi32>
        %parallel_loop3A_597 = arith.constant 1 : i32
        %parallel_loop3A_598 = arith.constant 0 : i32
        %parallel_loop3A_599 = arith.constant 0 : i32
        %parallel_loop3A_600 = arith.constant 0 : i32
        %parallel_loop3A_601 = tpu.memref_slice %arg4[%parallel_loop3A_597, %parallel_loop3A_598, %parallel_loop3A_599, %parallel_loop3A_600] : memref<2x16x8x128xf32, #tpu.memory_space<vmem>> -> memref<1x16x8x128xf32, #tpu.memory_space<vmem>>
        %parallel_loop3A_602 = tpu.memref_squeeze %parallel_loop3A_601 : memref<1x16x8x128xf32, #tpu.memory_space<vmem>> -> memref<16x8x128xf32, #tpu.memory_space<vmem>>
        %parallel_loop3A_603 = tpu.vector_load_idx %parallel_loop3A_602[%parallel_loop3A_577, %select_n3A_43, %parallel_loop3A_596] : memref<16x8x128xf32, #tpu.memory_space<vmem>>[vector<16xi32>, vector<16xi32>, vector<16xi32>], vector<16xf32>,
        %parallel_loop3A_604 = arith.constant 1 : i32
        %parallel_loop3A_605 = arith.index_cast %parallel_loop3A_604 : i32 to index
        %parallel_loop3A_606 = arith.index_cast %parallel_loop3A_549 : i32 to index
        %parallel_loop3A_607 = arith.constant 0 : index
        %parallel_loop3A_608 = tpu.vector_load %arg5[%parallel_loop3A_605, %parallel_loop3A_606, %parallel_loop3A_607] {strides = array<i32>} : memref<2x128x128xf32, #tpu.memory_space<vmem>>, vector<16xf32>,
        tpu.vector_store %arg5[%parallel_loop3A_605, %parallel_loop3A_606, %parallel_loop3A_607], %parallel_loop3A_603 {strides = array<i32>} : memref<2x128x128xf32, #tpu.memory_space<vmem>>, vector<16xf32>,
        %parallel_loop3A_609 = arith.constant 128 : i32
        %parallel_loop3A_610 = arith.constant 0 : i32
        %parallel_loop3A_611 = arith.cmpi eq, %parallel_loop3A_609, %parallel_loop3A_610 : i32
        %parallel_loop3A_612 = arith.constant 1 : i32
        %parallel_loop3A_613 = arith.select %parallel_loop3A_611, %parallel_loop3A_612, %parallel_loop3A_609 : i32
        %parallel_loop3A_614 = arith.remsi %parallel_loop3A_551, %parallel_loop3A_613 : i32
        %parallel_loop3A_615 = arith.constant 0 : i32
        %parallel_loop3A_616 = arith.cmpi ne, %parallel_loop3A_614, %parallel_loop3A_615 : i32
        %parallel_loop3A_617 = arith.constant 0 : i32
        %parallel_loop3A_618 = arith.cmpi slt, %parallel_loop3A_614, %parallel_loop3A_617 : i32
        %parallel_loop3A_619 = arith.constant 0 : i32
        %parallel_loop3A_620 = arith.cmpi slt, %parallel_loop3A_613, %parallel_loop3A_619 : i32
        %parallel_loop3A_621 = arith.xori %parallel_loop3A_618, %parallel_loop3A_620 : i1
        %parallel_loop3A_622 = arith.andi %parallel_loop3A_621, %parallel_loop3A_616 : i1
        %parallel_loop3A_623 = arith.addi %parallel_loop3A_614, %parallel_loop3A_613 : i32
        %parallel_loop3A_624 = arith.select %parallel_loop3A_622, %parallel_loop3A_623, %parallel_loop3A_614 : i32
        %parallel_loop3A_625 = arith.constant 1 : i32
        %parallel_loop3A_626 = arith.addi %parallel_loop3A_624, %parallel_loop3A_625 : i32
        %parallel_loop3A_627 = vector.broadcast %parallel_loop3A_626 : i32 to vector<16xi32>
        %parallel_loop3A_628 = arith.constant 1 : i32
        %parallel_loop3A_629 = arith.constant 0 : i32
        %parallel_loop3A_630 = arith.constant 0 : i32
        %parallel_loop3A_631 = arith.constant 0 : i32
        %parallel_loop3A_632 = tpu.memref_slice %arg4[%parallel_loop3A_628, %parallel_loop3A_629, %parallel_loop3A_630, %parallel_loop3A_631] : memref<2x16x8x128xf32, #tpu.memory_space<vmem>> -> memref<1x16x8x128xf32, #tpu.memory_space<vmem>>
        %parallel_loop3A_633 = tpu.memref_squeeze %parallel_loop3A_632 : memref<1x16x8x128xf32, #tpu.memory_space<vmem>> -> memref<16x8x128xf32, #tpu.memory_space<vmem>>
        %parallel_loop3A_634 = tpu.vector_load_idx %parallel_loop3A_633[%parallel_loop3A_577, %select_n3A_43, %parallel_loop3A_627] : memref<16x8x128xf32, #tpu.memory_space<vmem>>[vector<16xi32>, vector<16xi32>, vector<16xi32>], vector<16xf32>,
        %parallel_loop3A_635 = arith.constant 1 : i32
        %parallel_loop3A_636 = arith.index_cast %parallel_loop3A_635 : i32 to index
        %parallel_loop3A_637 = arith.index_cast %parallel_loop3A_549 : i32 to index
        %parallel_loop3A_638 = arith.constant 16 : index
        %parallel_loop3A_639 = tpu.vector_load %arg5[%parallel_loop3A_636, %parallel_loop3A_637, %parallel_loop3A_638] {strides = array<i32>} : memref<2x128x128xf32, #tpu.memory_space<vmem>>, vector<16xf32>,
        tpu.vector_store %arg5[%parallel_loop3A_636, %parallel_loop3A_637, %parallel_loop3A_638], %parallel_loop3A_634 {strides = array<i32>} : memref<2x128x128xf32, #tpu.memory_space<vmem>>, vector<16xf32>,
        %parallel_loop3A_640 = arith.constant 128 : i32
        %parallel_loop3A_641 = arith.constant 0 : i32
        %parallel_loop3A_642 = arith.cmpi eq, %parallel_loop3A_640, %parallel_loop3A_641 : i32
        %parallel_loop3A_643 = arith.constant 1 : i32
        %parallel_loop3A_644 = arith.select %parallel_loop3A_642, %parallel_loop3A_643, %parallel_loop3A_640 : i32
        %parallel_loop3A_645 = arith.remsi %parallel_loop3A_551, %parallel_loop3A_644 : i32
        %parallel_loop3A_646 = arith.constant 0 : i32
        %parallel_loop3A_647 = arith.cmpi ne, %parallel_loop3A_645, %parallel_loop3A_646 : i32
        %parallel_loop3A_648 = arith.constant 0 : i32
        %parallel_loop3A_649 = arith.cmpi slt, %parallel_loop3A_645, %parallel_loop3A_648 : i32
        %parallel_loop3A_650 = arith.constant 0 : i32
        %parallel_loop3A_651 = arith.cmpi slt, %parallel_loop3A_644, %parallel_loop3A_650 : i32
        %parallel_loop3A_652 = arith.xori %parallel_loop3A_649, %parallel_loop3A_651 : i1
        %parallel_loop3A_653 = arith.andi %parallel_loop3A_652, %parallel_loop3A_647 : i1
        %parallel_loop3A_654 = arith.addi %parallel_loop3A_645, %parallel_loop3A_644 : i32
        %parallel_loop3A_655 = arith.select %parallel_loop3A_653, %parallel_loop3A_654, %parallel_loop3A_645 : i32
        %parallel_loop3A_656 = arith.constant 2 : i32
        %parallel_loop3A_657 = arith.addi %parallel_loop3A_655, %parallel_loop3A_656 : i32
        %parallel_loop3A_658 = vector.broadcast %parallel_loop3A_657 : i32 to vector<16xi32>
        %parallel_loop3A_659 = arith.constant 1 : i32
        %parallel_loop3A_660 = arith.constant 0 : i32
        %parallel_loop3A_661 = arith.constant 0 : i32
        %parallel_loop3A_662 = arith.constant 0 : i32
        %parallel_loop3A_663 = tpu.memref_slice %arg4[%parallel_loop3A_659, %parallel_loop3A_660, %parallel_loop3A_661, %parallel_loop3A_662] : memref<2x16x8x128xf32, #tpu.memory_space<vmem>> -> memref<1x16x8x128xf32, #tpu.memory_space<vmem>>
        %parallel_loop3A_664 = tpu.memref_squeeze %parallel_loop3A_663 : memref<1x16x8x128xf32, #tpu.memory_space<vmem>> -> memref<16x8x128xf32, #tpu.memory_space<vmem>>
        %parallel_loop3A_665 = tpu.vector_load_idx %parallel_loop3A_664[%parallel_loop3A_577, %select_n3A_43, %parallel_loop3A_658] : memref<16x8x128xf32, #tpu.memory_space<vmem>>[vector<16xi32>, vector<16xi32>, vector<16xi32>], vector<16xf32>,
        %parallel_loop3A_666 = arith.constant 1 : i32
        %parallel_loop3A_667 = arith.index_cast %parallel_loop3A_666 : i32 to index
        %parallel_loop3A_668 = arith.index_cast %parallel_loop3A_549 : i32 to index
        %parallel_loop3A_669 = arith.constant 32 : index
        %parallel_loop3A_670 = tpu.vector_load %arg5[%parallel_loop3A_667, %parallel_loop3A_668, %parallel_loop3A_669] {strides = array<i32>} : memref<2x128x128xf32, #tpu.memory_space<vmem>>, vector<16xf32>,
        tpu.vector_store %arg5[%parallel_loop3A_667, %parallel_loop3A_668, %parallel_loop3A_669], %parallel_loop3A_665 {strides = array<i32>} : memref<2x128x128xf32, #tpu.memory_space<vmem>>, vector<16xf32>,
        %parallel_loop3A_671 = arith.constant 128 : i32
        %parallel_loop3A_672 = arith.constant 0 : i32
        %parallel_loop3A_673 = arith.cmpi eq, %parallel_loop3A_671, %parallel_loop3A_672 : i32
        %parallel_loop3A_674 = arith.constant 1 : i32
        %parallel_loop3A_675 = arith.select %parallel_loop3A_673, %parallel_loop3A_674, %parallel_loop3A_671 : i32
        %parallel_loop3A_676 = arith.remsi %parallel_loop3A_551, %parallel_loop3A_675 : i32
        %parallel_loop3A_677 = arith.constant 0 : i32
        %parallel_loop3A_678 = arith.cmpi ne, %parallel_loop3A_676, %parallel_loop3A_677 : i32
        %parallel_loop3A_679 = arith.constant 0 : i32
        %parallel_loop3A_680 = arith.cmpi slt, %parallel_loop3A_676, %parallel_loop3A_679 : i32
        %parallel_loop3A_681 = arith.constant 0 : i32
        %parallel_loop3A_682 = arith.cmpi slt, %parallel_loop3A_675, %parallel_loop3A_681 : i32
        %parallel_loop3A_683 = arith.xori %parallel_loop3A_680, %parallel_loop3A_682 : i1
        %parallel_loop3A_684 = arith.andi %parallel_loop3A_683, %parallel_loop3A_678 : i1
        %parallel_loop3A_685 = arith.addi %parallel_loop3A_676, %parallel_loop3A_675 : i32
        %parallel_loop3A_686 = arith.select %parallel_loop3A_684, %parallel_loop3A_685, %parallel_loop3A_676 : i32
        %parallel_loop3A_687 = arith.constant 3 : i32
        %parallel_loop3A_688 = arith.addi %parallel_loop3A_686, %parallel_loop3A_687 : i32
        %parallel_loop3A_689 = vector.broadcast %parallel_loop3A_688 : i32 to vector<16xi32>
        %parallel_loop3A_690 = arith.constant 1 : i32
        %parallel_loop3A_691 = arith.constant 0 : i32
        %parallel_loop3A_692 = arith.constant 0 : i32
        %parallel_loop3A_693 = arith.constant 0 : i32
        %parallel_loop3A_694 = tpu.memref_slice %arg4[%parallel_loop3A_690, %parallel_loop3A_691, %parallel_loop3A_692, %parallel_loop3A_693] : memref<2x16x8x128xf32, #tpu.memory_space<vmem>> -> memref<1x16x8x128xf32, #tpu.memory_space<vmem>>
        %parallel_loop3A_695 = tpu.memref_squeeze %parallel_loop3A_694 : memref<1x16x8x128xf32, #tpu.memory_space<vmem>> -> memref<16x8x128xf32, #tpu.memory_space<vmem>>
        %parallel_loop3A_696 = tpu.vector_load_idx %parallel_loop3A_695[%parallel_loop3A_577, %select_n3A_43, %parallel_loop3A_689] : memref<16x8x128xf32, #tpu.memory_space<vmem>>[vector<16xi32>, vector<16xi32>, vector<16xi32>], vector<16xf32>,
        %parallel_loop3A_697 = arith.constant 1 : i32
        %parallel_loop3A_698 = arith.index_cast %parallel_loop3A_697 : i32 to index
        %parallel_loop3A_699 = arith.index_cast %parallel_loop3A_549 : i32 to index
        %parallel_loop3A_700 = arith.constant 48 : index
        %parallel_loop3A_701 = tpu.vector_load %arg5[%parallel_loop3A_698, %parallel_loop3A_699, %parallel_loop3A_700] {strides = array<i32>} : memref<2x128x128xf32, #tpu.memory_space<vmem>>, vector<16xf32>,
        tpu.vector_store %arg5[%parallel_loop3A_698, %parallel_loop3A_699, %parallel_loop3A_700], %parallel_loop3A_696 {strides = array<i32>} : memref<2x128x128xf32, #tpu.memory_space<vmem>>, vector<16xf32>,
        %parallel_loop3A_702 = arith.constant 128 : i32
        %parallel_loop3A_703 = arith.constant 0 : i32
        %parallel_loop3A_704 = arith.cmpi eq, %parallel_loop3A_702, %parallel_loop3A_703 : i32
        %parallel_loop3A_705 = arith.constant 1 : i32
        %parallel_loop3A_706 = arith.select %parallel_loop3A_704, %parallel_loop3A_705, %parallel_loop3A_702 : i32
        %parallel_loop3A_707 = arith.remsi %parallel_loop3A_551, %parallel_loop3A_706 : i32
        %parallel_loop3A_708 = arith.constant 0 : i32
        %parallel_loop3A_709 = arith.cmpi ne, %parallel_loop3A_707, %parallel_loop3A_708 : i32
        %parallel_loop3A_710 = arith.constant 0 : i32
        %parallel_loop3A_711 = arith.cmpi slt, %parallel_loop3A_707, %parallel_loop3A_710 : i32
        %parallel_loop3A_712 = arith.constant 0 : i32
        %parallel_loop3A_713 = arith.cmpi slt, %parallel_loop3A_706, %parallel_loop3A_712 : i32
        %parallel_loop3A_714 = arith.xori %parallel_loop3A_711, %parallel_loop3A_713 : i1
        %parallel_loop3A_715 = arith.andi %parallel_loop3A_714, %parallel_loop3A_709 : i1
        %parallel_loop3A_716 = arith.addi %parallel_loop3A_707, %parallel_loop3A_706 : i32
        %parallel_loop3A_717 = arith.select %parallel_loop3A_715, %parallel_loop3A_716, %parallel_loop3A_707 : i32
        %parallel_loop3A_718 = arith.constant 4 : i32
        %parallel_loop3A_719 = arith.addi %parallel_loop3A_717, %parallel_loop3A_718 : i32
        %parallel_loop3A_720 = vector.broadcast %parallel_loop3A_719 : i32 to vector<16xi32>
        %parallel_loop3A_721 = arith.constant 1 : i32
        %parallel_loop3A_722 = arith.constant 0 : i32
        %parallel_loop3A_723 = arith.constant 0 : i32
        %parallel_loop3A_724 = arith.constant 0 : i32
        %parallel_loop3A_725 = tpu.memref_slice %arg4[%parallel_loop3A_721, %parallel_loop3A_722, %parallel_loop3A_723, %parallel_loop3A_724] : memref<2x16x8x128xf32, #tpu.memory_space<vmem>> -> memref<1x16x8x128xf32, #tpu.memory_space<vmem>>
        %parallel_loop3A_726 = tpu.memref_squeeze %parallel_loop3A_725 : memref<1x16x8x128xf32, #tpu.memory_space<vmem>> -> memref<16x8x128xf32, #tpu.memory_space<vmem>>
        %parallel_loop3A_727 = tpu.vector_load_idx %parallel_loop3A_726[%parallel_loop3A_577, %select_n3A_43, %parallel_loop3A_720] : memref<16x8x128xf32, #tpu.memory_space<vmem>>[vector<16xi32>, vector<16xi32>, vector<16xi32>], vector<16xf32>,
        %parallel_loop3A_728 = arith.constant 1 : i32
        %parallel_loop3A_729 = arith.index_cast %parallel_loop3A_728 : i32 to index
        %parallel_loop3A_730 = arith.index_cast %parallel_loop3A_549 : i32 to index
        %parallel_loop3A_731 = arith.constant 64 : index
        %parallel_loop3A_732 = tpu.vector_load %arg5[%parallel_loop3A_729, %parallel_loop3A_730, %parallel_loop3A_731] {strides = array<i32>} : memref<2x128x128xf32, #tpu.memory_space<vmem>>, vector<16xf32>,
        tpu.vector_store %arg5[%parallel_loop3A_729, %parallel_loop3A_730, %parallel_loop3A_731], %parallel_loop3A_727 {strides = array<i32>} : memref<2x128x128xf32, #tpu.memory_space<vmem>>, vector<16xf32>,
        %parallel_loop3A_733 = arith.constant 128 : i32
        %parallel_loop3A_734 = arith.constant 0 : i32
        %parallel_loop3A_735 = arith.cmpi eq, %parallel_loop3A_733, %parallel_loop3A_734 : i32
        %parallel_loop3A_736 = arith.constant 1 : i32
        %parallel_loop3A_737 = arith.select %parallel_loop3A_735, %parallel_loop3A_736, %parallel_loop3A_733 : i32
        %parallel_loop3A_738 = arith.remsi %parallel_loop3A_551, %parallel_loop3A_737 : i32
        %parallel_loop3A_739 = arith.constant 0 : i32
        %parallel_loop3A_740 = arith.cmpi ne, %parallel_loop3A_738, %parallel_loop3A_739 : i32
        %parallel_loop3A_741 = arith.constant 0 : i32
        %parallel_loop3A_742 = arith.cmpi slt, %parallel_loop3A_738, %parallel_loop3A_741 : i32
        %parallel_loop3A_743 = arith.constant 0 : i32
        %parallel_loop3A_744 = arith.cmpi slt, %parallel_loop3A_737, %parallel_loop3A_743 : i32
        %parallel_loop3A_745 = arith.xori %parallel_loop3A_742, %parallel_loop3A_744 : i1
        %parallel_loop3A_746 = arith.andi %parallel_loop3A_745, %parallel_loop3A_740 : i1
        %parallel_loop3A_747 = arith.addi %parallel_loop3A_738, %parallel_loop3A_737 : i32
        %parallel_loop3A_748 = arith.select %parallel_loop3A_746, %parallel_loop3A_747, %parallel_loop3A_738 : i32
        %parallel_loop3A_749 = arith.constant 5 : i32
        %parallel_loop3A_750 = arith.addi %parallel_loop3A_748, %parallel_loop3A_749 : i32
        %parallel_loop3A_751 = vector.broadcast %parallel_loop3A_750 : i32 to vector<16xi32>
        %parallel_loop3A_752 = arith.constant 1 : i32
        %parallel_loop3A_753 = arith.constant 0 : i32
        %parallel_loop3A_754 = arith.constant 0 : i32
        %parallel_loop3A_755 = arith.constant 0 : i32
        %parallel_loop3A_756 = tpu.memref_slice %arg4[%parallel_loop3A_752, %parallel_loop3A_753, %parallel_loop3A_754, %parallel_loop3A_755] : memref<2x16x8x128xf32, #tpu.memory_space<vmem>> -> memref<1x16x8x128xf32, #tpu.memory_space<vmem>>
        %parallel_loop3A_757 = tpu.memref_squeeze %parallel_loop3A_756 : memref<1x16x8x128xf32, #tpu.memory_space<vmem>> -> memref<16x8x128xf32, #tpu.memory_space<vmem>>
        %parallel_loop3A_758 = tpu.vector_load_idx %parallel_loop3A_757[%parallel_loop3A_577, %select_n3A_43, %parallel_loop3A_751] : memref<16x8x128xf32, #tpu.memory_space<vmem>>[vector<16xi32>, vector<16xi32>, vector<16xi32>], vector<16xf32>,
        %parallel_loop3A_759 = arith.constant 1 : i32
        %parallel_loop3A_760 = arith.index_cast %parallel_loop3A_759 : i32 to index
        %parallel_loop3A_761 = arith.index_cast %parallel_loop3A_549 : i32 to index
        %parallel_loop3A_762 = arith.constant 80 : index
        %parallel_loop3A_763 = tpu.vector_load %arg5[%parallel_loop3A_760, %parallel_loop3A_761, %parallel_loop3A_762] {strides = array<i32>} : memref<2x128x128xf32, #tpu.memory_space<vmem>>, vector<16xf32>,
        tpu.vector_store %arg5[%parallel_loop3A_760, %parallel_loop3A_761, %parallel_loop3A_762], %parallel_loop3A_758 {strides = array<i32>} : memref<2x128x128xf32, #tpu.memory_space<vmem>>, vector<16xf32>,
        %parallel_loop3A_764 = arith.constant 128 : i32
        %parallel_loop3A_765 = arith.constant 0 : i32
        %parallel_loop3A_766 = arith.cmpi eq, %parallel_loop3A_764, %parallel_loop3A_765 : i32
        %parallel_loop3A_767 = arith.constant 1 : i32
        %parallel_loop3A_768 = arith.select %parallel_loop3A_766, %parallel_loop3A_767, %parallel_loop3A_764 : i32
        %parallel_loop3A_769 = arith.remsi %parallel_loop3A_551, %parallel_loop3A_768 : i32
        %parallel_loop3A_770 = arith.constant 0 : i32
        %parallel_loop3A_771 = arith.cmpi ne, %parallel_loop3A_769, %parallel_loop3A_770 : i32
        %parallel_loop3A_772 = arith.constant 0 : i32
        %parallel_loop3A_773 = arith.cmpi slt, %parallel_loop3A_769, %parallel_loop3A_772 : i32
        %parallel_loop3A_774 = arith.constant 0 : i32
        %parallel_loop3A_775 = arith.cmpi slt, %parallel_loop3A_768, %parallel_loop3A_774 : i32
        %parallel_loop3A_776 = arith.xori %parallel_loop3A_773, %parallel_loop3A_775 : i1
        %parallel_loop3A_777 = arith.andi %parallel_loop3A_776, %parallel_loop3A_771 : i1
        %parallel_loop3A_778 = arith.addi %parallel_loop3A_769, %parallel_loop3A_768 : i32
        %parallel_loop3A_779 = arith.select %parallel_loop3A_777, %parallel_loop3A_778, %parallel_loop3A_769 : i32
        %parallel_loop3A_780 = arith.constant 6 : i32
        %parallel_loop3A_781 = arith.addi %parallel_loop3A_779, %parallel_loop3A_780 : i32
        %parallel_loop3A_782 = vector.broadcast %parallel_loop3A_781 : i32 to vector<16xi32>
        %parallel_loop3A_783 = arith.constant 1 : i32
        %parallel_loop3A_784 = arith.constant 0 : i32
        %parallel_loop3A_785 = arith.constant 0 : i32
        %parallel_loop3A_786 = arith.constant 0 : i32
        %parallel_loop3A_787 = tpu.memref_slice %arg4[%parallel_loop3A_783, %parallel_loop3A_784, %parallel_loop3A_785, %parallel_loop3A_786] : memref<2x16x8x128xf32, #tpu.memory_space<vmem>> -> memref<1x16x8x128xf32, #tpu.memory_space<vmem>>
        %parallel_loop3A_788 = tpu.memref_squeeze %parallel_loop3A_787 : memref<1x16x8x128xf32, #tpu.memory_space<vmem>> -> memref<16x8x128xf32, #tpu.memory_space<vmem>>
        %parallel_loop3A_789 = tpu.vector_load_idx %parallel_loop3A_788[%parallel_loop3A_577, %select_n3A_43, %parallel_loop3A_782] : memref<16x8x128xf32, #tpu.memory_space<vmem>>[vector<16xi32>, vector<16xi32>, vector<16xi32>], vector<16xf32>,
        %parallel_loop3A_790 = arith.constant 1 : i32
        %parallel_loop3A_791 = arith.index_cast %parallel_loop3A_790 : i32 to index
        %parallel_loop3A_792 = arith.index_cast %parallel_loop3A_549 : i32 to index
        %parallel_loop3A_793 = arith.constant 96 : index
        %parallel_loop3A_794 = tpu.vector_load %arg5[%parallel_loop3A_791, %parallel_loop3A_792, %parallel_loop3A_793] {strides = array<i32>} : memref<2x128x128xf32, #tpu.memory_space<vmem>>, vector<16xf32>,
        tpu.vector_store %arg5[%parallel_loop3A_791, %parallel_loop3A_792, %parallel_loop3A_793], %parallel_loop3A_789 {strides = array<i32>} : memref<2x128x128xf32, #tpu.memory_space<vmem>>, vector<16xf32>,
        %parallel_loop3A_795 = arith.constant 128 : i32
        %parallel_loop3A_796 = arith.constant 0 : i32
        %parallel_loop3A_797 = arith.cmpi eq, %parallel_loop3A_795, %parallel_loop3A_796 : i32
        %parallel_loop3A_798 = arith.constant 1 : i32
        %parallel_loop3A_799 = arith.select %parallel_loop3A_797, %parallel_loop3A_798, %parallel_loop3A_795 : i32
        %parallel_loop3A_800 = arith.remsi %parallel_loop3A_551, %parallel_loop3A_799 : i32
        %parallel_loop3A_801 = arith.constant 0 : i32
        %parallel_loop3A_802 = arith.cmpi ne, %parallel_loop3A_800, %parallel_loop3A_801 : i32
        %parallel_loop3A_803 = arith.constant 0 : i32
        %parallel_loop3A_804 = arith.cmpi slt, %parallel_loop3A_800, %parallel_loop3A_803 : i32
        %parallel_loop3A_805 = arith.constant 0 : i32
        %parallel_loop3A_806 = arith.cmpi slt, %parallel_loop3A_799, %parallel_loop3A_805 : i32
        %parallel_loop3A_807 = arith.xori %parallel_loop3A_804, %parallel_loop3A_806 : i1
        %parallel_loop3A_808 = arith.andi %parallel_loop3A_807, %parallel_loop3A_802 : i1
        %parallel_loop3A_809 = arith.addi %parallel_loop3A_800, %parallel_loop3A_799 : i32
        %parallel_loop3A_810 = arith.select %parallel_loop3A_808, %parallel_loop3A_809, %parallel_loop3A_800 : i32
        %parallel_loop3A_811 = arith.constant 7 : i32
        %parallel_loop3A_812 = arith.addi %parallel_loop3A_810, %parallel_loop3A_811 : i32
        %parallel_loop3A_813 = vector.broadcast %parallel_loop3A_812 : i32 to vector<16xi32>
        %parallel_loop3A_814 = arith.constant 1 : i32
        %parallel_loop3A_815 = arith.constant 0 : i32
        %parallel_loop3A_816 = arith.constant 0 : i32
        %parallel_loop3A_817 = arith.constant 0 : i32
        %parallel_loop3A_818 = tpu.memref_slice %arg4[%parallel_loop3A_814, %parallel_loop3A_815, %parallel_loop3A_816, %parallel_loop3A_817] : memref<2x16x8x128xf32, #tpu.memory_space<vmem>> -> memref<1x16x8x128xf32, #tpu.memory_space<vmem>>
        %parallel_loop3A_819 = tpu.memref_squeeze %parallel_loop3A_818 : memref<1x16x8x128xf32, #tpu.memory_space<vmem>> -> memref<16x8x128xf32, #tpu.memory_space<vmem>>
        %parallel_loop3A_820 = tpu.vector_load_idx %parallel_loop3A_819[%parallel_loop3A_577, %select_n3A_43, %parallel_loop3A_813] : memref<16x8x128xf32, #tpu.memory_space<vmem>>[vector<16xi32>, vector<16xi32>, vector<16xi32>], vector<16xf32>,
        %parallel_loop3A_821 = arith.constant 1 : i32
        %parallel_loop3A_822 = arith.index_cast %parallel_loop3A_821 : i32 to index
        %parallel_loop3A_823 = arith.index_cast %parallel_loop3A_549 : i32 to index
        %parallel_loop3A_824 = arith.constant 112 : index
        %parallel_loop3A_825 = tpu.vector_load %arg5[%parallel_loop3A_822, %parallel_loop3A_823, %parallel_loop3A_824] {strides = array<i32>} : memref<2x128x128xf32, #tpu.memory_space<vmem>>, vector<16xf32>,
        tpu.vector_store %arg5[%parallel_loop3A_822, %parallel_loop3A_823, %parallel_loop3A_824], %parallel_loop3A_820 {strides = array<i32>} : memref<2x128x128xf32, #tpu.memory_space<vmem>>, vector<16xf32>,
      } {sc.loop_unroll_factor = 4 : i64, sc.parallel_access}
      %mul3A_480 = arith.constant 64 : i32
      %mul3A_481 = arith.muli %add3A_46, %mul3A_480 : i32
      %jit3A_482 = arith.constant 2 : i32
      %div3A_483 = arith.divsi %add3A_376, %jit3A_482 : i32
      %sign3A_484 = arith.constant 0 : i32
      %sign3A_485 = arith.cmpi sgt, %add3A_376, %sign3A_484 : i32
      %sign3A_486 = arith.extui %sign3A_485 : i1 to i32
      %sign3A_487 = arith.constant 0 : i32
      %sign3A_488 = arith.cmpi slt, %add3A_376, %sign3A_487 : i32
      %sign3A_489 = arith.extui %sign3A_488 : i1 to i32
      %sign3A_490 = arith.subi %sign3A_486, %sign3A_489 : i32
      %sign3A_491 = arith.constant 0 : i32
      %sign3A_492 = arith.cmpi sgt, %jit3A_482, %sign3A_491 : i32
      %sign3A_493 = arith.extui %sign3A_492 : i1 to i32
      %sign3A_494 = arith.constant 0 : i32
      %sign3A_495 = arith.cmpi slt, %jit3A_482, %sign3A_494 : i32
      %sign3A_496 = arith.extui %sign3A_495 : i1 to i32
      %sign3A_497 = arith.subi %sign3A_493, %sign3A_496 : i32
      %ne3A_498 = arith.cmpi ne, %sign3A_490, %sign3A_497 : i32
      %rem3A_499 = arith.remsi %add3A_376, %jit3A_482 : i32
      %ne3A_500 = arith.constant 0 : i32
      %ne3A_501 = arith.cmpi ne, %rem3A_499, %ne3A_500 : i32
      %and3A_502 = arith.andi %ne3A_498, %ne3A_501 : i1
      %sub3A_503 = arith.constant 1 : i32
      %sub3A_504 = arith.subi %div3A_483, %sub3A_503 : i32
      %select_n3A_505 = arith.select %and3A_502, %sub3A_504, %div3A_483 : i32
      %add3A_506 = arith.addi %mul3A_481, %select_n3A_505 : i32
      %jit3A_507 = arith.constant 2 : i32
      %eq3A_508 = arith.constant 0 : i32
      %eq3A_509 = arith.cmpi eq, %jit3A_507, %eq3A_508 : i32
      %jit3A_510 = arith.constant 1 : i32
      %select_n3A_511 = arith.select %eq3A_509, %jit3A_510, %jit3A_507 : i32
      %rem3A_512 = arith.remsi %add3A_376, %select_n3A_511 : i32
      %ne3A_513 = arith.constant 0 : i32
      %ne3A_514 = arith.cmpi ne, %rem3A_512, %ne3A_513 : i32
      %lt3A_515 = arith.constant 0 : i32
      %lt3A_516 = arith.cmpi slt, %rem3A_512, %lt3A_515 : i32
      %lt3A_517 = arith.constant 0 : i32
      %lt3A_518 = arith.cmpi slt, %select_n3A_511, %lt3A_517 : i32
      %ne3A_519 = arith.xori %lt3A_516, %lt3A_518 : i1
      %and3A_520 = arith.andi %ne3A_519, %ne3A_514 : i1
      %add3A_521 = arith.addi %rem3A_512, %select_n3A_511 : i32
      %select_n3A_522 = arith.select %and3A_520, %add3A_521, %rem3A_512 : i32
      %mul3A_523 = arith.constant 256 : i32
      %mul3A_524 = arith.muli %add3A_506, %mul3A_523 : i32
      %mul3A_525 = arith.constant 128 : i32
      %mul3A_526 = arith.muli %select_n3A_522, %mul3A_525 : i32
      %add3A_527 = arith.addi %mul3A_524, %mul3A_526 : i32
      %multiple_of3A_528 = tpu.assume_multiple %add3A_527, 128 : i32
      %dma_start3A_529 = arith.constant 1 : i32
      %dma_start3A_530 = arith.constant 0 : i32
      %dma_start3A_531 = arith.constant 0 : i32
      %dma_start3A_532 = tpu.memref_slice %arg5[%dma_start3A_529, %dma_start3A_530, %dma_start3A_531] : memref<2x128x128xf32, #tpu.memory_space<vmem>> -> memref<1x128x128xf32, #tpu.memory_space<vmem>>
      %dma_start3A_533 = tpu.memref_squeeze %dma_start3A_532 : memref<1x128x128xf32, #tpu.memory_space<vmem>> -> memref<128x128xf32, #tpu.memory_space<vmem>>
      %dma_start3A_534 = arith.constant 0 : i32
      %dma_start3A_535 = tpu.memref_slice %arg3[%multiple_of3A_528, %dma_start3A_534] : memref<524288x128xf32, #tpu.memory_space<hbm>> -> memref<128x128xf32, #tpu.memory_space<hbm>>
      %dma_start3A_536 = arith.constant 0 : i32
      %dma_start3A_537 = tpu.memref_slice %arg3[%multiple_of3A_528, %dma_start3A_536] : memref<524288x128xf32, #tpu.memory_space<hbm>> -> memref<128x128xf32, #tpu.memory_space<hbm>>
      %dma_start3A_538 = arith.constant 0 : i32
      %dma_start3A_539 = arith.constant 0 : i32
      %dma_start3A_540 = tpu.memref_slice %arg5[%dma_start3A_529, %dma_start3A_538, %dma_start3A_539] : memref<2x128x128xf32, #tpu.memory_space<vmem>> -> memref<1x128x128xf32, #tpu.memory_space<vmem>>
      %dma_start3A_541 = tpu.memref_squeeze %dma_start3A_540 : memref<1x128x128xf32, #tpu.memory_space<vmem>> -> memref<128x128xf32, #tpu.memory_space<vmem>>
      tpu.enqueue_dma source(%dma_start3A_541 : memref<128x128xf32, #tpu.memory_space<vmem>>) target(%dma_start3A_537 : memref<128x128xf32, #tpu.memory_space<hbm>>) target_semaphore(%arg9 : memref<!tpu.dma_semaphore, #tpu.memory_space<semaphore_mem>>)
      %add3A_542 = arith.constant 2 : i32
      %add3A_543 = arith.addi %add3A_376, %add3A_542 : i32
      %lt3A_544 = arith.constant 128 : i32
      %lt3A_545 = arith.cmpi slt, %add3A_543, %lt3A_544 : i32
      %convert_element_type3A_546 = arith.extui %lt3A_545 : i1 to i32
      %cond3A_547 = arith.constant 0 : i32
      %cond3A_548 = arith.cmpi ne, %convert_element_type3A_546, %cond3A_547 : i32
      scf.if %cond3A_548 {
        %add3A_549 = arith.constant 2 : i32
        %add3A_550 = arith.addi %add3A_376, %add3A_549 : i32
        %mul3A_551 = arith.constant 64 : i32
        %mul3A_552 = arith.muli %add3A_46, %mul3A_551 : i32
        %jit3A_553 = arith.constant 2 : i32
        %div3A_554 = arith.divsi %add3A_550, %jit3A_553 : i32
        %sign3A_555 = arith.constant 0 : i32
        %sign3A_556 = arith.cmpi sgt, %add3A_550, %sign3A_555 : i32
        %sign3A_557 = arith.extui %sign3A_556 : i1 to i32
        %sign3A_558 = arith.constant 0 : i32
        %sign3A_559 = arith.cmpi slt, %add3A_550, %sign3A_558 : i32
        %sign3A_560 = arith.extui %sign3A_559 : i1 to i32
        %sign3A_561 = arith.subi %sign3A_557, %sign3A_560 : i32
        %sign3A_562 = arith.constant 0 : i32
        %sign3A_563 = arith.cmpi sgt, %jit3A_553, %sign3A_562 : i32
        %sign3A_564 = arith.extui %sign3A_563 : i1 to i32
        %sign3A_565 = arith.constant 0 : i32
        %sign3A_566 = arith.cmpi slt, %jit3A_553, %sign3A_565 : i32
        %sign3A_567 = arith.extui %sign3A_566 : i1 to i32
        %sign3A_568 = arith.subi %sign3A_564, %sign3A_567 : i32
        %ne3A_569 = arith.cmpi ne, %sign3A_561, %sign3A_568 : i32
        %rem3A_570 = arith.remsi %add3A_550, %jit3A_553 : i32
        %ne3A_571 = arith.constant 0 : i32
        %ne3A_572 = arith.cmpi ne, %rem3A_570, %ne3A_571 : i32
        %and3A_573 = arith.andi %ne3A_569, %ne3A_572 : i1
        %sub3A_574 = arith.constant 1 : i32
        %sub3A_575 = arith.subi %div3A_554, %sub3A_574 : i32
        %select_n3A_576 = arith.select %and3A_573, %sub3A_575, %div3A_554 : i32
        %add3A_577 = arith.addi %mul3A_552, %select_n3A_576 : i32
        %jit3A_578 = arith.constant 2 : i32
        %eq3A_579 = arith.constant 0 : i32
        %eq3A_580 = arith.cmpi eq, %jit3A_578, %eq3A_579 : i32
        %jit3A_581 = arith.constant 1 : i32
        %select_n3A_582 = arith.select %eq3A_580, %jit3A_581, %jit3A_578 : i32
        %rem3A_583 = arith.remsi %add3A_550, %select_n3A_582 : i32
        %ne3A_584 = arith.constant 0 : i32
        %ne3A_585 = arith.cmpi ne, %rem3A_583, %ne3A_584 : i32
        %lt3A_586 = arith.constant 0 : i32
        %lt3A_587 = arith.cmpi slt, %rem3A_583, %lt3A_586 : i32
        %lt3A_588 = arith.constant 0 : i32
        %lt3A_589 = arith.cmpi slt, %select_n3A_582, %lt3A_588 : i32
        %ne3A_590 = arith.xori %lt3A_587, %lt3A_589 : i1
        %and3A_591 = arith.andi %ne3A_590, %ne3A_585 : i1
        %add3A_592 = arith.addi %rem3A_583, %select_n3A_582 : i32
        %select_n3A_593 = arith.select %and3A_591, %add3A_592, %rem3A_583 : i32
        %mul3A_594 = arith.constant 2 : i32
        %mul3A_595 = arith.muli %add3A_577, %mul3A_594 : i32
        %add3A_596 = arith.constant 0 : i32
        %add3A_597 = arith.addi %mul3A_595, %add3A_596 : i32
        %mul3A_598 = arith.constant 16 : i32
        %mul3A_599 = arith.muli %add3A_597, %mul3A_598 : i32
        %mul3A_600 = arith.constant 8 : i32
        %mul3A_601 = arith.muli %select_n3A_593, %mul3A_600 : i32
        %add3A_602 = arith.addi %mul3A_599, %mul3A_601 : i32
        %mul3A_603 = arith.constant 2 : i32
        %mul3A_604 = arith.muli %add3A_577, %mul3A_603 : i32
        %add3A_605 = arith.constant 1 : i32
        %add3A_606 = arith.addi %mul3A_604, %add3A_605 : i32
        %mul3A_607 = arith.constant 16 : i32
        %mul3A_608 = arith.muli %add3A_606, %mul3A_607 : i32
        %mul3A_609 = arith.constant 8 : i32
        %mul3A_610 = arith.muli %select_n3A_593, %mul3A_609 : i32
        %add3A_611 = arith.addi %mul3A_608, %mul3A_610 : i32
        %dma_start3A_612 = arith.constant 1 : i32
        %dma_start3A_613 = arith.constant 0 : i32
        %dma_start3A_614 = arith.constant 0 : i32
        %dma_start3A_615 = arith.constant 0 : i32
        %dma_start3A_616 = tpu.memref_slice %arg4[%dma_start3A_612, %dma_start3A_613, %dma_start3A_614, %dma_start3A_615] : memref<2x16x8x128xf32, #tpu.memory_space<vmem>> -> memref<1x8x8x128xf32, #tpu.memory_space<vmem>>
        %dma_start3A_617 = tpu.memref_squeeze %dma_start3A_616 : memref<1x8x8x128xf32, #tpu.memory_space<vmem>> -> memref<8x8x128xf32, #tpu.memory_space<vmem>>
        %dma_start3A_618 = arith.constant 0 : i32
        %dma_start3A_619 = arith.constant 0 : i32
        %dma_start3A_620 = tpu.memref_slice %arg2[%add3A_602, %dma_start3A_618, %dma_start3A_619] : memref<65536x8x128xf32, #tpu.memory_space<hbm>> -> memref<8x8x128xf32, #tpu.memory_space<hbm>>
        %dma_start3A_621 = arith.constant 0 : i32
        %dma_start3A_622 = arith.constant 0 : i32
        %dma_start3A_623 = arith.constant 0 : i32
        %dma_start3A_624 = tpu.memref_slice %arg4[%dma_start3A_612, %dma_start3A_621, %dma_start3A_622, %dma_start3A_623] : memref<2x16x8x128xf32, #tpu.memory_space<vmem>> -> memref<1x8x8x128xf32, #tpu.memory_space<vmem>>
        %dma_start3A_625 = tpu.memref_squeeze %dma_start3A_624 : memref<1x8x8x128xf32, #tpu.memory_space<vmem>> -> memref<8x8x128xf32, #tpu.memory_space<vmem>>
        %dma_start3A_626 = arith.constant 0 : i32
        %dma_start3A_627 = arith.constant 0 : i32
        %dma_start3A_628 = tpu.memref_slice %arg2[%add3A_602, %dma_start3A_626, %dma_start3A_627] : memref<65536x8x128xf32, #tpu.memory_space<hbm>> -> memref<8x8x128xf32, #tpu.memory_space<hbm>>
        tpu.enqueue_dma source(%dma_start3A_628 : memref<8x8x128xf32, #tpu.memory_space<hbm>>) target(%dma_start3A_625 : memref<8x8x128xf32, #tpu.memory_space<vmem>>) target_semaphore(%arg7 : memref<!tpu.dma_semaphore, #tpu.memory_space<semaphore_mem>>)
        %dma_start3A_629 = arith.constant 1 : i32
        %dma_start3A_630 = arith.constant 8 : i32
        %dma_start3A_631 = arith.constant 0 : i32
        %dma_start3A_632 = arith.constant 0 : i32
        %dma_start3A_633 = tpu.memref_slice %arg4[%dma_start3A_629, %dma_start3A_630, %dma_start3A_631, %dma_start3A_632] : memref<2x16x8x128xf32, #tpu.memory_space<vmem>> -> memref<1x8x8x128xf32, #tpu.memory_space<vmem>>
        %dma_start3A_634 = tpu.memref_squeeze %dma_start3A_633 : memref<1x8x8x128xf32, #tpu.memory_space<vmem>> -> memref<8x8x128xf32, #tpu.memory_space<vmem>>
        %dma_start3A_635 = arith.constant 0 : i32
        %dma_start3A_636 = arith.constant 0 : i32
        %dma_start3A_637 = tpu.memref_slice %arg2[%add3A_611, %dma_start3A_635, %dma_start3A_636] : memref<65536x8x128xf32, #tpu.memory_space<hbm>> -> memref<8x8x128xf32, #tpu.memory_space<hbm>>
        %dma_start3A_638 = arith.constant 8 : i32
        %dma_start3A_639 = arith.constant 0 : i32
        %dma_start3A_640 = arith.constant 0 : i32
        %dma_start3A_641 = tpu.memref_slice %arg4[%dma_start3A_629, %dma_start3A_638, %dma_start3A_639, %dma_start3A_640] : memref<2x16x8x128xf32, #tpu.memory_space<vmem>> -> memref<1x8x8x128xf32, #tpu.memory_space<vmem>>
        %dma_start3A_642 = tpu.memref_squeeze %dma_start3A_641 : memref<1x8x8x128xf32, #tpu.memory_space<vmem>> -> memref<8x8x128xf32, #tpu.memory_space<vmem>>
        %dma_start3A_643 = arith.constant 0 : i32
        %dma_start3A_644 = arith.constant 0 : i32
        %dma_start3A_645 = tpu.memref_slice %arg2[%add3A_611, %dma_start3A_643, %dma_start3A_644] : memref<65536x8x128xf32, #tpu.memory_space<hbm>> -> memref<8x8x128xf32, #tpu.memory_space<hbm>>
        tpu.enqueue_dma source(%dma_start3A_645 : memref<8x8x128xf32, #tpu.memory_space<hbm>>) target(%dma_start3A_642 : memref<8x8x128xf32, #tpu.memory_space<vmem>>) target_semaphore(%arg7 : memref<!tpu.dma_semaphore, #tpu.memory_space<semaphore_mem>>)
      } else {
      }
    }
    %scan3A_157 = arith.constant 64 : i32
    %mul3A_158 = arith.constant 64 : i32
    %mul3A_159 = arith.muli %add3A_46, %mul3A_158 : i32
    %add3A_160 = arith.constant 63 : i32
    %add3A_161 = arith.addi %mul3A_159, %add3A_160 : i32
    %mul3A_162 = arith.constant 256 : i32
    %mul3A_163 = arith.muli %add3A_161, %mul3A_162 : i32
    %add3A_164 = arith.constant 0 : i32
    %add3A_165 = arith.addi %mul3A_163, %add3A_164 : i32
    %multiple_of3A = tpu.assume_multiple %add3A_165, 128 : i32
    %dma_wait3A = arith.constant 0 : i32
    %dma_wait3A_166 = arith.constant 0 : i32
    %dma_wait3A_167 = arith.constant 0 : i32
    %dma_wait3A_168 = tpu.memref_slice %arg5[%dma_wait3A, %dma_wait3A_166, %dma_wait3A_167] : memref<2x128x128xf32, #tpu.memory_space<vmem>> -> memref<1x128x128xf32, #tpu.memory_space<vmem>>
    %dma_wait3A_169 = tpu.memref_squeeze %dma_wait3A_168 : memref<1x128x128xf32, #tpu.memory_space<vmem>> -> memref<128x128xf32, #tpu.memory_space<vmem>>
    %dma_wait3A_170 = arith.constant 0 : i32
    %dma_wait3A_171 = tpu.memref_slice %arg3[%multiple_of3A, %dma_wait3A_170] : memref<524288x128xf32, #tpu.memory_space<hbm>> -> memref<128x128xf32, #tpu.memory_space<hbm>>
    %dma_wait3A_172 = arith.constant 0 : i32
    %dma_wait3A_173 = tpu.memref_slice %arg3[%multiple_of3A, %dma_wait3A_172] : memref<524288x128xf32, #tpu.memory_space<hbm>> -> memref<128x128xf32, #tpu.memory_space<hbm>>
    %dma_wait3A_174 = arith.constant 0 : i32
    %dma_wait3A_175 = arith.constant 0 : i32
    %dma_wait3A_176 = tpu.memref_slice %arg5[%dma_wait3A, %dma_wait3A_174, %dma_wait3A_175] : memref<2x128x128xf32, #tpu.memory_space<vmem>> -> memref<1x128x128xf32, #tpu.memory_space<vmem>>
    %dma_wait3A_177 = tpu.memref_squeeze %dma_wait3A_176 : memref<1x128x128xf32, #tpu.memory_space<vmem>> -> memref<128x128xf32, #tpu.memory_space<vmem>>
    tpu.wait_dma2 semaphore(%arg8 : memref<!tpu.dma_semaphore, #tpu.memory_space<semaphore_mem>>) src(%dma_wait3A_177 : memref<128x128xf32, #tpu.memory_space<vmem>>) dst(%dma_wait3A_173 : memref<128x128xf32, #tpu.memory_space<hbm>>)
    %mul3A_178 = arith.constant 64 : i32
    %mul3A_179 = arith.muli %add3A_46, %mul3A_178 : i32
    %add3A_180 = arith.constant 63 : i32
    %add3A_181 = arith.addi %mul3A_179, %add3A_180 : i32
    %mul3A_182 = arith.constant 256 : i32
    %mul3A_183 = arith.muli %add3A_181, %mul3A_182 : i32
    %add3A_184 = arith.constant 128 : i32
    %add3A_185 = arith.addi %mul3A_183, %add3A_184 : i32
    %multiple_of3A_186 = tpu.assume_multiple %add3A_185, 128 : i32
    %dma_wait3A_187 = arith.constant 1 : i32
    %dma_wait3A_188 = arith.constant 0 : i32
    %dma_wait3A_189 = arith.constant 0 : i32
    %dma_wait3A_190 = tpu.memref_slice %arg5[%dma_wait3A_187, %dma_wait3A_188, %dma_wait3A_189] : memref<2x128x128xf32, #tpu.memory_space<vmem>> -> memref<1x128x128xf32, #tpu.memory_space<vmem>>
    %dma_wait3A_191 = tpu.memref_squeeze %dma_wait3A_190 : memref<1x128x128xf32, #tpu.memory_space<vmem>> -> memref<128x128xf32, #tpu.memory_space<vmem>>
    %dma_wait3A_192 = arith.constant 0 : i32
    %dma_wait3A_193 = tpu.memref_slice %arg3[%multiple_of3A_186, %dma_wait3A_192] : memref<524288x128xf32, #tpu.memory_space<hbm>> -> memref<128x128xf32, #tpu.memory_space<hbm>>
    %dma_wait3A_194 = arith.constant 0 : i32
    %dma_wait3A_195 = tpu.memref_slice %arg3[%multiple_of3A_186, %dma_wait3A_194] : memref<524288x128xf32, #tpu.memory_space<hbm>> -> memref<128x128xf32, #tpu.memory_space<hbm>>
    %dma_wait3A_196 = arith.constant 0 : i32
    %dma_wait3A_197 = arith.constant 0 : i32
    %dma_wait3A_198 = tpu.memref_slice %arg5[%dma_wait3A_187, %dma_wait3A_196, %dma_wait3A_197] : memref<2x128x128xf32, #tpu.memory_space<vmem>> -> memref<1x128x128xf32, #tpu.memory_space<vmem>>
    %dma_wait3A_199 = tpu.memref_squeeze %dma_wait3A_198 : memref<1x128x128xf32, #tpu.memory_space<vmem>> -> memref<128x128xf32, #tpu.memory_space<vmem>>
    tpu.wait_dma2 semaphore(%arg9 : memref<!tpu.dma_semaphore, #tpu.memory_space<semaphore_mem>>) src(%dma_wait3A_199 : memref<128x128xf32, #tpu.memory_space<vmem>>) dst(%dma_wait3A_195 : memref<128x128xf32, #tpu.memory_space<hbm>>)
    return
  }
}

#map = affine_map<(d0, d1) -> (0, 0)>
#map1 = affine_map<(d0, d1) -> (0, 0, 0, 0)>
module attributes {stable_mosaic.version = 14 : i64} {
  func.func @sc_main(%arg0: i32, %arg1: i32, %arg2: memref<4194304x16xf32, #tpu.memory_space<hbm>>, %arg3: memref<32768x128xi32, #tpu.memory_space<hbm>>, %arg4: memref<32768x128xf32, #tpu.memory_space<hbm>>, %arg5: memref<2x2048x8x128xf32, #tpu.memory_space<hbm>>, %arg6: memref<2x16x128xi32, #tpu.memory_space<vmem>>, %arg7: memref<2x16x128xf32, #tpu.memory_space<vmem>>, %arg8: memref<2x2048x16xf32, #tpu.memory_space<vmem>>, %arg9: memref<2x16x128xf32, #tpu.memory_space<vmem>>, %arg10: memref<!tpu.dma_semaphore, #tpu.memory_space<semaphore_mem>>, %arg11: memref<!tpu.dma_semaphore, #tpu.memory_space<semaphore_mem>>, %arg12: memref<!tpu.dma_semaphore, #tpu.memory_space<semaphore_mem>>, %arg13: memref<!tpu.dma_semaphore, #tpu.memory_space<semaphore_mem>>, %arg14: memref<!tpu.dma_semaphore, #tpu.memory_space<semaphore_mem>>, %arg15: memref<!tpu.dma_semaphore, #tpu.memory_space<semaphore_mem>>, %arg16: memref<!tpu.dma_semaphore, #tpu.memory_space<semaphore_mem>>, %arg17: memref<!tpu.dma_semaphore, #tpu.memory_space<semaphore_mem>>) attributes {dimension_semantics = [#tpu.dimension_semantics<core_parallel>, #tpu.dimension_semantics<subcore_parallel>], iteration_bounds = array<i64: 2, 16>, scalar_prefetch = 0 : i64, scratch_operands = 12 : i64, tpu.core_type = #tpu.core_type<sc_vector_subcore>, window_params = [{transform_indices = #map}, {transform_indices = #map}, {transform_indices = #map}, {transform_indices = #map1}]} {
    %iota3A = tpu.iota {dimensions = array<i32: 0>} : vector<16xi32>
    %mul3A = arith.constant 2 : i32
    %mul3A_0 = arith.muli %arg1, %mul3A : i32
    %add3A = arith.addi %mul3A_0, %arg0 : i32
    %mul3A_1 = arith.constant 64 : i32
    %mul3A_2 = arith.muli %add3A, %mul3A_1 : i32
    %mul3A_3 = arith.constant 16 : i32
    %mul3A_4 = arith.muli %mul3A_2, %mul3A_3 : i32
    %multiple_of3A = tpu.assume_multiple %mul3A_4, 16 : i32
    %dma_start3A = arith.constant 0 : i32
    %dma_start3A_5 = arith.constant 0 : i32
    %dma_start3A_6 = arith.constant 0 : i32
    %dma_start3A_7 = tpu.memref_slice %arg6[%dma_start3A, %dma_start3A_5, %dma_start3A_6] : memref<2x16x128xi32, #tpu.memory_space<vmem>> -> memref<1x16x128xi32, #tpu.memory_space<vmem>>
    %dma_start3A_8 = tpu.memref_squeeze %dma_start3A_7 : memref<1x16x128xi32, #tpu.memory_space<vmem>> -> memref<16x128xi32, #tpu.memory_space<vmem>>
    %dma_start3A_9 = arith.constant 0 : i32
    %dma_start3A_10 = tpu.memref_slice %arg3[%multiple_of3A, %dma_start3A_9] : memref<32768x128xi32, #tpu.memory_space<hbm>> -> memref<16x128xi32, #tpu.memory_space<hbm>>
    %dma_start3A_11 = arith.constant 0 : i32
    %dma_start3A_12 = arith.constant 0 : i32
    %dma_start3A_13 = tpu.memref_slice %arg6[%dma_start3A, %dma_start3A_11, %dma_start3A_12] : memref<2x16x128xi32, #tpu.memory_space<vmem>> -> memref<1x16x128xi32, #tpu.memory_space<vmem>>
    %dma_start3A_14 = tpu.memref_squeeze %dma_start3A_13 : memref<1x16x128xi32, #tpu.memory_space<vmem>> -> memref<16x128xi32, #tpu.memory_space<vmem>>
    %dma_start3A_15 = arith.constant 0 : i32
    %dma_start3A_16 = tpu.memref_slice %arg3[%multiple_of3A, %dma_start3A_15] : memref<32768x128xi32, #tpu.memory_space<hbm>> -> memref<16x128xi32, #tpu.memory_space<hbm>>
    tpu.enqueue_dma source(%dma_start3A_16 : memref<16x128xi32, #tpu.memory_space<hbm>>) target(%dma_start3A_14 : memref<16x128xi32, #tpu.memory_space<vmem>>) target_semaphore(%arg10 : memref<!tpu.dma_semaphore, #tpu.memory_space<semaphore_mem>>)
    %mul3A_17 = arith.constant 16 : i32
    %mul3A_18 = arith.muli %mul3A_2, %mul3A_17 : i32
    %multiple_of3A_19 = tpu.assume_multiple %mul3A_18, 16 : i32
    %dma_start3A_20 = arith.constant 0 : i32
    %dma_start3A_21 = arith.constant 0 : i32
    %dma_start3A_22 = arith.constant 0 : i32
    %dma_start3A_23 = tpu.memref_slice %arg7[%dma_start3A_20, %dma_start3A_21, %dma_start3A_22] : memref<2x16x128xf32, #tpu.memory_space<vmem>> -> memref<1x16x128xf32, #tpu.memory_space<vmem>>
    %dma_start3A_24 = tpu.memref_squeeze %dma_start3A_23 : memref<1x16x128xf32, #tpu.memory_space<vmem>> -> memref<16x128xf32, #tpu.memory_space<vmem>>
    %dma_start3A_25 = arith.constant 0 : i32
    %dma_start3A_26 = tpu.memref_slice %arg4[%multiple_of3A_19, %dma_start3A_25] : memref<32768x128xf32, #tpu.memory_space<hbm>> -> memref<16x128xf32, #tpu.memory_space<hbm>>
    %dma_start3A_27 = arith.constant 0 : i32
    %dma_start3A_28 = arith.constant 0 : i32
    %dma_start3A_29 = tpu.memref_slice %arg7[%dma_start3A_20, %dma_start3A_27, %dma_start3A_28] : memref<2x16x128xf32, #tpu.memory_space<vmem>> -> memref<1x16x128xf32, #tpu.memory_space<vmem>>
    %dma_start3A_30 = tpu.memref_squeeze %dma_start3A_29 : memref<1x16x128xf32, #tpu.memory_space<vmem>> -> memref<16x128xf32, #tpu.memory_space<vmem>>
    %dma_start3A_31 = arith.constant 0 : i32
    %dma_start3A_32 = tpu.memref_slice %arg4[%multiple_of3A_19, %dma_start3A_31] : memref<32768x128xf32, #tpu.memory_space<hbm>> -> memref<16x128xf32, #tpu.memory_space<hbm>>
    tpu.enqueue_dma source(%dma_start3A_32 : memref<16x128xf32, #tpu.memory_space<hbm>>) target(%dma_start3A_30 : memref<16x128xf32, #tpu.memory_space<vmem>>) target_semaphore(%arg12 : memref<!tpu.dma_semaphore, #tpu.memory_space<semaphore_mem>>)
    %add3A_33 = arith.constant 1 : i32
    %add3A_34 = arith.addi %mul3A_2, %add3A_33 : i32
    %mul3A_35 = arith.constant 16 : i32
    %mul3A_36 = arith.muli %add3A_34, %mul3A_35 : i32
    %multiple_of3A_37 = tpu.assume_multiple %mul3A_36, 16 : i32
    %dma_start3A_38 = arith.constant 1 : i32
    %dma_start3A_39 = arith.constant 0 : i32
    %dma_start3A_40 = arith.constant 0 : i32
    %dma_start3A_41 = tpu.memref_slice %arg6[%dma_start3A_38, %dma_start3A_39, %dma_start3A_40] : memref<2x16x128xi32, #tpu.memory_space<vmem>> -> memref<1x16x128xi32, #tpu.memory_space<vmem>>
    %dma_start3A_42 = tpu.memref_squeeze %dma_start3A_41 : memref<1x16x128xi32, #tpu.memory_space<vmem>> -> memref<16x128xi32, #tpu.memory_space<vmem>>
    %dma_start3A_43 = arith.constant 0 : i32
    %dma_start3A_44 = tpu.memref_slice %arg3[%multiple_of3A_37, %dma_start3A_43] : memref<32768x128xi32, #tpu.memory_space<hbm>> -> memref<16x128xi32, #tpu.memory_space<hbm>>
    %dma_start3A_45 = arith.constant 0 : i32
    %dma_start3A_46 = arith.constant 0 : i32
    %dma_start3A_47 = tpu.memref_slice %arg6[%dma_start3A_38, %dma_start3A_45, %dma_start3A_46] : memref<2x16x128xi32, #tpu.memory_space<vmem>> -> memref<1x16x128xi32, #tpu.memory_space<vmem>>
    %dma_start3A_48 = tpu.memref_squeeze %dma_start3A_47 : memref<1x16x128xi32, #tpu.memory_space<vmem>> -> memref<16x128xi32, #tpu.memory_space<vmem>>
    %dma_start3A_49 = arith.constant 0 : i32
    %dma_start3A_50 = tpu.memref_slice %arg3[%multiple_of3A_37, %dma_start3A_49] : memref<32768x128xi32, #tpu.memory_space<hbm>> -> memref<16x128xi32, #tpu.memory_space<hbm>>
    tpu.enqueue_dma source(%dma_start3A_50 : memref<16x128xi32, #tpu.memory_space<hbm>>) target(%dma_start3A_48 : memref<16x128xi32, #tpu.memory_space<vmem>>) target_semaphore(%arg11 : memref<!tpu.dma_semaphore, #tpu.memory_space<semaphore_mem>>)
    %add3A_51 = arith.constant 1 : i32
    %add3A_52 = arith.addi %mul3A_2, %add3A_51 : i32
    %mul3A_53 = arith.constant 16 : i32
    %mul3A_54 = arith.muli %add3A_52, %mul3A_53 : i32
    %multiple_of3A_55 = tpu.assume_multiple %mul3A_54, 16 : i32
    %dma_start3A_56 = arith.constant 1 : i32
    %dma_start3A_57 = arith.constant 0 : i32
    %dma_start3A_58 = arith.constant 0 : i32
    %dma_start3A_59 = tpu.memref_slice %arg7[%dma_start3A_56, %dma_start3A_57, %dma_start3A_58] : memref<2x16x128xf32, #tpu.memory_space<vmem>> -> memref<1x16x128xf32, #tpu.memory_space<vmem>>
    %dma_start3A_60 = tpu.memref_squeeze %dma_start3A_59 : memref<1x16x128xf32, #tpu.memory_space<vmem>> -> memref<16x128xf32, #tpu.memory_space<vmem>>
    %dma_start3A_61 = arith.constant 0 : i32
    %dma_start3A_62 = tpu.memref_slice %arg4[%multiple_of3A_55, %dma_start3A_61] : memref<32768x128xf32, #tpu.memory_space<hbm>> -> memref<16x128xf32, #tpu.memory_space<hbm>>
    %dma_start3A_63 = arith.constant 0 : i32
    %dma_start3A_64 = arith.constant 0 : i32
    %dma_start3A_65 = tpu.memref_slice %arg7[%dma_start3A_56, %dma_start3A_63, %dma_start3A_64] : memref<2x16x128xf32, #tpu.memory_space<vmem>> -> memref<1x16x128xf32, #tpu.memory_space<vmem>>
    %dma_start3A_66 = tpu.memref_squeeze %dma_start3A_65 : memref<1x16x128xf32, #tpu.memory_space<vmem>> -> memref<16x128xf32, #tpu.memory_space<vmem>>
    %dma_start3A_67 = arith.constant 0 : i32
    %dma_start3A_68 = tpu.memref_slice %arg4[%multiple_of3A_55, %dma_start3A_67] : memref<32768x128xf32, #tpu.memory_space<hbm>> -> memref<16x128xf32, #tpu.memory_space<hbm>>
    tpu.enqueue_dma source(%dma_start3A_68 : memref<16x128xf32, #tpu.memory_space<hbm>>) target(%dma_start3A_66 : memref<16x128xf32, #tpu.memory_space<vmem>>) target_semaphore(%arg13 : memref<!tpu.dma_semaphore, #tpu.memory_space<semaphore_mem>>)
    %mul3A_69 = arith.constant 16 : i32
    %mul3A_70 = arith.muli %mul3A_2, %mul3A_69 : i32
    %multiple_of3A_71 = tpu.assume_multiple %mul3A_70, 16 : i32
    %dma_wait3A = arith.constant 0 : i32
    %dma_wait3A_72 = arith.constant 0 : i32
    %dma_wait3A_73 = arith.constant 0 : i32
    %dma_wait3A_74 = tpu.memref_slice %arg6[%dma_wait3A, %dma_wait3A_72, %dma_wait3A_73] : memref<2x16x128xi32, #tpu.memory_space<vmem>> -> memref<1x16x128xi32, #tpu.memory_space<vmem>>
    %dma_wait3A_75 = tpu.memref_squeeze %dma_wait3A_74 : memref<1x16x128xi32, #tpu.memory_space<vmem>> -> memref<16x128xi32, #tpu.memory_space<vmem>>
    %dma_wait3A_76 = arith.constant 0 : i32
    %dma_wait3A_77 = tpu.memref_slice %arg3[%multiple_of3A_71, %dma_wait3A_76] : memref<32768x128xi32, #tpu.memory_space<hbm>> -> memref<16x128xi32, #tpu.memory_space<hbm>>
    %dma_wait3A_78 = arith.constant 0 : i32
    %dma_wait3A_79 = arith.constant 0 : i32
    %dma_wait3A_80 = tpu.memref_slice %arg6[%dma_wait3A, %dma_wait3A_78, %dma_wait3A_79] : memref<2x16x128xi32, #tpu.memory_space<vmem>> -> memref<1x16x128xi32, #tpu.memory_space<vmem>>
    %dma_wait3A_81 = tpu.memref_squeeze %dma_wait3A_80 : memref<1x16x128xi32, #tpu.memory_space<vmem>> -> memref<16x128xi32, #tpu.memory_space<vmem>>
    %dma_wait3A_82 = arith.constant 0 : i32
    %dma_wait3A_83 = tpu.memref_slice %arg3[%multiple_of3A_71, %dma_wait3A_82] : memref<32768x128xi32, #tpu.memory_space<hbm>> -> memref<16x128xi32, #tpu.memory_space<hbm>>
    tpu.wait_dma2 semaphore(%arg10 : memref<!tpu.dma_semaphore, #tpu.memory_space<semaphore_mem>>) src(%dma_wait3A_83 : memref<16x128xi32, #tpu.memory_space<hbm>>) dst(%dma_wait3A_81 : memref<16x128xi32, #tpu.memory_space<vmem>>)
    %dma_start3A_84 = arith.constant 0 : i32
    %dma_start3A_85 = arith.constant 0 : i32
    %dma_start3A_86 = arith.constant 0 : i32
    %dma_start3A_87 = arith.constant 0 : i32
    %dma_start3A_88 = arith.constant 0 : i32
    %dma_start3A_89 = tpu.memref_slice %arg8[%dma_start3A_86, %dma_start3A_87, %dma_start3A_88] : memref<2x2048x16xf32, #tpu.memory_space<vmem>> -> memref<1x128x16xf32, #tpu.memory_space<vmem>>
    %dma_start3A_90 = tpu.memref_squeeze %dma_start3A_89 : memref<1x128x16xf32, #tpu.memory_space<vmem>> -> memref<128x16xf32, #tpu.memory_space<vmem>>
    %dma_start3A_91 = arith.constant 0 : i32
    %dma_start3A_92 = tpu.memref_slice %arg6[%dma_start3A_84, %dma_start3A_85, %dma_start3A_91] : memref<2x16x128xi32, #tpu.memory_space<vmem>> -> memref<1x1x128xi32, #tpu.memory_space<vmem>>
    %dma_start3A_93 = tpu.memref_squeeze %dma_start3A_92 : memref<1x1x128xi32, #tpu.memory_space<vmem>> -> memref<128xi32, #tpu.memory_space<vmem>>
    %dma_start3A_94 = arith.constant 0 : i32
    %dma_start3A_95 = arith.constant 0 : i32
    %dma_start3A_96 = tpu.memref_slice %arg2[%dma_start3A_94, %dma_start3A_95] : memref<4194304x16xf32, #tpu.memory_space<hbm>> -> memref<4194304x16xf32, #tpu.memory_space<hbm>>
    tpu.enqueue_indirect_dma source(%dma_start3A_96 : memref<4194304x16xf32, #tpu.memory_space<hbm>>) target(%dma_start3A_90 : memref<128x16xf32, #tpu.memory_space<vmem>>) offsets(%dma_start3A_93 : memref<128xi32, #tpu.memory_space<vmem>>) semaphore(%arg14 : memref<!tpu.dma_semaphore, #tpu.memory_space<semaphore_mem>>)
    %dma_start3A_97 = arith.constant 0 : i32
    %dma_start3A_98 = arith.constant 1 : i32
    %dma_start3A_99 = arith.constant 0 : i32
    %dma_start3A_100 = arith.constant 128 : i32
    %dma_start3A_101 = arith.constant 0 : i32
    %dma_start3A_102 = tpu.memref_slice %arg8[%dma_start3A_99, %dma_start3A_100, %dma_start3A_101] : memref<2x2048x16xf32, #tpu.memory_space<vmem>> -> memref<1x128x16xf32, #tpu.memory_space<vmem>>
    %dma_start3A_103 = tpu.memref_squeeze %dma_start3A_102 : memref<1x128x16xf32, #tpu.memory_space<vmem>> -> memref<128x16xf32, #tpu.memory_space<vmem>>
    %dma_start3A_104 = arith.constant 0 : i32
    %dma_start3A_105 = tpu.memref_slice %arg6[%dma_start3A_97, %dma_start3A_98, %dma_start3A_104] : memref<2x16x128xi32, #tpu.memory_space<vmem>> -> memref<1x1x128xi32, #tpu.memory_space<vmem>>
    %dma_start3A_106 = tpu.memref_squeeze %dma_start3A_105 : memref<1x1x128xi32, #tpu.memory_space<vmem>> -> memref<128xi32, #tpu.memory_space<vmem>>
    %dma_start3A_107 = arith.constant 0 : i32
    %dma_start3A_108 = arith.constant 0 : i32
    %dma_start3A_109 = tpu.memref_slice %arg2[%dma_start3A_107, %dma_start3A_108] : memref<4194304x16xf32, #tpu.memory_space<hbm>> -> memref<4194304x16xf32, #tpu.memory_space<hbm>>
    tpu.enqueue_indirect_dma source(%dma_start3A_109 : memref<4194304x16xf32, #tpu.memory_space<hbm>>) target(%dma_start3A_103 : memref<128x16xf32, #tpu.memory_space<vmem>>) offsets(%dma_start3A_106 : memref<128xi32, #tpu.memory_space<vmem>>) semaphore(%arg14 : memref<!tpu.dma_semaphore, #tpu.memory_space<semaphore_mem>>)
    %dma_start3A_110 = arith.constant 0 : i32
    %dma_start3A_111 = arith.constant 2 : i32
    %dma_start3A_112 = arith.constant 0 : i32
    %dma_start3A_113 = arith.constant 256 : i32
    %dma_start3A_114 = arith.constant 0 : i32
    %dma_start3A_115 = tpu.memref_slice %arg8[%dma_start3A_112, %dma_start3A_113, %dma_start3A_114] : memref<2x2048x16xf32, #tpu.memory_space<vmem>> -> memref<1x128x16xf32, #tpu.memory_space<vmem>>
    %dma_start3A_116 = tpu.memref_squeeze %dma_start3A_115 : memref<1x128x16xf32, #tpu.memory_space<vmem>> -> memref<128x16xf32, #tpu.memory_space<vmem>>
    %dma_start3A_117 = arith.constant 0 : i32
    %dma_start3A_118 = tpu.memref_slice %arg6[%dma_start3A_110, %dma_start3A_111, %dma_start3A_117] : memref<2x16x128xi32, #tpu.memory_space<vmem>> -> memref<1x1x128xi32, #tpu.memory_space<vmem>>
    %dma_start3A_119 = tpu.memref_squeeze %dma_start3A_118 : memref<1x1x128xi32, #tpu.memory_space<vmem>> -> memref<128xi32, #tpu.memory_space<vmem>>
    %dma_start3A_120 = arith.constant 0 : i32
    %dma_start3A_121 = arith.constant 0 : i32
    %dma_start3A_122 = tpu.memref_slice %arg2[%dma_start3A_120, %dma_start3A_121] : memref<4194304x16xf32, #tpu.memory_space<hbm>> -> memref<4194304x16xf32, #tpu.memory_space<hbm>>
    tpu.enqueue_indirect_dma source(%dma_start3A_122 : memref<4194304x16xf32, #tpu.memory_space<hbm>>) target(%dma_start3A_116 : memref<128x16xf32, #tpu.memory_space<vmem>>) offsets(%dma_start3A_119 : memref<128xi32, #tpu.memory_space<vmem>>) semaphore(%arg14 : memref<!tpu.dma_semaphore, #tpu.memory_space<semaphore_mem>>)
    %dma_start3A_123 = arith.constant 0 : i32
    %dma_start3A_124 = arith.constant 3 : i32
    %dma_start3A_125 = arith.constant 0 : i32
    %dma_start3A_126 = arith.constant 384 : i32
    %dma_start3A_127 = arith.constant 0 : i32
    %dma_start3A_128 = tpu.memref_slice %arg8[%dma_start3A_125, %dma_start3A_126, %dma_start3A_127] : memref<2x2048x16xf32, #tpu.memory_space<vmem>> -> memref<1x128x16xf32, #tpu.memory_space<vmem>>
    %dma_start3A_129 = tpu.memref_squeeze %dma_start3A_128 : memref<1x128x16xf32, #tpu.memory_space<vmem>> -> memref<128x16xf32, #tpu.memory_space<vmem>>
    %dma_start3A_130 = arith.constant 0 : i32
    %dma_start3A_131 = tpu.memref_slice %arg6[%dma_start3A_123, %dma_start3A_124, %dma_start3A_130] : memref<2x16x128xi32, #tpu.memory_space<vmem>> -> memref<1x1x128xi32, #tpu.memory_space<vmem>>
    %dma_start3A_132 = tpu.memref_squeeze %dma_start3A_131 : memref<1x1x128xi32, #tpu.memory_space<vmem>> -> memref<128xi32, #tpu.memory_space<vmem>>
    %dma_start3A_133 = arith.constant 0 : i32
    %dma_start3A_134 = arith.constant 0 : i32
    %dma_start3A_135 = tpu.memref_slice %arg2[%dma_start3A_133, %dma_start3A_134] : memref<4194304x16xf32, #tpu.memory_space<hbm>> -> memref<4194304x16xf32, #tpu.memory_space<hbm>>
    tpu.enqueue_indirect_dma source(%dma_start3A_135 : memref<4194304x16xf32, #tpu.memory_space<hbm>>) target(%dma_start3A_129 : memref<128x16xf32, #tpu.memory_space<vmem>>) offsets(%dma_start3A_132 : memref<128xi32, #tpu.memory_space<vmem>>) semaphore(%arg14 : memref<!tpu.dma_semaphore, #tpu.memory_space<semaphore_mem>>)
    %dma_start3A_136 = arith.constant 0 : i32
    %dma_start3A_137 = arith.constant 4 : i32
    %dma_start3A_138 = arith.constant 0 : i32
    %dma_start3A_139 = arith.constant 512 : i32
    %dma_start3A_140 = arith.constant 0 : i32
    %dma_start3A_141 = tpu.memref_slice %arg8[%dma_start3A_138, %dma_start3A_139, %dma_start3A_140] : memref<2x2048x16xf32, #tpu.memory_space<vmem>> -> memref<1x128x16xf32, #tpu.memory_space<vmem>>
    %dma_start3A_142 = tpu.memref_squeeze %dma_start3A_141 : memref<1x128x16xf32, #tpu.memory_space<vmem>> -> memref<128x16xf32, #tpu.memory_space<vmem>>
    %dma_start3A_143 = arith.constant 0 : i32
    %dma_start3A_144 = tpu.memref_slice %arg6[%dma_start3A_136, %dma_start3A_137, %dma_start3A_143] : memref<2x16x128xi32, #tpu.memory_space<vmem>> -> memref<1x1x128xi32, #tpu.memory_space<vmem>>
    %dma_start3A_145 = tpu.memref_squeeze %dma_start3A_144 : memref<1x1x128xi32, #tpu.memory_space<vmem>> -> memref<128xi32, #tpu.memory_space<vmem>>
    %dma_start3A_146 = arith.constant 0 : i32
    %dma_start3A_147 = arith.constant 0 : i32
    %dma_start3A_148 = tpu.memref_slice %arg2[%dma_start3A_146, %dma_start3A_147] : memref<4194304x16xf32, #tpu.memory_space<hbm>> -> memref<4194304x16xf32, #tpu.memory_space<hbm>>
    tpu.enqueue_indirect_dma source(%dma_start3A_148 : memref<4194304x16xf32, #tpu.memory_space<hbm>>) target(%dma_start3A_142 : memref<128x16xf32, #tpu.memory_space<vmem>>) offsets(%dma_start3A_145 : memref<128xi32, #tpu.memory_space<vmem>>) semaphore(%arg14 : memref<!tpu.dma_semaphore, #tpu.memory_space<semaphore_mem>>)
    %dma_start3A_149 = arith.constant 0 : i32
    %dma_start3A_150 = arith.constant 5 : i32
    %dma_start3A_151 = arith.constant 0 : i32
    %dma_start3A_152 = arith.constant 640 : i32
    %dma_start3A_153 = arith.constant 0 : i32
    %dma_start3A_154 = tpu.memref_slice %arg8[%dma_start3A_151, %dma_start3A_152, %dma_start3A_153] : memref<2x2048x16xf32, #tpu.memory_space<vmem>> -> memref<1x128x16xf32, #tpu.memory_space<vmem>>
    %dma_start3A_155 = tpu.memref_squeeze %dma_start3A_154 : memref<1x128x16xf32, #tpu.memory_space<vmem>> -> memref<128x16xf32, #tpu.memory_space<vmem>>
    %dma_start3A_156 = arith.constant 0 : i32
    %dma_start3A_157 = tpu.memref_slice %arg6[%dma_start3A_149, %dma_start3A_150, %dma_start3A_156] : memref<2x16x128xi32, #tpu.memory_space<vmem>> -> memref<1x1x128xi32, #tpu.memory_space<vmem>>
    %dma_start3A_158 = tpu.memref_squeeze %dma_start3A_157 : memref<1x1x128xi32, #tpu.memory_space<vmem>> -> memref<128xi32, #tpu.memory_space<vmem>>
    %dma_start3A_159 = arith.constant 0 : i32
    %dma_start3A_160 = arith.constant 0 : i32
    %dma_start3A_161 = tpu.memref_slice %arg2[%dma_start3A_159, %dma_start3A_160] : memref<4194304x16xf32, #tpu.memory_space<hbm>> -> memref<4194304x16xf32, #tpu.memory_space<hbm>>
    tpu.enqueue_indirect_dma source(%dma_start3A_161 : memref<4194304x16xf32, #tpu.memory_space<hbm>>) target(%dma_start3A_155 : memref<128x16xf32, #tpu.memory_space<vmem>>) offsets(%dma_start3A_158 : memref<128xi32, #tpu.memory_space<vmem>>) semaphore(%arg14 : memref<!tpu.dma_semaphore, #tpu.memory_space<semaphore_mem>>)
    %dma_start3A_162 = arith.constant 0 : i32
    %dma_start3A_163 = arith.constant 6 : i32
    %dma_start3A_164 = arith.constant 0 : i32
    %dma_start3A_165 = arith.constant 768 : i32
    %dma_start3A_166 = arith.constant 0 : i32
    %dma_start3A_167 = tpu.memref_slice %arg8[%dma_start3A_164, %dma_start3A_165, %dma_start3A_166] : memref<2x2048x16xf32, #tpu.memory_space<vmem>> -> memref<1x128x16xf32, #tpu.memory_space<vmem>>
    %dma_start3A_168 = tpu.memref_squeeze %dma_start3A_167 : memref<1x128x16xf32, #tpu.memory_space<vmem>> -> memref<128x16xf32, #tpu.memory_space<vmem>>
    %dma_start3A_169 = arith.constant 0 : i32
    %dma_start3A_170 = tpu.memref_slice %arg6[%dma_start3A_162, %dma_start3A_163, %dma_start3A_169] : memref<2x16x128xi32, #tpu.memory_space<vmem>> -> memref<1x1x128xi32, #tpu.memory_space<vmem>>
    %dma_start3A_171 = tpu.memref_squeeze %dma_start3A_170 : memref<1x1x128xi32, #tpu.memory_space<vmem>> -> memref<128xi32, #tpu.memory_space<vmem>>
    %dma_start3A_172 = arith.constant 0 : i32
    %dma_start3A_173 = arith.constant 0 : i32
    %dma_start3A_174 = tpu.memref_slice %arg2[%dma_start3A_172, %dma_start3A_173] : memref<4194304x16xf32, #tpu.memory_space<hbm>> -> memref<4194304x16xf32, #tpu.memory_space<hbm>>
    tpu.enqueue_indirect_dma source(%dma_start3A_174 : memref<4194304x16xf32, #tpu.memory_space<hbm>>) target(%dma_start3A_168 : memref<128x16xf32, #tpu.memory_space<vmem>>) offsets(%dma_start3A_171 : memref<128xi32, #tpu.memory_space<vmem>>) semaphore(%arg14 : memref<!tpu.dma_semaphore, #tpu.memory_space<semaphore_mem>>)
    %dma_start3A_175 = arith.constant 0 : i32
    %dma_start3A_176 = arith.constant 7 : i32
    %dma_start3A_177 = arith.constant 0 : i32
    %dma_start3A_178 = arith.constant 896 : i32
    %dma_start3A_179 = arith.constant 0 : i32
    %dma_start3A_180 = tpu.memref_slice %arg8[%dma_start3A_177, %dma_start3A_178, %dma_start3A_179] : memref<2x2048x16xf32, #tpu.memory_space<vmem>> -> memref<1x128x16xf32, #tpu.memory_space<vmem>>
    %dma_start3A_181 = tpu.memref_squeeze %dma_start3A_180 : memref<1x128x16xf32, #tpu.memory_space<vmem>> -> memref<128x16xf32, #tpu.memory_space<vmem>>
    %dma_start3A_182 = arith.constant 0 : i32
    %dma_start3A_183 = tpu.memref_slice %arg6[%dma_start3A_175, %dma_start3A_176, %dma_start3A_182] : memref<2x16x128xi32, #tpu.memory_space<vmem>> -> memref<1x1x128xi32, #tpu.memory_space<vmem>>
    %dma_start3A_184 = tpu.memref_squeeze %dma_start3A_183 : memref<1x1x128xi32, #tpu.memory_space<vmem>> -> memref<128xi32, #tpu.memory_space<vmem>>
    %dma_start3A_185 = arith.constant 0 : i32
    %dma_start3A_186 = arith.constant 0 : i32
    %dma_start3A_187 = tpu.memref_slice %arg2[%dma_start3A_185, %dma_start3A_186] : memref<4194304x16xf32, #tpu.memory_space<hbm>> -> memref<4194304x16xf32, #tpu.memory_space<hbm>>
    tpu.enqueue_indirect_dma source(%dma_start3A_187 : memref<4194304x16xf32, #tpu.memory_space<hbm>>) target(%dma_start3A_181 : memref<128x16xf32, #tpu.memory_space<vmem>>) offsets(%dma_start3A_184 : memref<128xi32, #tpu.memory_space<vmem>>) semaphore(%arg14 : memref<!tpu.dma_semaphore, #tpu.memory_space<semaphore_mem>>)
    %dma_start3A_188 = arith.constant 0 : i32
    %dma_start3A_189 = arith.constant 8 : i32
    %dma_start3A_190 = arith.constant 0 : i32
    %dma_start3A_191 = arith.constant 1024 : i32
    %dma_start3A_192 = arith.constant 0 : i32
    %dma_start3A_193 = tpu.memref_slice %arg8[%dma_start3A_190, %dma_start3A_191, %dma_start3A_192] : memref<2x2048x16xf32, #tpu.memory_space<vmem>> -> memref<1x128x16xf32, #tpu.memory_space<vmem>>
    %dma_start3A_194 = tpu.memref_squeeze %dma_start3A_193 : memref<1x128x16xf32, #tpu.memory_space<vmem>> -> memref<128x16xf32, #tpu.memory_space<vmem>>
    %dma_start3A_195 = arith.constant 0 : i32
    %dma_start3A_196 = tpu.memref_slice %arg6[%dma_start3A_188, %dma_start3A_189, %dma_start3A_195] : memref<2x16x128xi32, #tpu.memory_space<vmem>> -> memref<1x1x128xi32, #tpu.memory_space<vmem>>
    %dma_start3A_197 = tpu.memref_squeeze %dma_start3A_196 : memref<1x1x128xi32, #tpu.memory_space<vmem>> -> memref<128xi32, #tpu.memory_space<vmem>>
    %dma_start3A_198 = arith.constant 0 : i32
    %dma_start3A_199 = arith.constant 0 : i32
    %dma_start3A_200 = tpu.memref_slice %arg2[%dma_start3A_198, %dma_start3A_199] : memref<4194304x16xf32, #tpu.memory_space<hbm>> -> memref<4194304x16xf32, #tpu.memory_space<hbm>>
    tpu.enqueue_indirect_dma source(%dma_start3A_200 : memref<4194304x16xf32, #tpu.memory_space<hbm>>) target(%dma_start3A_194 : memref<128x16xf32, #tpu.memory_space<vmem>>) offsets(%dma_start3A_197 : memref<128xi32, #tpu.memory_space<vmem>>) semaphore(%arg14 : memref<!tpu.dma_semaphore, #tpu.memory_space<semaphore_mem>>)
    %dma_start3A_201 = arith.constant 0 : i32
    %dma_start3A_202 = arith.constant 9 : i32
    %dma_start3A_203 = arith.constant 0 : i32
    %dma_start3A_204 = arith.constant 1152 : i32
    %dma_start3A_205 = arith.constant 0 : i32
    %dma_start3A_206 = tpu.memref_slice %arg8[%dma_start3A_203, %dma_start3A_204, %dma_start3A_205] : memref<2x2048x16xf32, #tpu.memory_space<vmem>> -> memref<1x128x16xf32, #tpu.memory_space<vmem>>
    %dma_start3A_207 = tpu.memref_squeeze %dma_start3A_206 : memref<1x128x16xf32, #tpu.memory_space<vmem>> -> memref<128x16xf32, #tpu.memory_space<vmem>>
    %dma_start3A_208 = arith.constant 0 : i32
    %dma_start3A_209 = tpu.memref_slice %arg6[%dma_start3A_201, %dma_start3A_202, %dma_start3A_208] : memref<2x16x128xi32, #tpu.memory_space<vmem>> -> memref<1x1x128xi32, #tpu.memory_space<vmem>>
    %dma_start3A_210 = tpu.memref_squeeze %dma_start3A_209 : memref<1x1x128xi32, #tpu.memory_space<vmem>> -> memref<128xi32, #tpu.memory_space<vmem>>
    %dma_start3A_211 = arith.constant 0 : i32
    %dma_start3A_212 = arith.constant 0 : i32
    %dma_start3A_213 = tpu.memref_slice %arg2[%dma_start3A_211, %dma_start3A_212] : memref<4194304x16xf32, #tpu.memory_space<hbm>> -> memref<4194304x16xf32, #tpu.memory_space<hbm>>
    tpu.enqueue_indirect_dma source(%dma_start3A_213 : memref<4194304x16xf32, #tpu.memory_space<hbm>>) target(%dma_start3A_207 : memref<128x16xf32, #tpu.memory_space<vmem>>) offsets(%dma_start3A_210 : memref<128xi32, #tpu.memory_space<vmem>>) semaphore(%arg14 : memref<!tpu.dma_semaphore, #tpu.memory_space<semaphore_mem>>)
    %dma_start3A_214 = arith.constant 0 : i32
    %dma_start3A_215 = arith.constant 10 : i32
    %dma_start3A_216 = arith.constant 0 : i32
    %dma_start3A_217 = arith.constant 1280 : i32
    %dma_start3A_218 = arith.constant 0 : i32
    %dma_start3A_219 = tpu.memref_slice %arg8[%dma_start3A_216, %dma_start3A_217, %dma_start3A_218] : memref<2x2048x16xf32, #tpu.memory_space<vmem>> -> memref<1x128x16xf32, #tpu.memory_space<vmem>>
    %dma_start3A_220 = tpu.memref_squeeze %dma_start3A_219 : memref<1x128x16xf32, #tpu.memory_space<vmem>> -> memref<128x16xf32, #tpu.memory_space<vmem>>
    %dma_start3A_221 = arith.constant 0 : i32
    %dma_start3A_222 = tpu.memref_slice %arg6[%dma_start3A_214, %dma_start3A_215, %dma_start3A_221] : memref<2x16x128xi32, #tpu.memory_space<vmem>> -> memref<1x1x128xi32, #tpu.memory_space<vmem>>
    %dma_start3A_223 = tpu.memref_squeeze %dma_start3A_222 : memref<1x1x128xi32, #tpu.memory_space<vmem>> -> memref<128xi32, #tpu.memory_space<vmem>>
    %dma_start3A_224 = arith.constant 0 : i32
    %dma_start3A_225 = arith.constant 0 : i32
    %dma_start3A_226 = tpu.memref_slice %arg2[%dma_start3A_224, %dma_start3A_225] : memref<4194304x16xf32, #tpu.memory_space<hbm>> -> memref<4194304x16xf32, #tpu.memory_space<hbm>>
    tpu.enqueue_indirect_dma source(%dma_start3A_226 : memref<4194304x16xf32, #tpu.memory_space<hbm>>) target(%dma_start3A_220 : memref<128x16xf32, #tpu.memory_space<vmem>>) offsets(%dma_start3A_223 : memref<128xi32, #tpu.memory_space<vmem>>) semaphore(%arg14 : memref<!tpu.dma_semaphore, #tpu.memory_space<semaphore_mem>>)
    %dma_start3A_227 = arith.constant 0 : i32
    %dma_start3A_228 = arith.constant 11 : i32
    %dma_start3A_229 = arith.constant 0 : i32
    %dma_start3A_230 = arith.constant 1408 : i32
    %dma_start3A_231 = arith.constant 0 : i32
    %dma_start3A_232 = tpu.memref_slice %arg8[%dma_start3A_229, %dma_start3A_230, %dma_start3A_231] : memref<2x2048x16xf32, #tpu.memory_space<vmem>> -> memref<1x128x16xf32, #tpu.memory_space<vmem>>
    %dma_start3A_233 = tpu.memref_squeeze %dma_start3A_232 : memref<1x128x16xf32, #tpu.memory_space<vmem>> -> memref<128x16xf32, #tpu.memory_space<vmem>>
    %dma_start3A_234 = arith.constant 0 : i32
    %dma_start3A_235 = tpu.memref_slice %arg6[%dma_start3A_227, %dma_start3A_228, %dma_start3A_234] : memref<2x16x128xi32, #tpu.memory_space<vmem>> -> memref<1x1x128xi32, #tpu.memory_space<vmem>>
    %dma_start3A_236 = tpu.memref_squeeze %dma_start3A_235 : memref<1x1x128xi32, #tpu.memory_space<vmem>> -> memref<128xi32, #tpu.memory_space<vmem>>
    %dma_start3A_237 = arith.constant 0 : i32
    %dma_start3A_238 = arith.constant 0 : i32
    %dma_start3A_239 = tpu.memref_slice %arg2[%dma_start3A_237, %dma_start3A_238] : memref<4194304x16xf32, #tpu.memory_space<hbm>> -> memref<4194304x16xf32, #tpu.memory_space<hbm>>
    tpu.enqueue_indirect_dma source(%dma_start3A_239 : memref<4194304x16xf32, #tpu.memory_space<hbm>>) target(%dma_start3A_233 : memref<128x16xf32, #tpu.memory_space<vmem>>) offsets(%dma_start3A_236 : memref<128xi32, #tpu.memory_space<vmem>>) semaphore(%arg14 : memref<!tpu.dma_semaphore, #tpu.memory_space<semaphore_mem>>)
    %dma_start3A_240 = arith.constant 0 : i32
    %dma_start3A_241 = arith.constant 12 : i32
    %dma_start3A_242 = arith.constant 0 : i32
    %dma_start3A_243 = arith.constant 1536 : i32
    %dma_start3A_244 = arith.constant 0 : i32
    %dma_start3A_245 = tpu.memref_slice %arg8[%dma_start3A_242, %dma_start3A_243, %dma_start3A_244] : memref<2x2048x16xf32, #tpu.memory_space<vmem>> -> memref<1x128x16xf32, #tpu.memory_space<vmem>>
    %dma_start3A_246 = tpu.memref_squeeze %dma_start3A_245 : memref<1x128x16xf32, #tpu.memory_space<vmem>> -> memref<128x16xf32, #tpu.memory_space<vmem>>
    %dma_start3A_247 = arith.constant 0 : i32
    %dma_start3A_248 = tpu.memref_slice %arg6[%dma_start3A_240, %dma_start3A_241, %dma_start3A_247] : memref<2x16x128xi32, #tpu.memory_space<vmem>> -> memref<1x1x128xi32, #tpu.memory_space<vmem>>
    %dma_start3A_249 = tpu.memref_squeeze %dma_start3A_248 : memref<1x1x128xi32, #tpu.memory_space<vmem>> -> memref<128xi32, #tpu.memory_space<vmem>>
    %dma_start3A_250 = arith.constant 0 : i32
    %dma_start3A_251 = arith.constant 0 : i32
    %dma_start3A_252 = tpu.memref_slice %arg2[%dma_start3A_250, %dma_start3A_251] : memref<4194304x16xf32, #tpu.memory_space<hbm>> -> memref<4194304x16xf32, #tpu.memory_space<hbm>>
    tpu.enqueue_indirect_dma source(%dma_start3A_252 : memref<4194304x16xf32, #tpu.memory_space<hbm>>) target(%dma_start3A_246 : memref<128x16xf32, #tpu.memory_space<vmem>>) offsets(%dma_start3A_249 : memref<128xi32, #tpu.memory_space<vmem>>) semaphore(%arg14 : memref<!tpu.dma_semaphore, #tpu.memory_space<semaphore_mem>>)
    %dma_start3A_253 = arith.constant 0 : i32
    %dma_start3A_254 = arith.constant 13 : i32
    %dma_start3A_255 = arith.constant 0 : i32
    %dma_start3A_256 = arith.constant 1664 : i32
    %dma_start3A_257 = arith.constant 0 : i32
    %dma_start3A_258 = tpu.memref_slice %arg8[%dma_start3A_255, %dma_start3A_256, %dma_start3A_257] : memref<2x2048x16xf32, #tpu.memory_space<vmem>> -> memref<1x128x16xf32, #tpu.memory_space<vmem>>
    %dma_start3A_259 = tpu.memref_squeeze %dma_start3A_258 : memref<1x128x16xf32, #tpu.memory_space<vmem>> -> memref<128x16xf32, #tpu.memory_space<vmem>>
    %dma_start3A_260 = arith.constant 0 : i32
    %dma_start3A_261 = tpu.memref_slice %arg6[%dma_start3A_253, %dma_start3A_254, %dma_start3A_260] : memref<2x16x128xi32, #tpu.memory_space<vmem>> -> memref<1x1x128xi32, #tpu.memory_space<vmem>>
    %dma_start3A_262 = tpu.memref_squeeze %dma_start3A_261 : memref<1x1x128xi32, #tpu.memory_space<vmem>> -> memref<128xi32, #tpu.memory_space<vmem>>
    %dma_start3A_263 = arith.constant 0 : i32
    %dma_start3A_264 = arith.constant 0 : i32
    %dma_start3A_265 = tpu.memref_slice %arg2[%dma_start3A_263, %dma_start3A_264] : memref<4194304x16xf32, #tpu.memory_space<hbm>> -> memref<4194304x16xf32, #tpu.memory_space<hbm>>
    tpu.enqueue_indirect_dma source(%dma_start3A_265 : memref<4194304x16xf32, #tpu.memory_space<hbm>>) target(%dma_start3A_259 : memref<128x16xf32, #tpu.memory_space<vmem>>) offsets(%dma_start3A_262 : memref<128xi32, #tpu.memory_space<vmem>>) semaphore(%arg14 : memref<!tpu.dma_semaphore, #tpu.memory_space<semaphore_mem>>)
    %dma_start3A_266 = arith.constant 0 : i32
    %dma_start3A_267 = arith.constant 14 : i32
    %dma_start3A_268 = arith.constant 0 : i32
    %dma_start3A_269 = arith.constant 1792 : i32
    %dma_start3A_270 = arith.constant 0 : i32
    %dma_start3A_271 = tpu.memref_slice %arg8[%dma_start3A_268, %dma_start3A_269, %dma_start3A_270] : memref<2x2048x16xf32, #tpu.memory_space<vmem>> -> memref<1x128x16xf32, #tpu.memory_space<vmem>>
    %dma_start3A_272 = tpu.memref_squeeze %dma_start3A_271 : memref<1x128x16xf32, #tpu.memory_space<vmem>> -> memref<128x16xf32, #tpu.memory_space<vmem>>
    %dma_start3A_273 = arith.constant 0 : i32
    %dma_start3A_274 = tpu.memref_slice %arg6[%dma_start3A_266, %dma_start3A_267, %dma_start3A_273] : memref<2x16x128xi32, #tpu.memory_space<vmem>> -> memref<1x1x128xi32, #tpu.memory_space<vmem>>
    %dma_start3A_275 = tpu.memref_squeeze %dma_start3A_274 : memref<1x1x128xi32, #tpu.memory_space<vmem>> -> memref<128xi32, #tpu.memory_space<vmem>>
    %dma_start3A_276 = arith.constant 0 : i32
    %dma_start3A_277 = arith.constant 0 : i32
    %dma_start3A_278 = tpu.memref_slice %arg2[%dma_start3A_276, %dma_start3A_277] : memref<4194304x16xf32, #tpu.memory_space<hbm>> -> memref<4194304x16xf32, #tpu.memory_space<hbm>>
    tpu.enqueue_indirect_dma source(%dma_start3A_278 : memref<4194304x16xf32, #tpu.memory_space<hbm>>) target(%dma_start3A_272 : memref<128x16xf32, #tpu.memory_space<vmem>>) offsets(%dma_start3A_275 : memref<128xi32, #tpu.memory_space<vmem>>) semaphore(%arg14 : memref<!tpu.dma_semaphore, #tpu.memory_space<semaphore_mem>>)
    %dma_start3A_279 = arith.constant 0 : i32
    %dma_start3A_280 = arith.constant 15 : i32
    %dma_start3A_281 = arith.constant 0 : i32
    %dma_start3A_282 = arith.constant 1920 : i32
    %dma_start3A_283 = arith.constant 0 : i32
    %dma_start3A_284 = tpu.memref_slice %arg8[%dma_start3A_281, %dma_start3A_282, %dma_start3A_283] : memref<2x2048x16xf32, #tpu.memory_space<vmem>> -> memref<1x128x16xf32, #tpu.memory_space<vmem>>
    %dma_start3A_285 = tpu.memref_squeeze %dma_start3A_284 : memref<1x128x16xf32, #tpu.memory_space<vmem>> -> memref<128x16xf32, #tpu.memory_space<vmem>>
    %dma_start3A_286 = arith.constant 0 : i32
    %dma_start3A_287 = tpu.memref_slice %arg6[%dma_start3A_279, %dma_start3A_280, %dma_start3A_286] : memref<2x16x128xi32, #tpu.memory_space<vmem>> -> memref<1x1x128xi32, #tpu.memory_space<vmem>>
    %dma_start3A_288 = tpu.memref_squeeze %dma_start3A_287 : memref<1x1x128xi32, #tpu.memory_space<vmem>> -> memref<128xi32, #tpu.memory_space<vmem>>
    %dma_start3A_289 = arith.constant 0 : i32
    %dma_start3A_290 = arith.constant 0 : i32
    %dma_start3A_291 = tpu.memref_slice %arg2[%dma_start3A_289, %dma_start3A_290] : memref<4194304x16xf32, #tpu.memory_space<hbm>> -> memref<4194304x16xf32, #tpu.memory_space<hbm>>
    tpu.enqueue_indirect_dma source(%dma_start3A_291 : memref<4194304x16xf32, #tpu.memory_space<hbm>>) target(%dma_start3A_285 : memref<128x16xf32, #tpu.memory_space<vmem>>) offsets(%dma_start3A_288 : memref<128xi32, #tpu.memory_space<vmem>>) semaphore(%arg14 : memref<!tpu.dma_semaphore, #tpu.memory_space<semaphore_mem>>)
    %scan3A = arith.constant 0 : i32
    %scan3A_292 = arith.constant 32 : i32
    %scan3A_293 = arith.addi %scan3A, %scan3A_292 : i32
    %scan3A_294 = arith.constant 1 : i32
    scf.for %scan3A_375 = %scan3A to %scan3A_293 step %scan3A_294  : i32 {
      %mul3A_376 = arith.constant 2 : i32
      %mul3A_377 = arith.muli %scan3A_375, %mul3A_376 : i32
      %add3A_378 = arith.constant 0 : i32
      %add3A_379 = arith.addi %add3A_378, %mul3A_377 : i32
      %add3A_380 = arith.constant 0 : i32
      %add3A_381 = arith.addi %add3A_379, %add3A_380 : i32
      %add3A_382 = arith.addi %mul3A_2, %add3A_381 : i32
      %add3A_383 = arith.constant 1 : i32
      %add3A_384 = arith.addi %add3A_381, %add3A_383 : i32
      %lt3A = arith.constant 64 : i32
      %lt3A_385 = arith.cmpi slt, %add3A_384, %lt3A : i32
      %convert_element_type3A = arith.extui %lt3A_385 : i1 to i32
      %cond3A = arith.constant 0 : i32
      %cond3A_386 = arith.cmpi ne, %convert_element_type3A, %cond3A : i32
      scf.if %cond3A_386 {
        %add3A_959 = arith.constant 1 : i32
        %add3A_960 = arith.addi %add3A_382, %add3A_959 : i32
        %mul3A_961 = arith.constant 16 : i32
        %mul3A_962 = arith.muli %add3A_960, %mul3A_961 : i32
        %multiple_of3A_963 = tpu.assume_multiple %mul3A_962, 16 : i32
        %dma_wait3A_964 = arith.constant 1 : i32
        %dma_wait3A_965 = arith.constant 0 : i32
        %dma_wait3A_966 = arith.constant 0 : i32
        %dma_wait3A_967 = tpu.memref_slice %arg6[%dma_wait3A_964, %dma_wait3A_965, %dma_wait3A_966] : memref<2x16x128xi32, #tpu.memory_space<vmem>> -> memref<1x16x128xi32, #tpu.memory_space<vmem>>
        %dma_wait3A_968 = tpu.memref_squeeze %dma_wait3A_967 : memref<1x16x128xi32, #tpu.memory_space<vmem>> -> memref<16x128xi32, #tpu.memory_space<vmem>>
        %dma_wait3A_969 = arith.constant 0 : i32
        %dma_wait3A_970 = tpu.memref_slice %arg3[%multiple_of3A_963, %dma_wait3A_969] : memref<32768x128xi32, #tpu.memory_space<hbm>> -> memref<16x128xi32, #tpu.memory_space<hbm>>
        %dma_wait3A_971 = arith.constant 0 : i32
        %dma_wait3A_972 = arith.constant 0 : i32
        %dma_wait3A_973 = tpu.memref_slice %arg6[%dma_wait3A_964, %dma_wait3A_971, %dma_wait3A_972] : memref<2x16x128xi32, #tpu.memory_space<vmem>> -> memref<1x16x128xi32, #tpu.memory_space<vmem>>
        %dma_wait3A_974 = tpu.memref_squeeze %dma_wait3A_973 : memref<1x16x128xi32, #tpu.memory_space<vmem>> -> memref<16x128xi32, #tpu.memory_space<vmem>>
        %dma_wait3A_975 = arith.constant 0 : i32
        %dma_wait3A_976 = tpu.memref_slice %arg3[%multiple_of3A_963, %dma_wait3A_975] : memref<32768x128xi32, #tpu.memory_space<hbm>> -> memref<16x128xi32, #tpu.memory_space<hbm>>
        tpu.wait_dma2 semaphore(%arg11 : memref<!tpu.dma_semaphore, #tpu.memory_space<semaphore_mem>>) src(%dma_wait3A_976 : memref<16x128xi32, #tpu.memory_space<hbm>>) dst(%dma_wait3A_974 : memref<16x128xi32, #tpu.memory_space<vmem>>)
        %dma_start3A_977 = arith.constant 1 : i32
        %dma_start3A_978 = arith.constant 0 : i32
        %dma_start3A_979 = arith.constant 1 : i32
        %dma_start3A_980 = arith.constant 0 : i32
        %dma_start3A_981 = arith.constant 0 : i32
        %dma_start3A_982 = tpu.memref_slice %arg8[%dma_start3A_979, %dma_start3A_980, %dma_start3A_981] : memref<2x2048x16xf32, #tpu.memory_space<vmem>> -> memref<1x128x16xf32, #tpu.memory_space<vmem>>
        %dma_start3A_983 = tpu.memref_squeeze %dma_start3A_982 : memref<1x128x16xf32, #tpu.memory_space<vmem>> -> memref<128x16xf32, #tpu.memory_space<vmem>>
        %dma_start3A_984 = arith.constant 0 : i32
        %dma_start3A_985 = tpu.memref_slice %arg6[%dma_start3A_977, %dma_start3A_978, %dma_start3A_984] : memref<2x16x128xi32, #tpu.memory_space<vmem>> -> memref<1x1x128xi32, #tpu.memory_space<vmem>>
        %dma_start3A_986 = tpu.memref_squeeze %dma_start3A_985 : memref<1x1x128xi32, #tpu.memory_space<vmem>> -> memref<128xi32, #tpu.memory_space<vmem>>
        %dma_start3A_987 = arith.constant 0 : i32
        %dma_start3A_988 = arith.constant 0 : i32
        %dma_start3A_989 = tpu.memref_slice %arg2[%dma_start3A_987, %dma_start3A_988] : memref<4194304x16xf32, #tpu.memory_space<hbm>> -> memref<4194304x16xf32, #tpu.memory_space<hbm>>
        tpu.enqueue_indirect_dma source(%dma_start3A_989 : memref<4194304x16xf32, #tpu.memory_space<hbm>>) target(%dma_start3A_983 : memref<128x16xf32, #tpu.memory_space<vmem>>) offsets(%dma_start3A_986 : memref<128xi32, #tpu.memory_space<vmem>>) semaphore(%arg15 : memref<!tpu.dma_semaphore, #tpu.memory_space<semaphore_mem>>)
        %dma_start3A_990 = arith.constant 1 : i32
        %dma_start3A_991 = arith.constant 1 : i32
        %dma_start3A_992 = arith.constant 1 : i32
        %dma_start3A_993 = arith.constant 128 : i32
        %dma_start3A_994 = arith.constant 0 : i32
        %dma_start3A_995 = tpu.memref_slice %arg8[%dma_start3A_992, %dma_start3A_993, %dma_start3A_994] : memref<2x2048x16xf32, #tpu.memory_space<vmem>> -> memref<1x128x16xf32, #tpu.memory_space<vmem>>
        %dma_start3A_996 = tpu.memref_squeeze %dma_start3A_995 : memref<1x128x16xf32, #tpu.memory_space<vmem>> -> memref<128x16xf32, #tpu.memory_space<vmem>>
        %dma_start3A_997 = arith.constant 0 : i32
        %dma_start3A_998 = tpu.memref_slice %arg6[%dma_start3A_990, %dma_start3A_991, %dma_start3A_997] : memref<2x16x128xi32, #tpu.memory_space<vmem>> -> memref<1x1x128xi32, #tpu.memory_space<vmem>>
        %dma_start3A_999 = tpu.memref_squeeze %dma_start3A_998 : memref<1x1x128xi32, #tpu.memory_space<vmem>> -> memref<128xi32, #tpu.memory_space<vmem>>
        %dma_start3A_1000 = arith.constant 0 : i32
        %dma_start3A_1001 = arith.constant 0 : i32
        %dma_start3A_1002 = tpu.memref_slice %arg2[%dma_start3A_1000, %dma_start3A_1001] : memref<4194304x16xf32, #tpu.memory_space<hbm>> -> memref<4194304x16xf32, #tpu.memory_space<hbm>>
        tpu.enqueue_indirect_dma source(%dma_start3A_1002 : memref<4194304x16xf32, #tpu.memory_space<hbm>>) target(%dma_start3A_996 : memref<128x16xf32, #tpu.memory_space<vmem>>) offsets(%dma_start3A_999 : memref<128xi32, #tpu.memory_space<vmem>>) semaphore(%arg15 : memref<!tpu.dma_semaphore, #tpu.memory_space<semaphore_mem>>)
        %dma_start3A_1003 = arith.constant 1 : i32
        %dma_start3A_1004 = arith.constant 2 : i32
        %dma_start3A_1005 = arith.constant 1 : i32
        %dma_start3A_1006 = arith.constant 256 : i32
        %dma_start3A_1007 = arith.constant 0 : i32
        %dma_start3A_1008 = tpu.memref_slice %arg8[%dma_start3A_1005, %dma_start3A_1006, %dma_start3A_1007] : memref<2x2048x16xf32, #tpu.memory_space<vmem>> -> memref<1x128x16xf32, #tpu.memory_space<vmem>>
        %dma_start3A_1009 = tpu.memref_squeeze %dma_start3A_1008 : memref<1x128x16xf32, #tpu.memory_space<vmem>> -> memref<128x16xf32, #tpu.memory_space<vmem>>
        %dma_start3A_1010 = arith.constant 0 : i32
        %dma_start3A_1011 = tpu.memref_slice %arg6[%dma_start3A_1003, %dma_start3A_1004, %dma_start3A_1010] : memref<2x16x128xi32, #tpu.memory_space<vmem>> -> memref<1x1x128xi32, #tpu.memory_space<vmem>>
        %dma_start3A_1012 = tpu.memref_squeeze %dma_start3A_1011 : memref<1x1x128xi32, #tpu.memory_space<vmem>> -> memref<128xi32, #tpu.memory_space<vmem>>
        %dma_start3A_1013 = arith.constant 0 : i32
        %dma_start3A_1014 = arith.constant 0 : i32
        %dma_start3A_1015 = tpu.memref_slice %arg2[%dma_start3A_1013, %dma_start3A_1014] : memref<4194304x16xf32, #tpu.memory_space<hbm>> -> memref<4194304x16xf32, #tpu.memory_space<hbm>>
        tpu.enqueue_indirect_dma source(%dma_start3A_1015 : memref<4194304x16xf32, #tpu.memory_space<hbm>>) target(%dma_start3A_1009 : memref<128x16xf32, #tpu.memory_space<vmem>>) offsets(%dma_start3A_1012 : memref<128xi32, #tpu.memory_space<vmem>>) semaphore(%arg15 : memref<!tpu.dma_semaphore, #tpu.memory_space<semaphore_mem>>)
        %dma_start3A_1016 = arith.constant 1 : i32
        %dma_start3A_1017 = arith.constant 3 : i32
        %dma_start3A_1018 = arith.constant 1 : i32
        %dma_start3A_1019 = arith.constant 384 : i32
        %dma_start3A_1020 = arith.constant 0 : i32
        %dma_start3A_1021 = tpu.memref_slice %arg8[%dma_start3A_1018, %dma_start3A_1019, %dma_start3A_1020] : memref<2x2048x16xf32, #tpu.memory_space<vmem>> -> memref<1x128x16xf32, #tpu.memory_space<vmem>>
        %dma_start3A_1022 = tpu.memref_squeeze %dma_start3A_1021 : memref<1x128x16xf32, #tpu.memory_space<vmem>> -> memref<128x16xf32, #tpu.memory_space<vmem>>
        %dma_start3A_1023 = arith.constant 0 : i32
        %dma_start3A_1024 = tpu.memref_slice %arg6[%dma_start3A_1016, %dma_start3A_1017, %dma_start3A_1023] : memref<2x16x128xi32, #tpu.memory_space<vmem>> -> memref<1x1x128xi32, #tpu.memory_space<vmem>>
        %dma_start3A_1025 = tpu.memref_squeeze %dma_start3A_1024 : memref<1x1x128xi32, #tpu.memory_space<vmem>> -> memref<128xi32, #tpu.memory_space<vmem>>
        %dma_start3A_1026 = arith.constant 0 : i32
        %dma_start3A_1027 = arith.constant 0 : i32
        %dma_start3A_1028 = tpu.memref_slice %arg2[%dma_start3A_1026, %dma_start3A_1027] : memref<4194304x16xf32, #tpu.memory_space<hbm>> -> memref<4194304x16xf32, #tpu.memory_space<hbm>>
        tpu.enqueue_indirect_dma source(%dma_start3A_1028 : memref<4194304x16xf32, #tpu.memory_space<hbm>>) target(%dma_start3A_1022 : memref<128x16xf32, #tpu.memory_space<vmem>>) offsets(%dma_start3A_1025 : memref<128xi32, #tpu.memory_space<vmem>>) semaphore(%arg15 : memref<!tpu.dma_semaphore, #tpu.memory_space<semaphore_mem>>)
        %dma_start3A_1029 = arith.constant 1 : i32
        %dma_start3A_1030 = arith.constant 4 : i32
        %dma_start3A_1031 = arith.constant 1 : i32
        %dma_start3A_1032 = arith.constant 512 : i32
        %dma_start3A_1033 = arith.constant 0 : i32
        %dma_start3A_1034 = tpu.memref_slice %arg8[%dma_start3A_1031, %dma_start3A_1032, %dma_start3A_1033] : memref<2x2048x16xf32, #tpu.memory_space<vmem>> -> memref<1x128x16xf32, #tpu.memory_space<vmem>>
        %dma_start3A_1035 = tpu.memref_squeeze %dma_start3A_1034 : memref<1x128x16xf32, #tpu.memory_space<vmem>> -> memref<128x16xf32, #tpu.memory_space<vmem>>
        %dma_start3A_1036 = arith.constant 0 : i32
        %dma_start3A_1037 = tpu.memref_slice %arg6[%dma_start3A_1029, %dma_start3A_1030, %dma_start3A_1036] : memref<2x16x128xi32, #tpu.memory_space<vmem>> -> memref<1x1x128xi32, #tpu.memory_space<vmem>>
        %dma_start3A_1038 = tpu.memref_squeeze %dma_start3A_1037 : memref<1x1x128xi32, #tpu.memory_space<vmem>> -> memref<128xi32, #tpu.memory_space<vmem>>
        %dma_start3A_1039 = arith.constant 0 : i32
        %dma_start3A_1040 = arith.constant 0 : i32
        %dma_start3A_1041 = tpu.memref_slice %arg2[%dma_start3A_1039, %dma_start3A_1040] : memref<4194304x16xf32, #tpu.memory_space<hbm>> -> memref<4194304x16xf32, #tpu.memory_space<hbm>>
        tpu.enqueue_indirect_dma source(%dma_start3A_1041 : memref<4194304x16xf32, #tpu.memory_space<hbm>>) target(%dma_start3A_1035 : memref<128x16xf32, #tpu.memory_space<vmem>>) offsets(%dma_start3A_1038 : memref<128xi32, #tpu.memory_space<vmem>>) semaphore(%arg15 : memref<!tpu.dma_semaphore, #tpu.memory_space<semaphore_mem>>)
        %dma_start3A_1042 = arith.constant 1 : i32
        %dma_start3A_1043 = arith.constant 5 : i32
        %dma_start3A_1044 = arith.constant 1 : i32
        %dma_start3A_1045 = arith.constant 640 : i32
        %dma_start3A_1046 = arith.constant 0 : i32
        %dma_start3A_1047 = tpu.memref_slice %arg8[%dma_start3A_1044, %dma_start3A_1045, %dma_start3A_1046] : memref<2x2048x16xf32, #tpu.memory_space<vmem>> -> memref<1x128x16xf32, #tpu.memory_space<vmem>>
        %dma_start3A_1048 = tpu.memref_squeeze %dma_start3A_1047 : memref<1x128x16xf32, #tpu.memory_space<vmem>> -> memref<128x16xf32, #tpu.memory_space<vmem>>
        %dma_start3A_1049 = arith.constant 0 : i32
        %dma_start3A_1050 = tpu.memref_slice %arg6[%dma_start3A_1042, %dma_start3A_1043, %dma_start3A_1049] : memref<2x16x128xi32, #tpu.memory_space<vmem>> -> memref<1x1x128xi32, #tpu.memory_space<vmem>>
        %dma_start3A_1051 = tpu.memref_squeeze %dma_start3A_1050 : memref<1x1x128xi32, #tpu.memory_space<vmem>> -> memref<128xi32, #tpu.memory_space<vmem>>
        %dma_start3A_1052 = arith.constant 0 : i32
        %dma_start3A_1053 = arith.constant 0 : i32
        %dma_start3A_1054 = tpu.memref_slice %arg2[%dma_start3A_1052, %dma_start3A_1053] : memref<4194304x16xf32, #tpu.memory_space<hbm>> -> memref<4194304x16xf32, #tpu.memory_space<hbm>>
        tpu.enqueue_indirect_dma source(%dma_start3A_1054 : memref<4194304x16xf32, #tpu.memory_space<hbm>>) target(%dma_start3A_1048 : memref<128x16xf32, #tpu.memory_space<vmem>>) offsets(%dma_start3A_1051 : memref<128xi32, #tpu.memory_space<vmem>>) semaphore(%arg15 : memref<!tpu.dma_semaphore, #tpu.memory_space<semaphore_mem>>)
        %dma_start3A_1055 = arith.constant 1 : i32
        %dma_start3A_1056 = arith.constant 6 : i32
        %dma_start3A_1057 = arith.constant 1 : i32
        %dma_start3A_1058 = arith.constant 768 : i32
        %dma_start3A_1059 = arith.constant 0 : i32
        %dma_start3A_1060 = tpu.memref_slice %arg8[%dma_start3A_1057, %dma_start3A_1058, %dma_start3A_1059] : memref<2x2048x16xf32, #tpu.memory_space<vmem>> -> memref<1x128x16xf32, #tpu.memory_space<vmem>>
        %dma_start3A_1061 = tpu.memref_squeeze %dma_start3A_1060 : memref<1x128x16xf32, #tpu.memory_space<vmem>> -> memref<128x16xf32, #tpu.memory_space<vmem>>
        %dma_start3A_1062 = arith.constant 0 : i32
        %dma_start3A_1063 = tpu.memref_slice %arg6[%dma_start3A_1055, %dma_start3A_1056, %dma_start3A_1062] : memref<2x16x128xi32, #tpu.memory_space<vmem>> -> memref<1x1x128xi32, #tpu.memory_space<vmem>>
        %dma_start3A_1064 = tpu.memref_squeeze %dma_start3A_1063 : memref<1x1x128xi32, #tpu.memory_space<vmem>> -> memref<128xi32, #tpu.memory_space<vmem>>
        %dma_start3A_1065 = arith.constant 0 : i32
        %dma_start3A_1066 = arith.constant 0 : i32
        %dma_start3A_1067 = tpu.memref_slice %arg2[%dma_start3A_1065, %dma_start3A_1066] : memref<4194304x16xf32, #tpu.memory_space<hbm>> -> memref<4194304x16xf32, #tpu.memory_space<hbm>>
        tpu.enqueue_indirect_dma source(%dma_start3A_1067 : memref<4194304x16xf32, #tpu.memory_space<hbm>>) target(%dma_start3A_1061 : memref<128x16xf32, #tpu.memory_space<vmem>>) offsets(%dma_start3A_1064 : memref<128xi32, #tpu.memory_space<vmem>>) semaphore(%arg15 : memref<!tpu.dma_semaphore, #tpu.memory_space<semaphore_mem>>)
        %dma_start3A_1068 = arith.constant 1 : i32
        %dma_start3A_1069 = arith.constant 7 : i32
        %dma_start3A_1070 = arith.constant 1 : i32
        %dma_start3A_1071 = arith.constant 896 : i32
        %dma_start3A_1072 = arith.constant 0 : i32
        %dma_start3A_1073 = tpu.memref_slice %arg8[%dma_start3A_1070, %dma_start3A_1071, %dma_start3A_1072] : memref<2x2048x16xf32, #tpu.memory_space<vmem>> -> memref<1x128x16xf32, #tpu.memory_space<vmem>>
        %dma_start3A_1074 = tpu.memref_squeeze %dma_start3A_1073 : memref<1x128x16xf32, #tpu.memory_space<vmem>> -> memref<128x16xf32, #tpu.memory_space<vmem>>
        %dma_start3A_1075 = arith.constant 0 : i32
        %dma_start3A_1076 = tpu.memref_slice %arg6[%dma_start3A_1068, %dma_start3A_1069, %dma_start3A_1075] : memref<2x16x128xi32, #tpu.memory_space<vmem>> -> memref<1x1x128xi32, #tpu.memory_space<vmem>>
        %dma_start3A_1077 = tpu.memref_squeeze %dma_start3A_1076 : memref<1x1x128xi32, #tpu.memory_space<vmem>> -> memref<128xi32, #tpu.memory_space<vmem>>
        %dma_start3A_1078 = arith.constant 0 : i32
        %dma_start3A_1079 = arith.constant 0 : i32
        %dma_start3A_1080 = tpu.memref_slice %arg2[%dma_start3A_1078, %dma_start3A_1079] : memref<4194304x16xf32, #tpu.memory_space<hbm>> -> memref<4194304x16xf32, #tpu.memory_space<hbm>>
        tpu.enqueue_indirect_dma source(%dma_start3A_1080 : memref<4194304x16xf32, #tpu.memory_space<hbm>>) target(%dma_start3A_1074 : memref<128x16xf32, #tpu.memory_space<vmem>>) offsets(%dma_start3A_1077 : memref<128xi32, #tpu.memory_space<vmem>>) semaphore(%arg15 : memref<!tpu.dma_semaphore, #tpu.memory_space<semaphore_mem>>)
        %dma_start3A_1081 = arith.constant 1 : i32
        %dma_start3A_1082 = arith.constant 8 : i32
        %dma_start3A_1083 = arith.constant 1 : i32
        %dma_start3A_1084 = arith.constant 1024 : i32
        %dma_start3A_1085 = arith.constant 0 : i32
        %dma_start3A_1086 = tpu.memref_slice %arg8[%dma_start3A_1083, %dma_start3A_1084, %dma_start3A_1085] : memref<2x2048x16xf32, #tpu.memory_space<vmem>> -> memref<1x128x16xf32, #tpu.memory_space<vmem>>
        %dma_start3A_1087 = tpu.memref_squeeze %dma_start3A_1086 : memref<1x128x16xf32, #tpu.memory_space<vmem>> -> memref<128x16xf32, #tpu.memory_space<vmem>>
        %dma_start3A_1088 = arith.constant 0 : i32
        %dma_start3A_1089 = tpu.memref_slice %arg6[%dma_start3A_1081, %dma_start3A_1082, %dma_start3A_1088] : memref<2x16x128xi32, #tpu.memory_space<vmem>> -> memref<1x1x128xi32, #tpu.memory_space<vmem>>
        %dma_start3A_1090 = tpu.memref_squeeze %dma_start3A_1089 : memref<1x1x128xi32, #tpu.memory_space<vmem>> -> memref<128xi32, #tpu.memory_space<vmem>>
        %dma_start3A_1091 = arith.constant 0 : i32
        %dma_start3A_1092 = arith.constant 0 : i32
        %dma_start3A_1093 = tpu.memref_slice %arg2[%dma_start3A_1091, %dma_start3A_1092] : memref<4194304x16xf32, #tpu.memory_space<hbm>> -> memref<4194304x16xf32, #tpu.memory_space<hbm>>
        tpu.enqueue_indirect_dma source(%dma_start3A_1093 : memref<4194304x16xf32, #tpu.memory_space<hbm>>) target(%dma_start3A_1087 : memref<128x16xf32, #tpu.memory_space<vmem>>) offsets(%dma_start3A_1090 : memref<128xi32, #tpu.memory_space<vmem>>) semaphore(%arg15 : memref<!tpu.dma_semaphore, #tpu.memory_space<semaphore_mem>>)
        %dma_start3A_1094 = arith.constant 1 : i32
        %dma_start3A_1095 = arith.constant 9 : i32
        %dma_start3A_1096 = arith.constant 1 : i32
        %dma_start3A_1097 = arith.constant 1152 : i32
        %dma_start3A_1098 = arith.constant 0 : i32
        %dma_start3A_1099 = tpu.memref_slice %arg8[%dma_start3A_1096, %dma_start3A_1097, %dma_start3A_1098] : memref<2x2048x16xf32, #tpu.memory_space<vmem>> -> memref<1x128x16xf32, #tpu.memory_space<vmem>>
        %dma_start3A_1100 = tpu.memref_squeeze %dma_start3A_1099 : memref<1x128x16xf32, #tpu.memory_space<vmem>> -> memref<128x16xf32, #tpu.memory_space<vmem>>
        %dma_start3A_1101 = arith.constant 0 : i32
        %dma_start3A_1102 = tpu.memref_slice %arg6[%dma_start3A_1094, %dma_start3A_1095, %dma_start3A_1101] : memref<2x16x128xi32, #tpu.memory_space<vmem>> -> memref<1x1x128xi32, #tpu.memory_space<vmem>>
        %dma_start3A_1103 = tpu.memref_squeeze %dma_start3A_1102 : memref<1x1x128xi32, #tpu.memory_space<vmem>> -> memref<128xi32, #tpu.memory_space<vmem>>
        %dma_start3A_1104 = arith.constant 0 : i32
        %dma_start3A_1105 = arith.constant 0 : i32
        %dma_start3A_1106 = tpu.memref_slice %arg2[%dma_start3A_1104, %dma_start3A_1105] : memref<4194304x16xf32, #tpu.memory_space<hbm>> -> memref<4194304x16xf32, #tpu.memory_space<hbm>>
        tpu.enqueue_indirect_dma source(%dma_start3A_1106 : memref<4194304x16xf32, #tpu.memory_space<hbm>>) target(%dma_start3A_1100 : memref<128x16xf32, #tpu.memory_space<vmem>>) offsets(%dma_start3A_1103 : memref<128xi32, #tpu.memory_space<vmem>>) semaphore(%arg15 : memref<!tpu.dma_semaphore, #tpu.memory_space<semaphore_mem>>)
        %dma_start3A_1107 = arith.constant 1 : i32
        %dma_start3A_1108 = arith.constant 10 : i32
        %dma_start3A_1109 = arith.constant 1 : i32
        %dma_start3A_1110 = arith.constant 1280 : i32
        %dma_start3A_1111 = arith.constant 0 : i32
        %dma_start3A_1112 = tpu.memref_slice %arg8[%dma_start3A_1109, %dma_start3A_1110, %dma_start3A_1111] : memref<2x2048x16xf32, #tpu.memory_space<vmem>> -> memref<1x128x16xf32, #tpu.memory_space<vmem>>
        %dma_start3A_1113 = tpu.memref_squeeze %dma_start3A_1112 : memref<1x128x16xf32, #tpu.memory_space<vmem>> -> memref<128x16xf32, #tpu.memory_space<vmem>>
        %dma_start3A_1114 = arith.constant 0 : i32
        %dma_start3A_1115 = tpu.memref_slice %arg6[%dma_start3A_1107, %dma_start3A_1108, %dma_start3A_1114] : memref<2x16x128xi32, #tpu.memory_space<vmem>> -> memref<1x1x128xi32, #tpu.memory_space<vmem>>
        %dma_start3A_1116 = tpu.memref_squeeze %dma_start3A_1115 : memref<1x1x128xi32, #tpu.memory_space<vmem>> -> memref<128xi32, #tpu.memory_space<vmem>>
        %dma_start3A_1117 = arith.constant 0 : i32
        %dma_start3A_1118 = arith.constant 0 : i32
        %dma_start3A_1119 = tpu.memref_slice %arg2[%dma_start3A_1117, %dma_start3A_1118] : memref<4194304x16xf32, #tpu.memory_space<hbm>> -> memref<4194304x16xf32, #tpu.memory_space<hbm>>
        tpu.enqueue_indirect_dma source(%dma_start3A_1119 : memref<4194304x16xf32, #tpu.memory_space<hbm>>) target(%dma_start3A_1113 : memref<128x16xf32, #tpu.memory_space<vmem>>) offsets(%dma_start3A_1116 : memref<128xi32, #tpu.memory_space<vmem>>) semaphore(%arg15 : memref<!tpu.dma_semaphore, #tpu.memory_space<semaphore_mem>>)
        %dma_start3A_1120 = arith.constant 1 : i32
        %dma_start3A_1121 = arith.constant 11 : i32
        %dma_start3A_1122 = arith.constant 1 : i32
        %dma_start3A_1123 = arith.constant 1408 : i32
        %dma_start3A_1124 = arith.constant 0 : i32
        %dma_start3A_1125 = tpu.memref_slice %arg8[%dma_start3A_1122, %dma_start3A_1123, %dma_start3A_1124] : memref<2x2048x16xf32, #tpu.memory_space<vmem>> -> memref<1x128x16xf32, #tpu.memory_space<vmem>>
        %dma_start3A_1126 = tpu.memref_squeeze %dma_start3A_1125 : memref<1x128x16xf32, #tpu.memory_space<vmem>> -> memref<128x16xf32, #tpu.memory_space<vmem>>
        %dma_start3A_1127 = arith.constant 0 : i32
        %dma_start3A_1128 = tpu.memref_slice %arg6[%dma_start3A_1120, %dma_start3A_1121, %dma_start3A_1127] : memref<2x16x128xi32, #tpu.memory_space<vmem>> -> memref<1x1x128xi32, #tpu.memory_space<vmem>>
        %dma_start3A_1129 = tpu.memref_squeeze %dma_start3A_1128 : memref<1x1x128xi32, #tpu.memory_space<vmem>> -> memref<128xi32, #tpu.memory_space<vmem>>
        %dma_start3A_1130 = arith.constant 0 : i32
        %dma_start3A_1131 = arith.constant 0 : i32
        %dma_start3A_1132 = tpu.memref_slice %arg2[%dma_start3A_1130, %dma_start3A_1131] : memref<4194304x16xf32, #tpu.memory_space<hbm>> -> memref<4194304x16xf32, #tpu.memory_space<hbm>>
        tpu.enqueue_indirect_dma source(%dma_start3A_1132 : memref<4194304x16xf32, #tpu.memory_space<hbm>>) target(%dma_start3A_1126 : memref<128x16xf32, #tpu.memory_space<vmem>>) offsets(%dma_start3A_1129 : memref<128xi32, #tpu.memory_space<vmem>>) semaphore(%arg15 : memref<!tpu.dma_semaphore, #tpu.memory_space<semaphore_mem>>)
        %dma_start3A_1133 = arith.constant 1 : i32
        %dma_start3A_1134 = arith.constant 12 : i32
        %dma_start3A_1135 = arith.constant 1 : i32
        %dma_start3A_1136 = arith.constant 1536 : i32
        %dma_start3A_1137 = arith.constant 0 : i32
        %dma_start3A_1138 = tpu.memref_slice %arg8[%dma_start3A_1135, %dma_start3A_1136, %dma_start3A_1137] : memref<2x2048x16xf32, #tpu.memory_space<vmem>> -> memref<1x128x16xf32, #tpu.memory_space<vmem>>
        %dma_start3A_1139 = tpu.memref_squeeze %dma_start3A_1138 : memref<1x128x16xf32, #tpu.memory_space<vmem>> -> memref<128x16xf32, #tpu.memory_space<vmem>>
        %dma_start3A_1140 = arith.constant 0 : i32
        %dma_start3A_1141 = tpu.memref_slice %arg6[%dma_start3A_1133, %dma_start3A_1134, %dma_start3A_1140] : memref<2x16x128xi32, #tpu.memory_space<vmem>> -> memref<1x1x128xi32, #tpu.memory_space<vmem>>
        %dma_start3A_1142 = tpu.memref_squeeze %dma_start3A_1141 : memref<1x1x128xi32, #tpu.memory_space<vmem>> -> memref<128xi32, #tpu.memory_space<vmem>>
        %dma_start3A_1143 = arith.constant 0 : i32
        %dma_start3A_1144 = arith.constant 0 : i32
        %dma_start3A_1145 = tpu.memref_slice %arg2[%dma_start3A_1143, %dma_start3A_1144] : memref<4194304x16xf32, #tpu.memory_space<hbm>> -> memref<4194304x16xf32, #tpu.memory_space<hbm>>
        tpu.enqueue_indirect_dma source(%dma_start3A_1145 : memref<4194304x16xf32, #tpu.memory_space<hbm>>) target(%dma_start3A_1139 : memref<128x16xf32, #tpu.memory_space<vmem>>) offsets(%dma_start3A_1142 : memref<128xi32, #tpu.memory_space<vmem>>) semaphore(%arg15 : memref<!tpu.dma_semaphore, #tpu.memory_space<semaphore_mem>>)
        %dma_start3A_1146 = arith.constant 1 : i32
        %dma_start3A_1147 = arith.constant 13 : i32
        %dma_start3A_1148 = arith.constant 1 : i32
        %dma_start3A_1149 = arith.constant 1664 : i32
        %dma_start3A_1150 = arith.constant 0 : i32
        %dma_start3A_1151 = tpu.memref_slice %arg8[%dma_start3A_1148, %dma_start3A_1149, %dma_start3A_1150] : memref<2x2048x16xf32, #tpu.memory_space<vmem>> -> memref<1x128x16xf32, #tpu.memory_space<vmem>>
        %dma_start3A_1152 = tpu.memref_squeeze %dma_start3A_1151 : memref<1x128x16xf32, #tpu.memory_space<vmem>> -> memref<128x16xf32, #tpu.memory_space<vmem>>
        %dma_start3A_1153 = arith.constant 0 : i32
        %dma_start3A_1154 = tpu.memref_slice %arg6[%dma_start3A_1146, %dma_start3A_1147, %dma_start3A_1153] : memref<2x16x128xi32, #tpu.memory_space<vmem>> -> memref<1x1x128xi32, #tpu.memory_space<vmem>>
        %dma_start3A_1155 = tpu.memref_squeeze %dma_start3A_1154 : memref<1x1x128xi32, #tpu.memory_space<vmem>> -> memref<128xi32, #tpu.memory_space<vmem>>
        %dma_start3A_1156 = arith.constant 0 : i32
        %dma_start3A_1157 = arith.constant 0 : i32
        %dma_start3A_1158 = tpu.memref_slice %arg2[%dma_start3A_1156, %dma_start3A_1157] : memref<4194304x16xf32, #tpu.memory_space<hbm>> -> memref<4194304x16xf32, #tpu.memory_space<hbm>>
        tpu.enqueue_indirect_dma source(%dma_start3A_1158 : memref<4194304x16xf32, #tpu.memory_space<hbm>>) target(%dma_start3A_1152 : memref<128x16xf32, #tpu.memory_space<vmem>>) offsets(%dma_start3A_1155 : memref<128xi32, #tpu.memory_space<vmem>>) semaphore(%arg15 : memref<!tpu.dma_semaphore, #tpu.memory_space<semaphore_mem>>)
        %dma_start3A_1159 = arith.constant 1 : i32
        %dma_start3A_1160 = arith.constant 14 : i32
        %dma_start3A_1161 = arith.constant 1 : i32
        %dma_start3A_1162 = arith.constant 1792 : i32
        %dma_start3A_1163 = arith.constant 0 : i32
        %dma_start3A_1164 = tpu.memref_slice %arg8[%dma_start3A_1161, %dma_start3A_1162, %dma_start3A_1163] : memref<2x2048x16xf32, #tpu.memory_space<vmem>> -> memref<1x128x16xf32, #tpu.memory_space<vmem>>
        %dma_start3A_1165 = tpu.memref_squeeze %dma_start3A_1164 : memref<1x128x16xf32, #tpu.memory_space<vmem>> -> memref<128x16xf32, #tpu.memory_space<vmem>>
        %dma_start3A_1166 = arith.constant 0 : i32
        %dma_start3A_1167 = tpu.memref_slice %arg6[%dma_start3A_1159, %dma_start3A_1160, %dma_start3A_1166] : memref<2x16x128xi32, #tpu.memory_space<vmem>> -> memref<1x1x128xi32, #tpu.memory_space<vmem>>
        %dma_start3A_1168 = tpu.memref_squeeze %dma_start3A_1167 : memref<1x1x128xi32, #tpu.memory_space<vmem>> -> memref<128xi32, #tpu.memory_space<vmem>>
        %dma_start3A_1169 = arith.constant 0 : i32
        %dma_start3A_1170 = arith.constant 0 : i32
        %dma_start3A_1171 = tpu.memref_slice %arg2[%dma_start3A_1169, %dma_start3A_1170] : memref<4194304x16xf32, #tpu.memory_space<hbm>> -> memref<4194304x16xf32, #tpu.memory_space<hbm>>
        tpu.enqueue_indirect_dma source(%dma_start3A_1171 : memref<4194304x16xf32, #tpu.memory_space<hbm>>) target(%dma_start3A_1165 : memref<128x16xf32, #tpu.memory_space<vmem>>) offsets(%dma_start3A_1168 : memref<128xi32, #tpu.memory_space<vmem>>) semaphore(%arg15 : memref<!tpu.dma_semaphore, #tpu.memory_space<semaphore_mem>>)
        %dma_start3A_1172 = arith.constant 1 : i32
        %dma_start3A_1173 = arith.constant 15 : i32
        %dma_start3A_1174 = arith.constant 1 : i32
        %dma_start3A_1175 = arith.constant 1920 : i32
        %dma_start3A_1176 = arith.constant 0 : i32
        %dma_start3A_1177 = tpu.memref_slice %arg8[%dma_start3A_1174, %dma_start3A_1175, %dma_start3A_1176] : memref<2x2048x16xf32, #tpu.memory_space<vmem>> -> memref<1x128x16xf32, #tpu.memory_space<vmem>>
        %dma_start3A_1178 = tpu.memref_squeeze %dma_start3A_1177 : memref<1x128x16xf32, #tpu.memory_space<vmem>> -> memref<128x16xf32, #tpu.memory_space<vmem>>
        %dma_start3A_1179 = arith.constant 0 : i32
        %dma_start3A_1180 = tpu.memref_slice %arg6[%dma_start3A_1172, %dma_start3A_1173, %dma_start3A_1179] : memref<2x16x128xi32, #tpu.memory_space<vmem>> -> memref<1x1x128xi32, #tpu.memory_space<vmem>>
        %dma_start3A_1181 = tpu.memref_squeeze %dma_start3A_1180 : memref<1x1x128xi32, #tpu.memory_space<vmem>> -> memref<128xi32, #tpu.memory_space<vmem>>
        %dma_start3A_1182 = arith.constant 0 : i32
        %dma_start3A_1183 = arith.constant 0 : i32
        %dma_start3A_1184 = tpu.memref_slice %arg2[%dma_start3A_1182, %dma_start3A_1183] : memref<4194304x16xf32, #tpu.memory_space<hbm>> -> memref<4194304x16xf32, #tpu.memory_space<hbm>>
        tpu.enqueue_indirect_dma source(%dma_start3A_1184 : memref<4194304x16xf32, #tpu.memory_space<hbm>>) target(%dma_start3A_1178 : memref<128x16xf32, #tpu.memory_space<vmem>>) offsets(%dma_start3A_1181 : memref<128xi32, #tpu.memory_space<vmem>>) semaphore(%arg15 : memref<!tpu.dma_semaphore, #tpu.memory_space<semaphore_mem>>)
      } else {
      }
      %dma_wait3A_387 = arith.constant 0 : i32
      %dma_wait3A_388 = arith.constant 0 : i32
      %dma_wait3A_389 = arith.constant 0 : i32
      %dma_wait3A_390 = arith.constant 0 : i32
      %dma_wait3A_391 = arith.constant 0 : i32
      %dma_wait3A_392 = tpu.memref_slice %arg8[%dma_wait3A_389, %dma_wait3A_390, %dma_wait3A_391] : memref<2x2048x16xf32, #tpu.memory_space<vmem>> -> memref<1x128x16xf32, #tpu.memory_space<vmem>>
      %dma_wait3A_393 = tpu.memref_squeeze %dma_wait3A_392 : memref<1x128x16xf32, #tpu.memory_space<vmem>> -> memref<128x16xf32, #tpu.memory_space<vmem>>
      %dma_wait3A_394 = arith.constant 0 : i32
      %dma_wait3A_395 = tpu.memref_slice %arg6[%dma_wait3A_387, %dma_wait3A_388, %dma_wait3A_394] : memref<2x16x128xi32, #tpu.memory_space<vmem>> -> memref<1x1x128xi32, #tpu.memory_space<vmem>>
      %dma_wait3A_396 = tpu.memref_squeeze %dma_wait3A_395 : memref<1x1x128xi32, #tpu.memory_space<vmem>> -> memref<128xi32, #tpu.memory_space<vmem>>
      %dma_wait3A_397 = arith.constant 0 : i32
      %dma_wait3A_398 = arith.constant 0 : i32
      %dma_wait3A_399 = tpu.memref_slice %arg2[%dma_wait3A_397, %dma_wait3A_398] : memref<4194304x16xf32, #tpu.memory_space<hbm>> -> memref<4194304x16xf32, #tpu.memory_space<hbm>>
      tpu.wait_indirect_dma semaphore(%arg14 : memref<!tpu.dma_semaphore, #tpu.memory_space<semaphore_mem>>) src(%dma_wait3A_399 : memref<4194304x16xf32, #tpu.memory_space<hbm>>) dst(%dma_wait3A_393 : memref<128x16xf32, #tpu.memory_space<vmem>>)
      %dma_wait3A_400 = arith.constant 0 : i32
      %dma_wait3A_401 = arith.constant 1 : i32
      %dma_wait3A_402 = arith.constant 0 : i32
      %dma_wait3A_403 = arith.constant 128 : i32
      %dma_wait3A_404 = arith.constant 0 : i32
      %dma_wait3A_405 = tpu.memref_slice %arg8[%dma_wait3A_402, %dma_wait3A_403, %dma_wait3A_404] : memref<2x2048x16xf32, #tpu.memory_space<vmem>> -> memref<1x128x16xf32, #tpu.memory_space<vmem>>
      %dma_wait3A_406 = tpu.memref_squeeze %dma_wait3A_405 : memref<1x128x16xf32, #tpu.memory_space<vmem>> -> memref<128x16xf32, #tpu.memory_space<vmem>>
      %dma_wait3A_407 = arith.constant 0 : i32
      %dma_wait3A_408 = tpu.memref_slice %arg6[%dma_wait3A_400, %dma_wait3A_401, %dma_wait3A_407] : memref<2x16x128xi32, #tpu.memory_space<vmem>> -> memref<1x1x128xi32, #tpu.memory_space<vmem>>
      %dma_wait3A_409 = tpu.memref_squeeze %dma_wait3A_408 : memref<1x1x128xi32, #tpu.memory_space<vmem>> -> memref<128xi32, #tpu.memory_space<vmem>>
      %dma_wait3A_410 = arith.constant 0 : i32
      %dma_wait3A_411 = arith.constant 0 : i32
      %dma_wait3A_412 = tpu.memref_slice %arg2[%dma_wait3A_410, %dma_wait3A_411] : memref<4194304x16xf32, #tpu.memory_space<hbm>> -> memref<4194304x16xf32, #tpu.memory_space<hbm>>
      tpu.wait_indirect_dma semaphore(%arg14 : memref<!tpu.dma_semaphore, #tpu.memory_space<semaphore_mem>>) src(%dma_wait3A_412 : memref<4194304x16xf32, #tpu.memory_space<hbm>>) dst(%dma_wait3A_406 : memref<128x16xf32, #tpu.memory_space<vmem>>)
      %dma_wait3A_413 = arith.constant 0 : i32
      %dma_wait3A_414 = arith.constant 2 : i32
      %dma_wait3A_415 = arith.constant 0 : i32
      %dma_wait3A_416 = arith.constant 256 : i32
      %dma_wait3A_417 = arith.constant 0 : i32
      %dma_wait3A_418 = tpu.memref_slice %arg8[%dma_wait3A_415, %dma_wait3A_416, %dma_wait3A_417] : memref<2x2048x16xf32, #tpu.memory_space<vmem>> -> memref<1x128x16xf32, #tpu.memory_space<vmem>>
      %dma_wait3A_419 = tpu.memref_squeeze %dma_wait3A_418 : memref<1x128x16xf32, #tpu.memory_space<vmem>> -> memref<128x16xf32, #tpu.memory_space<vmem>>
      %dma_wait3A_420 = arith.constant 0 : i32
      %dma_wait3A_421 = tpu.memref_slice %arg6[%dma_wait3A_413, %dma_wait3A_414, %dma_wait3A_420] : memref<2x16x128xi32, #tpu.memory_space<vmem>> -> memref<1x1x128xi32, #tpu.memory_space<vmem>>
      %dma_wait3A_422 = tpu.memref_squeeze %dma_wait3A_421 : memref<1x1x128xi32, #tpu.memory_space<vmem>> -> memref<128xi32, #tpu.memory_space<vmem>>
      %dma_wait3A_423 = arith.constant 0 : i32
      %dma_wait3A_424 = arith.constant 0 : i32
      %dma_wait3A_425 = tpu.memref_slice %arg2[%dma_wait3A_423, %dma_wait3A_424] : memref<4194304x16xf32, #tpu.memory_space<hbm>> -> memref<4194304x16xf32, #tpu.memory_space<hbm>>
      tpu.wait_indirect_dma semaphore(%arg14 : memref<!tpu.dma_semaphore, #tpu.memory_space<semaphore_mem>>) src(%dma_wait3A_425 : memref<4194304x16xf32, #tpu.memory_space<hbm>>) dst(%dma_wait3A_419 : memref<128x16xf32, #tpu.memory_space<vmem>>)
      %dma_wait3A_426 = arith.constant 0 : i32
      %dma_wait3A_427 = arith.constant 3 : i32
      %dma_wait3A_428 = arith.constant 0 : i32
      %dma_wait3A_429 = arith.constant 384 : i32
      %dma_wait3A_430 = arith.constant 0 : i32
      %dma_wait3A_431 = tpu.memref_slice %arg8[%dma_wait3A_428, %dma_wait3A_429, %dma_wait3A_430] : memref<2x2048x16xf32, #tpu.memory_space<vmem>> -> memref<1x128x16xf32, #tpu.memory_space<vmem>>
      %dma_wait3A_432 = tpu.memref_squeeze %dma_wait3A_431 : memref<1x128x16xf32, #tpu.memory_space<vmem>> -> memref<128x16xf32, #tpu.memory_space<vmem>>
      %dma_wait3A_433 = arith.constant 0 : i32
      %dma_wait3A_434 = tpu.memref_slice %arg6[%dma_wait3A_426, %dma_wait3A_427, %dma_wait3A_433] : memref<2x16x128xi32, #tpu.memory_space<vmem>> -> memref<1x1x128xi32, #tpu.memory_space<vmem>>
      %dma_wait3A_435 = tpu.memref_squeeze %dma_wait3A_434 : memref<1x1x128xi32, #tpu.memory_space<vmem>> -> memref<128xi32, #tpu.memory_space<vmem>>
      %dma_wait3A_436 = arith.constant 0 : i32
      %dma_wait3A_437 = arith.constant 0 : i32
      %dma_wait3A_438 = tpu.memref_slice %arg2[%dma_wait3A_436, %dma_wait3A_437] : memref<4194304x16xf32, #tpu.memory_space<hbm>> -> memref<4194304x16xf32, #tpu.memory_space<hbm>>
      tpu.wait_indirect_dma semaphore(%arg14 : memref<!tpu.dma_semaphore, #tpu.memory_space<semaphore_mem>>) src(%dma_wait3A_438 : memref<4194304x16xf32, #tpu.memory_space<hbm>>) dst(%dma_wait3A_432 : memref<128x16xf32, #tpu.memory_space<vmem>>)
      %dma_wait3A_439 = arith.constant 0 : i32
      %dma_wait3A_440 = arith.constant 4 : i32
      %dma_wait3A_441 = arith.constant 0 : i32
      %dma_wait3A_442 = arith.constant 512 : i32
      %dma_wait3A_443 = arith.constant 0 : i32
      %dma_wait3A_444 = tpu.memref_slice %arg8[%dma_wait3A_441, %dma_wait3A_442, %dma_wait3A_443] : memref<2x2048x16xf32, #tpu.memory_space<vmem>> -> memref<1x128x16xf32, #tpu.memory_space<vmem>>
      %dma_wait3A_445 = tpu.memref_squeeze %dma_wait3A_444 : memref<1x128x16xf32, #tpu.memory_space<vmem>> -> memref<128x16xf32, #tpu.memory_space<vmem>>
      %dma_wait3A_446 = arith.constant 0 : i32
      %dma_wait3A_447 = tpu.memref_slice %arg6[%dma_wait3A_439, %dma_wait3A_440, %dma_wait3A_446] : memref<2x16x128xi32, #tpu.memory_space<vmem>> -> memref<1x1x128xi32, #tpu.memory_space<vmem>>
      %dma_wait3A_448 = tpu.memref_squeeze %dma_wait3A_447 : memref<1x1x128xi32, #tpu.memory_space<vmem>> -> memref<128xi32, #tpu.memory_space<vmem>>
      %dma_wait3A_449 = arith.constant 0 : i32
      %dma_wait3A_450 = arith.constant 0 : i32
      %dma_wait3A_451 = tpu.memref_slice %arg2[%dma_wait3A_449, %dma_wait3A_450] : memref<4194304x16xf32, #tpu.memory_space<hbm>> -> memref<4194304x16xf32, #tpu.memory_space<hbm>>
      tpu.wait_indirect_dma semaphore(%arg14 : memref<!tpu.dma_semaphore, #tpu.memory_space<semaphore_mem>>) src(%dma_wait3A_451 : memref<4194304x16xf32, #tpu.memory_space<hbm>>) dst(%dma_wait3A_445 : memref<128x16xf32, #tpu.memory_space<vmem>>)
      %dma_wait3A_452 = arith.constant 0 : i32
      %dma_wait3A_453 = arith.constant 5 : i32
      %dma_wait3A_454 = arith.constant 0 : i32
      %dma_wait3A_455 = arith.constant 640 : i32
      %dma_wait3A_456 = arith.constant 0 : i32
      %dma_wait3A_457 = tpu.memref_slice %arg8[%dma_wait3A_454, %dma_wait3A_455, %dma_wait3A_456] : memref<2x2048x16xf32, #tpu.memory_space<vmem>> -> memref<1x128x16xf32, #tpu.memory_space<vmem>>
      %dma_wait3A_458 = tpu.memref_squeeze %dma_wait3A_457 : memref<1x128x16xf32, #tpu.memory_space<vmem>> -> memref<128x16xf32, #tpu.memory_space<vmem>>
      %dma_wait3A_459 = arith.constant 0 : i32
      %dma_wait3A_460 = tpu.memref_slice %arg6[%dma_wait3A_452, %dma_wait3A_453, %dma_wait3A_459] : memref<2x16x128xi32, #tpu.memory_space<vmem>> -> memref<1x1x128xi32, #tpu.memory_space<vmem>>
      %dma_wait3A_461 = tpu.memref_squeeze %dma_wait3A_460 : memref<1x1x128xi32, #tpu.memory_space<vmem>> -> memref<128xi32, #tpu.memory_space<vmem>>
      %dma_wait3A_462 = arith.constant 0 : i32
      %dma_wait3A_463 = arith.constant 0 : i32
      %dma_wait3A_464 = tpu.memref_slice %arg2[%dma_wait3A_462, %dma_wait3A_463] : memref<4194304x16xf32, #tpu.memory_space<hbm>> -> memref<4194304x16xf32, #tpu.memory_space<hbm>>
      tpu.wait_indirect_dma semaphore(%arg14 : memref<!tpu.dma_semaphore, #tpu.memory_space<semaphore_mem>>) src(%dma_wait3A_464 : memref<4194304x16xf32, #tpu.memory_space<hbm>>) dst(%dma_wait3A_458 : memref<128x16xf32, #tpu.memory_space<vmem>>)
      %dma_wait3A_465 = arith.constant 0 : i32
      %dma_wait3A_466 = arith.constant 6 : i32
      %dma_wait3A_467 = arith.constant 0 : i32
      %dma_wait3A_468 = arith.constant 768 : i32
      %dma_wait3A_469 = arith.constant 0 : i32
      %dma_wait3A_470 = tpu.memref_slice %arg8[%dma_wait3A_467, %dma_wait3A_468, %dma_wait3A_469] : memref<2x2048x16xf32, #tpu.memory_space<vmem>> -> memref<1x128x16xf32, #tpu.memory_space<vmem>>
      %dma_wait3A_471 = tpu.memref_squeeze %dma_wait3A_470 : memref<1x128x16xf32, #tpu.memory_space<vmem>> -> memref<128x16xf32, #tpu.memory_space<vmem>>
      %dma_wait3A_472 = arith.constant 0 : i32
      %dma_wait3A_473 = tpu.memref_slice %arg6[%dma_wait3A_465, %dma_wait3A_466, %dma_wait3A_472] : memref<2x16x128xi32, #tpu.memory_space<vmem>> -> memref<1x1x128xi32, #tpu.memory_space<vmem>>
      %dma_wait3A_474 = tpu.memref_squeeze %dma_wait3A_473 : memref<1x1x128xi32, #tpu.memory_space<vmem>> -> memref<128xi32, #tpu.memory_space<vmem>>
      %dma_wait3A_475 = arith.constant 0 : i32
      %dma_wait3A_476 = arith.constant 0 : i32
      %dma_wait3A_477 = tpu.memref_slice %arg2[%dma_wait3A_475, %dma_wait3A_476] : memref<4194304x16xf32, #tpu.memory_space<hbm>> -> memref<4194304x16xf32, #tpu.memory_space<hbm>>
      tpu.wait_indirect_dma semaphore(%arg14 : memref<!tpu.dma_semaphore, #tpu.memory_space<semaphore_mem>>) src(%dma_wait3A_477 : memref<4194304x16xf32, #tpu.memory_space<hbm>>) dst(%dma_wait3A_471 : memref<128x16xf32, #tpu.memory_space<vmem>>)
      %dma_wait3A_478 = arith.constant 0 : i32
      %dma_wait3A_479 = arith.constant 7 : i32
      %dma_wait3A_480 = arith.constant 0 : i32
      %dma_wait3A_481 = arith.constant 896 : i32
      %dma_wait3A_482 = arith.constant 0 : i32
      %dma_wait3A_483 = tpu.memref_slice %arg8[%dma_wait3A_480, %dma_wait3A_481, %dma_wait3A_482] : memref<2x2048x16xf32, #tpu.memory_space<vmem>> -> memref<1x128x16xf32, #tpu.memory_space<vmem>>
      %dma_wait3A_484 = tpu.memref_squeeze %dma_wait3A_483 : memref<1x128x16xf32, #tpu.memory_space<vmem>> -> memref<128x16xf32, #tpu.memory_space<vmem>>
      %dma_wait3A_485 = arith.constant 0 : i32
      %dma_wait3A_486 = tpu.memref_slice %arg6[%dma_wait3A_478, %dma_wait3A_479, %dma_wait3A_485] : memref<2x16x128xi32, #tpu.memory_space<vmem>> -> memref<1x1x128xi32, #tpu.memory_space<vmem>>
      %dma_wait3A_487 = tpu.memref_squeeze %dma_wait3A_486 : memref<1x1x128xi32, #tpu.memory_space<vmem>> -> memref<128xi32, #tpu.memory_space<vmem>>
      %dma_wait3A_488 = arith.constant 0 : i32
      %dma_wait3A_489 = arith.constant 0 : i32
      %dma_wait3A_490 = tpu.memref_slice %arg2[%dma_wait3A_488, %dma_wait3A_489] : memref<4194304x16xf32, #tpu.memory_space<hbm>> -> memref<4194304x16xf32, #tpu.memory_space<hbm>>
      tpu.wait_indirect_dma semaphore(%arg14 : memref<!tpu.dma_semaphore, #tpu.memory_space<semaphore_mem>>) src(%dma_wait3A_490 : memref<4194304x16xf32, #tpu.memory_space<hbm>>) dst(%dma_wait3A_484 : memref<128x16xf32, #tpu.memory_space<vmem>>)
      %dma_wait3A_491 = arith.constant 0 : i32
      %dma_wait3A_492 = arith.constant 8 : i32
      %dma_wait3A_493 = arith.constant 0 : i32
      %dma_wait3A_494 = arith.constant 1024 : i32
      %dma_wait3A_495 = arith.constant 0 : i32
      %dma_wait3A_496 = tpu.memref_slice %arg8[%dma_wait3A_493, %dma_wait3A_494, %dma_wait3A_495] : memref<2x2048x16xf32, #tpu.memory_space<vmem>> -> memref<1x128x16xf32, #tpu.memory_space<vmem>>
      %dma_wait3A_497 = tpu.memref_squeeze %dma_wait3A_496 : memref<1x128x16xf32, #tpu.memory_space<vmem>> -> memref<128x16xf32, #tpu.memory_space<vmem>>
      %dma_wait3A_498 = arith.constant 0 : i32
      %dma_wait3A_499 = tpu.memref_slice %arg6[%dma_wait3A_491, %dma_wait3A_492, %dma_wait3A_498] : memref<2x16x128xi32, #tpu.memory_space<vmem>> -> memref<1x1x128xi32, #tpu.memory_space<vmem>>
      %dma_wait3A_500 = tpu.memref_squeeze %dma_wait3A_499 : memref<1x1x128xi32, #tpu.memory_space<vmem>> -> memref<128xi32, #tpu.memory_space<vmem>>
      %dma_wait3A_501 = arith.constant 0 : i32
      %dma_wait3A_502 = arith.constant 0 : i32
      %dma_wait3A_503 = tpu.memref_slice %arg2[%dma_wait3A_501, %dma_wait3A_502] : memref<4194304x16xf32, #tpu.memory_space<hbm>> -> memref<4194304x16xf32, #tpu.memory_space<hbm>>
      tpu.wait_indirect_dma semaphore(%arg14 : memref<!tpu.dma_semaphore, #tpu.memory_space<semaphore_mem>>) src(%dma_wait3A_503 : memref<4194304x16xf32, #tpu.memory_space<hbm>>) dst(%dma_wait3A_497 : memref<128x16xf32, #tpu.memory_space<vmem>>)
      %dma_wait3A_504 = arith.constant 0 : i32
      %dma_wait3A_505 = arith.constant 9 : i32
      %dma_wait3A_506 = arith.constant 0 : i32
      %dma_wait3A_507 = arith.constant 1152 : i32
      %dma_wait3A_508 = arith.constant 0 : i32
      %dma_wait3A_509 = tpu.memref_slice %arg8[%dma_wait3A_506, %dma_wait3A_507, %dma_wait3A_508] : memref<2x2048x16xf32, #tpu.memory_space<vmem>> -> memref<1x128x16xf32, #tpu.memory_space<vmem>>
      %dma_wait3A_510 = tpu.memref_squeeze %dma_wait3A_509 : memref<1x128x16xf32, #tpu.memory_space<vmem>> -> memref<128x16xf32, #tpu.memory_space<vmem>>
      %dma_wait3A_511 = arith.constant 0 : i32
      %dma_wait3A_512 = tpu.memref_slice %arg6[%dma_wait3A_504, %dma_wait3A_505, %dma_wait3A_511] : memref<2x16x128xi32, #tpu.memory_space<vmem>> -> memref<1x1x128xi32, #tpu.memory_space<vmem>>
      %dma_wait3A_513 = tpu.memref_squeeze %dma_wait3A_512 : memref<1x1x128xi32, #tpu.memory_space<vmem>> -> memref<128xi32, #tpu.memory_space<vmem>>
      %dma_wait3A_514 = arith.constant 0 : i32
      %dma_wait3A_515 = arith.constant 0 : i32
      %dma_wait3A_516 = tpu.memref_slice %arg2[%dma_wait3A_514, %dma_wait3A_515] : memref<4194304x16xf32, #tpu.memory_space<hbm>> -> memref<4194304x16xf32, #tpu.memory_space<hbm>>
      tpu.wait_indirect_dma semaphore(%arg14 : memref<!tpu.dma_semaphore, #tpu.memory_space<semaphore_mem>>) src(%dma_wait3A_516 : memref<4194304x16xf32, #tpu.memory_space<hbm>>) dst(%dma_wait3A_510 : memref<128x16xf32, #tpu.memory_space<vmem>>)
      %dma_wait3A_517 = arith.constant 0 : i32
      %dma_wait3A_518 = arith.constant 10 : i32
      %dma_wait3A_519 = arith.constant 0 : i32
      %dma_wait3A_520 = arith.constant 1280 : i32
      %dma_wait3A_521 = arith.constant 0 : i32
      %dma_wait3A_522 = tpu.memref_slice %arg8[%dma_wait3A_519, %dma_wait3A_520, %dma_wait3A_521] : memref<2x2048x16xf32, #tpu.memory_space<vmem>> -> memref<1x128x16xf32, #tpu.memory_space<vmem>>
      %dma_wait3A_523 = tpu.memref_squeeze %dma_wait3A_522 : memref<1x128x16xf32, #tpu.memory_space<vmem>> -> memref<128x16xf32, #tpu.memory_space<vmem>>
      %dma_wait3A_524 = arith.constant 0 : i32
      %dma_wait3A_525 = tpu.memref_slice %arg6[%dma_wait3A_517, %dma_wait3A_518, %dma_wait3A_524] : memref<2x16x128xi32, #tpu.memory_space<vmem>> -> memref<1x1x128xi32, #tpu.memory_space<vmem>>
      %dma_wait3A_526 = tpu.memref_squeeze %dma_wait3A_525 : memref<1x1x128xi32, #tpu.memory_space<vmem>> -> memref<128xi32, #tpu.memory_space<vmem>>
      %dma_wait3A_527 = arith.constant 0 : i32
      %dma_wait3A_528 = arith.constant 0 : i32
      %dma_wait3A_529 = tpu.memref_slice %arg2[%dma_wait3A_527, %dma_wait3A_528] : memref<4194304x16xf32, #tpu.memory_space<hbm>> -> memref<4194304x16xf32, #tpu.memory_space<hbm>>
      tpu.wait_indirect_dma semaphore(%arg14 : memref<!tpu.dma_semaphore, #tpu.memory_space<semaphore_mem>>) src(%dma_wait3A_529 : memref<4194304x16xf32, #tpu.memory_space<hbm>>) dst(%dma_wait3A_523 : memref<128x16xf32, #tpu.memory_space<vmem>>)
      %dma_wait3A_530 = arith.constant 0 : i32
      %dma_wait3A_531 = arith.constant 11 : i32
      %dma_wait3A_532 = arith.constant 0 : i32
      %dma_wait3A_533 = arith.constant 1408 : i32
      %dma_wait3A_534 = arith.constant 0 : i32
      %dma_wait3A_535 = tpu.memref_slice %arg8[%dma_wait3A_532, %dma_wait3A_533, %dma_wait3A_534] : memref<2x2048x16xf32, #tpu.memory_space<vmem>> -> memref<1x128x16xf32, #tpu.memory_space<vmem>>
      %dma_wait3A_536 = tpu.memref_squeeze %dma_wait3A_535 : memref<1x128x16xf32, #tpu.memory_space<vmem>> -> memref<128x16xf32, #tpu.memory_space<vmem>>
      %dma_wait3A_537 = arith.constant 0 : i32
      %dma_wait3A_538 = tpu.memref_slice %arg6[%dma_wait3A_530, %dma_wait3A_531, %dma_wait3A_537] : memref<2x16x128xi32, #tpu.memory_space<vmem>> -> memref<1x1x128xi32, #tpu.memory_space<vmem>>
      %dma_wait3A_539 = tpu.memref_squeeze %dma_wait3A_538 : memref<1x1x128xi32, #tpu.memory_space<vmem>> -> memref<128xi32, #tpu.memory_space<vmem>>
      %dma_wait3A_540 = arith.constant 0 : i32
      %dma_wait3A_541 = arith.constant 0 : i32
      %dma_wait3A_542 = tpu.memref_slice %arg2[%dma_wait3A_540, %dma_wait3A_541] : memref<4194304x16xf32, #tpu.memory_space<hbm>> -> memref<4194304x16xf32, #tpu.memory_space<hbm>>
      tpu.wait_indirect_dma semaphore(%arg14 : memref<!tpu.dma_semaphore, #tpu.memory_space<semaphore_mem>>) src(%dma_wait3A_542 : memref<4194304x16xf32, #tpu.memory_space<hbm>>) dst(%dma_wait3A_536 : memref<128x16xf32, #tpu.memory_space<vmem>>)
      %dma_wait3A_543 = arith.constant 0 : i32
      %dma_wait3A_544 = arith.constant 12 : i32
      %dma_wait3A_545 = arith.constant 0 : i32
      %dma_wait3A_546 = arith.constant 1536 : i32
      %dma_wait3A_547 = arith.constant 0 : i32
      %dma_wait3A_548 = tpu.memref_slice %arg8[%dma_wait3A_545, %dma_wait3A_546, %dma_wait3A_547] : memref<2x2048x16xf32, #tpu.memory_space<vmem>> -> memref<1x128x16xf32, #tpu.memory_space<vmem>>
      %dma_wait3A_549 = tpu.memref_squeeze %dma_wait3A_548 : memref<1x128x16xf32, #tpu.memory_space<vmem>> -> memref<128x16xf32, #tpu.memory_space<vmem>>
      %dma_wait3A_550 = arith.constant 0 : i32
      %dma_wait3A_551 = tpu.memref_slice %arg6[%dma_wait3A_543, %dma_wait3A_544, %dma_wait3A_550] : memref<2x16x128xi32, #tpu.memory_space<vmem>> -> memref<1x1x128xi32, #tpu.memory_space<vmem>>
      %dma_wait3A_552 = tpu.memref_squeeze %dma_wait3A_551 : memref<1x1x128xi32, #tpu.memory_space<vmem>> -> memref<128xi32, #tpu.memory_space<vmem>>
      %dma_wait3A_553 = arith.constant 0 : i32
      %dma_wait3A_554 = arith.constant 0 : i32
      %dma_wait3A_555 = tpu.memref_slice %arg2[%dma_wait3A_553, %dma_wait3A_554] : memref<4194304x16xf32, #tpu.memory_space<hbm>> -> memref<4194304x16xf32, #tpu.memory_space<hbm>>
      tpu.wait_indirect_dma semaphore(%arg14 : memref<!tpu.dma_semaphore, #tpu.memory_space<semaphore_mem>>) src(%dma_wait3A_555 : memref<4194304x16xf32, #tpu.memory_space<hbm>>) dst(%dma_wait3A_549 : memref<128x16xf32, #tpu.memory_space<vmem>>)
      %dma_wait3A_556 = arith.constant 0 : i32
      %dma_wait3A_557 = arith.constant 13 : i32
      %dma_wait3A_558 = arith.constant 0 : i32
      %dma_wait3A_559 = arith.constant 1664 : i32
      %dma_wait3A_560 = arith.constant 0 : i32
      %dma_wait3A_561 = tpu.memref_slice %arg8[%dma_wait3A_558, %dma_wait3A_559, %dma_wait3A_560] : memref<2x2048x16xf32, #tpu.memory_space<vmem>> -> memref<1x128x16xf32, #tpu.memory_space<vmem>>
      %dma_wait3A_562 = tpu.memref_squeeze %dma_wait3A_561 : memref<1x128x16xf32, #tpu.memory_space<vmem>> -> memref<128x16xf32, #tpu.memory_space<vmem>>
      %dma_wait3A_563 = arith.constant 0 : i32
      %dma_wait3A_564 = tpu.memref_slice %arg6[%dma_wait3A_556, %dma_wait3A_557, %dma_wait3A_563] : memref<2x16x128xi32, #tpu.memory_space<vmem>> -> memref<1x1x128xi32, #tpu.memory_space<vmem>>
      %dma_wait3A_565 = tpu.memref_squeeze %dma_wait3A_564 : memref<1x1x128xi32, #tpu.memory_space<vmem>> -> memref<128xi32, #tpu.memory_space<vmem>>
      %dma_wait3A_566 = arith.constant 0 : i32
      %dma_wait3A_567 = arith.constant 0 : i32
      %dma_wait3A_568 = tpu.memref_slice %arg2[%dma_wait3A_566, %dma_wait3A_567] : memref<4194304x16xf32, #tpu.memory_space<hbm>> -> memref<4194304x16xf32, #tpu.memory_space<hbm>>
      tpu.wait_indirect_dma semaphore(%arg14 : memref<!tpu.dma_semaphore, #tpu.memory_space<semaphore_mem>>) src(%dma_wait3A_568 : memref<4194304x16xf32, #tpu.memory_space<hbm>>) dst(%dma_wait3A_562 : memref<128x16xf32, #tpu.memory_space<vmem>>)
      %dma_wait3A_569 = arith.constant 0 : i32
      %dma_wait3A_570 = arith.constant 14 : i32
      %dma_wait3A_571 = arith.constant 0 : i32
      %dma_wait3A_572 = arith.constant 1792 : i32
      %dma_wait3A_573 = arith.constant 0 : i32
      %dma_wait3A_574 = tpu.memref_slice %arg8[%dma_wait3A_571, %dma_wait3A_572, %dma_wait3A_573] : memref<2x2048x16xf32, #tpu.memory_space<vmem>> -> memref<1x128x16xf32, #tpu.memory_space<vmem>>
      %dma_wait3A_575 = tpu.memref_squeeze %dma_wait3A_574 : memref<1x128x16xf32, #tpu.memory_space<vmem>> -> memref<128x16xf32, #tpu.memory_space<vmem>>
      %dma_wait3A_576 = arith.constant 0 : i32
      %dma_wait3A_577 = tpu.memref_slice %arg6[%dma_wait3A_569, %dma_wait3A_570, %dma_wait3A_576] : memref<2x16x128xi32, #tpu.memory_space<vmem>> -> memref<1x1x128xi32, #tpu.memory_space<vmem>>
      %dma_wait3A_578 = tpu.memref_squeeze %dma_wait3A_577 : memref<1x1x128xi32, #tpu.memory_space<vmem>> -> memref<128xi32, #tpu.memory_space<vmem>>
      %dma_wait3A_579 = arith.constant 0 : i32
      %dma_wait3A_580 = arith.constant 0 : i32
      %dma_wait3A_581 = tpu.memref_slice %arg2[%dma_wait3A_579, %dma_wait3A_580] : memref<4194304x16xf32, #tpu.memory_space<hbm>> -> memref<4194304x16xf32, #tpu.memory_space<hbm>>
      tpu.wait_indirect_dma semaphore(%arg14 : memref<!tpu.dma_semaphore, #tpu.memory_space<semaphore_mem>>) src(%dma_wait3A_581 : memref<4194304x16xf32, #tpu.memory_space<hbm>>) dst(%dma_wait3A_575 : memref<128x16xf32, #tpu.memory_space<vmem>>)
      %dma_wait3A_582 = arith.constant 0 : i32
      %dma_wait3A_583 = arith.constant 15 : i32
      %dma_wait3A_584 = arith.constant 0 : i32
      %dma_wait3A_585 = arith.constant 1920 : i32
      %dma_wait3A_586 = arith.constant 0 : i32
      %dma_wait3A_587 = tpu.memref_slice %arg8[%dma_wait3A_584, %dma_wait3A_585, %dma_wait3A_586] : memref<2x2048x16xf32, #tpu.memory_space<vmem>> -> memref<1x128x16xf32, #tpu.memory_space<vmem>>
      %dma_wait3A_588 = tpu.memref_squeeze %dma_wait3A_587 : memref<1x128x16xf32, #tpu.memory_space<vmem>> -> memref<128x16xf32, #tpu.memory_space<vmem>>
      %dma_wait3A_589 = arith.constant 0 : i32
      %dma_wait3A_590 = tpu.memref_slice %arg6[%dma_wait3A_582, %dma_wait3A_583, %dma_wait3A_589] : memref<2x16x128xi32, #tpu.memory_space<vmem>> -> memref<1x1x128xi32, #tpu.memory_space<vmem>>
      %dma_wait3A_591 = tpu.memref_squeeze %dma_wait3A_590 : memref<1x1x128xi32, #tpu.memory_space<vmem>> -> memref<128xi32, #tpu.memory_space<vmem>>
      %dma_wait3A_592 = arith.constant 0 : i32
      %dma_wait3A_593 = arith.constant 0 : i32
      %dma_wait3A_594 = tpu.memref_slice %arg2[%dma_wait3A_592, %dma_wait3A_593] : memref<4194304x16xf32, #tpu.memory_space<hbm>> -> memref<4194304x16xf32, #tpu.memory_space<hbm>>
      tpu.wait_indirect_dma semaphore(%arg14 : memref<!tpu.dma_semaphore, #tpu.memory_space<semaphore_mem>>) src(%dma_wait3A_594 : memref<4194304x16xf32, #tpu.memory_space<hbm>>) dst(%dma_wait3A_588 : memref<128x16xf32, #tpu.memory_space<vmem>>)
      %add3A_595 = arith.constant 2 : i32
      %add3A_596 = arith.addi %add3A_381, %add3A_595 : i32
      %lt3A_597 = arith.constant 64 : i32
      %lt3A_598 = arith.cmpi slt, %add3A_596, %lt3A_597 : i32
      %convert_element_type3A_599 = arith.extui %lt3A_598 : i1 to i32
      %cond3A_600 = arith.constant 0 : i32
      %cond3A_601 = arith.cmpi ne, %convert_element_type3A_599, %cond3A_600 : i32
      scf.if %cond3A_601 {
        %add3A_959 = arith.constant 2 : i32
        %add3A_960 = arith.addi %add3A_382, %add3A_959 : i32
        %mul3A_961 = arith.constant 16 : i32
        %mul3A_962 = arith.muli %add3A_960, %mul3A_961 : i32
        %multiple_of3A_963 = tpu.assume_multiple %mul3A_962, 16 : i32
        %dma_start3A_964 = arith.constant 0 : i32
        %dma_start3A_965 = arith.constant 0 : i32
        %dma_start3A_966 = arith.constant 0 : i32
        %dma_start3A_967 = tpu.memref_slice %arg6[%dma_start3A_964, %dma_start3A_965, %dma_start3A_966] : memref<2x16x128xi32, #tpu.memory_space<vmem>> -> memref<1x16x128xi32, #tpu.memory_space<vmem>>
        %dma_start3A_968 = tpu.memref_squeeze %dma_start3A_967 : memref<1x16x128xi32, #tpu.memory_space<vmem>> -> memref<16x128xi32, #tpu.memory_space<vmem>>
        %dma_start3A_969 = arith.constant 0 : i32
        %dma_start3A_970 = tpu.memref_slice %arg3[%multiple_of3A_963, %dma_start3A_969] : memref<32768x128xi32, #tpu.memory_space<hbm>> -> memref<16x128xi32, #tpu.memory_space<hbm>>
        %dma_start3A_971 = arith.constant 0 : i32
        %dma_start3A_972 = arith.constant 0 : i32
        %dma_start3A_973 = tpu.memref_slice %arg6[%dma_start3A_964, %dma_start3A_971, %dma_start3A_972] : memref<2x16x128xi32, #tpu.memory_space<vmem>> -> memref<1x16x128xi32, #tpu.memory_space<vmem>>
        %dma_start3A_974 = tpu.memref_squeeze %dma_start3A_973 : memref<1x16x128xi32, #tpu.memory_space<vmem>> -> memref<16x128xi32, #tpu.memory_space<vmem>>
        %dma_start3A_975 = arith.constant 0 : i32
        %dma_start3A_976 = tpu.memref_slice %arg3[%multiple_of3A_963, %dma_start3A_975] : memref<32768x128xi32, #tpu.memory_space<hbm>> -> memref<16x128xi32, #tpu.memory_space<hbm>>
        tpu.enqueue_dma source(%dma_start3A_976 : memref<16x128xi32, #tpu.memory_space<hbm>>) target(%dma_start3A_974 : memref<16x128xi32, #tpu.memory_space<vmem>>) target_semaphore(%arg10 : memref<!tpu.dma_semaphore, #tpu.memory_space<semaphore_mem>>)
      } else {
      }
      %ge3A = arith.constant 2 : i32
      %ge3A_602 = arith.cmpi sge, %add3A_381, %ge3A : i32
      %convert_element_type3A_603 = arith.extui %ge3A_602 : i1 to i32
      %cond3A_604 = arith.constant 0 : i32
      %cond3A_605 = arith.cmpi ne, %convert_element_type3A_603, %cond3A_604 : i32
      scf.if %cond3A_605 {
        %sub3A_959 = arith.constant 2 : i32
        %sub3A_960 = arith.subi %add3A_382, %sub3A_959 : i32
        %dma_wait3A_961 = arith.constant 0 : i32
        %dma_wait3A_962 = arith.constant 0 : i32
        %dma_wait3A_963 = arith.constant 0 : i32
        %dma_wait3A_964 = arith.constant 0 : i32
        %dma_wait3A_965 = tpu.memref_slice %arg9[%dma_wait3A_961, %dma_wait3A_963, %dma_wait3A_964] : memref<2x16x128xf32, #tpu.memory_space<vmem>> -> memref<1x8x128xf32, #tpu.memory_space<vmem>>
        %dma_wait3A_966 = tpu.memref_squeeze %dma_wait3A_965 : memref<1x8x128xf32, #tpu.memory_space<vmem>> -> memref<8x128xf32, #tpu.memory_space<vmem>>
        %dma_wait3A_967 = arith.constant 0 : i32
        %dma_wait3A_968 = arith.constant 0 : i32
        %dma_wait3A_969 = tpu.memref_slice %arg5[%dma_wait3A_962, %sub3A_960, %dma_wait3A_967, %dma_wait3A_968] : memref<2x2048x8x128xf32, #tpu.memory_space<hbm>> -> memref<1x1x8x128xf32, #tpu.memory_space<hbm>>
        %dma_wait3A_970 = tpu.memref_squeeze %dma_wait3A_969 : memref<1x1x8x128xf32, #tpu.memory_space<hbm>> -> memref<8x128xf32, #tpu.memory_space<hbm>>
        %dma_wait3A_971 = arith.constant 0 : i32
        %dma_wait3A_972 = arith.constant 0 : i32
        %dma_wait3A_973 = tpu.memref_slice %arg5[%dma_wait3A_962, %sub3A_960, %dma_wait3A_971, %dma_wait3A_972] : memref<2x2048x8x128xf32, #tpu.memory_space<hbm>> -> memref<1x1x8x128xf32, #tpu.memory_space<hbm>>
        %dma_wait3A_974 = tpu.memref_squeeze %dma_wait3A_973 : memref<1x1x8x128xf32, #tpu.memory_space<hbm>> -> memref<8x128xf32, #tpu.memory_space<hbm>>
        %dma_wait3A_975 = arith.constant 0 : i32
        %dma_wait3A_976 = arith.constant 0 : i32
        %dma_wait3A_977 = tpu.memref_slice %arg9[%dma_wait3A_961, %dma_wait3A_975, %dma_wait3A_976] : memref<2x16x128xf32, #tpu.memory_space<vmem>> -> memref<1x8x128xf32, #tpu.memory_space<vmem>>
        %dma_wait3A_978 = tpu.memref_squeeze %dma_wait3A_977 : memref<1x8x128xf32, #tpu.memory_space<vmem>> -> memref<8x128xf32, #tpu.memory_space<vmem>>
        tpu.wait_dma2 semaphore(%arg16 : memref<!tpu.dma_semaphore, #tpu.memory_space<semaphore_mem>>) src(%dma_wait3A_978 : memref<8x128xf32, #tpu.memory_space<vmem>>) dst(%dma_wait3A_974 : memref<8x128xf32, #tpu.memory_space<hbm>>)
        %dma_wait3A_979 = arith.constant 0 : i32
        %dma_wait3A_980 = arith.constant 1 : i32
        %dma_wait3A_981 = arith.constant 8 : i32
        %dma_wait3A_982 = arith.constant 0 : i32
        %dma_wait3A_983 = tpu.memref_slice %arg9[%dma_wait3A_979, %dma_wait3A_981, %dma_wait3A_982] : memref<2x16x128xf32, #tpu.memory_space<vmem>> -> memref<1x8x128xf32, #tpu.memory_space<vmem>>
        %dma_wait3A_984 = tpu.memref_squeeze %dma_wait3A_983 : memref<1x8x128xf32, #tpu.memory_space<vmem>> -> memref<8x128xf32, #tpu.memory_space<vmem>>
        %dma_wait3A_985 = arith.constant 0 : i32
        %dma_wait3A_986 = arith.constant 0 : i32
        %dma_wait3A_987 = tpu.memref_slice %arg5[%dma_wait3A_980, %sub3A_960, %dma_wait3A_985, %dma_wait3A_986] : memref<2x2048x8x128xf32, #tpu.memory_space<hbm>> -> memref<1x1x8x128xf32, #tpu.memory_space<hbm>>
        %dma_wait3A_988 = tpu.memref_squeeze %dma_wait3A_987 : memref<1x1x8x128xf32, #tpu.memory_space<hbm>> -> memref<8x128xf32, #tpu.memory_space<hbm>>
        %dma_wait3A_989 = arith.constant 0 : i32
        %dma_wait3A_990 = arith.constant 0 : i32
        %dma_wait3A_991 = tpu.memref_slice %arg5[%dma_wait3A_980, %sub3A_960, %dma_wait3A_989, %dma_wait3A_990] : memref<2x2048x8x128xf32, #tpu.memory_space<hbm>> -> memref<1x1x8x128xf32, #tpu.memory_space<hbm>>
        %dma_wait3A_992 = tpu.memref_squeeze %dma_wait3A_991 : memref<1x1x8x128xf32, #tpu.memory_space<hbm>> -> memref<8x128xf32, #tpu.memory_space<hbm>>
        %dma_wait3A_993 = arith.constant 8 : i32
        %dma_wait3A_994 = arith.constant 0 : i32
        %dma_wait3A_995 = tpu.memref_slice %arg9[%dma_wait3A_979, %dma_wait3A_993, %dma_wait3A_994] : memref<2x16x128xf32, #tpu.memory_space<vmem>> -> memref<1x8x128xf32, #tpu.memory_space<vmem>>
        %dma_wait3A_996 = tpu.memref_squeeze %dma_wait3A_995 : memref<1x8x128xf32, #tpu.memory_space<vmem>> -> memref<8x128xf32, #tpu.memory_space<vmem>>
        tpu.wait_dma2 semaphore(%arg16 : memref<!tpu.dma_semaphore, #tpu.memory_space<semaphore_mem>>) src(%dma_wait3A_996 : memref<8x128xf32, #tpu.memory_space<vmem>>) dst(%dma_wait3A_992 : memref<8x128xf32, #tpu.memory_space<hbm>>)
      } else {
      }
      %mul3A_606 = arith.constant 16 : i32
      %mul3A_607 = arith.muli %add3A_382, %mul3A_606 : i32
      %multiple_of3A_608 = tpu.assume_multiple %mul3A_607, 16 : i32
      %dma_wait3A_609 = arith.constant 0 : i32
      %dma_wait3A_610 = arith.constant 0 : i32
      %dma_wait3A_611 = arith.constant 0 : i32
      %dma_wait3A_612 = tpu.memref_slice %arg7[%dma_wait3A_609, %dma_wait3A_610, %dma_wait3A_611] : memref<2x16x128xf32, #tpu.memory_space<vmem>> -> memref<1x16x128xf32, #tpu.memory_space<vmem>>
      %dma_wait3A_613 = tpu.memref_squeeze %dma_wait3A_612 : memref<1x16x128xf32, #tpu.memory_space<vmem>> -> memref<16x128xf32, #tpu.memory_space<vmem>>
      %dma_wait3A_614 = arith.constant 0 : i32
      %dma_wait3A_615 = tpu.memref_slice %arg4[%multiple_of3A_608, %dma_wait3A_614] : memref<32768x128xf32, #tpu.memory_space<hbm>> -> memref<16x128xf32, #tpu.memory_space<hbm>>
      %dma_wait3A_616 = arith.constant 0 : i32
      %dma_wait3A_617 = arith.constant 0 : i32
      %dma_wait3A_618 = tpu.memref_slice %arg7[%dma_wait3A_609, %dma_wait3A_616, %dma_wait3A_617] : memref<2x16x128xf32, #tpu.memory_space<vmem>> -> memref<1x16x128xf32, #tpu.memory_space<vmem>>
      %dma_wait3A_619 = tpu.memref_squeeze %dma_wait3A_618 : memref<1x16x128xf32, #tpu.memory_space<vmem>> -> memref<16x128xf32, #tpu.memory_space<vmem>>
      %dma_wait3A_620 = arith.constant 0 : i32
      %dma_wait3A_621 = tpu.memref_slice %arg4[%multiple_of3A_608, %dma_wait3A_620] : memref<32768x128xf32, #tpu.memory_space<hbm>> -> memref<16x128xf32, #tpu.memory_space<hbm>>
      tpu.wait_dma2 semaphore(%arg12 : memref<!tpu.dma_semaphore, #tpu.memory_space<semaphore_mem>>) src(%dma_wait3A_621 : memref<16x128xf32, #tpu.memory_space<hbm>>) dst(%dma_wait3A_619 : memref<16x128xf32, #tpu.memory_space<vmem>>)
      %parallel_loop3A = arith.constant 0 : i32
      %parallel_loop3A_622 = arith.constant 128 : i32
      %parallel_loop3A_623 = arith.constant 1 : i32
      scf.for %parallel_loop3A_959 = %parallel_loop3A to %parallel_loop3A_622 step %parallel_loop3A_623  : i32 {
        %parallel_loop3A_960 = vector.broadcast %parallel_loop3A_959 : i32 to vector<16xi32>
        %parallel_loop3A_961 = arith.constant 0 : i32
        %parallel_loop3A_962 = arith.constant 0 : i32
        %parallel_loop3A_963 = arith.constant 0 : i32
        %parallel_loop3A_964 = tpu.memref_slice %arg7[%parallel_loop3A_961, %parallel_loop3A_962, %parallel_loop3A_963] : memref<2x16x128xf32, #tpu.memory_space<vmem>> -> memref<1x16x128xf32, #tpu.memory_space<vmem>>
        %parallel_loop3A_965 = tpu.memref_squeeze %parallel_loop3A_964 : memref<1x16x128xf32, #tpu.memory_space<vmem>> -> memref<16x128xf32, #tpu.memory_space<vmem>>
        %parallel_loop3A_966 = tpu.vector_load_idx %parallel_loop3A_965[%iota3A, %parallel_loop3A_960] : memref<16x128xf32, #tpu.memory_space<vmem>>[vector<16xi32>, vector<16xi32>], vector<16xf32>,
        %parallel_loop3A_967 = arith.constant 0 : i32
        %parallel_loop3A_968 = arith.addi %parallel_loop3A_967, %parallel_loop3A_959 : i32
        %parallel_loop3A_969 = arith.constant 0 : i32
        %parallel_loop3A_970 = arith.index_cast %parallel_loop3A_969 : i32 to index
        %parallel_loop3A_971 = arith.index_cast %parallel_loop3A_968 : i32 to index
        %parallel_loop3A_972 = arith.constant 0 : index
        %parallel_loop3A_973 = tpu.vector_load %arg8[%parallel_loop3A_970, %parallel_loop3A_971, %parallel_loop3A_972] {strides = array<i32>} : memref<2x2048x16xf32, #tpu.memory_space<vmem>>, vector<16xf32>,
        %parallel_loop3A_974 = arith.constant 0 : i32
        %parallel_loop3A_975 = vector.broadcast %parallel_loop3A_974 : i32 to vector<16x1xi32>
        %parallel_loop3A_976 = vector.shape_cast %parallel_loop3A_975 : vector<16x1xi32> to vector<16xi32>
        %parallel_loop3A_977 = tpu.dynamic_gather %parallel_loop3A_966[%parallel_loop3A_976] in [0] : vector<16xf32>, vector<16xi32> -> vector<16xf32>
        %parallel_loop3A_978 = arith.mulf %parallel_loop3A_973, %parallel_loop3A_977 : vector<16xf32>
        %parallel_loop3A_979 = arith.constant 128 : i32
        %parallel_loop3A_980 = arith.addi %parallel_loop3A_979, %parallel_loop3A_959 : i32
        %parallel_loop3A_981 = arith.constant 0 : i32
        %parallel_loop3A_982 = arith.index_cast %parallel_loop3A_981 : i32 to index
        %parallel_loop3A_983 = arith.index_cast %parallel_loop3A_980 : i32 to index
        %parallel_loop3A_984 = arith.constant 0 : index
        %parallel_loop3A_985 = tpu.vector_load %arg8[%parallel_loop3A_982, %parallel_loop3A_983, %parallel_loop3A_984] {strides = array<i32>} : memref<2x2048x16xf32, #tpu.memory_space<vmem>>, vector<16xf32>,
        %parallel_loop3A_986 = arith.constant 1 : i32
        %parallel_loop3A_987 = vector.broadcast %parallel_loop3A_986 : i32 to vector<16x1xi32>
        %parallel_loop3A_988 = vector.shape_cast %parallel_loop3A_987 : vector<16x1xi32> to vector<16xi32>
        %parallel_loop3A_989 = tpu.dynamic_gather %parallel_loop3A_966[%parallel_loop3A_988] in [0] : vector<16xf32>, vector<16xi32> -> vector<16xf32>
        %parallel_loop3A_990 = arith.mulf %parallel_loop3A_985, %parallel_loop3A_989 : vector<16xf32>
        %parallel_loop3A_991 = arith.constant 256 : i32
        %parallel_loop3A_992 = arith.addi %parallel_loop3A_991, %parallel_loop3A_959 : i32
        %parallel_loop3A_993 = arith.constant 0 : i32
        %parallel_loop3A_994 = arith.index_cast %parallel_loop3A_993 : i32 to index
        %parallel_loop3A_995 = arith.index_cast %parallel_loop3A_992 : i32 to index
        %parallel_loop3A_996 = arith.constant 0 : index
        %parallel_loop3A_997 = tpu.vector_load %arg8[%parallel_loop3A_994, %parallel_loop3A_995, %parallel_loop3A_996] {strides = array<i32>} : memref<2x2048x16xf32, #tpu.memory_space<vmem>>, vector<16xf32>,
        %parallel_loop3A_998 = arith.constant 2 : i32
        %parallel_loop3A_999 = vector.broadcast %parallel_loop3A_998 : i32 to vector<16x1xi32>
        %parallel_loop3A_1000 = vector.shape_cast %parallel_loop3A_999 : vector<16x1xi32> to vector<16xi32>
        %parallel_loop3A_1001 = tpu.dynamic_gather %parallel_loop3A_966[%parallel_loop3A_1000] in [0] : vector<16xf32>, vector<16xi32> -> vector<16xf32>
        %parallel_loop3A_1002 = arith.mulf %parallel_loop3A_997, %parallel_loop3A_1001 : vector<16xf32>
        %parallel_loop3A_1003 = arith.constant 384 : i32
        %parallel_loop3A_1004 = arith.addi %parallel_loop3A_1003, %parallel_loop3A_959 : i32
        %parallel_loop3A_1005 = arith.constant 0 : i32
        %parallel_loop3A_1006 = arith.index_cast %parallel_loop3A_1005 : i32 to index
        %parallel_loop3A_1007 = arith.index_cast %parallel_loop3A_1004 : i32 to index
        %parallel_loop3A_1008 = arith.constant 0 : index
        %parallel_loop3A_1009 = tpu.vector_load %arg8[%parallel_loop3A_1006, %parallel_loop3A_1007, %parallel_loop3A_1008] {strides = array<i32>} : memref<2x2048x16xf32, #tpu.memory_space<vmem>>, vector<16xf32>,
        %parallel_loop3A_1010 = arith.constant 3 : i32
        %parallel_loop3A_1011 = vector.broadcast %parallel_loop3A_1010 : i32 to vector<16x1xi32>
        %parallel_loop3A_1012 = vector.shape_cast %parallel_loop3A_1011 : vector<16x1xi32> to vector<16xi32>
        %parallel_loop3A_1013 = tpu.dynamic_gather %parallel_loop3A_966[%parallel_loop3A_1012] in [0] : vector<16xf32>, vector<16xi32> -> vector<16xf32>
        %parallel_loop3A_1014 = arith.mulf %parallel_loop3A_1009, %parallel_loop3A_1013 : vector<16xf32>
        %parallel_loop3A_1015 = arith.constant 512 : i32
        %parallel_loop3A_1016 = arith.addi %parallel_loop3A_1015, %parallel_loop3A_959 : i32
        %parallel_loop3A_1017 = arith.constant 0 : i32
        %parallel_loop3A_1018 = arith.index_cast %parallel_loop3A_1017 : i32 to index
        %parallel_loop3A_1019 = arith.index_cast %parallel_loop3A_1016 : i32 to index
        %parallel_loop3A_1020 = arith.constant 0 : index
        %parallel_loop3A_1021 = tpu.vector_load %arg8[%parallel_loop3A_1018, %parallel_loop3A_1019, %parallel_loop3A_1020] {strides = array<i32>} : memref<2x2048x16xf32, #tpu.memory_space<vmem>>, vector<16xf32>,
        %parallel_loop3A_1022 = arith.constant 4 : i32
        %parallel_loop3A_1023 = vector.broadcast %parallel_loop3A_1022 : i32 to vector<16x1xi32>
        %parallel_loop3A_1024 = vector.shape_cast %parallel_loop3A_1023 : vector<16x1xi32> to vector<16xi32>
        %parallel_loop3A_1025 = tpu.dynamic_gather %parallel_loop3A_966[%parallel_loop3A_1024] in [0] : vector<16xf32>, vector<16xi32> -> vector<16xf32>
        %parallel_loop3A_1026 = arith.mulf %parallel_loop3A_1021, %parallel_loop3A_1025 : vector<16xf32>
        %parallel_loop3A_1027 = arith.constant 640 : i32
        %parallel_loop3A_1028 = arith.addi %parallel_loop3A_1027, %parallel_loop3A_959 : i32
        %parallel_loop3A_1029 = arith.constant 0 : i32
        %parallel_loop3A_1030 = arith.index_cast %parallel_loop3A_1029 : i32 to index
        %parallel_loop3A_1031 = arith.index_cast %parallel_loop3A_1028 : i32 to index
        %parallel_loop3A_1032 = arith.constant 0 : index
        %parallel_loop3A_1033 = tpu.vector_load %arg8[%parallel_loop3A_1030, %parallel_loop3A_1031, %parallel_loop3A_1032] {strides = array<i32>} : memref<2x2048x16xf32, #tpu.memory_space<vmem>>, vector<16xf32>,
        %parallel_loop3A_1034 = arith.constant 5 : i32
        %parallel_loop3A_1035 = vector.broadcast %parallel_loop3A_1034 : i32 to vector<16x1xi32>
        %parallel_loop3A_1036 = vector.shape_cast %parallel_loop3A_1035 : vector<16x1xi32> to vector<16xi32>
        %parallel_loop3A_1037 = tpu.dynamic_gather %parallel_loop3A_966[%parallel_loop3A_1036] in [0] : vector<16xf32>, vector<16xi32> -> vector<16xf32>
        %parallel_loop3A_1038 = arith.mulf %parallel_loop3A_1033, %parallel_loop3A_1037 : vector<16xf32>
        %parallel_loop3A_1039 = arith.constant 768 : i32
        %parallel_loop3A_1040 = arith.addi %parallel_loop3A_1039, %parallel_loop3A_959 : i32
        %parallel_loop3A_1041 = arith.constant 0 : i32
        %parallel_loop3A_1042 = arith.index_cast %parallel_loop3A_1041 : i32 to index
        %parallel_loop3A_1043 = arith.index_cast %parallel_loop3A_1040 : i32 to index
        %parallel_loop3A_1044 = arith.constant 0 : index
        %parallel_loop3A_1045 = tpu.vector_load %arg8[%parallel_loop3A_1042, %parallel_loop3A_1043, %parallel_loop3A_1044] {strides = array<i32>} : memref<2x2048x16xf32, #tpu.memory_space<vmem>>, vector<16xf32>,
        %parallel_loop3A_1046 = arith.constant 6 : i32
        %parallel_loop3A_1047 = vector.broadcast %parallel_loop3A_1046 : i32 to vector<16x1xi32>
        %parallel_loop3A_1048 = vector.shape_cast %parallel_loop3A_1047 : vector<16x1xi32> to vector<16xi32>
        %parallel_loop3A_1049 = tpu.dynamic_gather %parallel_loop3A_966[%parallel_loop3A_1048] in [0] : vector<16xf32>, vector<16xi32> -> vector<16xf32>
        %parallel_loop3A_1050 = arith.mulf %parallel_loop3A_1045, %parallel_loop3A_1049 : vector<16xf32>
        %parallel_loop3A_1051 = arith.constant 896 : i32
        %parallel_loop3A_1052 = arith.addi %parallel_loop3A_1051, %parallel_loop3A_959 : i32
        %parallel_loop3A_1053 = arith.constant 0 : i32
        %parallel_loop3A_1054 = arith.index_cast %parallel_loop3A_1053 : i32 to index
        %parallel_loop3A_1055 = arith.index_cast %parallel_loop3A_1052 : i32 to index
        %parallel_loop3A_1056 = arith.constant 0 : index
        %parallel_loop3A_1057 = tpu.vector_load %arg8[%parallel_loop3A_1054, %parallel_loop3A_1055, %parallel_loop3A_1056] {strides = array<i32>} : memref<2x2048x16xf32, #tpu.memory_space<vmem>>, vector<16xf32>,
        %parallel_loop3A_1058 = arith.constant 7 : i32
        %parallel_loop3A_1059 = vector.broadcast %parallel_loop3A_1058 : i32 to vector<16x1xi32>
        %parallel_loop3A_1060 = vector.shape_cast %parallel_loop3A_1059 : vector<16x1xi32> to vector<16xi32>
        %parallel_loop3A_1061 = tpu.dynamic_gather %parallel_loop3A_966[%parallel_loop3A_1060] in [0] : vector<16xf32>, vector<16xi32> -> vector<16xf32>
        %parallel_loop3A_1062 = arith.mulf %parallel_loop3A_1057, %parallel_loop3A_1061 : vector<16xf32>
        %parallel_loop3A_1063 = arith.constant 1024 : i32
        %parallel_loop3A_1064 = arith.addi %parallel_loop3A_1063, %parallel_loop3A_959 : i32
        %parallel_loop3A_1065 = arith.constant 0 : i32
        %parallel_loop3A_1066 = arith.index_cast %parallel_loop3A_1065 : i32 to index
        %parallel_loop3A_1067 = arith.index_cast %parallel_loop3A_1064 : i32 to index
        %parallel_loop3A_1068 = arith.constant 0 : index
        %parallel_loop3A_1069 = tpu.vector_load %arg8[%parallel_loop3A_1066, %parallel_loop3A_1067, %parallel_loop3A_1068] {strides = array<i32>} : memref<2x2048x16xf32, #tpu.memory_space<vmem>>, vector<16xf32>,
        %parallel_loop3A_1070 = arith.constant 8 : i32
        %parallel_loop3A_1071 = vector.broadcast %parallel_loop3A_1070 : i32 to vector<16x1xi32>
        %parallel_loop3A_1072 = vector.shape_cast %parallel_loop3A_1071 : vector<16x1xi32> to vector<16xi32>
        %parallel_loop3A_1073 = tpu.dynamic_gather %parallel_loop3A_966[%parallel_loop3A_1072] in [0] : vector<16xf32>, vector<16xi32> -> vector<16xf32>
        %parallel_loop3A_1074 = arith.mulf %parallel_loop3A_1069, %parallel_loop3A_1073 : vector<16xf32>
        %parallel_loop3A_1075 = arith.constant 1152 : i32
        %parallel_loop3A_1076 = arith.addi %parallel_loop3A_1075, %parallel_loop3A_959 : i32
        %parallel_loop3A_1077 = arith.constant 0 : i32
        %parallel_loop3A_1078 = arith.index_cast %parallel_loop3A_1077 : i32 to index
        %parallel_loop3A_1079 = arith.index_cast %parallel_loop3A_1076 : i32 to index
        %parallel_loop3A_1080 = arith.constant 0 : index
        %parallel_loop3A_1081 = tpu.vector_load %arg8[%parallel_loop3A_1078, %parallel_loop3A_1079, %parallel_loop3A_1080] {strides = array<i32>} : memref<2x2048x16xf32, #tpu.memory_space<vmem>>, vector<16xf32>,
        %parallel_loop3A_1082 = arith.constant 9 : i32
        %parallel_loop3A_1083 = vector.broadcast %parallel_loop3A_1082 : i32 to vector<16x1xi32>
        %parallel_loop3A_1084 = vector.shape_cast %parallel_loop3A_1083 : vector<16x1xi32> to vector<16xi32>
        %parallel_loop3A_1085 = tpu.dynamic_gather %parallel_loop3A_966[%parallel_loop3A_1084] in [0] : vector<16xf32>, vector<16xi32> -> vector<16xf32>
        %parallel_loop3A_1086 = arith.mulf %parallel_loop3A_1081, %parallel_loop3A_1085 : vector<16xf32>
        %parallel_loop3A_1087 = arith.constant 1280 : i32
        %parallel_loop3A_1088 = arith.addi %parallel_loop3A_1087, %parallel_loop3A_959 : i32
        %parallel_loop3A_1089 = arith.constant 0 : i32
        %parallel_loop3A_1090 = arith.index_cast %parallel_loop3A_1089 : i32 to index
        %parallel_loop3A_1091 = arith.index_cast %parallel_loop3A_1088 : i32 to index
        %parallel_loop3A_1092 = arith.constant 0 : index
        %parallel_loop3A_1093 = tpu.vector_load %arg8[%parallel_loop3A_1090, %parallel_loop3A_1091, %parallel_loop3A_1092] {strides = array<i32>} : memref<2x2048x16xf32, #tpu.memory_space<vmem>>, vector<16xf32>,
        %parallel_loop3A_1094 = arith.constant 10 : i32
        %parallel_loop3A_1095 = vector.broadcast %parallel_loop3A_1094 : i32 to vector<16x1xi32>
        %parallel_loop3A_1096 = vector.shape_cast %parallel_loop3A_1095 : vector<16x1xi32> to vector<16xi32>
        %parallel_loop3A_1097 = tpu.dynamic_gather %parallel_loop3A_966[%parallel_loop3A_1096] in [0] : vector<16xf32>, vector<16xi32> -> vector<16xf32>
        %parallel_loop3A_1098 = arith.mulf %parallel_loop3A_1093, %parallel_loop3A_1097 : vector<16xf32>
        %parallel_loop3A_1099 = arith.constant 1408 : i32
        %parallel_loop3A_1100 = arith.addi %parallel_loop3A_1099, %parallel_loop3A_959 : i32
        %parallel_loop3A_1101 = arith.constant 0 : i32
        %parallel_loop3A_1102 = arith.index_cast %parallel_loop3A_1101 : i32 to index
        %parallel_loop3A_1103 = arith.index_cast %parallel_loop3A_1100 : i32 to index
        %parallel_loop3A_1104 = arith.constant 0 : index
        %parallel_loop3A_1105 = tpu.vector_load %arg8[%parallel_loop3A_1102, %parallel_loop3A_1103, %parallel_loop3A_1104] {strides = array<i32>} : memref<2x2048x16xf32, #tpu.memory_space<vmem>>, vector<16xf32>,
        %parallel_loop3A_1106 = arith.constant 11 : i32
        %parallel_loop3A_1107 = vector.broadcast %parallel_loop3A_1106 : i32 to vector<16x1xi32>
        %parallel_loop3A_1108 = vector.shape_cast %parallel_loop3A_1107 : vector<16x1xi32> to vector<16xi32>
        %parallel_loop3A_1109 = tpu.dynamic_gather %parallel_loop3A_966[%parallel_loop3A_1108] in [0] : vector<16xf32>, vector<16xi32> -> vector<16xf32>
        %parallel_loop3A_1110 = arith.mulf %parallel_loop3A_1105, %parallel_loop3A_1109 : vector<16xf32>
        %parallel_loop3A_1111 = arith.constant 1536 : i32
        %parallel_loop3A_1112 = arith.addi %parallel_loop3A_1111, %parallel_loop3A_959 : i32
        %parallel_loop3A_1113 = arith.constant 0 : i32
        %parallel_loop3A_1114 = arith.index_cast %parallel_loop3A_1113 : i32 to index
        %parallel_loop3A_1115 = arith.index_cast %parallel_loop3A_1112 : i32 to index
        %parallel_loop3A_1116 = arith.constant 0 : index
        %parallel_loop3A_1117 = tpu.vector_load %arg8[%parallel_loop3A_1114, %parallel_loop3A_1115, %parallel_loop3A_1116] {strides = array<i32>} : memref<2x2048x16xf32, #tpu.memory_space<vmem>>, vector<16xf32>,
        %parallel_loop3A_1118 = arith.constant 12 : i32
        %parallel_loop3A_1119 = vector.broadcast %parallel_loop3A_1118 : i32 to vector<16x1xi32>
        %parallel_loop3A_1120 = vector.shape_cast %parallel_loop3A_1119 : vector<16x1xi32> to vector<16xi32>
        %parallel_loop3A_1121 = tpu.dynamic_gather %parallel_loop3A_966[%parallel_loop3A_1120] in [0] : vector<16xf32>, vector<16xi32> -> vector<16xf32>
        %parallel_loop3A_1122 = arith.mulf %parallel_loop3A_1117, %parallel_loop3A_1121 : vector<16xf32>
        %parallel_loop3A_1123 = arith.constant 1664 : i32
        %parallel_loop3A_1124 = arith.addi %parallel_loop3A_1123, %parallel_loop3A_959 : i32
        %parallel_loop3A_1125 = arith.constant 0 : i32
        %parallel_loop3A_1126 = arith.index_cast %parallel_loop3A_1125 : i32 to index
        %parallel_loop3A_1127 = arith.index_cast %parallel_loop3A_1124 : i32 to index
        %parallel_loop3A_1128 = arith.constant 0 : index
        %parallel_loop3A_1129 = tpu.vector_load %arg8[%parallel_loop3A_1126, %parallel_loop3A_1127, %parallel_loop3A_1128] {strides = array<i32>} : memref<2x2048x16xf32, #tpu.memory_space<vmem>>, vector<16xf32>,
        %parallel_loop3A_1130 = arith.constant 13 : i32
        %parallel_loop3A_1131 = vector.broadcast %parallel_loop3A_1130 : i32 to vector<16x1xi32>
        %parallel_loop3A_1132 = vector.shape_cast %parallel_loop3A_1131 : vector<16x1xi32> to vector<16xi32>
        %parallel_loop3A_1133 = tpu.dynamic_gather %parallel_loop3A_966[%parallel_loop3A_1132] in [0] : vector<16xf32>, vector<16xi32> -> vector<16xf32>
        %parallel_loop3A_1134 = arith.mulf %parallel_loop3A_1129, %parallel_loop3A_1133 : vector<16xf32>
        %parallel_loop3A_1135 = arith.constant 1792 : i32
        %parallel_loop3A_1136 = arith.addi %parallel_loop3A_1135, %parallel_loop3A_959 : i32
        %parallel_loop3A_1137 = arith.constant 0 : i32
        %parallel_loop3A_1138 = arith.index_cast %parallel_loop3A_1137 : i32 to index
        %parallel_loop3A_1139 = arith.index_cast %parallel_loop3A_1136 : i32 to index
        %parallel_loop3A_1140 = arith.constant 0 : index
        %parallel_loop3A_1141 = tpu.vector_load %arg8[%parallel_loop3A_1138, %parallel_loop3A_1139, %parallel_loop3A_1140] {strides = array<i32>} : memref<2x2048x16xf32, #tpu.memory_space<vmem>>, vector<16xf32>,
        %parallel_loop3A_1142 = arith.constant 14 : i32
        %parallel_loop3A_1143 = vector.broadcast %parallel_loop3A_1142 : i32 to vector<16x1xi32>
        %parallel_loop3A_1144 = vector.shape_cast %parallel_loop3A_1143 : vector<16x1xi32> to vector<16xi32>
        %parallel_loop3A_1145 = tpu.dynamic_gather %parallel_loop3A_966[%parallel_loop3A_1144] in [0] : vector<16xf32>, vector<16xi32> -> vector<16xf32>
        %parallel_loop3A_1146 = arith.mulf %parallel_loop3A_1141, %parallel_loop3A_1145 : vector<16xf32>
        %parallel_loop3A_1147 = arith.constant 1920 : i32
        %parallel_loop3A_1148 = arith.addi %parallel_loop3A_1147, %parallel_loop3A_959 : i32
        %parallel_loop3A_1149 = arith.constant 0 : i32
        %parallel_loop3A_1150 = arith.index_cast %parallel_loop3A_1149 : i32 to index
        %parallel_loop3A_1151 = arith.index_cast %parallel_loop3A_1148 : i32 to index
        %parallel_loop3A_1152 = arith.constant 0 : index
        %parallel_loop3A_1153 = tpu.vector_load %arg8[%parallel_loop3A_1150, %parallel_loop3A_1151, %parallel_loop3A_1152] {strides = array<i32>} : memref<2x2048x16xf32, #tpu.memory_space<vmem>>, vector<16xf32>,
        %parallel_loop3A_1154 = arith.constant 15 : i32
        %parallel_loop3A_1155 = vector.broadcast %parallel_loop3A_1154 : i32 to vector<16x1xi32>
        %parallel_loop3A_1156 = vector.shape_cast %parallel_loop3A_1155 : vector<16x1xi32> to vector<16xi32>
        %parallel_loop3A_1157 = tpu.dynamic_gather %parallel_loop3A_966[%parallel_loop3A_1156] in [0] : vector<16xf32>, vector<16xi32> -> vector<16xf32>
        %parallel_loop3A_1158 = arith.mulf %parallel_loop3A_1153, %parallel_loop3A_1157 : vector<16xf32>
        %parallel_loop3A_1159 = arith.addf %parallel_loop3A_978, %parallel_loop3A_990 : vector<16xf32>
        %parallel_loop3A_1160 = arith.addf %parallel_loop3A_1002, %parallel_loop3A_1014 : vector<16xf32>
        %parallel_loop3A_1161 = arith.addf %parallel_loop3A_1026, %parallel_loop3A_1038 : vector<16xf32>
        %parallel_loop3A_1162 = arith.addf %parallel_loop3A_1050, %parallel_loop3A_1062 : vector<16xf32>
        %parallel_loop3A_1163 = arith.addf %parallel_loop3A_1074, %parallel_loop3A_1086 : vector<16xf32>
        %parallel_loop3A_1164 = arith.addf %parallel_loop3A_1098, %parallel_loop3A_1110 : vector<16xf32>
        %parallel_loop3A_1165 = arith.addf %parallel_loop3A_1122, %parallel_loop3A_1134 : vector<16xf32>
        %parallel_loop3A_1166 = arith.addf %parallel_loop3A_1146, %parallel_loop3A_1158 : vector<16xf32>
        %parallel_loop3A_1167 = arith.addf %parallel_loop3A_1159, %parallel_loop3A_1160 : vector<16xf32>
        %parallel_loop3A_1168 = arith.addf %parallel_loop3A_1161, %parallel_loop3A_1162 : vector<16xf32>
        %parallel_loop3A_1169 = arith.addf %parallel_loop3A_1163, %parallel_loop3A_1164 : vector<16xf32>
        %parallel_loop3A_1170 = arith.addf %parallel_loop3A_1165, %parallel_loop3A_1166 : vector<16xf32>
        %parallel_loop3A_1171 = arith.addf %parallel_loop3A_1167, %parallel_loop3A_1168 : vector<16xf32>
        %parallel_loop3A_1172 = arith.addf %parallel_loop3A_1169, %parallel_loop3A_1170 : vector<16xf32>
        %parallel_loop3A_1173 = arith.addf %parallel_loop3A_1171, %parallel_loop3A_1172 : vector<16xf32>
        %parallel_loop3A_1174 = arith.constant 0 : i32
        %parallel_loop3A_1175 = arith.constant 0 : i32
        %parallel_loop3A_1176 = arith.constant 0 : i32
        %parallel_loop3A_1177 = tpu.memref_slice %arg9[%parallel_loop3A_1174, %parallel_loop3A_1175, %parallel_loop3A_1176] : memref<2x16x128xf32, #tpu.memory_space<vmem>> -> memref<1x16x128xf32, #tpu.memory_space<vmem>>
        %parallel_loop3A_1178 = tpu.memref_squeeze %parallel_loop3A_1177 : memref<1x16x128xf32, #tpu.memory_space<vmem>> -> memref<16x128xf32, #tpu.memory_space<vmem>>
        tpu.vector_store_idx %parallel_loop3A_1178[%iota3A, %parallel_loop3A_960], %parallel_loop3A_1173 : memref<16x128xf32, #tpu.memory_space<vmem>>[vector<16xi32>, vector<16xi32>], vector<16xf32>,
      } {sc.loop_unroll_factor = 4 : i64, sc.parallel_access}
      %dma_start3A_624 = arith.constant 0 : i32
      %dma_start3A_625 = arith.constant 0 : i32
      %dma_start3A_626 = arith.constant 0 : i32
      %dma_start3A_627 = arith.constant 0 : i32
      %dma_start3A_628 = tpu.memref_slice %arg9[%dma_start3A_624, %dma_start3A_626, %dma_start3A_627] : memref<2x16x128xf32, #tpu.memory_space<vmem>> -> memref<1x8x128xf32, #tpu.memory_space<vmem>>
      %dma_start3A_629 = tpu.memref_squeeze %dma_start3A_628 : memref<1x8x128xf32, #tpu.memory_space<vmem>> -> memref<8x128xf32, #tpu.memory_space<vmem>>
      %dma_start3A_630 = arith.constant 0 : i32
      %dma_start3A_631 = arith.constant 0 : i32
      %dma_start3A_632 = tpu.memref_slice %arg5[%dma_start3A_625, %add3A_382, %dma_start3A_630, %dma_start3A_631] : memref<2x2048x8x128xf32, #tpu.memory_space<hbm>> -> memref<1x1x8x128xf32, #tpu.memory_space<hbm>>
      %dma_start3A_633 = tpu.memref_squeeze %dma_start3A_632 : memref<1x1x8x128xf32, #tpu.memory_space<hbm>> -> memref<8x128xf32, #tpu.memory_space<hbm>>
      %dma_start3A_634 = arith.constant 0 : i32
      %dma_start3A_635 = arith.constant 0 : i32
      %dma_start3A_636 = tpu.memref_slice %arg5[%dma_start3A_625, %add3A_382, %dma_start3A_634, %dma_start3A_635] : memref<2x2048x8x128xf32, #tpu.memory_space<hbm>> -> memref<1x1x8x128xf32, #tpu.memory_space<hbm>>
      %dma_start3A_637 = tpu.memref_squeeze %dma_start3A_636 : memref<1x1x8x128xf32, #tpu.memory_space<hbm>> -> memref<8x128xf32, #tpu.memory_space<hbm>>
      %dma_start3A_638 = arith.constant 0 : i32
      %dma_start3A_639 = arith.constant 0 : i32
      %dma_start3A_640 = tpu.memref_slice %arg9[%dma_start3A_624, %dma_start3A_638, %dma_start3A_639] : memref<2x16x128xf32, #tpu.memory_space<vmem>> -> memref<1x8x128xf32, #tpu.memory_space<vmem>>
      %dma_start3A_641 = tpu.memref_squeeze %dma_start3A_640 : memref<1x8x128xf32, #tpu.memory_space<vmem>> -> memref<8x128xf32, #tpu.memory_space<vmem>>
      tpu.enqueue_dma source(%dma_start3A_641 : memref<8x128xf32, #tpu.memory_space<vmem>>) target(%dma_start3A_637 : memref<8x128xf32, #tpu.memory_space<hbm>>) target_semaphore(%arg16 : memref<!tpu.dma_semaphore, #tpu.memory_space<semaphore_mem>>)
      %dma_start3A_642 = arith.constant 0 : i32
      %dma_start3A_643 = arith.constant 1 : i32
      %dma_start3A_644 = arith.constant 8 : i32
      %dma_start3A_645 = arith.constant 0 : i32
      %dma_start3A_646 = tpu.memref_slice %arg9[%dma_start3A_642, %dma_start3A_644, %dma_start3A_645] : memref<2x16x128xf32, #tpu.memory_space<vmem>> -> memref<1x8x128xf32, #tpu.memory_space<vmem>>
      %dma_start3A_647 = tpu.memref_squeeze %dma_start3A_646 : memref<1x8x128xf32, #tpu.memory_space<vmem>> -> memref<8x128xf32, #tpu.memory_space<vmem>>
      %dma_start3A_648 = arith.constant 0 : i32
      %dma_start3A_649 = arith.constant 0 : i32
      %dma_start3A_650 = tpu.memref_slice %arg5[%dma_start3A_643, %add3A_382, %dma_start3A_648, %dma_start3A_649] : memref<2x2048x8x128xf32, #tpu.memory_space<hbm>> -> memref<1x1x8x128xf32, #tpu.memory_space<hbm>>
      %dma_start3A_651 = tpu.memref_squeeze %dma_start3A_650 : memref<1x1x8x128xf32, #tpu.memory_space<hbm>> -> memref<8x128xf32, #tpu.memory_space<hbm>>
      %dma_start3A_652 = arith.constant 0 : i32
      %dma_start3A_653 = arith.constant 0 : i32
      %dma_start3A_654 = tpu.memref_slice %arg5[%dma_start3A_643, %add3A_382, %dma_start3A_652, %dma_start3A_653] : memref<2x2048x8x128xf32, #tpu.memory_space<hbm>> -> memref<1x1x8x128xf32, #tpu.memory_space<hbm>>
      %dma_start3A_655 = tpu.memref_squeeze %dma_start3A_654 : memref<1x1x8x128xf32, #tpu.memory_space<hbm>> -> memref<8x128xf32, #tpu.memory_space<hbm>>
      %dma_start3A_656 = arith.constant 8 : i32
      %dma_start3A_657 = arith.constant 0 : i32
      %dma_start3A_658 = tpu.memref_slice %arg9[%dma_start3A_642, %dma_start3A_656, %dma_start3A_657] : memref<2x16x128xf32, #tpu.memory_space<vmem>> -> memref<1x8x128xf32, #tpu.memory_space<vmem>>
      %dma_start3A_659 = tpu.memref_squeeze %dma_start3A_658 : memref<1x8x128xf32, #tpu.memory_space<vmem>> -> memref<8x128xf32, #tpu.memory_space<vmem>>
      tpu.enqueue_dma source(%dma_start3A_659 : memref<8x128xf32, #tpu.memory_space<vmem>>) target(%dma_start3A_655 : memref<8x128xf32, #tpu.memory_space<hbm>>) target_semaphore(%arg16 : memref<!tpu.dma_semaphore, #tpu.memory_space<semaphore_mem>>)
      %add3A_660 = arith.constant 2 : i32
      %add3A_661 = arith.addi %add3A_381, %add3A_660 : i32
      %lt3A_662 = arith.constant 64 : i32
      %lt3A_663 = arith.cmpi slt, %add3A_661, %lt3A_662 : i32
      %convert_element_type3A_664 = arith.extui %lt3A_663 : i1 to i32
      %cond3A_665 = arith.constant 0 : i32
      %cond3A_666 = arith.cmpi ne, %convert_element_type3A_664, %cond3A_665 : i32
      scf.if %cond3A_666 {
        %add3A_959 = arith.constant 2 : i32
        %add3A_960 = arith.addi %add3A_382, %add3A_959 : i32
        %mul3A_961 = arith.constant 16 : i32
        %mul3A_962 = arith.muli %add3A_960, %mul3A_961 : i32
        %multiple_of3A_963 = tpu.assume_multiple %mul3A_962, 16 : i32
        %dma_start3A_964 = arith.constant 0 : i32
        %dma_start3A_965 = arith.constant 0 : i32
        %dma_start3A_966 = arith.constant 0 : i32
        %dma_start3A_967 = tpu.memref_slice %arg7[%dma_start3A_964, %dma_start3A_965, %dma_start3A_966] : memref<2x16x128xf32, #tpu.memory_space<vmem>> -> memref<1x16x128xf32, #tpu.memory_space<vmem>>
        %dma_start3A_968 = tpu.memref_squeeze %dma_start3A_967 : memref<1x16x128xf32, #tpu.memory_space<vmem>> -> memref<16x128xf32, #tpu.memory_space<vmem>>
        %dma_start3A_969 = arith.constant 0 : i32
        %dma_start3A_970 = tpu.memref_slice %arg4[%multiple_of3A_963, %dma_start3A_969] : memref<32768x128xf32, #tpu.memory_space<hbm>> -> memref<16x128xf32, #tpu.memory_space<hbm>>
        %dma_start3A_971 = arith.constant 0 : i32
        %dma_start3A_972 = arith.constant 0 : i32
        %dma_start3A_973 = tpu.memref_slice %arg7[%dma_start3A_964, %dma_start3A_971, %dma_start3A_972] : memref<2x16x128xf32, #tpu.memory_space<vmem>> -> memref<1x16x128xf32, #tpu.memory_space<vmem>>
        %dma_start3A_974 = tpu.memref_squeeze %dma_start3A_973 : memref<1x16x128xf32, #tpu.memory_space<vmem>> -> memref<16x128xf32, #tpu.memory_space<vmem>>
        %dma_start3A_975 = arith.constant 0 : i32
        %dma_start3A_976 = tpu.memref_slice %arg4[%multiple_of3A_963, %dma_start3A_975] : memref<32768x128xf32, #tpu.memory_space<hbm>> -> memref<16x128xf32, #tpu.memory_space<hbm>>
        tpu.enqueue_dma source(%dma_start3A_976 : memref<16x128xf32, #tpu.memory_space<hbm>>) target(%dma_start3A_974 : memref<16x128xf32, #tpu.memory_space<vmem>>) target_semaphore(%arg12 : memref<!tpu.dma_semaphore, #tpu.memory_space<semaphore_mem>>)
      } else {
      }
      %add3A_667 = arith.constant 1 : i32
      %add3A_668 = arith.addi %add3A_379, %add3A_667 : i32
      %add3A_669 = arith.addi %mul3A_2, %add3A_668 : i32
      %add3A_670 = arith.constant 1 : i32
      %add3A_671 = arith.addi %add3A_668, %add3A_670 : i32
      %lt3A_672 = arith.constant 64 : i32
      %lt3A_673 = arith.cmpi slt, %add3A_671, %lt3A_672 : i32
      %convert_element_type3A_674 = arith.extui %lt3A_673 : i1 to i32
      %cond3A_675 = arith.constant 0 : i32
      %cond3A_676 = arith.cmpi ne, %convert_element_type3A_674, %cond3A_675 : i32
      scf.if %cond3A_676 {
        %add3A_959 = arith.constant 1 : i32
        %add3A_960 = arith.addi %add3A_669, %add3A_959 : i32
        %mul3A_961 = arith.constant 16 : i32
        %mul3A_962 = arith.muli %add3A_960, %mul3A_961 : i32
        %multiple_of3A_963 = tpu.assume_multiple %mul3A_962, 16 : i32
        %dma_wait3A_964 = arith.constant 0 : i32
        %dma_wait3A_965 = arith.constant 0 : i32
        %dma_wait3A_966 = arith.constant 0 : i32
        %dma_wait3A_967 = tpu.memref_slice %arg6[%dma_wait3A_964, %dma_wait3A_965, %dma_wait3A_966] : memref<2x16x128xi32, #tpu.memory_space<vmem>> -> memref<1x16x128xi32, #tpu.memory_space<vmem>>
        %dma_wait3A_968 = tpu.memref_squeeze %dma_wait3A_967 : memref<1x16x128xi32, #tpu.memory_space<vmem>> -> memref<16x128xi32, #tpu.memory_space<vmem>>
        %dma_wait3A_969 = arith.constant 0 : i32
        %dma_wait3A_970 = tpu.memref_slice %arg3[%multiple_of3A_963, %dma_wait3A_969] : memref<32768x128xi32, #tpu.memory_space<hbm>> -> memref<16x128xi32, #tpu.memory_space<hbm>>
        %dma_wait3A_971 = arith.constant 0 : i32
        %dma_wait3A_972 = arith.constant 0 : i32
        %dma_wait3A_973 = tpu.memref_slice %arg6[%dma_wait3A_964, %dma_wait3A_971, %dma_wait3A_972] : memref<2x16x128xi32, #tpu.memory_space<vmem>> -> memref<1x16x128xi32, #tpu.memory_space<vmem>>
        %dma_wait3A_974 = tpu.memref_squeeze %dma_wait3A_973 : memref<1x16x128xi32, #tpu.memory_space<vmem>> -> memref<16x128xi32, #tpu.memory_space<vmem>>
        %dma_wait3A_975 = arith.constant 0 : i32
        %dma_wait3A_976 = tpu.memref_slice %arg3[%multiple_of3A_963, %dma_wait3A_975] : memref<32768x128xi32, #tpu.memory_space<hbm>> -> memref<16x128xi32, #tpu.memory_space<hbm>>
        tpu.wait_dma2 semaphore(%arg10 : memref<!tpu.dma_semaphore, #tpu.memory_space<semaphore_mem>>) src(%dma_wait3A_976 : memref<16x128xi32, #tpu.memory_space<hbm>>) dst(%dma_wait3A_974 : memref<16x128xi32, #tpu.memory_space<vmem>>)
        %dma_start3A_977 = arith.constant 0 : i32
        %dma_start3A_978 = arith.constant 0 : i32
        %dma_start3A_979 = arith.constant 0 : i32
        %dma_start3A_980 = arith.constant 0 : i32
        %dma_start3A_981 = arith.constant 0 : i32
        %dma_start3A_982 = tpu.memref_slice %arg8[%dma_start3A_979, %dma_start3A_980, %dma_start3A_981] : memref<2x2048x16xf32, #tpu.memory_space<vmem>> -> memref<1x128x16xf32, #tpu.memory_space<vmem>>
        %dma_start3A_983 = tpu.memref_squeeze %dma_start3A_982 : memref<1x128x16xf32, #tpu.memory_space<vmem>> -> memref<128x16xf32, #tpu.memory_space<vmem>>
        %dma_start3A_984 = arith.constant 0 : i32
        %dma_start3A_985 = tpu.memref_slice %arg6[%dma_start3A_977, %dma_start3A_978, %dma_start3A_984] : memref<2x16x128xi32, #tpu.memory_space<vmem>> -> memref<1x1x128xi32, #tpu.memory_space<vmem>>
        %dma_start3A_986 = tpu.memref_squeeze %dma_start3A_985 : memref<1x1x128xi32, #tpu.memory_space<vmem>> -> memref<128xi32, #tpu.memory_space<vmem>>
        %dma_start3A_987 = arith.constant 0 : i32
        %dma_start3A_988 = arith.constant 0 : i32
        %dma_start3A_989 = tpu.memref_slice %arg2[%dma_start3A_987, %dma_start3A_988] : memref<4194304x16xf32, #tpu.memory_space<hbm>> -> memref<4194304x16xf32, #tpu.memory_space<hbm>>
        tpu.enqueue_indirect_dma source(%dma_start3A_989 : memref<4194304x16xf32, #tpu.memory_space<hbm>>) target(%dma_start3A_983 : memref<128x16xf32, #tpu.memory_space<vmem>>) offsets(%dma_start3A_986 : memref<128xi32, #tpu.memory_space<vmem>>) semaphore(%arg14 : memref<!tpu.dma_semaphore, #tpu.memory_space<semaphore_mem>>)
        %dma_start3A_990 = arith.constant 0 : i32
        %dma_start3A_991 = arith.constant 1 : i32
        %dma_start3A_992 = arith.constant 0 : i32
        %dma_start3A_993 = arith.constant 128 : i32
        %dma_start3A_994 = arith.constant 0 : i32
        %dma_start3A_995 = tpu.memref_slice %arg8[%dma_start3A_992, %dma_start3A_993, %dma_start3A_994] : memref<2x2048x16xf32, #tpu.memory_space<vmem>> -> memref<1x128x16xf32, #tpu.memory_space<vmem>>
        %dma_start3A_996 = tpu.memref_squeeze %dma_start3A_995 : memref<1x128x16xf32, #tpu.memory_space<vmem>> -> memref<128x16xf32, #tpu.memory_space<vmem>>
        %dma_start3A_997 = arith.constant 0 : i32
        %dma_start3A_998 = tpu.memref_slice %arg6[%dma_start3A_990, %dma_start3A_991, %dma_start3A_997] : memref<2x16x128xi32, #tpu.memory_space<vmem>> -> memref<1x1x128xi32, #tpu.memory_space<vmem>>
        %dma_start3A_999 = tpu.memref_squeeze %dma_start3A_998 : memref<1x1x128xi32, #tpu.memory_space<vmem>> -> memref<128xi32, #tpu.memory_space<vmem>>
        %dma_start3A_1000 = arith.constant 0 : i32
        %dma_start3A_1001 = arith.constant 0 : i32
        %dma_start3A_1002 = tpu.memref_slice %arg2[%dma_start3A_1000, %dma_start3A_1001] : memref<4194304x16xf32, #tpu.memory_space<hbm>> -> memref<4194304x16xf32, #tpu.memory_space<hbm>>
        tpu.enqueue_indirect_dma source(%dma_start3A_1002 : memref<4194304x16xf32, #tpu.memory_space<hbm>>) target(%dma_start3A_996 : memref<128x16xf32, #tpu.memory_space<vmem>>) offsets(%dma_start3A_999 : memref<128xi32, #tpu.memory_space<vmem>>) semaphore(%arg14 : memref<!tpu.dma_semaphore, #tpu.memory_space<semaphore_mem>>)
        %dma_start3A_1003 = arith.constant 0 : i32
        %dma_start3A_1004 = arith.constant 2 : i32
        %dma_start3A_1005 = arith.constant 0 : i32
        %dma_start3A_1006 = arith.constant 256 : i32
        %dma_start3A_1007 = arith.constant 0 : i32
        %dma_start3A_1008 = tpu.memref_slice %arg8[%dma_start3A_1005, %dma_start3A_1006, %dma_start3A_1007] : memref<2x2048x16xf32, #tpu.memory_space<vmem>> -> memref<1x128x16xf32, #tpu.memory_space<vmem>>
        %dma_start3A_1009 = tpu.memref_squeeze %dma_start3A_1008 : memref<1x128x16xf32, #tpu.memory_space<vmem>> -> memref<128x16xf32, #tpu.memory_space<vmem>>
        %dma_start3A_1010 = arith.constant 0 : i32
        %dma_start3A_1011 = tpu.memref_slice %arg6[%dma_start3A_1003, %dma_start3A_1004, %dma_start3A_1010] : memref<2x16x128xi32, #tpu.memory_space<vmem>> -> memref<1x1x128xi32, #tpu.memory_space<vmem>>
        %dma_start3A_1012 = tpu.memref_squeeze %dma_start3A_1011 : memref<1x1x128xi32, #tpu.memory_space<vmem>> -> memref<128xi32, #tpu.memory_space<vmem>>
        %dma_start3A_1013 = arith.constant 0 : i32
        %dma_start3A_1014 = arith.constant 0 : i32
        %dma_start3A_1015 = tpu.memref_slice %arg2[%dma_start3A_1013, %dma_start3A_1014] : memref<4194304x16xf32, #tpu.memory_space<hbm>> -> memref<4194304x16xf32, #tpu.memory_space<hbm>>
        tpu.enqueue_indirect_dma source(%dma_start3A_1015 : memref<4194304x16xf32, #tpu.memory_space<hbm>>) target(%dma_start3A_1009 : memref<128x16xf32, #tpu.memory_space<vmem>>) offsets(%dma_start3A_1012 : memref<128xi32, #tpu.memory_space<vmem>>) semaphore(%arg14 : memref<!tpu.dma_semaphore, #tpu.memory_space<semaphore_mem>>)
        %dma_start3A_1016 = arith.constant 0 : i32
        %dma_start3A_1017 = arith.constant 3 : i32
        %dma_start3A_1018 = arith.constant 0 : i32
        %dma_start3A_1019 = arith.constant 384 : i32
        %dma_start3A_1020 = arith.constant 0 : i32
        %dma_start3A_1021 = tpu.memref_slice %arg8[%dma_start3A_1018, %dma_start3A_1019, %dma_start3A_1020] : memref<2x2048x16xf32, #tpu.memory_space<vmem>> -> memref<1x128x16xf32, #tpu.memory_space<vmem>>
        %dma_start3A_1022 = tpu.memref_squeeze %dma_start3A_1021 : memref<1x128x16xf32, #tpu.memory_space<vmem>> -> memref<128x16xf32, #tpu.memory_space<vmem>>
        %dma_start3A_1023 = arith.constant 0 : i32
        %dma_start3A_1024 = tpu.memref_slice %arg6[%dma_start3A_1016, %dma_start3A_1017, %dma_start3A_1023] : memref<2x16x128xi32, #tpu.memory_space<vmem>> -> memref<1x1x128xi32, #tpu.memory_space<vmem>>
        %dma_start3A_1025 = tpu.memref_squeeze %dma_start3A_1024 : memref<1x1x128xi32, #tpu.memory_space<vmem>> -> memref<128xi32, #tpu.memory_space<vmem>>
        %dma_start3A_1026 = arith.constant 0 : i32
        %dma_start3A_1027 = arith.constant 0 : i32
        %dma_start3A_1028 = tpu.memref_slice %arg2[%dma_start3A_1026, %dma_start3A_1027] : memref<4194304x16xf32, #tpu.memory_space<hbm>> -> memref<4194304x16xf32, #tpu.memory_space<hbm>>
        tpu.enqueue_indirect_dma source(%dma_start3A_1028 : memref<4194304x16xf32, #tpu.memory_space<hbm>>) target(%dma_start3A_1022 : memref<128x16xf32, #tpu.memory_space<vmem>>) offsets(%dma_start3A_1025 : memref<128xi32, #tpu.memory_space<vmem>>) semaphore(%arg14 : memref<!tpu.dma_semaphore, #tpu.memory_space<semaphore_mem>>)
        %dma_start3A_1029 = arith.constant 0 : i32
        %dma_start3A_1030 = arith.constant 4 : i32
        %dma_start3A_1031 = arith.constant 0 : i32
        %dma_start3A_1032 = arith.constant 512 : i32
        %dma_start3A_1033 = arith.constant 0 : i32
        %dma_start3A_1034 = tpu.memref_slice %arg8[%dma_start3A_1031, %dma_start3A_1032, %dma_start3A_1033] : memref<2x2048x16xf32, #tpu.memory_space<vmem>> -> memref<1x128x16xf32, #tpu.memory_space<vmem>>
        %dma_start3A_1035 = tpu.memref_squeeze %dma_start3A_1034 : memref<1x128x16xf32, #tpu.memory_space<vmem>> -> memref<128x16xf32, #tpu.memory_space<vmem>>
        %dma_start3A_1036 = arith.constant 0 : i32
        %dma_start3A_1037 = tpu.memref_slice %arg6[%dma_start3A_1029, %dma_start3A_1030, %dma_start3A_1036] : memref<2x16x128xi32, #tpu.memory_space<vmem>> -> memref<1x1x128xi32, #tpu.memory_space<vmem>>
        %dma_start3A_1038 = tpu.memref_squeeze %dma_start3A_1037 : memref<1x1x128xi32, #tpu.memory_space<vmem>> -> memref<128xi32, #tpu.memory_space<vmem>>
        %dma_start3A_1039 = arith.constant 0 : i32
        %dma_start3A_1040 = arith.constant 0 : i32
        %dma_start3A_1041 = tpu.memref_slice %arg2[%dma_start3A_1039, %dma_start3A_1040] : memref<4194304x16xf32, #tpu.memory_space<hbm>> -> memref<4194304x16xf32, #tpu.memory_space<hbm>>
        tpu.enqueue_indirect_dma source(%dma_start3A_1041 : memref<4194304x16xf32, #tpu.memory_space<hbm>>) target(%dma_start3A_1035 : memref<128x16xf32, #tpu.memory_space<vmem>>) offsets(%dma_start3A_1038 : memref<128xi32, #tpu.memory_space<vmem>>) semaphore(%arg14 : memref<!tpu.dma_semaphore, #tpu.memory_space<semaphore_mem>>)
        %dma_start3A_1042 = arith.constant 0 : i32
        %dma_start3A_1043 = arith.constant 5 : i32
        %dma_start3A_1044 = arith.constant 0 : i32
        %dma_start3A_1045 = arith.constant 640 : i32
        %dma_start3A_1046 = arith.constant 0 : i32
        %dma_start3A_1047 = tpu.memref_slice %arg8[%dma_start3A_1044, %dma_start3A_1045, %dma_start3A_1046] : memref<2x2048x16xf32, #tpu.memory_space<vmem>> -> memref<1x128x16xf32, #tpu.memory_space<vmem>>
        %dma_start3A_1048 = tpu.memref_squeeze %dma_start3A_1047 : memref<1x128x16xf32, #tpu.memory_space<vmem>> -> memref<128x16xf32, #tpu.memory_space<vmem>>
        %dma_start3A_1049 = arith.constant 0 : i32
        %dma_start3A_1050 = tpu.memref_slice %arg6[%dma_start3A_1042, %dma_start3A_1043, %dma_start3A_1049] : memref<2x16x128xi32, #tpu.memory_space<vmem>> -> memref<1x1x128xi32, #tpu.memory_space<vmem>>
        %dma_start3A_1051 = tpu.memref_squeeze %dma_start3A_1050 : memref<1x1x128xi32, #tpu.memory_space<vmem>> -> memref<128xi32, #tpu.memory_space<vmem>>
        %dma_start3A_1052 = arith.constant 0 : i32
        %dma_start3A_1053 = arith.constant 0 : i32
        %dma_start3A_1054 = tpu.memref_slice %arg2[%dma_start3A_1052, %dma_start3A_1053] : memref<4194304x16xf32, #tpu.memory_space<hbm>> -> memref<4194304x16xf32, #tpu.memory_space<hbm>>
        tpu.enqueue_indirect_dma source(%dma_start3A_1054 : memref<4194304x16xf32, #tpu.memory_space<hbm>>) target(%dma_start3A_1048 : memref<128x16xf32, #tpu.memory_space<vmem>>) offsets(%dma_start3A_1051 : memref<128xi32, #tpu.memory_space<vmem>>) semaphore(%arg14 : memref<!tpu.dma_semaphore, #tpu.memory_space<semaphore_mem>>)
        %dma_start3A_1055 = arith.constant 0 : i32
        %dma_start3A_1056 = arith.constant 6 : i32
        %dma_start3A_1057 = arith.constant 0 : i32
        %dma_start3A_1058 = arith.constant 768 : i32
        %dma_start3A_1059 = arith.constant 0 : i32
        %dma_start3A_1060 = tpu.memref_slice %arg8[%dma_start3A_1057, %dma_start3A_1058, %dma_start3A_1059] : memref<2x2048x16xf32, #tpu.memory_space<vmem>> -> memref<1x128x16xf32, #tpu.memory_space<vmem>>
        %dma_start3A_1061 = tpu.memref_squeeze %dma_start3A_1060 : memref<1x128x16xf32, #tpu.memory_space<vmem>> -> memref<128x16xf32, #tpu.memory_space<vmem>>
        %dma_start3A_1062 = arith.constant 0 : i32
        %dma_start3A_1063 = tpu.memref_slice %arg6[%dma_start3A_1055, %dma_start3A_1056, %dma_start3A_1062] : memref<2x16x128xi32, #tpu.memory_space<vmem>> -> memref<1x1x128xi32, #tpu.memory_space<vmem>>
        %dma_start3A_1064 = tpu.memref_squeeze %dma_start3A_1063 : memref<1x1x128xi32, #tpu.memory_space<vmem>> -> memref<128xi32, #tpu.memory_space<vmem>>
        %dma_start3A_1065 = arith.constant 0 : i32
        %dma_start3A_1066 = arith.constant 0 : i32
        %dma_start3A_1067 = tpu.memref_slice %arg2[%dma_start3A_1065, %dma_start3A_1066] : memref<4194304x16xf32, #tpu.memory_space<hbm>> -> memref<4194304x16xf32, #tpu.memory_space<hbm>>
        tpu.enqueue_indirect_dma source(%dma_start3A_1067 : memref<4194304x16xf32, #tpu.memory_space<hbm>>) target(%dma_start3A_1061 : memref<128x16xf32, #tpu.memory_space<vmem>>) offsets(%dma_start3A_1064 : memref<128xi32, #tpu.memory_space<vmem>>) semaphore(%arg14 : memref<!tpu.dma_semaphore, #tpu.memory_space<semaphore_mem>>)
        %dma_start3A_1068 = arith.constant 0 : i32
        %dma_start3A_1069 = arith.constant 7 : i32
        %dma_start3A_1070 = arith.constant 0 : i32
        %dma_start3A_1071 = arith.constant 896 : i32
        %dma_start3A_1072 = arith.constant 0 : i32
        %dma_start3A_1073 = tpu.memref_slice %arg8[%dma_start3A_1070, %dma_start3A_1071, %dma_start3A_1072] : memref<2x2048x16xf32, #tpu.memory_space<vmem>> -> memref<1x128x16xf32, #tpu.memory_space<vmem>>
        %dma_start3A_1074 = tpu.memref_squeeze %dma_start3A_1073 : memref<1x128x16xf32, #tpu.memory_space<vmem>> -> memref<128x16xf32, #tpu.memory_space<vmem>>
        %dma_start3A_1075 = arith.constant 0 : i32
        %dma_start3A_1076 = tpu.memref_slice %arg6[%dma_start3A_1068, %dma_start3A_1069, %dma_start3A_1075] : memref<2x16x128xi32, #tpu.memory_space<vmem>> -> memref<1x1x128xi32, #tpu.memory_space<vmem>>
        %dma_start3A_1077 = tpu.memref_squeeze %dma_start3A_1076 : memref<1x1x128xi32, #tpu.memory_space<vmem>> -> memref<128xi32, #tpu.memory_space<vmem>>
        %dma_start3A_1078 = arith.constant 0 : i32
        %dma_start3A_1079 = arith.constant 0 : i32
        %dma_start3A_1080 = tpu.memref_slice %arg2[%dma_start3A_1078, %dma_start3A_1079] : memref<4194304x16xf32, #tpu.memory_space<hbm>> -> memref<4194304x16xf32, #tpu.memory_space<hbm>>
        tpu.enqueue_indirect_dma source(%dma_start3A_1080 : memref<4194304x16xf32, #tpu.memory_space<hbm>>) target(%dma_start3A_1074 : memref<128x16xf32, #tpu.memory_space<vmem>>) offsets(%dma_start3A_1077 : memref<128xi32, #tpu.memory_space<vmem>>) semaphore(%arg14 : memref<!tpu.dma_semaphore, #tpu.memory_space<semaphore_mem>>)
        %dma_start3A_1081 = arith.constant 0 : i32
        %dma_start3A_1082 = arith.constant 8 : i32
        %dma_start3A_1083 = arith.constant 0 : i32
        %dma_start3A_1084 = arith.constant 1024 : i32
        %dma_start3A_1085 = arith.constant 0 : i32
        %dma_start3A_1086 = tpu.memref_slice %arg8[%dma_start3A_1083, %dma_start3A_1084, %dma_start3A_1085] : memref<2x2048x16xf32, #tpu.memory_space<vmem>> -> memref<1x128x16xf32, #tpu.memory_space<vmem>>
        %dma_start3A_1087 = tpu.memref_squeeze %dma_start3A_1086 : memref<1x128x16xf32, #tpu.memory_space<vmem>> -> memref<128x16xf32, #tpu.memory_space<vmem>>
        %dma_start3A_1088 = arith.constant 0 : i32
        %dma_start3A_1089 = tpu.memref_slice %arg6[%dma_start3A_1081, %dma_start3A_1082, %dma_start3A_1088] : memref<2x16x128xi32, #tpu.memory_space<vmem>> -> memref<1x1x128xi32, #tpu.memory_space<vmem>>
        %dma_start3A_1090 = tpu.memref_squeeze %dma_start3A_1089 : memref<1x1x128xi32, #tpu.memory_space<vmem>> -> memref<128xi32, #tpu.memory_space<vmem>>
        %dma_start3A_1091 = arith.constant 0 : i32
        %dma_start3A_1092 = arith.constant 0 : i32
        %dma_start3A_1093 = tpu.memref_slice %arg2[%dma_start3A_1091, %dma_start3A_1092] : memref<4194304x16xf32, #tpu.memory_space<hbm>> -> memref<4194304x16xf32, #tpu.memory_space<hbm>>
        tpu.enqueue_indirect_dma source(%dma_start3A_1093 : memref<4194304x16xf32, #tpu.memory_space<hbm>>) target(%dma_start3A_1087 : memref<128x16xf32, #tpu.memory_space<vmem>>) offsets(%dma_start3A_1090 : memref<128xi32, #tpu.memory_space<vmem>>) semaphore(%arg14 : memref<!tpu.dma_semaphore, #tpu.memory_space<semaphore_mem>>)
        %dma_start3A_1094 = arith.constant 0 : i32
        %dma_start3A_1095 = arith.constant 9 : i32
        %dma_start3A_1096 = arith.constant 0 : i32
        %dma_start3A_1097 = arith.constant 1152 : i32
        %dma_start3A_1098 = arith.constant 0 : i32
        %dma_start3A_1099 = tpu.memref_slice %arg8[%dma_start3A_1096, %dma_start3A_1097, %dma_start3A_1098] : memref<2x2048x16xf32, #tpu.memory_space<vmem>> -> memref<1x128x16xf32, #tpu.memory_space<vmem>>
        %dma_start3A_1100 = tpu.memref_squeeze %dma_start3A_1099 : memref<1x128x16xf32, #tpu.memory_space<vmem>> -> memref<128x16xf32, #tpu.memory_space<vmem>>
        %dma_start3A_1101 = arith.constant 0 : i32
        %dma_start3A_1102 = tpu.memref_slice %arg6[%dma_start3A_1094, %dma_start3A_1095, %dma_start3A_1101] : memref<2x16x128xi32, #tpu.memory_space<vmem>> -> memref<1x1x128xi32, #tpu.memory_space<vmem>>
        %dma_start3A_1103 = tpu.memref_squeeze %dma_start3A_1102 : memref<1x1x128xi32, #tpu.memory_space<vmem>> -> memref<128xi32, #tpu.memory_space<vmem>>
        %dma_start3A_1104 = arith.constant 0 : i32
        %dma_start3A_1105 = arith.constant 0 : i32
        %dma_start3A_1106 = tpu.memref_slice %arg2[%dma_start3A_1104, %dma_start3A_1105] : memref<4194304x16xf32, #tpu.memory_space<hbm>> -> memref<4194304x16xf32, #tpu.memory_space<hbm>>
        tpu.enqueue_indirect_dma source(%dma_start3A_1106 : memref<4194304x16xf32, #tpu.memory_space<hbm>>) target(%dma_start3A_1100 : memref<128x16xf32, #tpu.memory_space<vmem>>) offsets(%dma_start3A_1103 : memref<128xi32, #tpu.memory_space<vmem>>) semaphore(%arg14 : memref<!tpu.dma_semaphore, #tpu.memory_space<semaphore_mem>>)
        %dma_start3A_1107 = arith.constant 0 : i32
        %dma_start3A_1108 = arith.constant 10 : i32
        %dma_start3A_1109 = arith.constant 0 : i32
        %dma_start3A_1110 = arith.constant 1280 : i32
        %dma_start3A_1111 = arith.constant 0 : i32
        %dma_start3A_1112 = tpu.memref_slice %arg8[%dma_start3A_1109, %dma_start3A_1110, %dma_start3A_1111] : memref<2x2048x16xf32, #tpu.memory_space<vmem>> -> memref<1x128x16xf32, #tpu.memory_space<vmem>>
        %dma_start3A_1113 = tpu.memref_squeeze %dma_start3A_1112 : memref<1x128x16xf32, #tpu.memory_space<vmem>> -> memref<128x16xf32, #tpu.memory_space<vmem>>
        %dma_start3A_1114 = arith.constant 0 : i32
        %dma_start3A_1115 = tpu.memref_slice %arg6[%dma_start3A_1107, %dma_start3A_1108, %dma_start3A_1114] : memref<2x16x128xi32, #tpu.memory_space<vmem>> -> memref<1x1x128xi32, #tpu.memory_space<vmem>>
        %dma_start3A_1116 = tpu.memref_squeeze %dma_start3A_1115 : memref<1x1x128xi32, #tpu.memory_space<vmem>> -> memref<128xi32, #tpu.memory_space<vmem>>
        %dma_start3A_1117 = arith.constant 0 : i32
        %dma_start3A_1118 = arith.constant 0 : i32
        %dma_start3A_1119 = tpu.memref_slice %arg2[%dma_start3A_1117, %dma_start3A_1118] : memref<4194304x16xf32, #tpu.memory_space<hbm>> -> memref<4194304x16xf32, #tpu.memory_space<hbm>>
        tpu.enqueue_indirect_dma source(%dma_start3A_1119 : memref<4194304x16xf32, #tpu.memory_space<hbm>>) target(%dma_start3A_1113 : memref<128x16xf32, #tpu.memory_space<vmem>>) offsets(%dma_start3A_1116 : memref<128xi32, #tpu.memory_space<vmem>>) semaphore(%arg14 : memref<!tpu.dma_semaphore, #tpu.memory_space<semaphore_mem>>)
        %dma_start3A_1120 = arith.constant 0 : i32
        %dma_start3A_1121 = arith.constant 11 : i32
        %dma_start3A_1122 = arith.constant 0 : i32
        %dma_start3A_1123 = arith.constant 1408 : i32
        %dma_start3A_1124 = arith.constant 0 : i32
        %dma_start3A_1125 = tpu.memref_slice %arg8[%dma_start3A_1122, %dma_start3A_1123, %dma_start3A_1124] : memref<2x2048x16xf32, #tpu.memory_space<vmem>> -> memref<1x128x16xf32, #tpu.memory_space<vmem>>
        %dma_start3A_1126 = tpu.memref_squeeze %dma_start3A_1125 : memref<1x128x16xf32, #tpu.memory_space<vmem>> -> memref<128x16xf32, #tpu.memory_space<vmem>>
        %dma_start3A_1127 = arith.constant 0 : i32
        %dma_start3A_1128 = tpu.memref_slice %arg6[%dma_start3A_1120, %dma_start3A_1121, %dma_start3A_1127] : memref<2x16x128xi32, #tpu.memory_space<vmem>> -> memref<1x1x128xi32, #tpu.memory_space<vmem>>
        %dma_start3A_1129 = tpu.memref_squeeze %dma_start3A_1128 : memref<1x1x128xi32, #tpu.memory_space<vmem>> -> memref<128xi32, #tpu.memory_space<vmem>>
        %dma_start3A_1130 = arith.constant 0 : i32
        %dma_start3A_1131 = arith.constant 0 : i32
        %dma_start3A_1132 = tpu.memref_slice %arg2[%dma_start3A_1130, %dma_start3A_1131] : memref<4194304x16xf32, #tpu.memory_space<hbm>> -> memref<4194304x16xf32, #tpu.memory_space<hbm>>
        tpu.enqueue_indirect_dma source(%dma_start3A_1132 : memref<4194304x16xf32, #tpu.memory_space<hbm>>) target(%dma_start3A_1126 : memref<128x16xf32, #tpu.memory_space<vmem>>) offsets(%dma_start3A_1129 : memref<128xi32, #tpu.memory_space<vmem>>) semaphore(%arg14 : memref<!tpu.dma_semaphore, #tpu.memory_space<semaphore_mem>>)
        %dma_start3A_1133 = arith.constant 0 : i32
        %dma_start3A_1134 = arith.constant 12 : i32
        %dma_start3A_1135 = arith.constant 0 : i32
        %dma_start3A_1136 = arith.constant 1536 : i32
        %dma_start3A_1137 = arith.constant 0 : i32
        %dma_start3A_1138 = tpu.memref_slice %arg8[%dma_start3A_1135, %dma_start3A_1136, %dma_start3A_1137] : memref<2x2048x16xf32, #tpu.memory_space<vmem>> -> memref<1x128x16xf32, #tpu.memory_space<vmem>>
        %dma_start3A_1139 = tpu.memref_squeeze %dma_start3A_1138 : memref<1x128x16xf32, #tpu.memory_space<vmem>> -> memref<128x16xf32, #tpu.memory_space<vmem>>
        %dma_start3A_1140 = arith.constant 0 : i32
        %dma_start3A_1141 = tpu.memref_slice %arg6[%dma_start3A_1133, %dma_start3A_1134, %dma_start3A_1140] : memref<2x16x128xi32, #tpu.memory_space<vmem>> -> memref<1x1x128xi32, #tpu.memory_space<vmem>>
        %dma_start3A_1142 = tpu.memref_squeeze %dma_start3A_1141 : memref<1x1x128xi32, #tpu.memory_space<vmem>> -> memref<128xi32, #tpu.memory_space<vmem>>
        %dma_start3A_1143 = arith.constant 0 : i32
        %dma_start3A_1144 = arith.constant 0 : i32
        %dma_start3A_1145 = tpu.memref_slice %arg2[%dma_start3A_1143, %dma_start3A_1144] : memref<4194304x16xf32, #tpu.memory_space<hbm>> -> memref<4194304x16xf32, #tpu.memory_space<hbm>>
        tpu.enqueue_indirect_dma source(%dma_start3A_1145 : memref<4194304x16xf32, #tpu.memory_space<hbm>>) target(%dma_start3A_1139 : memref<128x16xf32, #tpu.memory_space<vmem>>) offsets(%dma_start3A_1142 : memref<128xi32, #tpu.memory_space<vmem>>) semaphore(%arg14 : memref<!tpu.dma_semaphore, #tpu.memory_space<semaphore_mem>>)
        %dma_start3A_1146 = arith.constant 0 : i32
        %dma_start3A_1147 = arith.constant 13 : i32
        %dma_start3A_1148 = arith.constant 0 : i32
        %dma_start3A_1149 = arith.constant 1664 : i32
        %dma_start3A_1150 = arith.constant 0 : i32
        %dma_start3A_1151 = tpu.memref_slice %arg8[%dma_start3A_1148, %dma_start3A_1149, %dma_start3A_1150] : memref<2x2048x16xf32, #tpu.memory_space<vmem>> -> memref<1x128x16xf32, #tpu.memory_space<vmem>>
        %dma_start3A_1152 = tpu.memref_squeeze %dma_start3A_1151 : memref<1x128x16xf32, #tpu.memory_space<vmem>> -> memref<128x16xf32, #tpu.memory_space<vmem>>
        %dma_start3A_1153 = arith.constant 0 : i32
        %dma_start3A_1154 = tpu.memref_slice %arg6[%dma_start3A_1146, %dma_start3A_1147, %dma_start3A_1153] : memref<2x16x128xi32, #tpu.memory_space<vmem>> -> memref<1x1x128xi32, #tpu.memory_space<vmem>>
        %dma_start3A_1155 = tpu.memref_squeeze %dma_start3A_1154 : memref<1x1x128xi32, #tpu.memory_space<vmem>> -> memref<128xi32, #tpu.memory_space<vmem>>
        %dma_start3A_1156 = arith.constant 0 : i32
        %dma_start3A_1157 = arith.constant 0 : i32
        %dma_start3A_1158 = tpu.memref_slice %arg2[%dma_start3A_1156, %dma_start3A_1157] : memref<4194304x16xf32, #tpu.memory_space<hbm>> -> memref<4194304x16xf32, #tpu.memory_space<hbm>>
        tpu.enqueue_indirect_dma source(%dma_start3A_1158 : memref<4194304x16xf32, #tpu.memory_space<hbm>>) target(%dma_start3A_1152 : memref<128x16xf32, #tpu.memory_space<vmem>>) offsets(%dma_start3A_1155 : memref<128xi32, #tpu.memory_space<vmem>>) semaphore(%arg14 : memref<!tpu.dma_semaphore, #tpu.memory_space<semaphore_mem>>)
        %dma_start3A_1159 = arith.constant 0 : i32
        %dma_start3A_1160 = arith.constant 14 : i32
        %dma_start3A_1161 = arith.constant 0 : i32
        %dma_start3A_1162 = arith.constant 1792 : i32
        %dma_start3A_1163 = arith.constant 0 : i32
        %dma_start3A_1164 = tpu.memref_slice %arg8[%dma_start3A_1161, %dma_start3A_1162, %dma_start3A_1163] : memref<2x2048x16xf32, #tpu.memory_space<vmem>> -> memref<1x128x16xf32, #tpu.memory_space<vmem>>
        %dma_start3A_1165 = tpu.memref_squeeze %dma_start3A_1164 : memref<1x128x16xf32, #tpu.memory_space<vmem>> -> memref<128x16xf32, #tpu.memory_space<vmem>>
        %dma_start3A_1166 = arith.constant 0 : i32
        %dma_start3A_1167 = tpu.memref_slice %arg6[%dma_start3A_1159, %dma_start3A_1160, %dma_start3A_1166] : memref<2x16x128xi32, #tpu.memory_space<vmem>> -> memref<1x1x128xi32, #tpu.memory_space<vmem>>
        %dma_start3A_1168 = tpu.memref_squeeze %dma_start3A_1167 : memref<1x1x128xi32, #tpu.memory_space<vmem>> -> memref<128xi32, #tpu.memory_space<vmem>>
        %dma_start3A_1169 = arith.constant 0 : i32
        %dma_start3A_1170 = arith.constant 0 : i32
        %dma_start3A_1171 = tpu.memref_slice %arg2[%dma_start3A_1169, %dma_start3A_1170] : memref<4194304x16xf32, #tpu.memory_space<hbm>> -> memref<4194304x16xf32, #tpu.memory_space<hbm>>
        tpu.enqueue_indirect_dma source(%dma_start3A_1171 : memref<4194304x16xf32, #tpu.memory_space<hbm>>) target(%dma_start3A_1165 : memref<128x16xf32, #tpu.memory_space<vmem>>) offsets(%dma_start3A_1168 : memref<128xi32, #tpu.memory_space<vmem>>) semaphore(%arg14 : memref<!tpu.dma_semaphore, #tpu.memory_space<semaphore_mem>>)
        %dma_start3A_1172 = arith.constant 0 : i32
        %dma_start3A_1173 = arith.constant 15 : i32
        %dma_start3A_1174 = arith.constant 0 : i32
        %dma_start3A_1175 = arith.constant 1920 : i32
        %dma_start3A_1176 = arith.constant 0 : i32
        %dma_start3A_1177 = tpu.memref_slice %arg8[%dma_start3A_1174, %dma_start3A_1175, %dma_start3A_1176] : memref<2x2048x16xf32, #tpu.memory_space<vmem>> -> memref<1x128x16xf32, #tpu.memory_space<vmem>>
        %dma_start3A_1178 = tpu.memref_squeeze %dma_start3A_1177 : memref<1x128x16xf32, #tpu.memory_space<vmem>> -> memref<128x16xf32, #tpu.memory_space<vmem>>
        %dma_start3A_1179 = arith.constant 0 : i32
        %dma_start3A_1180 = tpu.memref_slice %arg6[%dma_start3A_1172, %dma_start3A_1173, %dma_start3A_1179] : memref<2x16x128xi32, #tpu.memory_space<vmem>> -> memref<1x1x128xi32, #tpu.memory_space<vmem>>
        %dma_start3A_1181 = tpu.memref_squeeze %dma_start3A_1180 : memref<1x1x128xi32, #tpu.memory_space<vmem>> -> memref<128xi32, #tpu.memory_space<vmem>>
        %dma_start3A_1182 = arith.constant 0 : i32
        %dma_start3A_1183 = arith.constant 0 : i32
        %dma_start3A_1184 = tpu.memref_slice %arg2[%dma_start3A_1182, %dma_start3A_1183] : memref<4194304x16xf32, #tpu.memory_space<hbm>> -> memref<4194304x16xf32, #tpu.memory_space<hbm>>
        tpu.enqueue_indirect_dma source(%dma_start3A_1184 : memref<4194304x16xf32, #tpu.memory_space<hbm>>) target(%dma_start3A_1178 : memref<128x16xf32, #tpu.memory_space<vmem>>) offsets(%dma_start3A_1181 : memref<128xi32, #tpu.memory_space<vmem>>) semaphore(%arg14 : memref<!tpu.dma_semaphore, #tpu.memory_space<semaphore_mem>>)
      } else {
      }
      %dma_wait3A_677 = arith.constant 1 : i32
      %dma_wait3A_678 = arith.constant 0 : i32
      %dma_wait3A_679 = arith.constant 1 : i32
      %dma_wait3A_680 = arith.constant 0 : i32
      %dma_wait3A_681 = arith.constant 0 : i32
      %dma_wait3A_682 = tpu.memref_slice %arg8[%dma_wait3A_679, %dma_wait3A_680, %dma_wait3A_681] : memref<2x2048x16xf32, #tpu.memory_space<vmem>> -> memref<1x128x16xf32, #tpu.memory_space<vmem>>
      %dma_wait3A_683 = tpu.memref_squeeze %dma_wait3A_682 : memref<1x128x16xf32, #tpu.memory_space<vmem>> -> memref<128x16xf32, #tpu.memory_space<vmem>>
      %dma_wait3A_684 = arith.constant 0 : i32
      %dma_wait3A_685 = tpu.memref_slice %arg6[%dma_wait3A_677, %dma_wait3A_678, %dma_wait3A_684] : memref<2x16x128xi32, #tpu.memory_space<vmem>> -> memref<1x1x128xi32, #tpu.memory_space<vmem>>
      %dma_wait3A_686 = tpu.memref_squeeze %dma_wait3A_685 : memref<1x1x128xi32, #tpu.memory_space<vmem>> -> memref<128xi32, #tpu.memory_space<vmem>>
      %dma_wait3A_687 = arith.constant 0 : i32
      %dma_wait3A_688 = arith.constant 0 : i32
      %dma_wait3A_689 = tpu.memref_slice %arg2[%dma_wait3A_687, %dma_wait3A_688] : memref<4194304x16xf32, #tpu.memory_space<hbm>> -> memref<4194304x16xf32, #tpu.memory_space<hbm>>
      tpu.wait_indirect_dma semaphore(%arg15 : memref<!tpu.dma_semaphore, #tpu.memory_space<semaphore_mem>>) src(%dma_wait3A_689 : memref<4194304x16xf32, #tpu.memory_space<hbm>>) dst(%dma_wait3A_683 : memref<128x16xf32, #tpu.memory_space<vmem>>)
      %dma_wait3A_690 = arith.constant 1 : i32
      %dma_wait3A_691 = arith.constant 1 : i32
      %dma_wait3A_692 = arith.constant 1 : i32
      %dma_wait3A_693 = arith.constant 128 : i32
      %dma_wait3A_694 = arith.constant 0 : i32
      %dma_wait3A_695 = tpu.memref_slice %arg8[%dma_wait3A_692, %dma_wait3A_693, %dma_wait3A_694] : memref<2x2048x16xf32, #tpu.memory_space<vmem>> -> memref<1x128x16xf32, #tpu.memory_space<vmem>>
      %dma_wait3A_696 = tpu.memref_squeeze %dma_wait3A_695 : memref<1x128x16xf32, #tpu.memory_space<vmem>> -> memref<128x16xf32, #tpu.memory_space<vmem>>
      %dma_wait3A_697 = arith.constant 0 : i32
      %dma_wait3A_698 = tpu.memref_slice %arg6[%dma_wait3A_690, %dma_wait3A_691, %dma_wait3A_697] : memref<2x16x128xi32, #tpu.memory_space<vmem>> -> memref<1x1x128xi32, #tpu.memory_space<vmem>>
      %dma_wait3A_699 = tpu.memref_squeeze %dma_wait3A_698 : memref<1x1x128xi32, #tpu.memory_space<vmem>> -> memref<128xi32, #tpu.memory_space<vmem>>
      %dma_wait3A_700 = arith.constant 0 : i32
      %dma_wait3A_701 = arith.constant 0 : i32
      %dma_wait3A_702 = tpu.memref_slice %arg2[%dma_wait3A_700, %dma_wait3A_701] : memref<4194304x16xf32, #tpu.memory_space<hbm>> -> memref<4194304x16xf32, #tpu.memory_space<hbm>>
      tpu.wait_indirect_dma semaphore(%arg15 : memref<!tpu.dma_semaphore, #tpu.memory_space<semaphore_mem>>) src(%dma_wait3A_702 : memref<4194304x16xf32, #tpu.memory_space<hbm>>) dst(%dma_wait3A_696 : memref<128x16xf32, #tpu.memory_space<vmem>>)
      %dma_wait3A_703 = arith.constant 1 : i32
      %dma_wait3A_704 = arith.constant 2 : i32
      %dma_wait3A_705 = arith.constant 1 : i32
      %dma_wait3A_706 = arith.constant 256 : i32
      %dma_wait3A_707 = arith.constant 0 : i32
      %dma_wait3A_708 = tpu.memref_slice %arg8[%dma_wait3A_705, %dma_wait3A_706, %dma_wait3A_707] : memref<2x2048x16xf32, #tpu.memory_space<vmem>> -> memref<1x128x16xf32, #tpu.memory_space<vmem>>
      %dma_wait3A_709 = tpu.memref_squeeze %dma_wait3A_708 : memref<1x128x16xf32, #tpu.memory_space<vmem>> -> memref<128x16xf32, #tpu.memory_space<vmem>>
      %dma_wait3A_710 = arith.constant 0 : i32
      %dma_wait3A_711 = tpu.memref_slice %arg6[%dma_wait3A_703, %dma_wait3A_704, %dma_wait3A_710] : memref<2x16x128xi32, #tpu.memory_space<vmem>> -> memref<1x1x128xi32, #tpu.memory_space<vmem>>
      %dma_wait3A_712 = tpu.memref_squeeze %dma_wait3A_711 : memref<1x1x128xi32, #tpu.memory_space<vmem>> -> memref<128xi32, #tpu.memory_space<vmem>>
      %dma_wait3A_713 = arith.constant 0 : i32
      %dma_wait3A_714 = arith.constant 0 : i32
      %dma_wait3A_715 = tpu.memref_slice %arg2[%dma_wait3A_713, %dma_wait3A_714] : memref<4194304x16xf32, #tpu.memory_space<hbm>> -> memref<4194304x16xf32, #tpu.memory_space<hbm>>
      tpu.wait_indirect_dma semaphore(%arg15 : memref<!tpu.dma_semaphore, #tpu.memory_space<semaphore_mem>>) src(%dma_wait3A_715 : memref<4194304x16xf32, #tpu.memory_space<hbm>>) dst(%dma_wait3A_709 : memref<128x16xf32, #tpu.memory_space<vmem>>)
      %dma_wait3A_716 = arith.constant 1 : i32
      %dma_wait3A_717 = arith.constant 3 : i32
      %dma_wait3A_718 = arith.constant 1 : i32
      %dma_wait3A_719 = arith.constant 384 : i32
      %dma_wait3A_720 = arith.constant 0 : i32
      %dma_wait3A_721 = tpu.memref_slice %arg8[%dma_wait3A_718, %dma_wait3A_719, %dma_wait3A_720] : memref<2x2048x16xf32, #tpu.memory_space<vmem>> -> memref<1x128x16xf32, #tpu.memory_space<vmem>>
      %dma_wait3A_722 = tpu.memref_squeeze %dma_wait3A_721 : memref<1x128x16xf32, #tpu.memory_space<vmem>> -> memref<128x16xf32, #tpu.memory_space<vmem>>
      %dma_wait3A_723 = arith.constant 0 : i32
      %dma_wait3A_724 = tpu.memref_slice %arg6[%dma_wait3A_716, %dma_wait3A_717, %dma_wait3A_723] : memref<2x16x128xi32, #tpu.memory_space<vmem>> -> memref<1x1x128xi32, #tpu.memory_space<vmem>>
      %dma_wait3A_725 = tpu.memref_squeeze %dma_wait3A_724 : memref<1x1x128xi32, #tpu.memory_space<vmem>> -> memref<128xi32, #tpu.memory_space<vmem>>
      %dma_wait3A_726 = arith.constant 0 : i32
      %dma_wait3A_727 = arith.constant 0 : i32
      %dma_wait3A_728 = tpu.memref_slice %arg2[%dma_wait3A_726, %dma_wait3A_727] : memref<4194304x16xf32, #tpu.memory_space<hbm>> -> memref<4194304x16xf32, #tpu.memory_space<hbm>>
      tpu.wait_indirect_dma semaphore(%arg15 : memref<!tpu.dma_semaphore, #tpu.memory_space<semaphore_mem>>) src(%dma_wait3A_728 : memref<4194304x16xf32, #tpu.memory_space<hbm>>) dst(%dma_wait3A_722 : memref<128x16xf32, #tpu.memory_space<vmem>>)
      %dma_wait3A_729 = arith.constant 1 : i32
      %dma_wait3A_730 = arith.constant 4 : i32
      %dma_wait3A_731 = arith.constant 1 : i32
      %dma_wait3A_732 = arith.constant 512 : i32
      %dma_wait3A_733 = arith.constant 0 : i32
      %dma_wait3A_734 = tpu.memref_slice %arg8[%dma_wait3A_731, %dma_wait3A_732, %dma_wait3A_733] : memref<2x2048x16xf32, #tpu.memory_space<vmem>> -> memref<1x128x16xf32, #tpu.memory_space<vmem>>
      %dma_wait3A_735 = tpu.memref_squeeze %dma_wait3A_734 : memref<1x128x16xf32, #tpu.memory_space<vmem>> -> memref<128x16xf32, #tpu.memory_space<vmem>>
      %dma_wait3A_736 = arith.constant 0 : i32
      %dma_wait3A_737 = tpu.memref_slice %arg6[%dma_wait3A_729, %dma_wait3A_730, %dma_wait3A_736] : memref<2x16x128xi32, #tpu.memory_space<vmem>> -> memref<1x1x128xi32, #tpu.memory_space<vmem>>
      %dma_wait3A_738 = tpu.memref_squeeze %dma_wait3A_737 : memref<1x1x128xi32, #tpu.memory_space<vmem>> -> memref<128xi32, #tpu.memory_space<vmem>>
      %dma_wait3A_739 = arith.constant 0 : i32
      %dma_wait3A_740 = arith.constant 0 : i32
      %dma_wait3A_741 = tpu.memref_slice %arg2[%dma_wait3A_739, %dma_wait3A_740] : memref<4194304x16xf32, #tpu.memory_space<hbm>> -> memref<4194304x16xf32, #tpu.memory_space<hbm>>
      tpu.wait_indirect_dma semaphore(%arg15 : memref<!tpu.dma_semaphore, #tpu.memory_space<semaphore_mem>>) src(%dma_wait3A_741 : memref<4194304x16xf32, #tpu.memory_space<hbm>>) dst(%dma_wait3A_735 : memref<128x16xf32, #tpu.memory_space<vmem>>)
      %dma_wait3A_742 = arith.constant 1 : i32
      %dma_wait3A_743 = arith.constant 5 : i32
      %dma_wait3A_744 = arith.constant 1 : i32
      %dma_wait3A_745 = arith.constant 640 : i32
      %dma_wait3A_746 = arith.constant 0 : i32
      %dma_wait3A_747 = tpu.memref_slice %arg8[%dma_wait3A_744, %dma_wait3A_745, %dma_wait3A_746] : memref<2x2048x16xf32, #tpu.memory_space<vmem>> -> memref<1x128x16xf32, #tpu.memory_space<vmem>>
      %dma_wait3A_748 = tpu.memref_squeeze %dma_wait3A_747 : memref<1x128x16xf32, #tpu.memory_space<vmem>> -> memref<128x16xf32, #tpu.memory_space<vmem>>
      %dma_wait3A_749 = arith.constant 0 : i32
      %dma_wait3A_750 = tpu.memref_slice %arg6[%dma_wait3A_742, %dma_wait3A_743, %dma_wait3A_749] : memref<2x16x128xi32, #tpu.memory_space<vmem>> -> memref<1x1x128xi32, #tpu.memory_space<vmem>>
      %dma_wait3A_751 = tpu.memref_squeeze %dma_wait3A_750 : memref<1x1x128xi32, #tpu.memory_space<vmem>> -> memref<128xi32, #tpu.memory_space<vmem>>
      %dma_wait3A_752 = arith.constant 0 : i32
      %dma_wait3A_753 = arith.constant 0 : i32
      %dma_wait3A_754 = tpu.memref_slice %arg2[%dma_wait3A_752, %dma_wait3A_753] : memref<4194304x16xf32, #tpu.memory_space<hbm>> -> memref<4194304x16xf32, #tpu.memory_space<hbm>>
      tpu.wait_indirect_dma semaphore(%arg15 : memref<!tpu.dma_semaphore, #tpu.memory_space<semaphore_mem>>) src(%dma_wait3A_754 : memref<4194304x16xf32, #tpu.memory_space<hbm>>) dst(%dma_wait3A_748 : memref<128x16xf32, #tpu.memory_space<vmem>>)
      %dma_wait3A_755 = arith.constant 1 : i32
      %dma_wait3A_756 = arith.constant 6 : i32
      %dma_wait3A_757 = arith.constant 1 : i32
      %dma_wait3A_758 = arith.constant 768 : i32
      %dma_wait3A_759 = arith.constant 0 : i32
      %dma_wait3A_760 = tpu.memref_slice %arg8[%dma_wait3A_757, %dma_wait3A_758, %dma_wait3A_759] : memref<2x2048x16xf32, #tpu.memory_space<vmem>> -> memref<1x128x16xf32, #tpu.memory_space<vmem>>
      %dma_wait3A_761 = tpu.memref_squeeze %dma_wait3A_760 : memref<1x128x16xf32, #tpu.memory_space<vmem>> -> memref<128x16xf32, #tpu.memory_space<vmem>>
      %dma_wait3A_762 = arith.constant 0 : i32
      %dma_wait3A_763 = tpu.memref_slice %arg6[%dma_wait3A_755, %dma_wait3A_756, %dma_wait3A_762] : memref<2x16x128xi32, #tpu.memory_space<vmem>> -> memref<1x1x128xi32, #tpu.memory_space<vmem>>
      %dma_wait3A_764 = tpu.memref_squeeze %dma_wait3A_763 : memref<1x1x128xi32, #tpu.memory_space<vmem>> -> memref<128xi32, #tpu.memory_space<vmem>>
      %dma_wait3A_765 = arith.constant 0 : i32
      %dma_wait3A_766 = arith.constant 0 : i32
      %dma_wait3A_767 = tpu.memref_slice %arg2[%dma_wait3A_765, %dma_wait3A_766] : memref<4194304x16xf32, #tpu.memory_space<hbm>> -> memref<4194304x16xf32, #tpu.memory_space<hbm>>
      tpu.wait_indirect_dma semaphore(%arg15 : memref<!tpu.dma_semaphore, #tpu.memory_space<semaphore_mem>>) src(%dma_wait3A_767 : memref<4194304x16xf32, #tpu.memory_space<hbm>>) dst(%dma_wait3A_761 : memref<128x16xf32, #tpu.memory_space<vmem>>)
      %dma_wait3A_768 = arith.constant 1 : i32
      %dma_wait3A_769 = arith.constant 7 : i32
      %dma_wait3A_770 = arith.constant 1 : i32
      %dma_wait3A_771 = arith.constant 896 : i32
      %dma_wait3A_772 = arith.constant 0 : i32
      %dma_wait3A_773 = tpu.memref_slice %arg8[%dma_wait3A_770, %dma_wait3A_771, %dma_wait3A_772] : memref<2x2048x16xf32, #tpu.memory_space<vmem>> -> memref<1x128x16xf32, #tpu.memory_space<vmem>>
      %dma_wait3A_774 = tpu.memref_squeeze %dma_wait3A_773 : memref<1x128x16xf32, #tpu.memory_space<vmem>> -> memref<128x16xf32, #tpu.memory_space<vmem>>
      %dma_wait3A_775 = arith.constant 0 : i32
      %dma_wait3A_776 = tpu.memref_slice %arg6[%dma_wait3A_768, %dma_wait3A_769, %dma_wait3A_775] : memref<2x16x128xi32, #tpu.memory_space<vmem>> -> memref<1x1x128xi32, #tpu.memory_space<vmem>>
      %dma_wait3A_777 = tpu.memref_squeeze %dma_wait3A_776 : memref<1x1x128xi32, #tpu.memory_space<vmem>> -> memref<128xi32, #tpu.memory_space<vmem>>
      %dma_wait3A_778 = arith.constant 0 : i32
      %dma_wait3A_779 = arith.constant 0 : i32
      %dma_wait3A_780 = tpu.memref_slice %arg2[%dma_wait3A_778, %dma_wait3A_779] : memref<4194304x16xf32, #tpu.memory_space<hbm>> -> memref<4194304x16xf32, #tpu.memory_space<hbm>>
      tpu.wait_indirect_dma semaphore(%arg15 : memref<!tpu.dma_semaphore, #tpu.memory_space<semaphore_mem>>) src(%dma_wait3A_780 : memref<4194304x16xf32, #tpu.memory_space<hbm>>) dst(%dma_wait3A_774 : memref<128x16xf32, #tpu.memory_space<vmem>>)
      %dma_wait3A_781 = arith.constant 1 : i32
      %dma_wait3A_782 = arith.constant 8 : i32
      %dma_wait3A_783 = arith.constant 1 : i32
      %dma_wait3A_784 = arith.constant 1024 : i32
      %dma_wait3A_785 = arith.constant 0 : i32
      %dma_wait3A_786 = tpu.memref_slice %arg8[%dma_wait3A_783, %dma_wait3A_784, %dma_wait3A_785] : memref<2x2048x16xf32, #tpu.memory_space<vmem>> -> memref<1x128x16xf32, #tpu.memory_space<vmem>>
      %dma_wait3A_787 = tpu.memref_squeeze %dma_wait3A_786 : memref<1x128x16xf32, #tpu.memory_space<vmem>> -> memref<128x16xf32, #tpu.memory_space<vmem>>
      %dma_wait3A_788 = arith.constant 0 : i32
      %dma_wait3A_789 = tpu.memref_slice %arg6[%dma_wait3A_781, %dma_wait3A_782, %dma_wait3A_788] : memref<2x16x128xi32, #tpu.memory_space<vmem>> -> memref<1x1x128xi32, #tpu.memory_space<vmem>>
      %dma_wait3A_790 = tpu.memref_squeeze %dma_wait3A_789 : memref<1x1x128xi32, #tpu.memory_space<vmem>> -> memref<128xi32, #tpu.memory_space<vmem>>
      %dma_wait3A_791 = arith.constant 0 : i32
      %dma_wait3A_792 = arith.constant 0 : i32
      %dma_wait3A_793 = tpu.memref_slice %arg2[%dma_wait3A_791, %dma_wait3A_792] : memref<4194304x16xf32, #tpu.memory_space<hbm>> -> memref<4194304x16xf32, #tpu.memory_space<hbm>>
      tpu.wait_indirect_dma semaphore(%arg15 : memref<!tpu.dma_semaphore, #tpu.memory_space<semaphore_mem>>) src(%dma_wait3A_793 : memref<4194304x16xf32, #tpu.memory_space<hbm>>) dst(%dma_wait3A_787 : memref<128x16xf32, #tpu.memory_space<vmem>>)
      %dma_wait3A_794 = arith.constant 1 : i32
      %dma_wait3A_795 = arith.constant 9 : i32
      %dma_wait3A_796 = arith.constant 1 : i32
      %dma_wait3A_797 = arith.constant 1152 : i32
      %dma_wait3A_798 = arith.constant 0 : i32
      %dma_wait3A_799 = tpu.memref_slice %arg8[%dma_wait3A_796, %dma_wait3A_797, %dma_wait3A_798] : memref<2x2048x16xf32, #tpu.memory_space<vmem>> -> memref<1x128x16xf32, #tpu.memory_space<vmem>>
      %dma_wait3A_800 = tpu.memref_squeeze %dma_wait3A_799 : memref<1x128x16xf32, #tpu.memory_space<vmem>> -> memref<128x16xf32, #tpu.memory_space<vmem>>
      %dma_wait3A_801 = arith.constant 0 : i32
      %dma_wait3A_802 = tpu.memref_slice %arg6[%dma_wait3A_794, %dma_wait3A_795, %dma_wait3A_801] : memref<2x16x128xi32, #tpu.memory_space<vmem>> -> memref<1x1x128xi32, #tpu.memory_space<vmem>>
      %dma_wait3A_803 = tpu.memref_squeeze %dma_wait3A_802 : memref<1x1x128xi32, #tpu.memory_space<vmem>> -> memref<128xi32, #tpu.memory_space<vmem>>
      %dma_wait3A_804 = arith.constant 0 : i32
      %dma_wait3A_805 = arith.constant 0 : i32
      %dma_wait3A_806 = tpu.memref_slice %arg2[%dma_wait3A_804, %dma_wait3A_805] : memref<4194304x16xf32, #tpu.memory_space<hbm>> -> memref<4194304x16xf32, #tpu.memory_space<hbm>>
      tpu.wait_indirect_dma semaphore(%arg15 : memref<!tpu.dma_semaphore, #tpu.memory_space<semaphore_mem>>) src(%dma_wait3A_806 : memref<4194304x16xf32, #tpu.memory_space<hbm>>) dst(%dma_wait3A_800 : memref<128x16xf32, #tpu.memory_space<vmem>>)
      %dma_wait3A_807 = arith.constant 1 : i32
      %dma_wait3A_808 = arith.constant 10 : i32
      %dma_wait3A_809 = arith.constant 1 : i32
      %dma_wait3A_810 = arith.constant 1280 : i32
      %dma_wait3A_811 = arith.constant 0 : i32
      %dma_wait3A_812 = tpu.memref_slice %arg8[%dma_wait3A_809, %dma_wait3A_810, %dma_wait3A_811] : memref<2x2048x16xf32, #tpu.memory_space<vmem>> -> memref<1x128x16xf32, #tpu.memory_space<vmem>>
      %dma_wait3A_813 = tpu.memref_squeeze %dma_wait3A_812 : memref<1x128x16xf32, #tpu.memory_space<vmem>> -> memref<128x16xf32, #tpu.memory_space<vmem>>
      %dma_wait3A_814 = arith.constant 0 : i32
      %dma_wait3A_815 = tpu.memref_slice %arg6[%dma_wait3A_807, %dma_wait3A_808, %dma_wait3A_814] : memref<2x16x128xi32, #tpu.memory_space<vmem>> -> memref<1x1x128xi32, #tpu.memory_space<vmem>>
      %dma_wait3A_816 = tpu.memref_squeeze %dma_wait3A_815 : memref<1x1x128xi32, #tpu.memory_space<vmem>> -> memref<128xi32, #tpu.memory_space<vmem>>
      %dma_wait3A_817 = arith.constant 0 : i32
      %dma_wait3A_818 = arith.constant 0 : i32
      %dma_wait3A_819 = tpu.memref_slice %arg2[%dma_wait3A_817, %dma_wait3A_818] : memref<4194304x16xf32, #tpu.memory_space<hbm>> -> memref<4194304x16xf32, #tpu.memory_space<hbm>>
      tpu.wait_indirect_dma semaphore(%arg15 : memref<!tpu.dma_semaphore, #tpu.memory_space<semaphore_mem>>) src(%dma_wait3A_819 : memref<4194304x16xf32, #tpu.memory_space<hbm>>) dst(%dma_wait3A_813 : memref<128x16xf32, #tpu.memory_space<vmem>>)
      %dma_wait3A_820 = arith.constant 1 : i32
      %dma_wait3A_821 = arith.constant 11 : i32
      %dma_wait3A_822 = arith.constant 1 : i32
      %dma_wait3A_823 = arith.constant 1408 : i32
      %dma_wait3A_824 = arith.constant 0 : i32
      %dma_wait3A_825 = tpu.memref_slice %arg8[%dma_wait3A_822, %dma_wait3A_823, %dma_wait3A_824] : memref<2x2048x16xf32, #tpu.memory_space<vmem>> -> memref<1x128x16xf32, #tpu.memory_space<vmem>>
      %dma_wait3A_826 = tpu.memref_squeeze %dma_wait3A_825 : memref<1x128x16xf32, #tpu.memory_space<vmem>> -> memref<128x16xf32, #tpu.memory_space<vmem>>
      %dma_wait3A_827 = arith.constant 0 : i32
      %dma_wait3A_828 = tpu.memref_slice %arg6[%dma_wait3A_820, %dma_wait3A_821, %dma_wait3A_827] : memref<2x16x128xi32, #tpu.memory_space<vmem>> -> memref<1x1x128xi32, #tpu.memory_space<vmem>>
      %dma_wait3A_829 = tpu.memref_squeeze %dma_wait3A_828 : memref<1x1x128xi32, #tpu.memory_space<vmem>> -> memref<128xi32, #tpu.memory_space<vmem>>
      %dma_wait3A_830 = arith.constant 0 : i32
      %dma_wait3A_831 = arith.constant 0 : i32
      %dma_wait3A_832 = tpu.memref_slice %arg2[%dma_wait3A_830, %dma_wait3A_831] : memref<4194304x16xf32, #tpu.memory_space<hbm>> -> memref<4194304x16xf32, #tpu.memory_space<hbm>>
      tpu.wait_indirect_dma semaphore(%arg15 : memref<!tpu.dma_semaphore, #tpu.memory_space<semaphore_mem>>) src(%dma_wait3A_832 : memref<4194304x16xf32, #tpu.memory_space<hbm>>) dst(%dma_wait3A_826 : memref<128x16xf32, #tpu.memory_space<vmem>>)
      %dma_wait3A_833 = arith.constant 1 : i32
      %dma_wait3A_834 = arith.constant 12 : i32
      %dma_wait3A_835 = arith.constant 1 : i32
      %dma_wait3A_836 = arith.constant 1536 : i32
      %dma_wait3A_837 = arith.constant 0 : i32
      %dma_wait3A_838 = tpu.memref_slice %arg8[%dma_wait3A_835, %dma_wait3A_836, %dma_wait3A_837] : memref<2x2048x16xf32, #tpu.memory_space<vmem>> -> memref<1x128x16xf32, #tpu.memory_space<vmem>>
      %dma_wait3A_839 = tpu.memref_squeeze %dma_wait3A_838 : memref<1x128x16xf32, #tpu.memory_space<vmem>> -> memref<128x16xf32, #tpu.memory_space<vmem>>
      %dma_wait3A_840 = arith.constant 0 : i32
      %dma_wait3A_841 = tpu.memref_slice %arg6[%dma_wait3A_833, %dma_wait3A_834, %dma_wait3A_840] : memref<2x16x128xi32, #tpu.memory_space<vmem>> -> memref<1x1x128xi32, #tpu.memory_space<vmem>>
      %dma_wait3A_842 = tpu.memref_squeeze %dma_wait3A_841 : memref<1x1x128xi32, #tpu.memory_space<vmem>> -> memref<128xi32, #tpu.memory_space<vmem>>
      %dma_wait3A_843 = arith.constant 0 : i32
      %dma_wait3A_844 = arith.constant 0 : i32
      %dma_wait3A_845 = tpu.memref_slice %arg2[%dma_wait3A_843, %dma_wait3A_844] : memref<4194304x16xf32, #tpu.memory_space<hbm>> -> memref<4194304x16xf32, #tpu.memory_space<hbm>>
      tpu.wait_indirect_dma semaphore(%arg15 : memref<!tpu.dma_semaphore, #tpu.memory_space<semaphore_mem>>) src(%dma_wait3A_845 : memref<4194304x16xf32, #tpu.memory_space<hbm>>) dst(%dma_wait3A_839 : memref<128x16xf32, #tpu.memory_space<vmem>>)
      %dma_wait3A_846 = arith.constant 1 : i32
      %dma_wait3A_847 = arith.constant 13 : i32
      %dma_wait3A_848 = arith.constant 1 : i32
      %dma_wait3A_849 = arith.constant 1664 : i32
      %dma_wait3A_850 = arith.constant 0 : i32
      %dma_wait3A_851 = tpu.memref_slice %arg8[%dma_wait3A_848, %dma_wait3A_849, %dma_wait3A_850] : memref<2x2048x16xf32, #tpu.memory_space<vmem>> -> memref<1x128x16xf32, #tpu.memory_space<vmem>>
      %dma_wait3A_852 = tpu.memref_squeeze %dma_wait3A_851 : memref<1x128x16xf32, #tpu.memory_space<vmem>> -> memref<128x16xf32, #tpu.memory_space<vmem>>
      %dma_wait3A_853 = arith.constant 0 : i32
      %dma_wait3A_854 = tpu.memref_slice %arg6[%dma_wait3A_846, %dma_wait3A_847, %dma_wait3A_853] : memref<2x16x128xi32, #tpu.memory_space<vmem>> -> memref<1x1x128xi32, #tpu.memory_space<vmem>>
      %dma_wait3A_855 = tpu.memref_squeeze %dma_wait3A_854 : memref<1x1x128xi32, #tpu.memory_space<vmem>> -> memref<128xi32, #tpu.memory_space<vmem>>
      %dma_wait3A_856 = arith.constant 0 : i32
      %dma_wait3A_857 = arith.constant 0 : i32
      %dma_wait3A_858 = tpu.memref_slice %arg2[%dma_wait3A_856, %dma_wait3A_857] : memref<4194304x16xf32, #tpu.memory_space<hbm>> -> memref<4194304x16xf32, #tpu.memory_space<hbm>>
      tpu.wait_indirect_dma semaphore(%arg15 : memref<!tpu.dma_semaphore, #tpu.memory_space<semaphore_mem>>) src(%dma_wait3A_858 : memref<4194304x16xf32, #tpu.memory_space<hbm>>) dst(%dma_wait3A_852 : memref<128x16xf32, #tpu.memory_space<vmem>>)
      %dma_wait3A_859 = arith.constant 1 : i32
      %dma_wait3A_860 = arith.constant 14 : i32
      %dma_wait3A_861 = arith.constant 1 : i32
      %dma_wait3A_862 = arith.constant 1792 : i32
      %dma_wait3A_863 = arith.constant 0 : i32
      %dma_wait3A_864 = tpu.memref_slice %arg8[%dma_wait3A_861, %dma_wait3A_862, %dma_wait3A_863] : memref<2x2048x16xf32, #tpu.memory_space<vmem>> -> memref<1x128x16xf32, #tpu.memory_space<vmem>>
      %dma_wait3A_865 = tpu.memref_squeeze %dma_wait3A_864 : memref<1x128x16xf32, #tpu.memory_space<vmem>> -> memref<128x16xf32, #tpu.memory_space<vmem>>
      %dma_wait3A_866 = arith.constant 0 : i32
      %dma_wait3A_867 = tpu.memref_slice %arg6[%dma_wait3A_859, %dma_wait3A_860, %dma_wait3A_866] : memref<2x16x128xi32, #tpu.memory_space<vmem>> -> memref<1x1x128xi32, #tpu.memory_space<vmem>>
      %dma_wait3A_868 = tpu.memref_squeeze %dma_wait3A_867 : memref<1x1x128xi32, #tpu.memory_space<vmem>> -> memref<128xi32, #tpu.memory_space<vmem>>
      %dma_wait3A_869 = arith.constant 0 : i32
      %dma_wait3A_870 = arith.constant 0 : i32
      %dma_wait3A_871 = tpu.memref_slice %arg2[%dma_wait3A_869, %dma_wait3A_870] : memref<4194304x16xf32, #tpu.memory_space<hbm>> -> memref<4194304x16xf32, #tpu.memory_space<hbm>>
      tpu.wait_indirect_dma semaphore(%arg15 : memref<!tpu.dma_semaphore, #tpu.memory_space<semaphore_mem>>) src(%dma_wait3A_871 : memref<4194304x16xf32, #tpu.memory_space<hbm>>) dst(%dma_wait3A_865 : memref<128x16xf32, #tpu.memory_space<vmem>>)
      %dma_wait3A_872 = arith.constant 1 : i32
      %dma_wait3A_873 = arith.constant 15 : i32
      %dma_wait3A_874 = arith.constant 1 : i32
      %dma_wait3A_875 = arith.constant 1920 : i32
      %dma_wait3A_876 = arith.constant 0 : i32
      %dma_wait3A_877 = tpu.memref_slice %arg8[%dma_wait3A_874, %dma_wait3A_875, %dma_wait3A_876] : memref<2x2048x16xf32, #tpu.memory_space<vmem>> -> memref<1x128x16xf32, #tpu.memory_space<vmem>>
      %dma_wait3A_878 = tpu.memref_squeeze %dma_wait3A_877 : memref<1x128x16xf32, #tpu.memory_space<vmem>> -> memref<128x16xf32, #tpu.memory_space<vmem>>
      %dma_wait3A_879 = arith.constant 0 : i32
      %dma_wait3A_880 = tpu.memref_slice %arg6[%dma_wait3A_872, %dma_wait3A_873, %dma_wait3A_879] : memref<2x16x128xi32, #tpu.memory_space<vmem>> -> memref<1x1x128xi32, #tpu.memory_space<vmem>>
      %dma_wait3A_881 = tpu.memref_squeeze %dma_wait3A_880 : memref<1x1x128xi32, #tpu.memory_space<vmem>> -> memref<128xi32, #tpu.memory_space<vmem>>
      %dma_wait3A_882 = arith.constant 0 : i32
      %dma_wait3A_883 = arith.constant 0 : i32
      %dma_wait3A_884 = tpu.memref_slice %arg2[%dma_wait3A_882, %dma_wait3A_883] : memref<4194304x16xf32, #tpu.memory_space<hbm>> -> memref<4194304x16xf32, #tpu.memory_space<hbm>>
      tpu.wait_indirect_dma semaphore(%arg15 : memref<!tpu.dma_semaphore, #tpu.memory_space<semaphore_mem>>) src(%dma_wait3A_884 : memref<4194304x16xf32, #tpu.memory_space<hbm>>) dst(%dma_wait3A_878 : memref<128x16xf32, #tpu.memory_space<vmem>>)
      %add3A_885 = arith.constant 2 : i32
      %add3A_886 = arith.addi %add3A_668, %add3A_885 : i32
      %lt3A_887 = arith.constant 64 : i32
      %lt3A_888 = arith.cmpi slt, %add3A_886, %lt3A_887 : i32
      %convert_element_type3A_889 = arith.extui %lt3A_888 : i1 to i32
      %cond3A_890 = arith.constant 0 : i32
      %cond3A_891 = arith.cmpi ne, %convert_element_type3A_889, %cond3A_890 : i32
      scf.if %cond3A_891 {
        %add3A_959 = arith.constant 2 : i32
        %add3A_960 = arith.addi %add3A_669, %add3A_959 : i32
        %mul3A_961 = arith.constant 16 : i32
        %mul3A_962 = arith.muli %add3A_960, %mul3A_961 : i32
        %multiple_of3A_963 = tpu.assume_multiple %mul3A_962, 16 : i32
        %dma_start3A_964 = arith.constant 1 : i32
        %dma_start3A_965 = arith.constant 0 : i32
        %dma_start3A_966 = arith.constant 0 : i32
        %dma_start3A_967 = tpu.memref_slice %arg6[%dma_start3A_964, %dma_start3A_965, %dma_start3A_966] : memref<2x16x128xi32, #tpu.memory_space<vmem>> -> memref<1x16x128xi32, #tpu.memory_space<vmem>>
        %dma_start3A_968 = tpu.memref_squeeze %dma_start3A_967 : memref<1x16x128xi32, #tpu.memory_space<vmem>> -> memref<16x128xi32, #tpu.memory_space<vmem>>
        %dma_start3A_969 = arith.constant 0 : i32
        %dma_start3A_970 = tpu.memref_slice %arg3[%multiple_of3A_963, %dma_start3A_969] : memref<32768x128xi32, #tpu.memory_space<hbm>> -> memref<16x128xi32, #tpu.memory_space<hbm>>
        %dma_start3A_971 = arith.constant 0 : i32
        %dma_start3A_972 = arith.constant 0 : i32
        %dma_start3A_973 = tpu.memref_slice %arg6[%dma_start3A_964, %dma_start3A_971, %dma_start3A_972] : memref<2x16x128xi32, #tpu.memory_space<vmem>> -> memref<1x16x128xi32, #tpu.memory_space<vmem>>
        %dma_start3A_974 = tpu.memref_squeeze %dma_start3A_973 : memref<1x16x128xi32, #tpu.memory_space<vmem>> -> memref<16x128xi32, #tpu.memory_space<vmem>>
        %dma_start3A_975 = arith.constant 0 : i32
        %dma_start3A_976 = tpu.memref_slice %arg3[%multiple_of3A_963, %dma_start3A_975] : memref<32768x128xi32, #tpu.memory_space<hbm>> -> memref<16x128xi32, #tpu.memory_space<hbm>>
        tpu.enqueue_dma source(%dma_start3A_976 : memref<16x128xi32, #tpu.memory_space<hbm>>) target(%dma_start3A_974 : memref<16x128xi32, #tpu.memory_space<vmem>>) target_semaphore(%arg11 : memref<!tpu.dma_semaphore, #tpu.memory_space<semaphore_mem>>)
      } else {
      }
      %ge3A_892 = arith.constant 2 : i32
      %ge3A_893 = arith.cmpi sge, %add3A_668, %ge3A_892 : i32
      %convert_element_type3A_894 = arith.extui %ge3A_893 : i1 to i32
      %cond3A_895 = arith.constant 0 : i32
      %cond3A_896 = arith.cmpi ne, %convert_element_type3A_894, %cond3A_895 : i32
      scf.if %cond3A_896 {
        %sub3A_959 = arith.constant 2 : i32
        %sub3A_960 = arith.subi %add3A_669, %sub3A_959 : i32
        %dma_wait3A_961 = arith.constant 1 : i32
        %dma_wait3A_962 = arith.constant 0 : i32
        %dma_wait3A_963 = arith.constant 0 : i32
        %dma_wait3A_964 = arith.constant 0 : i32
        %dma_wait3A_965 = tpu.memref_slice %arg9[%dma_wait3A_961, %dma_wait3A_963, %dma_wait3A_964] : memref<2x16x128xf32, #tpu.memory_space<vmem>> -> memref<1x8x128xf32, #tpu.memory_space<vmem>>
        %dma_wait3A_966 = tpu.memref_squeeze %dma_wait3A_965 : memref<1x8x128xf32, #tpu.memory_space<vmem>> -> memref<8x128xf32, #tpu.memory_space<vmem>>
        %dma_wait3A_967 = arith.constant 0 : i32
        %dma_wait3A_968 = arith.constant 0 : i32
        %dma_wait3A_969 = tpu.memref_slice %arg5[%dma_wait3A_962, %sub3A_960, %dma_wait3A_967, %dma_wait3A_968] : memref<2x2048x8x128xf32, #tpu.memory_space<hbm>> -> memref<1x1x8x128xf32, #tpu.memory_space<hbm>>
        %dma_wait3A_970 = tpu.memref_squeeze %dma_wait3A_969 : memref<1x1x8x128xf32, #tpu.memory_space<hbm>> -> memref<8x128xf32, #tpu.memory_space<hbm>>
        %dma_wait3A_971 = arith.constant 0 : i32
        %dma_wait3A_972 = arith.constant 0 : i32
        %dma_wait3A_973 = tpu.memref_slice %arg5[%dma_wait3A_962, %sub3A_960, %dma_wait3A_971, %dma_wait3A_972] : memref<2x2048x8x128xf32, #tpu.memory_space<hbm>> -> memref<1x1x8x128xf32, #tpu.memory_space<hbm>>
        %dma_wait3A_974 = tpu.memref_squeeze %dma_wait3A_973 : memref<1x1x8x128xf32, #tpu.memory_space<hbm>> -> memref<8x128xf32, #tpu.memory_space<hbm>>
        %dma_wait3A_975 = arith.constant 0 : i32
        %dma_wait3A_976 = arith.constant 0 : i32
        %dma_wait3A_977 = tpu.memref_slice %arg9[%dma_wait3A_961, %dma_wait3A_975, %dma_wait3A_976] : memref<2x16x128xf32, #tpu.memory_space<vmem>> -> memref<1x8x128xf32, #tpu.memory_space<vmem>>
        %dma_wait3A_978 = tpu.memref_squeeze %dma_wait3A_977 : memref<1x8x128xf32, #tpu.memory_space<vmem>> -> memref<8x128xf32, #tpu.memory_space<vmem>>
        tpu.wait_dma2 semaphore(%arg17 : memref<!tpu.dma_semaphore, #tpu.memory_space<semaphore_mem>>) src(%dma_wait3A_978 : memref<8x128xf32, #tpu.memory_space<vmem>>) dst(%dma_wait3A_974 : memref<8x128xf32, #tpu.memory_space<hbm>>)
        %dma_wait3A_979 = arith.constant 1 : i32
        %dma_wait3A_980 = arith.constant 1 : i32
        %dma_wait3A_981 = arith.constant 8 : i32
        %dma_wait3A_982 = arith.constant 0 : i32
        %dma_wait3A_983 = tpu.memref_slice %arg9[%dma_wait3A_979, %dma_wait3A_981, %dma_wait3A_982] : memref<2x16x128xf32, #tpu.memory_space<vmem>> -> memref<1x8x128xf32, #tpu.memory_space<vmem>>
        %dma_wait3A_984 = tpu.memref_squeeze %dma_wait3A_983 : memref<1x8x128xf32, #tpu.memory_space<vmem>> -> memref<8x128xf32, #tpu.memory_space<vmem>>
        %dma_wait3A_985 = arith.constant 0 : i32
        %dma_wait3A_986 = arith.constant 0 : i32
        %dma_wait3A_987 = tpu.memref_slice %arg5[%dma_wait3A_980, %sub3A_960, %dma_wait3A_985, %dma_wait3A_986] : memref<2x2048x8x128xf32, #tpu.memory_space<hbm>> -> memref<1x1x8x128xf32, #tpu.memory_space<hbm>>
        %dma_wait3A_988 = tpu.memref_squeeze %dma_wait3A_987 : memref<1x1x8x128xf32, #tpu.memory_space<hbm>> -> memref<8x128xf32, #tpu.memory_space<hbm>>
        %dma_wait3A_989 = arith.constant 0 : i32
        %dma_wait3A_990 = arith.constant 0 : i32
        %dma_wait3A_991 = tpu.memref_slice %arg5[%dma_wait3A_980, %sub3A_960, %dma_wait3A_989, %dma_wait3A_990] : memref<2x2048x8x128xf32, #tpu.memory_space<hbm>> -> memref<1x1x8x128xf32, #tpu.memory_space<hbm>>
        %dma_wait3A_992 = tpu.memref_squeeze %dma_wait3A_991 : memref<1x1x8x128xf32, #tpu.memory_space<hbm>> -> memref<8x128xf32, #tpu.memory_space<hbm>>
        %dma_wait3A_993 = arith.constant 8 : i32
        %dma_wait3A_994 = arith.constant 0 : i32
        %dma_wait3A_995 = tpu.memref_slice %arg9[%dma_wait3A_979, %dma_wait3A_993, %dma_wait3A_994] : memref<2x16x128xf32, #tpu.memory_space<vmem>> -> memref<1x8x128xf32, #tpu.memory_space<vmem>>
        %dma_wait3A_996 = tpu.memref_squeeze %dma_wait3A_995 : memref<1x8x128xf32, #tpu.memory_space<vmem>> -> memref<8x128xf32, #tpu.memory_space<vmem>>
        tpu.wait_dma2 semaphore(%arg17 : memref<!tpu.dma_semaphore, #tpu.memory_space<semaphore_mem>>) src(%dma_wait3A_996 : memref<8x128xf32, #tpu.memory_space<vmem>>) dst(%dma_wait3A_992 : memref<8x128xf32, #tpu.memory_space<hbm>>)
      } else {
      }
      %mul3A_897 = arith.constant 16 : i32
      %mul3A_898 = arith.muli %add3A_669, %mul3A_897 : i32
      %multiple_of3A_899 = tpu.assume_multiple %mul3A_898, 16 : i32
      %dma_wait3A_900 = arith.constant 1 : i32
      %dma_wait3A_901 = arith.constant 0 : i32
      %dma_wait3A_902 = arith.constant 0 : i32
      %dma_wait3A_903 = tpu.memref_slice %arg7[%dma_wait3A_900, %dma_wait3A_901, %dma_wait3A_902] : memref<2x16x128xf32, #tpu.memory_space<vmem>> -> memref<1x16x128xf32, #tpu.memory_space<vmem>>
      %dma_wait3A_904 = tpu.memref_squeeze %dma_wait3A_903 : memref<1x16x128xf32, #tpu.memory_space<vmem>> -> memref<16x128xf32, #tpu.memory_space<vmem>>
      %dma_wait3A_905 = arith.constant 0 : i32
      %dma_wait3A_906 = tpu.memref_slice %arg4[%multiple_of3A_899, %dma_wait3A_905] : memref<32768x128xf32, #tpu.memory_space<hbm>> -> memref<16x128xf32, #tpu.memory_space<hbm>>
      %dma_wait3A_907 = arith.constant 0 : i32
      %dma_wait3A_908 = arith.constant 0 : i32
      %dma_wait3A_909 = tpu.memref_slice %arg7[%dma_wait3A_900, %dma_wait3A_907, %dma_wait3A_908] : memref<2x16x128xf32, #tpu.memory_space<vmem>> -> memref<1x16x128xf32, #tpu.memory_space<vmem>>
      %dma_wait3A_910 = tpu.memref_squeeze %dma_wait3A_909 : memref<1x16x128xf32, #tpu.memory_space<vmem>> -> memref<16x128xf32, #tpu.memory_space<vmem>>
      %dma_wait3A_911 = arith.constant 0 : i32
      %dma_wait3A_912 = tpu.memref_slice %arg4[%multiple_of3A_899, %dma_wait3A_911] : memref<32768x128xf32, #tpu.memory_space<hbm>> -> memref<16x128xf32, #tpu.memory_space<hbm>>
      tpu.wait_dma2 semaphore(%arg13 : memref<!tpu.dma_semaphore, #tpu.memory_space<semaphore_mem>>) src(%dma_wait3A_912 : memref<16x128xf32, #tpu.memory_space<hbm>>) dst(%dma_wait3A_910 : memref<16x128xf32, #tpu.memory_space<vmem>>)
      %parallel_loop3A_913 = arith.constant 0 : i32
      %parallel_loop3A_914 = arith.constant 128 : i32
      %parallel_loop3A_915 = arith.constant 1 : i32
      scf.for %parallel_loop3A_959 = %parallel_loop3A_913 to %parallel_loop3A_914 step %parallel_loop3A_915  : i32 {
        %parallel_loop3A_960 = vector.broadcast %parallel_loop3A_959 : i32 to vector<16xi32>
        %parallel_loop3A_961 = arith.constant 1 : i32
        %parallel_loop3A_962 = arith.constant 0 : i32
        %parallel_loop3A_963 = arith.constant 0 : i32
        %parallel_loop3A_964 = tpu.memref_slice %arg7[%parallel_loop3A_961, %parallel_loop3A_962, %parallel_loop3A_963] : memref<2x16x128xf32, #tpu.memory_space<vmem>> -> memref<1x16x128xf32, #tpu.memory_space<vmem>>
        %parallel_loop3A_965 = tpu.memref_squeeze %parallel_loop3A_964 : memref<1x16x128xf32, #tpu.memory_space<vmem>> -> memref<16x128xf32, #tpu.memory_space<vmem>>
        %parallel_loop3A_966 = tpu.vector_load_idx %parallel_loop3A_965[%iota3A, %parallel_loop3A_960] : memref<16x128xf32, #tpu.memory_space<vmem>>[vector<16xi32>, vector<16xi32>], vector<16xf32>,
        %parallel_loop3A_967 = arith.constant 0 : i32
        %parallel_loop3A_968 = arith.addi %parallel_loop3A_967, %parallel_loop3A_959 : i32
        %parallel_loop3A_969 = arith.constant 1 : i32
        %parallel_loop3A_970 = arith.index_cast %parallel_loop3A_969 : i32 to index
        %parallel_loop3A_971 = arith.index_cast %parallel_loop3A_968 : i32 to index
        %parallel_loop3A_972 = arith.constant 0 : index
        %parallel_loop3A_973 = tpu.vector_load %arg8[%parallel_loop3A_970, %parallel_loop3A_971, %parallel_loop3A_972] {strides = array<i32>} : memref<2x2048x16xf32, #tpu.memory_space<vmem>>, vector<16xf32>,
        %parallel_loop3A_974 = arith.constant 0 : i32
        %parallel_loop3A_975 = vector.broadcast %parallel_loop3A_974 : i32 to vector<16x1xi32>
        %parallel_loop3A_976 = vector.shape_cast %parallel_loop3A_975 : vector<16x1xi32> to vector<16xi32>
        %parallel_loop3A_977 = tpu.dynamic_gather %parallel_loop3A_966[%parallel_loop3A_976] in [0] : vector<16xf32>, vector<16xi32> -> vector<16xf32>
        %parallel_loop3A_978 = arith.mulf %parallel_loop3A_973, %parallel_loop3A_977 : vector<16xf32>
        %parallel_loop3A_979 = arith.constant 128 : i32
        %parallel_loop3A_980 = arith.addi %parallel_loop3A_979, %parallel_loop3A_959 : i32
        %parallel_loop3A_981 = arith.constant 1 : i32
        %parallel_loop3A_982 = arith.index_cast %parallel_loop3A_981 : i32 to index
        %parallel_loop3A_983 = arith.index_cast %parallel_loop3A_980 : i32 to index
        %parallel_loop3A_984 = arith.constant 0 : index
        %parallel_loop3A_985 = tpu.vector_load %arg8[%parallel_loop3A_982, %parallel_loop3A_983, %parallel_loop3A_984] {strides = array<i32>} : memref<2x2048x16xf32, #tpu.memory_space<vmem>>, vector<16xf32>,
        %parallel_loop3A_986 = arith.constant 1 : i32
        %parallel_loop3A_987 = vector.broadcast %parallel_loop3A_986 : i32 to vector<16x1xi32>
        %parallel_loop3A_988 = vector.shape_cast %parallel_loop3A_987 : vector<16x1xi32> to vector<16xi32>
        %parallel_loop3A_989 = tpu.dynamic_gather %parallel_loop3A_966[%parallel_loop3A_988] in [0] : vector<16xf32>, vector<16xi32> -> vector<16xf32>
        %parallel_loop3A_990 = arith.mulf %parallel_loop3A_985, %parallel_loop3A_989 : vector<16xf32>
        %parallel_loop3A_991 = arith.constant 256 : i32
        %parallel_loop3A_992 = arith.addi %parallel_loop3A_991, %parallel_loop3A_959 : i32
        %parallel_loop3A_993 = arith.constant 1 : i32
        %parallel_loop3A_994 = arith.index_cast %parallel_loop3A_993 : i32 to index
        %parallel_loop3A_995 = arith.index_cast %parallel_loop3A_992 : i32 to index
        %parallel_loop3A_996 = arith.constant 0 : index
        %parallel_loop3A_997 = tpu.vector_load %arg8[%parallel_loop3A_994, %parallel_loop3A_995, %parallel_loop3A_996] {strides = array<i32>} : memref<2x2048x16xf32, #tpu.memory_space<vmem>>, vector<16xf32>,
        %parallel_loop3A_998 = arith.constant 2 : i32
        %parallel_loop3A_999 = vector.broadcast %parallel_loop3A_998 : i32 to vector<16x1xi32>
        %parallel_loop3A_1000 = vector.shape_cast %parallel_loop3A_999 : vector<16x1xi32> to vector<16xi32>
        %parallel_loop3A_1001 = tpu.dynamic_gather %parallel_loop3A_966[%parallel_loop3A_1000] in [0] : vector<16xf32>, vector<16xi32> -> vector<16xf32>
        %parallel_loop3A_1002 = arith.mulf %parallel_loop3A_997, %parallel_loop3A_1001 : vector<16xf32>
        %parallel_loop3A_1003 = arith.constant 384 : i32
        %parallel_loop3A_1004 = arith.addi %parallel_loop3A_1003, %parallel_loop3A_959 : i32
        %parallel_loop3A_1005 = arith.constant 1 : i32
        %parallel_loop3A_1006 = arith.index_cast %parallel_loop3A_1005 : i32 to index
        %parallel_loop3A_1007 = arith.index_cast %parallel_loop3A_1004 : i32 to index
        %parallel_loop3A_1008 = arith.constant 0 : index
        %parallel_loop3A_1009 = tpu.vector_load %arg8[%parallel_loop3A_1006, %parallel_loop3A_1007, %parallel_loop3A_1008] {strides = array<i32>} : memref<2x2048x16xf32, #tpu.memory_space<vmem>>, vector<16xf32>,
        %parallel_loop3A_1010 = arith.constant 3 : i32
        %parallel_loop3A_1011 = vector.broadcast %parallel_loop3A_1010 : i32 to vector<16x1xi32>
        %parallel_loop3A_1012 = vector.shape_cast %parallel_loop3A_1011 : vector<16x1xi32> to vector<16xi32>
        %parallel_loop3A_1013 = tpu.dynamic_gather %parallel_loop3A_966[%parallel_loop3A_1012] in [0] : vector<16xf32>, vector<16xi32> -> vector<16xf32>
        %parallel_loop3A_1014 = arith.mulf %parallel_loop3A_1009, %parallel_loop3A_1013 : vector<16xf32>
        %parallel_loop3A_1015 = arith.constant 512 : i32
        %parallel_loop3A_1016 = arith.addi %parallel_loop3A_1015, %parallel_loop3A_959 : i32
        %parallel_loop3A_1017 = arith.constant 1 : i32
        %parallel_loop3A_1018 = arith.index_cast %parallel_loop3A_1017 : i32 to index
        %parallel_loop3A_1019 = arith.index_cast %parallel_loop3A_1016 : i32 to index
        %parallel_loop3A_1020 = arith.constant 0 : index
        %parallel_loop3A_1021 = tpu.vector_load %arg8[%parallel_loop3A_1018, %parallel_loop3A_1019, %parallel_loop3A_1020] {strides = array<i32>} : memref<2x2048x16xf32, #tpu.memory_space<vmem>>, vector<16xf32>,
        %parallel_loop3A_1022 = arith.constant 4 : i32
        %parallel_loop3A_1023 = vector.broadcast %parallel_loop3A_1022 : i32 to vector<16x1xi32>
        %parallel_loop3A_1024 = vector.shape_cast %parallel_loop3A_1023 : vector<16x1xi32> to vector<16xi32>
        %parallel_loop3A_1025 = tpu.dynamic_gather %parallel_loop3A_966[%parallel_loop3A_1024] in [0] : vector<16xf32>, vector<16xi32> -> vector<16xf32>
        %parallel_loop3A_1026 = arith.mulf %parallel_loop3A_1021, %parallel_loop3A_1025 : vector<16xf32>
        %parallel_loop3A_1027 = arith.constant 640 : i32
        %parallel_loop3A_1028 = arith.addi %parallel_loop3A_1027, %parallel_loop3A_959 : i32
        %parallel_loop3A_1029 = arith.constant 1 : i32
        %parallel_loop3A_1030 = arith.index_cast %parallel_loop3A_1029 : i32 to index
        %parallel_loop3A_1031 = arith.index_cast %parallel_loop3A_1028 : i32 to index
        %parallel_loop3A_1032 = arith.constant 0 : index
        %parallel_loop3A_1033 = tpu.vector_load %arg8[%parallel_loop3A_1030, %parallel_loop3A_1031, %parallel_loop3A_1032] {strides = array<i32>} : memref<2x2048x16xf32, #tpu.memory_space<vmem>>, vector<16xf32>,
        %parallel_loop3A_1034 = arith.constant 5 : i32
        %parallel_loop3A_1035 = vector.broadcast %parallel_loop3A_1034 : i32 to vector<16x1xi32>
        %parallel_loop3A_1036 = vector.shape_cast %parallel_loop3A_1035 : vector<16x1xi32> to vector<16xi32>
        %parallel_loop3A_1037 = tpu.dynamic_gather %parallel_loop3A_966[%parallel_loop3A_1036] in [0] : vector<16xf32>, vector<16xi32> -> vector<16xf32>
        %parallel_loop3A_1038 = arith.mulf %parallel_loop3A_1033, %parallel_loop3A_1037 : vector<16xf32>
        %parallel_loop3A_1039 = arith.constant 768 : i32
        %parallel_loop3A_1040 = arith.addi %parallel_loop3A_1039, %parallel_loop3A_959 : i32
        %parallel_loop3A_1041 = arith.constant 1 : i32
        %parallel_loop3A_1042 = arith.index_cast %parallel_loop3A_1041 : i32 to index
        %parallel_loop3A_1043 = arith.index_cast %parallel_loop3A_1040 : i32 to index
        %parallel_loop3A_1044 = arith.constant 0 : index
        %parallel_loop3A_1045 = tpu.vector_load %arg8[%parallel_loop3A_1042, %parallel_loop3A_1043, %parallel_loop3A_1044] {strides = array<i32>} : memref<2x2048x16xf32, #tpu.memory_space<vmem>>, vector<16xf32>,
        %parallel_loop3A_1046 = arith.constant 6 : i32
        %parallel_loop3A_1047 = vector.broadcast %parallel_loop3A_1046 : i32 to vector<16x1xi32>
        %parallel_loop3A_1048 = vector.shape_cast %parallel_loop3A_1047 : vector<16x1xi32> to vector<16xi32>
        %parallel_loop3A_1049 = tpu.dynamic_gather %parallel_loop3A_966[%parallel_loop3A_1048] in [0] : vector<16xf32>, vector<16xi32> -> vector<16xf32>
        %parallel_loop3A_1050 = arith.mulf %parallel_loop3A_1045, %parallel_loop3A_1049 : vector<16xf32>
        %parallel_loop3A_1051 = arith.constant 896 : i32
        %parallel_loop3A_1052 = arith.addi %parallel_loop3A_1051, %parallel_loop3A_959 : i32
        %parallel_loop3A_1053 = arith.constant 1 : i32
        %parallel_loop3A_1054 = arith.index_cast %parallel_loop3A_1053 : i32 to index
        %parallel_loop3A_1055 = arith.index_cast %parallel_loop3A_1052 : i32 to index
        %parallel_loop3A_1056 = arith.constant 0 : index
        %parallel_loop3A_1057 = tpu.vector_load %arg8[%parallel_loop3A_1054, %parallel_loop3A_1055, %parallel_loop3A_1056] {strides = array<i32>} : memref<2x2048x16xf32, #tpu.memory_space<vmem>>, vector<16xf32>,
        %parallel_loop3A_1058 = arith.constant 7 : i32
        %parallel_loop3A_1059 = vector.broadcast %parallel_loop3A_1058 : i32 to vector<16x1xi32>
        %parallel_loop3A_1060 = vector.shape_cast %parallel_loop3A_1059 : vector<16x1xi32> to vector<16xi32>
        %parallel_loop3A_1061 = tpu.dynamic_gather %parallel_loop3A_966[%parallel_loop3A_1060] in [0] : vector<16xf32>, vector<16xi32> -> vector<16xf32>
        %parallel_loop3A_1062 = arith.mulf %parallel_loop3A_1057, %parallel_loop3A_1061 : vector<16xf32>
        %parallel_loop3A_1063 = arith.constant 1024 : i32
        %parallel_loop3A_1064 = arith.addi %parallel_loop3A_1063, %parallel_loop3A_959 : i32
        %parallel_loop3A_1065 = arith.constant 1 : i32
        %parallel_loop3A_1066 = arith.index_cast %parallel_loop3A_1065 : i32 to index
        %parallel_loop3A_1067 = arith.index_cast %parallel_loop3A_1064 : i32 to index
        %parallel_loop3A_1068 = arith.constant 0 : index
        %parallel_loop3A_1069 = tpu.vector_load %arg8[%parallel_loop3A_1066, %parallel_loop3A_1067, %parallel_loop3A_1068] {strides = array<i32>} : memref<2x2048x16xf32, #tpu.memory_space<vmem>>, vector<16xf32>,
        %parallel_loop3A_1070 = arith.constant 8 : i32
        %parallel_loop3A_1071 = vector.broadcast %parallel_loop3A_1070 : i32 to vector<16x1xi32>
        %parallel_loop3A_1072 = vector.shape_cast %parallel_loop3A_1071 : vector<16x1xi32> to vector<16xi32>
        %parallel_loop3A_1073 = tpu.dynamic_gather %parallel_loop3A_966[%parallel_loop3A_1072] in [0] : vector<16xf32>, vector<16xi32> -> vector<16xf32>
        %parallel_loop3A_1074 = arith.mulf %parallel_loop3A_1069, %parallel_loop3A_1073 : vector<16xf32>
        %parallel_loop3A_1075 = arith.constant 1152 : i32
        %parallel_loop3A_1076 = arith.addi %parallel_loop3A_1075, %parallel_loop3A_959 : i32
        %parallel_loop3A_1077 = arith.constant 1 : i32
        %parallel_loop3A_1078 = arith.index_cast %parallel_loop3A_1077 : i32 to index
        %parallel_loop3A_1079 = arith.index_cast %parallel_loop3A_1076 : i32 to index
        %parallel_loop3A_1080 = arith.constant 0 : index
        %parallel_loop3A_1081 = tpu.vector_load %arg8[%parallel_loop3A_1078, %parallel_loop3A_1079, %parallel_loop3A_1080] {strides = array<i32>} : memref<2x2048x16xf32, #tpu.memory_space<vmem>>, vector<16xf32>,
        %parallel_loop3A_1082 = arith.constant 9 : i32
        %parallel_loop3A_1083 = vector.broadcast %parallel_loop3A_1082 : i32 to vector<16x1xi32>
        %parallel_loop3A_1084 = vector.shape_cast %parallel_loop3A_1083 : vector<16x1xi32> to vector<16xi32>
        %parallel_loop3A_1085 = tpu.dynamic_gather %parallel_loop3A_966[%parallel_loop3A_1084] in [0] : vector<16xf32>, vector<16xi32> -> vector<16xf32>
        %parallel_loop3A_1086 = arith.mulf %parallel_loop3A_1081, %parallel_loop3A_1085 : vector<16xf32>
        %parallel_loop3A_1087 = arith.constant 1280 : i32
        %parallel_loop3A_1088 = arith.addi %parallel_loop3A_1087, %parallel_loop3A_959 : i32
        %parallel_loop3A_1089 = arith.constant 1 : i32
        %parallel_loop3A_1090 = arith.index_cast %parallel_loop3A_1089 : i32 to index
        %parallel_loop3A_1091 = arith.index_cast %parallel_loop3A_1088 : i32 to index
        %parallel_loop3A_1092 = arith.constant 0 : index
        %parallel_loop3A_1093 = tpu.vector_load %arg8[%parallel_loop3A_1090, %parallel_loop3A_1091, %parallel_loop3A_1092] {strides = array<i32>} : memref<2x2048x16xf32, #tpu.memory_space<vmem>>, vector<16xf32>,
        %parallel_loop3A_1094 = arith.constant 10 : i32
        %parallel_loop3A_1095 = vector.broadcast %parallel_loop3A_1094 : i32 to vector<16x1xi32>
        %parallel_loop3A_1096 = vector.shape_cast %parallel_loop3A_1095 : vector<16x1xi32> to vector<16xi32>
        %parallel_loop3A_1097 = tpu.dynamic_gather %parallel_loop3A_966[%parallel_loop3A_1096] in [0] : vector<16xf32>, vector<16xi32> -> vector<16xf32>
        %parallel_loop3A_1098 = arith.mulf %parallel_loop3A_1093, %parallel_loop3A_1097 : vector<16xf32>
        %parallel_loop3A_1099 = arith.constant 1408 : i32
        %parallel_loop3A_1100 = arith.addi %parallel_loop3A_1099, %parallel_loop3A_959 : i32
        %parallel_loop3A_1101 = arith.constant 1 : i32
        %parallel_loop3A_1102 = arith.index_cast %parallel_loop3A_1101 : i32 to index
        %parallel_loop3A_1103 = arith.index_cast %parallel_loop3A_1100 : i32 to index
        %parallel_loop3A_1104 = arith.constant 0 : index
        %parallel_loop3A_1105 = tpu.vector_load %arg8[%parallel_loop3A_1102, %parallel_loop3A_1103, %parallel_loop3A_1104] {strides = array<i32>} : memref<2x2048x16xf32, #tpu.memory_space<vmem>>, vector<16xf32>,
        %parallel_loop3A_1106 = arith.constant 11 : i32
        %parallel_loop3A_1107 = vector.broadcast %parallel_loop3A_1106 : i32 to vector<16x1xi32>
        %parallel_loop3A_1108 = vector.shape_cast %parallel_loop3A_1107 : vector<16x1xi32> to vector<16xi32>
        %parallel_loop3A_1109 = tpu.dynamic_gather %parallel_loop3A_966[%parallel_loop3A_1108] in [0] : vector<16xf32>, vector<16xi32> -> vector<16xf32>
        %parallel_loop3A_1110 = arith.mulf %parallel_loop3A_1105, %parallel_loop3A_1109 : vector<16xf32>
        %parallel_loop3A_1111 = arith.constant 1536 : i32
        %parallel_loop3A_1112 = arith.addi %parallel_loop3A_1111, %parallel_loop3A_959 : i32
        %parallel_loop3A_1113 = arith.constant 1 : i32
        %parallel_loop3A_1114 = arith.index_cast %parallel_loop3A_1113 : i32 to index
        %parallel_loop3A_1115 = arith.index_cast %parallel_loop3A_1112 : i32 to index
        %parallel_loop3A_1116 = arith.constant 0 : index
        %parallel_loop3A_1117 = tpu.vector_load %arg8[%parallel_loop3A_1114, %parallel_loop3A_1115, %parallel_loop3A_1116] {strides = array<i32>} : memref<2x2048x16xf32, #tpu.memory_space<vmem>>, vector<16xf32>,
        %parallel_loop3A_1118 = arith.constant 12 : i32
        %parallel_loop3A_1119 = vector.broadcast %parallel_loop3A_1118 : i32 to vector<16x1xi32>
        %parallel_loop3A_1120 = vector.shape_cast %parallel_loop3A_1119 : vector<16x1xi32> to vector<16xi32>
        %parallel_loop3A_1121 = tpu.dynamic_gather %parallel_loop3A_966[%parallel_loop3A_1120] in [0] : vector<16xf32>, vector<16xi32> -> vector<16xf32>
        %parallel_loop3A_1122 = arith.mulf %parallel_loop3A_1117, %parallel_loop3A_1121 : vector<16xf32>
        %parallel_loop3A_1123 = arith.constant 1664 : i32
        %parallel_loop3A_1124 = arith.addi %parallel_loop3A_1123, %parallel_loop3A_959 : i32
        %parallel_loop3A_1125 = arith.constant 1 : i32
        %parallel_loop3A_1126 = arith.index_cast %parallel_loop3A_1125 : i32 to index
        %parallel_loop3A_1127 = arith.index_cast %parallel_loop3A_1124 : i32 to index
        %parallel_loop3A_1128 = arith.constant 0 : index
        %parallel_loop3A_1129 = tpu.vector_load %arg8[%parallel_loop3A_1126, %parallel_loop3A_1127, %parallel_loop3A_1128] {strides = array<i32>} : memref<2x2048x16xf32, #tpu.memory_space<vmem>>, vector<16xf32>,
        %parallel_loop3A_1130 = arith.constant 13 : i32
        %parallel_loop3A_1131 = vector.broadcast %parallel_loop3A_1130 : i32 to vector<16x1xi32>
        %parallel_loop3A_1132 = vector.shape_cast %parallel_loop3A_1131 : vector<16x1xi32> to vector<16xi32>
        %parallel_loop3A_1133 = tpu.dynamic_gather %parallel_loop3A_966[%parallel_loop3A_1132] in [0] : vector<16xf32>, vector<16xi32> -> vector<16xf32>
        %parallel_loop3A_1134 = arith.mulf %parallel_loop3A_1129, %parallel_loop3A_1133 : vector<16xf32>
        %parallel_loop3A_1135 = arith.constant 1792 : i32
        %parallel_loop3A_1136 = arith.addi %parallel_loop3A_1135, %parallel_loop3A_959 : i32
        %parallel_loop3A_1137 = arith.constant 1 : i32
        %parallel_loop3A_1138 = arith.index_cast %parallel_loop3A_1137 : i32 to index
        %parallel_loop3A_1139 = arith.index_cast %parallel_loop3A_1136 : i32 to index
        %parallel_loop3A_1140 = arith.constant 0 : index
        %parallel_loop3A_1141 = tpu.vector_load %arg8[%parallel_loop3A_1138, %parallel_loop3A_1139, %parallel_loop3A_1140] {strides = array<i32>} : memref<2x2048x16xf32, #tpu.memory_space<vmem>>, vector<16xf32>,
        %parallel_loop3A_1142 = arith.constant 14 : i32
        %parallel_loop3A_1143 = vector.broadcast %parallel_loop3A_1142 : i32 to vector<16x1xi32>
        %parallel_loop3A_1144 = vector.shape_cast %parallel_loop3A_1143 : vector<16x1xi32> to vector<16xi32>
        %parallel_loop3A_1145 = tpu.dynamic_gather %parallel_loop3A_966[%parallel_loop3A_1144] in [0] : vector<16xf32>, vector<16xi32> -> vector<16xf32>
        %parallel_loop3A_1146 = arith.mulf %parallel_loop3A_1141, %parallel_loop3A_1145 : vector<16xf32>
        %parallel_loop3A_1147 = arith.constant 1920 : i32
        %parallel_loop3A_1148 = arith.addi %parallel_loop3A_1147, %parallel_loop3A_959 : i32
        %parallel_loop3A_1149 = arith.constant 1 : i32
        %parallel_loop3A_1150 = arith.index_cast %parallel_loop3A_1149 : i32 to index
        %parallel_loop3A_1151 = arith.index_cast %parallel_loop3A_1148 : i32 to index
        %parallel_loop3A_1152 = arith.constant 0 : index
        %parallel_loop3A_1153 = tpu.vector_load %arg8[%parallel_loop3A_1150, %parallel_loop3A_1151, %parallel_loop3A_1152] {strides = array<i32>} : memref<2x2048x16xf32, #tpu.memory_space<vmem>>, vector<16xf32>,
        %parallel_loop3A_1154 = arith.constant 15 : i32
        %parallel_loop3A_1155 = vector.broadcast %parallel_loop3A_1154 : i32 to vector<16x1xi32>
        %parallel_loop3A_1156 = vector.shape_cast %parallel_loop3A_1155 : vector<16x1xi32> to vector<16xi32>
        %parallel_loop3A_1157 = tpu.dynamic_gather %parallel_loop3A_966[%parallel_loop3A_1156] in [0] : vector<16xf32>, vector<16xi32> -> vector<16xf32>
        %parallel_loop3A_1158 = arith.mulf %parallel_loop3A_1153, %parallel_loop3A_1157 : vector<16xf32>
        %parallel_loop3A_1159 = arith.addf %parallel_loop3A_978, %parallel_loop3A_990 : vector<16xf32>
        %parallel_loop3A_1160 = arith.addf %parallel_loop3A_1002, %parallel_loop3A_1014 : vector<16xf32>
        %parallel_loop3A_1161 = arith.addf %parallel_loop3A_1026, %parallel_loop3A_1038 : vector<16xf32>
        %parallel_loop3A_1162 = arith.addf %parallel_loop3A_1050, %parallel_loop3A_1062 : vector<16xf32>
        %parallel_loop3A_1163 = arith.addf %parallel_loop3A_1074, %parallel_loop3A_1086 : vector<16xf32>
        %parallel_loop3A_1164 = arith.addf %parallel_loop3A_1098, %parallel_loop3A_1110 : vector<16xf32>
        %parallel_loop3A_1165 = arith.addf %parallel_loop3A_1122, %parallel_loop3A_1134 : vector<16xf32>
        %parallel_loop3A_1166 = arith.addf %parallel_loop3A_1146, %parallel_loop3A_1158 : vector<16xf32>
        %parallel_loop3A_1167 = arith.addf %parallel_loop3A_1159, %parallel_loop3A_1160 : vector<16xf32>
        %parallel_loop3A_1168 = arith.addf %parallel_loop3A_1161, %parallel_loop3A_1162 : vector<16xf32>
        %parallel_loop3A_1169 = arith.addf %parallel_loop3A_1163, %parallel_loop3A_1164 : vector<16xf32>
        %parallel_loop3A_1170 = arith.addf %parallel_loop3A_1165, %parallel_loop3A_1166 : vector<16xf32>
        %parallel_loop3A_1171 = arith.addf %parallel_loop3A_1167, %parallel_loop3A_1168 : vector<16xf32>
        %parallel_loop3A_1172 = arith.addf %parallel_loop3A_1169, %parallel_loop3A_1170 : vector<16xf32>
        %parallel_loop3A_1173 = arith.addf %parallel_loop3A_1171, %parallel_loop3A_1172 : vector<16xf32>
        %parallel_loop3A_1174 = arith.constant 1 : i32
        %parallel_loop3A_1175 = arith.constant 0 : i32
        %parallel_loop3A_1176 = arith.constant 0 : i32
        %parallel_loop3A_1177 = tpu.memref_slice %arg9[%parallel_loop3A_1174, %parallel_loop3A_1175, %parallel_loop3A_1176] : memref<2x16x128xf32, #tpu.memory_space<vmem>> -> memref<1x16x128xf32, #tpu.memory_space<vmem>>
        %parallel_loop3A_1178 = tpu.memref_squeeze %parallel_loop3A_1177 : memref<1x16x128xf32, #tpu.memory_space<vmem>> -> memref<16x128xf32, #tpu.memory_space<vmem>>
        tpu.vector_store_idx %parallel_loop3A_1178[%iota3A, %parallel_loop3A_960], %parallel_loop3A_1173 : memref<16x128xf32, #tpu.memory_space<vmem>>[vector<16xi32>, vector<16xi32>], vector<16xf32>,
      } {sc.loop_unroll_factor = 4 : i64, sc.parallel_access}
      %dma_start3A_916 = arith.constant 1 : i32
      %dma_start3A_917 = arith.constant 0 : i32
      %dma_start3A_918 = arith.constant 0 : i32
      %dma_start3A_919 = arith.constant 0 : i32
      %dma_start3A_920 = tpu.memref_slice %arg9[%dma_start3A_916, %dma_start3A_918, %dma_start3A_919] : memref<2x16x128xf32, #tpu.memory_space<vmem>> -> memref<1x8x128xf32, #tpu.memory_space<vmem>>
      %dma_start3A_921 = tpu.memref_squeeze %dma_start3A_920 : memref<1x8x128xf32, #tpu.memory_space<vmem>> -> memref<8x128xf32, #tpu.memory_space<vmem>>
      %dma_start3A_922 = arith.constant 0 : i32
      %dma_start3A_923 = arith.constant 0 : i32
      %dma_start3A_924 = tpu.memref_slice %arg5[%dma_start3A_917, %add3A_669, %dma_start3A_922, %dma_start3A_923] : memref<2x2048x8x128xf32, #tpu.memory_space<hbm>> -> memref<1x1x8x128xf32, #tpu.memory_space<hbm>>
      %dma_start3A_925 = tpu.memref_squeeze %dma_start3A_924 : memref<1x1x8x128xf32, #tpu.memory_space<hbm>> -> memref<8x128xf32, #tpu.memory_space<hbm>>
      %dma_start3A_926 = arith.constant 0 : i32
      %dma_start3A_927 = arith.constant 0 : i32
      %dma_start3A_928 = tpu.memref_slice %arg5[%dma_start3A_917, %add3A_669, %dma_start3A_926, %dma_start3A_927] : memref<2x2048x8x128xf32, #tpu.memory_space<hbm>> -> memref<1x1x8x128xf32, #tpu.memory_space<hbm>>
      %dma_start3A_929 = tpu.memref_squeeze %dma_start3A_928 : memref<1x1x8x128xf32, #tpu.memory_space<hbm>> -> memref<8x128xf32, #tpu.memory_space<hbm>>
      %dma_start3A_930 = arith.constant 0 : i32
      %dma_start3A_931 = arith.constant 0 : i32
      %dma_start3A_932 = tpu.memref_slice %arg9[%dma_start3A_916, %dma_start3A_930, %dma_start3A_931] : memref<2x16x128xf32, #tpu.memory_space<vmem>> -> memref<1x8x128xf32, #tpu.memory_space<vmem>>
      %dma_start3A_933 = tpu.memref_squeeze %dma_start3A_932 : memref<1x8x128xf32, #tpu.memory_space<vmem>> -> memref<8x128xf32, #tpu.memory_space<vmem>>
      tpu.enqueue_dma source(%dma_start3A_933 : memref<8x128xf32, #tpu.memory_space<vmem>>) target(%dma_start3A_929 : memref<8x128xf32, #tpu.memory_space<hbm>>) target_semaphore(%arg17 : memref<!tpu.dma_semaphore, #tpu.memory_space<semaphore_mem>>)
      %dma_start3A_934 = arith.constant 1 : i32
      %dma_start3A_935 = arith.constant 1 : i32
      %dma_start3A_936 = arith.constant 8 : i32
      %dma_start3A_937 = arith.constant 0 : i32
      %dma_start3A_938 = tpu.memref_slice %arg9[%dma_start3A_934, %dma_start3A_936, %dma_start3A_937] : memref<2x16x128xf32, #tpu.memory_space<vmem>> -> memref<1x8x128xf32, #tpu.memory_space<vmem>>
      %dma_start3A_939 = tpu.memref_squeeze %dma_start3A_938 : memref<1x8x128xf32, #tpu.memory_space<vmem>> -> memref<8x128xf32, #tpu.memory_space<vmem>>
      %dma_start3A_940 = arith.constant 0 : i32
      %dma_start3A_941 = arith.constant 0 : i32
      %dma_start3A_942 = tpu.memref_slice %arg5[%dma_start3A_935, %add3A_669, %dma_start3A_940, %dma_start3A_941] : memref<2x2048x8x128xf32, #tpu.memory_space<hbm>> -> memref<1x1x8x128xf32, #tpu.memory_space<hbm>>
      %dma_start3A_943 = tpu.memref_squeeze %dma_start3A_942 : memref<1x1x8x128xf32, #tpu.memory_space<hbm>> -> memref<8x128xf32, #tpu.memory_space<hbm>>
      %dma_start3A_944 = arith.constant 0 : i32
      %dma_start3A_945 = arith.constant 0 : i32
      %dma_start3A_946 = tpu.memref_slice %arg5[%dma_start3A_935, %add3A_669, %dma_start3A_944, %dma_start3A_945] : memref<2x2048x8x128xf32, #tpu.memory_space<hbm>> -> memref<1x1x8x128xf32, #tpu.memory_space<hbm>>
      %dma_start3A_947 = tpu.memref_squeeze %dma_start3A_946 : memref<1x1x8x128xf32, #tpu.memory_space<hbm>> -> memref<8x128xf32, #tpu.memory_space<hbm>>
      %dma_start3A_948 = arith.constant 8 : i32
      %dma_start3A_949 = arith.constant 0 : i32
      %dma_start3A_950 = tpu.memref_slice %arg9[%dma_start3A_934, %dma_start3A_948, %dma_start3A_949] : memref<2x16x128xf32, #tpu.memory_space<vmem>> -> memref<1x8x128xf32, #tpu.memory_space<vmem>>
      %dma_start3A_951 = tpu.memref_squeeze %dma_start3A_950 : memref<1x8x128xf32, #tpu.memory_space<vmem>> -> memref<8x128xf32, #tpu.memory_space<vmem>>
      tpu.enqueue_dma source(%dma_start3A_951 : memref<8x128xf32, #tpu.memory_space<vmem>>) target(%dma_start3A_947 : memref<8x128xf32, #tpu.memory_space<hbm>>) target_semaphore(%arg17 : memref<!tpu.dma_semaphore, #tpu.memory_space<semaphore_mem>>)
      %add3A_952 = arith.constant 2 : i32
      %add3A_953 = arith.addi %add3A_668, %add3A_952 : i32
      %lt3A_954 = arith.constant 64 : i32
      %lt3A_955 = arith.cmpi slt, %add3A_953, %lt3A_954 : i32
      %convert_element_type3A_956 = arith.extui %lt3A_955 : i1 to i32
      %cond3A_957 = arith.constant 0 : i32
      %cond3A_958 = arith.cmpi ne, %convert_element_type3A_956, %cond3A_957 : i32
      scf.if %cond3A_958 {
        %add3A_959 = arith.constant 2 : i32
        %add3A_960 = arith.addi %add3A_669, %add3A_959 : i32
        %mul3A_961 = arith.constant 16 : i32
        %mul3A_962 = arith.muli %add3A_960, %mul3A_961 : i32
        %multiple_of3A_963 = tpu.assume_multiple %mul3A_962, 16 : i32
        %dma_start3A_964 = arith.constant 1 : i32
        %dma_start3A_965 = arith.constant 0 : i32
        %dma_start3A_966 = arith.constant 0 : i32
        %dma_start3A_967 = tpu.memref_slice %arg7[%dma_start3A_964, %dma_start3A_965, %dma_start3A_966] : memref<2x16x128xf32, #tpu.memory_space<vmem>> -> memref<1x16x128xf32, #tpu.memory_space<vmem>>
        %dma_start3A_968 = tpu.memref_squeeze %dma_start3A_967 : memref<1x16x128xf32, #tpu.memory_space<vmem>> -> memref<16x128xf32, #tpu.memory_space<vmem>>
        %dma_start3A_969 = arith.constant 0 : i32
        %dma_start3A_970 = tpu.memref_slice %arg4[%multiple_of3A_963, %dma_start3A_969] : memref<32768x128xf32, #tpu.memory_space<hbm>> -> memref<16x128xf32, #tpu.memory_space<hbm>>
        %dma_start3A_971 = arith.constant 0 : i32
        %dma_start3A_972 = arith.constant 0 : i32
        %dma_start3A_973 = tpu.memref_slice %arg7[%dma_start3A_964, %dma_start3A_971, %dma_start3A_972] : memref<2x16x128xf32, #tpu.memory_space<vmem>> -> memref<1x16x128xf32, #tpu.memory_space<vmem>>
        %dma_start3A_974 = tpu.memref_squeeze %dma_start3A_973 : memref<1x16x128xf32, #tpu.memory_space<vmem>> -> memref<16x128xf32, #tpu.memory_space<vmem>>
        %dma_start3A_975 = arith.constant 0 : i32
        %dma_start3A_976 = tpu.memref_slice %arg4[%multiple_of3A_963, %dma_start3A_975] : memref<32768x128xf32, #tpu.memory_space<hbm>> -> memref<16x128xf32, #tpu.memory_space<hbm>>
        tpu.enqueue_dma source(%dma_start3A_976 : memref<16x128xf32, #tpu.memory_space<hbm>>) target(%dma_start3A_974 : memref<16x128xf32, #tpu.memory_space<vmem>>) target_semaphore(%arg13 : memref<!tpu.dma_semaphore, #tpu.memory_space<semaphore_mem>>)
      } else {
      }
    }
    %scan3A_295 = arith.constant 32 : i32
    %add3A_296 = arith.constant 64 : i32
    %add3A_297 = arith.addi %mul3A_2, %add3A_296 : i32
    %sub3A = arith.constant 2 : i32
    %sub3A_298 = arith.subi %add3A_297, %sub3A : i32
    %dma_wait3A_299 = arith.constant 0 : i32
    %dma_wait3A_300 = arith.constant 0 : i32
    %dma_wait3A_301 = arith.constant 0 : i32
    %dma_wait3A_302 = arith.constant 0 : i32
    %dma_wait3A_303 = tpu.memref_slice %arg9[%dma_wait3A_299, %dma_wait3A_301, %dma_wait3A_302] : memref<2x16x128xf32, #tpu.memory_space<vmem>> -> memref<1x8x128xf32, #tpu.memory_space<vmem>>
    %dma_wait3A_304 = tpu.memref_squeeze %dma_wait3A_303 : memref<1x8x128xf32, #tpu.memory_space<vmem>> -> memref<8x128xf32, #tpu.memory_space<vmem>>
    %dma_wait3A_305 = arith.constant 0 : i32
    %dma_wait3A_306 = arith.constant 0 : i32
    %dma_wait3A_307 = tpu.memref_slice %arg5[%dma_wait3A_300, %sub3A_298, %dma_wait3A_305, %dma_wait3A_306] : memref<2x2048x8x128xf32, #tpu.memory_space<hbm>> -> memref<1x1x8x128xf32, #tpu.memory_space<hbm>>
    %dma_wait3A_308 = tpu.memref_squeeze %dma_wait3A_307 : memref<1x1x8x128xf32, #tpu.memory_space<hbm>> -> memref<8x128xf32, #tpu.memory_space<hbm>>
    %dma_wait3A_309 = arith.constant 0 : i32
    %dma_wait3A_310 = arith.constant 0 : i32
    %dma_wait3A_311 = tpu.memref_slice %arg5[%dma_wait3A_300, %sub3A_298, %dma_wait3A_309, %dma_wait3A_310] : memref<2x2048x8x128xf32, #tpu.memory_space<hbm>> -> memref<1x1x8x128xf32, #tpu.memory_space<hbm>>
    %dma_wait3A_312 = tpu.memref_squeeze %dma_wait3A_311 : memref<1x1x8x128xf32, #tpu.memory_space<hbm>> -> memref<8x128xf32, #tpu.memory_space<hbm>>
    %dma_wait3A_313 = arith.constant 0 : i32
    %dma_wait3A_314 = arith.constant 0 : i32
    %dma_wait3A_315 = tpu.memref_slice %arg9[%dma_wait3A_299, %dma_wait3A_313, %dma_wait3A_314] : memref<2x16x128xf32, #tpu.memory_space<vmem>> -> memref<1x8x128xf32, #tpu.memory_space<vmem>>
    %dma_wait3A_316 = tpu.memref_squeeze %dma_wait3A_315 : memref<1x8x128xf32, #tpu.memory_space<vmem>> -> memref<8x128xf32, #tpu.memory_space<vmem>>
    tpu.wait_dma2 semaphore(%arg16 : memref<!tpu.dma_semaphore, #tpu.memory_space<semaphore_mem>>) src(%dma_wait3A_316 : memref<8x128xf32, #tpu.memory_space<vmem>>) dst(%dma_wait3A_312 : memref<8x128xf32, #tpu.memory_space<hbm>>)
    %dma_wait3A_317 = arith.constant 0 : i32
    %dma_wait3A_318 = arith.constant 1 : i32
    %dma_wait3A_319 = arith.constant 8 : i32
    %dma_wait3A_320 = arith.constant 0 : i32
    %dma_wait3A_321 = tpu.memref_slice %arg9[%dma_wait3A_317, %dma_wait3A_319, %dma_wait3A_320] : memref<2x16x128xf32, #tpu.memory_space<vmem>> -> memref<1x8x128xf32, #tpu.memory_space<vmem>>
    %dma_wait3A_322 = tpu.memref_squeeze %dma_wait3A_321 : memref<1x8x128xf32, #tpu.memory_space<vmem>> -> memref<8x128xf32, #tpu.memory_space<vmem>>
    %dma_wait3A_323 = arith.constant 0 : i32
    %dma_wait3A_324 = arith.constant 0 : i32
    %dma_wait3A_325 = tpu.memref_slice %arg5[%dma_wait3A_318, %sub3A_298, %dma_wait3A_323, %dma_wait3A_324] : memref<2x2048x8x128xf32, #tpu.memory_space<hbm>> -> memref<1x1x8x128xf32, #tpu.memory_space<hbm>>
    %dma_wait3A_326 = tpu.memref_squeeze %dma_wait3A_325 : memref<1x1x8x128xf32, #tpu.memory_space<hbm>> -> memref<8x128xf32, #tpu.memory_space<hbm>>
    %dma_wait3A_327 = arith.constant 0 : i32
    %dma_wait3A_328 = arith.constant 0 : i32
    %dma_wait3A_329 = tpu.memref_slice %arg5[%dma_wait3A_318, %sub3A_298, %dma_wait3A_327, %dma_wait3A_328] : memref<2x2048x8x128xf32, #tpu.memory_space<hbm>> -> memref<1x1x8x128xf32, #tpu.memory_space<hbm>>
    %dma_wait3A_330 = tpu.memref_squeeze %dma_wait3A_329 : memref<1x1x8x128xf32, #tpu.memory_space<hbm>> -> memref<8x128xf32, #tpu.memory_space<hbm>>
    %dma_wait3A_331 = arith.constant 8 : i32
    %dma_wait3A_332 = arith.constant 0 : i32
    %dma_wait3A_333 = tpu.memref_slice %arg9[%dma_wait3A_317, %dma_wait3A_331, %dma_wait3A_332] : memref<2x16x128xf32, #tpu.memory_space<vmem>> -> memref<1x8x128xf32, #tpu.memory_space<vmem>>
    %dma_wait3A_334 = tpu.memref_squeeze %dma_wait3A_333 : memref<1x8x128xf32, #tpu.memory_space<vmem>> -> memref<8x128xf32, #tpu.memory_space<vmem>>
    tpu.wait_dma2 semaphore(%arg16 : memref<!tpu.dma_semaphore, #tpu.memory_space<semaphore_mem>>) src(%dma_wait3A_334 : memref<8x128xf32, #tpu.memory_space<vmem>>) dst(%dma_wait3A_330 : memref<8x128xf32, #tpu.memory_space<hbm>>)
    %add3A_335 = arith.constant 64 : i32
    %add3A_336 = arith.addi %mul3A_2, %add3A_335 : i32
    %sub3A_337 = arith.constant 1 : i32
    %sub3A_338 = arith.subi %add3A_336, %sub3A_337 : i32
    %dma_wait3A_339 = arith.constant 1 : i32
    %dma_wait3A_340 = arith.constant 0 : i32
    %dma_wait3A_341 = arith.constant 0 : i32
    %dma_wait3A_342 = arith.constant 0 : i32
    %dma_wait3A_343 = tpu.memref_slice %arg9[%dma_wait3A_339, %dma_wait3A_341, %dma_wait3A_342] : memref<2x16x128xf32, #tpu.memory_space<vmem>> -> memref<1x8x128xf32, #tpu.memory_space<vmem>>
    %dma_wait3A_344 = tpu.memref_squeeze %dma_wait3A_343 : memref<1x8x128xf32, #tpu.memory_space<vmem>> -> memref<8x128xf32, #tpu.memory_space<vmem>>
    %dma_wait3A_345 = arith.constant 0 : i32
    %dma_wait3A_346 = arith.constant 0 : i32
    %dma_wait3A_347 = tpu.memref_slice %arg5[%dma_wait3A_340, %sub3A_338, %dma_wait3A_345, %dma_wait3A_346] : memref<2x2048x8x128xf32, #tpu.memory_space<hbm>> -> memref<1x1x8x128xf32, #tpu.memory_space<hbm>>
    %dma_wait3A_348 = tpu.memref_squeeze %dma_wait3A_347 : memref<1x1x8x128xf32, #tpu.memory_space<hbm>> -> memref<8x128xf32, #tpu.memory_space<hbm>>
    %dma_wait3A_349 = arith.constant 0 : i32
    %dma_wait3A_350 = arith.constant 0 : i32
    %dma_wait3A_351 = tpu.memref_slice %arg5[%dma_wait3A_340, %sub3A_338, %dma_wait3A_349, %dma_wait3A_350] : memref<2x2048x8x128xf32, #tpu.memory_space<hbm>> -> memref<1x1x8x128xf32, #tpu.memory_space<hbm>>
    %dma_wait3A_352 = tpu.memref_squeeze %dma_wait3A_351 : memref<1x1x8x128xf32, #tpu.memory_space<hbm>> -> memref<8x128xf32, #tpu.memory_space<hbm>>
    %dma_wait3A_353 = arith.constant 0 : i32
    %dma_wait3A_354 = arith.constant 0 : i32
    %dma_wait3A_355 = tpu.memref_slice %arg9[%dma_wait3A_339, %dma_wait3A_353, %dma_wait3A_354] : memref<2x16x128xf32, #tpu.memory_space<vmem>> -> memref<1x8x128xf32, #tpu.memory_space<vmem>>
    %dma_wait3A_356 = tpu.memref_squeeze %dma_wait3A_355 : memref<1x8x128xf32, #tpu.memory_space<vmem>> -> memref<8x128xf32, #tpu.memory_space<vmem>>
    tpu.wait_dma2 semaphore(%arg17 : memref<!tpu.dma_semaphore, #tpu.memory_space<semaphore_mem>>) src(%dma_wait3A_356 : memref<8x128xf32, #tpu.memory_space<vmem>>) dst(%dma_wait3A_352 : memref<8x128xf32, #tpu.memory_space<hbm>>)
    %dma_wait3A_357 = arith.constant 1 : i32
    %dma_wait3A_358 = arith.constant 1 : i32
    %dma_wait3A_359 = arith.constant 8 : i32
    %dma_wait3A_360 = arith.constant 0 : i32
    %dma_wait3A_361 = tpu.memref_slice %arg9[%dma_wait3A_357, %dma_wait3A_359, %dma_wait3A_360] : memref<2x16x128xf32, #tpu.memory_space<vmem>> -> memref<1x8x128xf32, #tpu.memory_space<vmem>>
    %dma_wait3A_362 = tpu.memref_squeeze %dma_wait3A_361 : memref<1x8x128xf32, #tpu.memory_space<vmem>> -> memref<8x128xf32, #tpu.memory_space<vmem>>
    %dma_wait3A_363 = arith.constant 0 : i32
    %dma_wait3A_364 = arith.constant 0 : i32
    %dma_wait3A_365 = tpu.memref_slice %arg5[%dma_wait3A_358, %sub3A_338, %dma_wait3A_363, %dma_wait3A_364] : memref<2x2048x8x128xf32, #tpu.memory_space<hbm>> -> memref<1x1x8x128xf32, #tpu.memory_space<hbm>>
    %dma_wait3A_366 = tpu.memref_squeeze %dma_wait3A_365 : memref<1x1x8x128xf32, #tpu.memory_space<hbm>> -> memref<8x128xf32, #tpu.memory_space<hbm>>
    %dma_wait3A_367 = arith.constant 0 : i32
    %dma_wait3A_368 = arith.constant 0 : i32
    %dma_wait3A_369 = tpu.memref_slice %arg5[%dma_wait3A_358, %sub3A_338, %dma_wait3A_367, %dma_wait3A_368] : memref<2x2048x8x128xf32, #tpu.memory_space<hbm>> -> memref<1x1x8x128xf32, #tpu.memory_space<hbm>>
    %dma_wait3A_370 = tpu.memref_squeeze %dma_wait3A_369 : memref<1x1x8x128xf32, #tpu.memory_space<hbm>> -> memref<8x128xf32, #tpu.memory_space<hbm>>
    %dma_wait3A_371 = arith.constant 8 : i32
    %dma_wait3A_372 = arith.constant 0 : i32
    %dma_wait3A_373 = tpu.memref_slice %arg9[%dma_wait3A_357, %dma_wait3A_371, %dma_wait3A_372] : memref<2x16x128xf32, #tpu.memory_space<vmem>> -> memref<1x8x128xf32, #tpu.memory_space<vmem>>
    %dma_wait3A_374 = tpu.memref_squeeze %dma_wait3A_373 : memref<1x8x128xf32, #tpu.memory_space<vmem>> -> memref<8x128xf32, #tpu.memory_space<vmem>>
    tpu.wait_dma2 semaphore(%arg17 : memref<!tpu.dma_semaphore, #tpu.memory_space<semaphore_mem>>) src(%dma_wait3A_374 : memref<8x128xf32, #tpu.memory_space<vmem>>) dst(%dma_wait3A_370 : memref<8x128xf32, #tpu.memory_space<hbm>>)
    return
  }
}

module attributes {stable_mosaic.version = 14 : i64} {
  func.func @_prep_block(%arg0: i32, %arg1: memref<256x128xf32, #tpu.memory_space<vmem>>, %arg2: memref<256x128xf32, #tpu.memory_space<vmem>>, %arg3: memref<256x16x128xi32, #tpu.memory_space<vmem>>, %arg4: memref<256x16x128xf32, #tpu.memory_space<vmem>>) attributes {dimension_semantics = [#tpu.dimension_semantics<arbitrary>], iteration_bounds = array<i64: 8>, scalar_prefetch = 0 : i64, scratch_operands = 0 : i64, tpu.core_type = #tpu.core_type<tc>, window_params = [{transform_indices = @transform_0, window_bounds = array<i64: 256, 128>}, {transform_indices = @transform_1, window_bounds = array<i64: 256, 128>}, {transform_indices = @transform_2, window_bounds = array<i64: 256, 16, 128>}, {transform_indices = @transform_3, window_bounds = array<i64: 256, 16, 128>}]} {
    %get3A = arith.constant 0 : index
    %get3A_0 = arith.constant 0 : index
    %get3A_1 = vector.load %arg1[%get3A, %get3A_0] : memref<256x128xf32, #tpu.memory_space<vmem>>, vector<256x128xf32>
    %jit3A = arith.constant 1.000000e+00 : f32
    %jit3A_2 = arith.constant 2.045000e+03 : f32
    %max3A = vector.broadcast %jit3A : f32 to vector<256x128xf32>
    %max3A_3 = arith.maximumf %max3A, %get3A_1 : vector<256x128xf32>
    %min3A = vector.broadcast %jit3A_2 : f32 to vector<256x128xf32>
    %min3A_4 = arith.minimumf %min3A, %max3A_3 : vector<256x128xf32>
    %broadcast_in_dim3A = vector.shape_cast %min3A_4 : vector<256x128xf32> to vector<256x1x128xf32>
    %get3A_5 = arith.constant 0 : index
    %get3A_6 = arith.constant 0 : index
    %get3A_7 = vector.load %arg2[%get3A_5, %get3A_6] : memref<256x128xf32, #tpu.memory_space<vmem>>, vector<256x128xf32>
    %jit3A_8 = arith.constant 1.000000e+00 : f32
    %jit3A_9 = arith.constant 2.045000e+03 : f32
    %max3A_10 = vector.broadcast %jit3A_8 : f32 to vector<256x128xf32>
    %max3A_11 = arith.maximumf %max3A_10, %get3A_7 : vector<256x128xf32>
    %min3A_12 = vector.broadcast %jit3A_9 : f32 to vector<256x128xf32>
    %min3A_13 = arith.minimumf %min3A_12, %max3A_11 : vector<256x128xf32>
    %broadcast_in_dim3A_14 = vector.shape_cast %min3A_13 : vector<256x128xf32> to vector<256x1x128xf32>
    %floor3A = math.floor %broadcast_in_dim3A : vector<256x1x128xf32>
    %floor3A_15 = math.floor %broadcast_in_dim3A_14 : vector<256x1x128xf32>
    %sub3A = arith.subf %broadcast_in_dim3A, %floor3A : vector<256x1x128xf32>
    %sub3A_16 = arith.subf %broadcast_in_dim3A_14, %floor3A_15 : vector<256x1x128xf32>
    %convert_element_type3A = arith.fptosi %floor3A : vector<256x1x128xf32> to vector<256x1x128xi32>
    %convert_element_type3A_17 = arith.fptosi %floor3A_15 : vector<256x1x128xf32> to vector<256x1x128xi32>
    %mul3A = arith.mulf %sub3A, %sub3A : vector<256x1x128xf32>
    %mul3A_18 = arith.mulf %mul3A, %sub3A : vector<256x1x128xf32>
    %mul3A_19 = arith.constant -5.000000e-01 : f32
    %mul3A_20 = vector.broadcast %mul3A_19 : f32 to vector<256x1x128xf32>
    %mul3A_21 = arith.mulf %mul3A_20, %mul3A_18 : vector<256x1x128xf32>
    %add3A = arith.addf %mul3A_21, %mul3A : vector<256x1x128xf32>
    %mul3A_22 = arith.constant 5.000000e-01 : f32
    %mul3A_23 = vector.broadcast %mul3A_22 : f32 to vector<256x1x128xf32>
    %mul3A_24 = arith.mulf %mul3A_23, %sub3A : vector<256x1x128xf32>
    %sub3A_25 = arith.subf %add3A, %mul3A_24 : vector<256x1x128xf32>
    %mul3A_26 = arith.constant 1.500000e+00 : f32
    %mul3A_27 = vector.broadcast %mul3A_26 : f32 to vector<256x1x128xf32>
    %mul3A_28 = arith.mulf %mul3A_27, %mul3A_18 : vector<256x1x128xf32>
    %mul3A_29 = arith.constant 2.500000e+00 : f32
    %mul3A_30 = vector.broadcast %mul3A_29 : f32 to vector<256x1x128xf32>
    %mul3A_31 = arith.mulf %mul3A_30, %mul3A : vector<256x1x128xf32>
    %sub3A_32 = arith.subf %mul3A_28, %mul3A_31 : vector<256x1x128xf32>
    %add3A_33 = arith.constant 1.000000e+00 : f32
    %add3A_34 = vector.broadcast %add3A_33 : f32 to vector<256x1x128xf32>
    %add3A_35 = arith.addf %sub3A_32, %add3A_34 : vector<256x1x128xf32>
    %mul3A_36 = arith.constant -1.500000e+00 : f32
    %mul3A_37 = vector.broadcast %mul3A_36 : f32 to vector<256x1x128xf32>
    %mul3A_38 = arith.mulf %mul3A_37, %mul3A_18 : vector<256x1x128xf32>
    %mul3A_39 = arith.constant 2.000000e+00 : f32
    %mul3A_40 = vector.broadcast %mul3A_39 : f32 to vector<256x1x128xf32>
    %mul3A_41 = arith.mulf %mul3A_40, %mul3A : vector<256x1x128xf32>
    %add3A_42 = arith.addf %mul3A_38, %mul3A_41 : vector<256x1x128xf32>
    %mul3A_43 = arith.constant 5.000000e-01 : f32
    %mul3A_44 = vector.broadcast %mul3A_43 : f32 to vector<256x1x128xf32>
    %mul3A_45 = arith.mulf %mul3A_44, %sub3A : vector<256x1x128xf32>
    %add3A_46 = arith.addf %add3A_42, %mul3A_45 : vector<256x1x128xf32>
    %mul3A_47 = arith.constant 5.000000e-01 : f32
    %mul3A_48 = vector.broadcast %mul3A_47 : f32 to vector<256x1x128xf32>
    %mul3A_49 = arith.mulf %mul3A_48, %mul3A_18 : vector<256x1x128xf32>
    %mul3A_50 = arith.constant 5.000000e-01 : f32
    %mul3A_51 = vector.broadcast %mul3A_50 : f32 to vector<256x1x128xf32>
    %mul3A_52 = arith.mulf %mul3A_51, %mul3A : vector<256x1x128xf32>
    %sub3A_53 = arith.subf %mul3A_49, %mul3A_52 : vector<256x1x128xf32>
    %mul3A_54 = arith.mulf %sub3A_16, %sub3A_16 : vector<256x1x128xf32>
    %mul3A_55 = arith.mulf %mul3A_54, %sub3A_16 : vector<256x1x128xf32>
    %mul3A_56 = arith.constant -5.000000e-01 : f32
    %mul3A_57 = vector.broadcast %mul3A_56 : f32 to vector<256x1x128xf32>
    %mul3A_58 = arith.mulf %mul3A_57, %mul3A_55 : vector<256x1x128xf32>
    %add3A_59 = arith.addf %mul3A_58, %mul3A_54 : vector<256x1x128xf32>
    %mul3A_60 = arith.constant 5.000000e-01 : f32
    %mul3A_61 = vector.broadcast %mul3A_60 : f32 to vector<256x1x128xf32>
    %mul3A_62 = arith.mulf %mul3A_61, %sub3A_16 : vector<256x1x128xf32>
    %sub3A_63 = arith.subf %add3A_59, %mul3A_62 : vector<256x1x128xf32>
    %mul3A_64 = arith.constant 1.500000e+00 : f32
    %mul3A_65 = vector.broadcast %mul3A_64 : f32 to vector<256x1x128xf32>
    %mul3A_66 = arith.mulf %mul3A_65, %mul3A_55 : vector<256x1x128xf32>
    %mul3A_67 = arith.constant 2.500000e+00 : f32
    %mul3A_68 = vector.broadcast %mul3A_67 : f32 to vector<256x1x128xf32>
    %mul3A_69 = arith.mulf %mul3A_68, %mul3A_54 : vector<256x1x128xf32>
    %sub3A_70 = arith.subf %mul3A_66, %mul3A_69 : vector<256x1x128xf32>
    %add3A_71 = arith.constant 1.000000e+00 : f32
    %add3A_72 = vector.broadcast %add3A_71 : f32 to vector<256x1x128xf32>
    %add3A_73 = arith.addf %sub3A_70, %add3A_72 : vector<256x1x128xf32>
    %mul3A_74 = arith.constant -1.500000e+00 : f32
    %mul3A_75 = vector.broadcast %mul3A_74 : f32 to vector<256x1x128xf32>
    %mul3A_76 = arith.mulf %mul3A_75, %mul3A_55 : vector<256x1x128xf32>
    %mul3A_77 = arith.constant 2.000000e+00 : f32
    %mul3A_78 = vector.broadcast %mul3A_77 : f32 to vector<256x1x128xf32>
    %mul3A_79 = arith.mulf %mul3A_78, %mul3A_54 : vector<256x1x128xf32>
    %add3A_80 = arith.addf %mul3A_76, %mul3A_79 : vector<256x1x128xf32>
    %mul3A_81 = arith.constant 5.000000e-01 : f32
    %mul3A_82 = vector.broadcast %mul3A_81 : f32 to vector<256x1x128xf32>
    %mul3A_83 = arith.mulf %mul3A_82, %sub3A_16 : vector<256x1x128xf32>
    %add3A_84 = arith.addf %add3A_80, %mul3A_83 : vector<256x1x128xf32>
    %mul3A_85 = arith.constant 5.000000e-01 : f32
    %mul3A_86 = vector.broadcast %mul3A_85 : f32 to vector<256x1x128xf32>
    %mul3A_87 = arith.mulf %mul3A_86, %mul3A_55 : vector<256x1x128xf32>
    %mul3A_88 = arith.constant 5.000000e-01 : f32
    %mul3A_89 = vector.broadcast %mul3A_88 : f32 to vector<256x1x128xf32>
    %mul3A_90 = arith.mulf %mul3A_89, %mul3A_54 : vector<256x1x128xf32>
    %sub3A_91 = arith.subf %mul3A_87, %mul3A_90 : vector<256x1x128xf32>
    %iota3A = tpu.iota {dimensions = array<i32: 1>} : vector<256x16x128xi32>
    %jit3A_92 = arith.constant 4 : i32
    %div3A = vector.broadcast %jit3A_92 : i32 to vector<256x16x128xi32>
    %div3A_93 = arith.divsi %iota3A, %div3A : vector<256x16x128xi32>
    %sign3A = arith.constant 0 : i32
    %sign3A_94 = vector.broadcast %sign3A : i32 to vector<256x16x128xi32>
    %sign3A_95 = arith.cmpi sgt, %iota3A, %sign3A_94 : vector<256x16x128xi32>
    %sign3A_96 = arith.extui %sign3A_95 : vector<256x16x128xi1> to vector<256x16x128xi32>
    %sign3A_97 = arith.constant 0 : i32
    %sign3A_98 = vector.broadcast %sign3A_97 : i32 to vector<256x16x128xi32>
    %sign3A_99 = arith.cmpi slt, %iota3A, %sign3A_98 : vector<256x16x128xi32>
    %sign3A_100 = arith.extui %sign3A_99 : vector<256x16x128xi1> to vector<256x16x128xi32>
    %sign3A_101 = arith.subi %sign3A_96, %sign3A_100 : vector<256x16x128xi32>
    %sign3A_102 = arith.constant 0 : i32
    %sign3A_103 = arith.cmpi sgt, %jit3A_92, %sign3A_102 : i32
    %sign3A_104 = arith.extui %sign3A_103 : i1 to i32
    %sign3A_105 = arith.constant 0 : i32
    %sign3A_106 = arith.cmpi slt, %jit3A_92, %sign3A_105 : i32
    %sign3A_107 = arith.extui %sign3A_106 : i1 to i32
    %sign3A_108 = arith.subi %sign3A_104, %sign3A_107 : i32
    %ne3A = vector.broadcast %sign3A_108 : i32 to vector<256x16x128xi32>
    %ne3A_109 = arith.cmpi ne, %sign3A_101, %ne3A : vector<256x16x128xi32>
    %rem3A = vector.broadcast %jit3A_92 : i32 to vector<256x16x128xi32>
    %rem3A_110 = arith.remsi %iota3A, %rem3A : vector<256x16x128xi32>
    %ne3A_111 = arith.constant 0 : i32
    %ne3A_112 = vector.broadcast %ne3A_111 : i32 to vector<256x16x128xi32>
    %ne3A_113 = arith.cmpi ne, %rem3A_110, %ne3A_112 : vector<256x16x128xi32>
    %and3A = arith.andi %ne3A_109, %ne3A_113 : vector<256x16x128xi1>
    %sub3A_114 = arith.constant 1 : i32
    %sub3A_115 = vector.broadcast %sub3A_114 : i32 to vector<256x16x128xi32>
    %sub3A_116 = arith.subi %div3A_93, %sub3A_115 : vector<256x16x128xi32>
    %select_n3A = arith.select %and3A, %sub3A_116, %div3A_93 : vector<256x16x128xi1>, vector<256x16x128xi32>
    %jit3A_117 = arith.constant 4 : i32
    %eq3A = arith.constant 0 : i32
    %eq3A_118 = arith.cmpi eq, %jit3A_117, %eq3A : i32
    %jit3A_119 = arith.constant 1 : i32
    %select_n3A_120 = arith.select %eq3A_118, %jit3A_119, %jit3A_117 : i32
    %rem3A_121 = vector.broadcast %select_n3A_120 : i32 to vector<256x16x128xi32>
    %rem3A_122 = arith.remsi %iota3A, %rem3A_121 : vector<256x16x128xi32>
    %ne3A_123 = arith.constant 0 : i32
    %ne3A_124 = vector.broadcast %ne3A_123 : i32 to vector<256x16x128xi32>
    %ne3A_125 = arith.cmpi ne, %rem3A_122, %ne3A_124 : vector<256x16x128xi32>
    %lt3A = arith.constant 0 : i32
    %lt3A_126 = vector.broadcast %lt3A : i32 to vector<256x16x128xi32>
    %lt3A_127 = arith.cmpi slt, %rem3A_122, %lt3A_126 : vector<256x16x128xi32>
    %lt3A_128 = arith.constant 0 : i32
    %lt3A_129 = arith.cmpi slt, %select_n3A_120, %lt3A_128 : i32
    %ne3A_130 = vector.broadcast %lt3A_129 : i1 to vector<256x16x128xi1>
    %ne3A_131 = vector.broadcast %ne3A_130 : vector<256x16x128xi1> to vector<256x16x128xi1>
    %ne3A_132 = arith.xori %lt3A_127, %ne3A_131 : vector<256x16x128xi1>
    %and3A_133 = arith.andi %ne3A_132, %ne3A_125 : vector<256x16x128xi1>
    %add3A_134 = vector.broadcast %select_n3A_120 : i32 to vector<256x16x128xi32>
    %add3A_135 = arith.addi %rem3A_122, %add3A_134 : vector<256x16x128xi32>
    %select_n3A_136 = arith.select %and3A_133, %add3A_135, %rem3A_122 : vector<256x16x128xi1>, vector<256x16x128xi32>
    %eq3A_137 = arith.constant 0 : i32
    %eq3A_138 = vector.broadcast %eq3A_137 : i32 to vector<256x16x128xi32>
    %eq3A_139 = arith.cmpi eq, %select_n3A, %eq3A_138 : vector<256x16x128xi32>
    %eq3A_140 = arith.constant 1 : i32
    %eq3A_141 = vector.broadcast %eq3A_140 : i32 to vector<256x16x128xi32>
    %eq3A_142 = arith.cmpi eq, %select_n3A, %eq3A_141 : vector<256x16x128xi32>
    %eq3A_143 = arith.constant 2 : i32
    %eq3A_144 = vector.broadcast %eq3A_143 : i32 to vector<256x16x128xi32>
    %eq3A_145 = arith.cmpi eq, %select_n3A, %eq3A_144 : vector<256x16x128xi32>
    %broadcast_in_dim3A_146 = vector.shape_cast %add3A_46 : vector<256x1x128xf32> to vector<256x1x128xf32>
    %broadcast_in_dim3A_147 = vector.broadcast %broadcast_in_dim3A_146 : vector<256x1x128xf32> to vector<256x16x128xf32>
    %broadcast_in_dim3A_148 = vector.shape_cast %sub3A_53 : vector<256x1x128xf32> to vector<256x1x128xf32>
    %broadcast_in_dim3A_149 = vector.broadcast %broadcast_in_dim3A_148 : vector<256x1x128xf32> to vector<256x16x128xf32>
    %select_n3A_150 = arith.select %eq3A_145, %broadcast_in_dim3A_147, %broadcast_in_dim3A_149 : vector<256x16x128xi1>, vector<256x16x128xf32>
    %broadcast_in_dim3A_151 = vector.shape_cast %add3A_35 : vector<256x1x128xf32> to vector<256x1x128xf32>
    %broadcast_in_dim3A_152 = vector.broadcast %broadcast_in_dim3A_151 : vector<256x1x128xf32> to vector<256x16x128xf32>
    %select_n3A_153 = arith.select %eq3A_142, %broadcast_in_dim3A_152, %select_n3A_150 : vector<256x16x128xi1>, vector<256x16x128xf32>
    %broadcast_in_dim3A_154 = vector.shape_cast %sub3A_25 : vector<256x1x128xf32> to vector<256x1x128xf32>
    %broadcast_in_dim3A_155 = vector.broadcast %broadcast_in_dim3A_154 : vector<256x1x128xf32> to vector<256x16x128xf32>
    %select_n3A_156 = arith.select %eq3A_139, %broadcast_in_dim3A_155, %select_n3A_153 : vector<256x16x128xi1>, vector<256x16x128xf32>
    %eq3A_157 = arith.constant 0 : i32
    %eq3A_158 = vector.broadcast %eq3A_157 : i32 to vector<256x16x128xi32>
    %eq3A_159 = arith.cmpi eq, %select_n3A_136, %eq3A_158 : vector<256x16x128xi32>
    %eq3A_160 = arith.constant 1 : i32
    %eq3A_161 = vector.broadcast %eq3A_160 : i32 to vector<256x16x128xi32>
    %eq3A_162 = arith.cmpi eq, %select_n3A_136, %eq3A_161 : vector<256x16x128xi32>
    %eq3A_163 = arith.constant 2 : i32
    %eq3A_164 = vector.broadcast %eq3A_163 : i32 to vector<256x16x128xi32>
    %eq3A_165 = arith.cmpi eq, %select_n3A_136, %eq3A_164 : vector<256x16x128xi32>
    %broadcast_in_dim3A_166 = vector.shape_cast %add3A_84 : vector<256x1x128xf32> to vector<256x1x128xf32>
    %broadcast_in_dim3A_167 = vector.broadcast %broadcast_in_dim3A_166 : vector<256x1x128xf32> to vector<256x16x128xf32>
    %broadcast_in_dim3A_168 = vector.shape_cast %sub3A_91 : vector<256x1x128xf32> to vector<256x1x128xf32>
    %broadcast_in_dim3A_169 = vector.broadcast %broadcast_in_dim3A_168 : vector<256x1x128xf32> to vector<256x16x128xf32>
    %select_n3A_170 = arith.select %eq3A_165, %broadcast_in_dim3A_167, %broadcast_in_dim3A_169 : vector<256x16x128xi1>, vector<256x16x128xf32>
    %broadcast_in_dim3A_171 = vector.shape_cast %add3A_73 : vector<256x1x128xf32> to vector<256x1x128xf32>
    %broadcast_in_dim3A_172 = vector.broadcast %broadcast_in_dim3A_171 : vector<256x1x128xf32> to vector<256x16x128xf32>
    %select_n3A_173 = arith.select %eq3A_162, %broadcast_in_dim3A_172, %select_n3A_170 : vector<256x16x128xi1>, vector<256x16x128xf32>
    %broadcast_in_dim3A_174 = vector.shape_cast %sub3A_63 : vector<256x1x128xf32> to vector<256x1x128xf32>
    %broadcast_in_dim3A_175 = vector.broadcast %broadcast_in_dim3A_174 : vector<256x1x128xf32> to vector<256x16x128xf32>
    %select_n3A_176 = arith.select %eq3A_159, %broadcast_in_dim3A_175, %select_n3A_173 : vector<256x16x128xi1>, vector<256x16x128xf32>
    %mul3A_177 = arith.mulf %select_n3A_156, %select_n3A_176 : vector<256x16x128xf32>
    %swap3A = arith.constant 0 : index
    %swap3A_178 = arith.constant 0 : index
    %swap3A_179 = arith.constant 0 : index
    %swap3A_180 = vector.load %arg4[%swap3A, %swap3A_178, %swap3A_179] : memref<256x16x128xf32, #tpu.memory_space<vmem>>, vector<256x16x128xf32>
    tpu.vector_store %arg4[%swap3A, %swap3A_178, %swap3A_179], %mul3A_177 {strides = array<i32>} : memref<256x16x128xf32, #tpu.memory_space<vmem>>, vector<256x16x128xf32>,
    %add3A_181 = vector.broadcast %convert_element_type3A : vector<256x1x128xi32> to vector<256x16x128xi32>
    %add3A_182 = arith.addi %add3A_181, %select_n3A : vector<256x16x128xi32>
    %sub3A_183 = arith.constant 1 : i32
    %sub3A_184 = vector.broadcast %sub3A_183 : i32 to vector<256x16x128xi32>
    %sub3A_185 = arith.subi %add3A_182, %sub3A_184 : vector<256x16x128xi32>
    %mul3A_186 = arith.constant 2048 : i32
    %mul3A_187 = vector.broadcast %mul3A_186 : i32 to vector<256x16x128xi32>
    %mul3A_188 = arith.muli %sub3A_185, %mul3A_187 : vector<256x16x128xi32>
    %add3A_189 = vector.broadcast %convert_element_type3A_17 : vector<256x1x128xi32> to vector<256x16x128xi32>
    %add3A_190 = arith.addi %add3A_189, %select_n3A_136 : vector<256x16x128xi32>
    %sub3A_191 = arith.constant 1 : i32
    %sub3A_192 = vector.broadcast %sub3A_191 : i32 to vector<256x16x128xi32>
    %sub3A_193 = arith.subi %add3A_190, %sub3A_192 : vector<256x16x128xi32>
    %add3A_194 = arith.addi %mul3A_188, %sub3A_193 : vector<256x16x128xi32>
    %swap3A_195 = arith.constant 0 : index
    %swap3A_196 = arith.constant 0 : index
    %swap3A_197 = arith.constant 0 : index
    %swap3A_198 = vector.load %arg3[%swap3A_195, %swap3A_196, %swap3A_197] : memref<256x16x128xi32, #tpu.memory_space<vmem>>, vector<256x16x128xi32>
    tpu.vector_store %arg3[%swap3A_195, %swap3A_196, %swap3A_197], %add3A_194 {strides = array<i32>} : memref<256x16x128xi32, #tpu.memory_space<vmem>>, vector<256x16x128xi32>,
    return
  }
  func.func @transform_0(%arg0: i32) -> (i32, i32) {
    %c0_i32 = arith.constant 0 : i32
    %c0_i32_0 = arith.constant 0 : i32
    return %arg0, %c0_i32 : i32, i32
  }
  func.func @transform_1(%arg0: i32) -> (i32, i32) {
    %c0_i32 = arith.constant 0 : i32
    %c0_i32_0 = arith.constant 0 : i32
    return %arg0, %c0_i32 : i32, i32
  }
  func.func @transform_2(%arg0: i32) -> (i32, i32, i32) {
    %c0_i32 = arith.constant 0 : i32
    %c0_i32_0 = arith.constant 0 : i32
    %c0_i32_1 = arith.constant 0 : i32
    return %arg0, %c0_i32, %c0_i32_0 : i32, i32, i32
  }
  func.func @transform_3(%arg0: i32) -> (i32, i32, i32) {
    %c0_i32 = arith.constant 0 : i32
    %c0_i32_0 = arith.constant 0 : i32
    %c0_i32_1 = arith.constant 0 : i32
    return %arg0, %c0_i32, %c0_i32_0 : i32, i32, i32
  }
}

</mosaic_0001>

<sc_bundles>
// kernel: kernel.5.cloned.1.call-start
scs
__scs_entry_jumppad:
0x0: {  	(pc) =	sbr.rel $0x88, $3  }
0x1: {  	(tag) =	ssettag $0x0;
	lr =	simm.s32 $0x1  }
0x2: {  	[smem:$0x3F9F] =	sst lr;
	_ =	strace $0xD0000000  }
0x3: {  	_ = 	snop  }
0x4: {  	_ = 	snop  }
0x5: {  	_ = 	snop  }
0x6: {  	_ = 	snop  }
0x7: {  	_ = 	snop  }
__scs_overlays_trampoline_lowered:
0x8: {  	[smem:$0x3FAE] =	sst s0  }
0x9: {  	[smem:$0x3FAF] =	sst s1  }
0xa: {  	[smem:$0x3FB0] =	sst s2  }
0xb: {  	[smem:$0x3FB1] =	sst s3  }
0xc: {  	[smem:$0x3FB2] =	sst s4  }
0xd: {  	[smem:$0x3FB3] =	sst s5  }
0xe: {  	[smem:$0x3FB4] =	sst s6  }
0xf: {  	[smem:$0x3FB5] =	sst s7  }
0x10: {  	[smem:$0x3FB6] =	sst s8  }
0x11: {  	[smem:$0x3FB7] =	sst s9;
	s0 =	simm.s32 @!p0 $0x0  }
0x12: {  	s1 =	sld [smem:$0x3F9D];
	s0 =	simm.s32 @p0 $0x1  }
0x13: {  	[smem:$0x3FB8] =	sst s0;
	s0 =	simm.s32 @!p1 $0x0  }
0x14: {  	s2 =	sld [smem:$0x3F9C];
	s0 =	simm.s32 @p1 $0x1  }
0x15: {  	[smem:$0x3FB9] =	sst s0;
	s0 =	simm.s32 @!p2 $0x0  }
0x16: {  	s3 =	sld [smem:$0x3FDB];
	s0 =	simm.s32 @p2 $0x1  }
0x17: {  	s4 =	simm.s32 $0x1BF5;
	[smem:$0x3FBB] =	sst s0  }
0x18: {  	s0 =	sld [smem:$0x3F9E];
	_ =	swait.ge [sflag:s4], $0x0  }
0x19: {  	s7 =	sld [smem:$0x3F9F]  }
0x1a: {  	s8 =	sadd.s32 $0xFFFFE003, lr  }
0x1b: {  	s9 =	sadd.s32 $0xFFFFFEF7, lr;
	s5 =	simm.s32 $0xFFFFFFFF;
	p2 =	slt.u32 s8, $0xFFFFF086  }
0x1c: {  	p1 =	slt.u32 s9, $0xF7A;
	s5 =	simm.s32 @!p2 $0x0  }
0x1d: {  	s5 =	simm.s32 @p1 $0x1;
	p0 =	seq.s32 s7, s2  }
0x1e: {  	s7 =	smul.u32 @!p0 $0xF7A, s2;
	p2 =	seq.s32 @!p0 s5, $0x0  }
0x1f: {  	s9 =	smul.u32 $0xF7A, s1;
	s8 =	simm.s32 @!p0 $0x1BF5;
	p2 =	por !p2, p0  }
0x20: {  	[sflag:s8] =	ssyncset.s32 @!p0 $0xFFFFF086;
	s6 =	sadd.s32 @!p0 s3, s7;
	s7 =	simm.s32 @!p0 $0x108  }
0x21: {  	s3 =	sadd.s32 s3, s9;
	s6 =	sadd.s32 @!p0 $0x88, s6;
	s7 =	simm.s32 @p2 $0x1082  }
0x22: {  	[simem:s7], [sflag:s8] =	dma.local @!p0 [hbm:s6], $0xF7A  }
0x23: {  	s9 =	sor.u32 $0xD0000000, s2;
	s6 =	simm.s32 $0x108;
	_ =	swait.ge @!p0 [sflag:s8], $0x0  }
0x24: {  	s3 =	sadd.s32 $0x88, s3;
	s6 =	simm.s32 @!p1 $0x1082;
	[sflag:s4] =	ssyncset.s32 $0xFFFFF086  }
0x25: {  	[simem:s6], [sflag:s4] =	dma.local [hbm:s3], $0xF7A  }
0x26: {  	[smem:$0x3F9F] =	sst s1;
	(tag) =	ssettag s2;
	_ =	strace s9  }
0x27: {  	s1 =	sld [smem:$0x3FAF]  }
0x28: {  	s2 =	sld [smem:$0x3FB0]  }
0x29: {  	s4 =	sld [smem:$0x3FB2]  }
0x2a: {  	p0 =	seq.s32 s5, $0x0;
	s5 =	sld [smem:$0x3FB3]  }
0x2b: {  	s6 =	sld [smem:$0x3FB4]  }
0x2c: {  	s7 =	sld [smem:$0x3FB5]  }
0x2d: {  	s3 =	simm.s32 $0x108;
	s8 =	sld [smem:$0x3FB6]  }
0x2e: {  	s3 =	simm.s32 @!p0 $0x1082;
	s9 =	sld [smem:$0x3FB7]  }
0x2f: {  	lr =	sadd.s32 s0, s3;
	s0 =	sld [smem:$0x3FAE]  }
0x30: {  	s3 =	sld [smem:$0x3FB1]  }
0x31: {  	[smem:$0x3FBA] =	sst s10  }
0x32: {  	s10 =	sld [smem:$0x3FB8];
	_ =	sdelay $0x3  }
0x33: {  	p0 =	seq.s32 s10, $0x1;
	s10 =	sld [smem:$0x3FBA];
	_ =	sdelay $0x3  }
0x34: {  	[smem:$0x3FBA] =	sst s10  }
0x35: {  	s10 =	sld [smem:$0x3FB9];
	_ =	sdelay $0x3  }
0x36: {  	p1 =	seq.s32 s10, $0x1;
	s10 =	sld [smem:$0x3FBA];
	_ =	sdelay $0x3  }
0x37: {  	[smem:$0x3FBA] =	sst s10  }
0x38: {  	s10 =	sld [smem:$0x3FBB]  }
0x39: {  	_ = 	snop;
	(pc) =	sbr.ind lr, $3  }
0x3a: {  	_ = 	snop  }
0x3b: {  	_ = 	snop  }
0x3c: {  	p2 =	seq.s32 s10, $0x1;
	s10 =	sld [smem:$0x3FBA]  }
0x3d: {  	_ =	shalt  }
0x3e: {  	_ =	shalt  }
0x3f: {  	_ =	shalt  }
0x40: {  	_ =	shalt  }
0x41: {  	_ =	shalt  }
0x42: {  	_ =	shalt  }
0x43: {  	_ =	shalt  }
0x44: {  	_ =	shalt  }
0x45: {  	_ =	shalt  }
0x46: {  	_ =	shalt  }
0x47: {  	_ =	shalt  }
0x48: {  	_ =	shalt  }
0x49: {  	_ =	shalt  }
0x4a: {  	_ =	shalt  }
0x4b: {  	_ =	shalt  }
0x4c: {  	_ =	shalt  }
0x4d: {  	_ =	shalt  }
0x4e: {  	_ =	shalt  }
0x4f: {  	_ =	shalt  }
0x50: {  	_ =	shalt  }
0x51: {  	_ =	shalt  }
0x52: {  	_ =	shalt  }
0x53: {  	_ =	shalt  }
0x54: {  	_ =	shalt  }
0x55: {  	_ =	shalt  }
0x56: {  	_ =	shalt  }
0x57: {  	_ =	shalt  }
0x58: {  	_ =	shalt  }
0x59: {  	_ =	shalt  }
0x5a: {  	_ =	shalt  }
0x5b: {  	_ =	shalt  }
0x5c: {  	_ =	shalt  }
0x5d: {  	_ =	shalt  }
0x5e: {  	_ =	shalt  }
0x5f: {  	_ =	shalt  }
0x60: {  	_ =	shalt  }
0x61: {  	_ =	shalt  }
0x62: {  	_ =	shalt  }
0x63: {  	_ =	shalt  }
0x64: {  	_ =	shalt  }
0x65: {  	_ =	shalt  }
0x66: {  	_ =	shalt  }
0x67: {  	_ =	shalt  }
0x68: {  	_ =	shalt  }
0x69: {  	_ =	shalt  }
0x6a: {  	_ =	shalt  }
0x6b: {  	_ =	shalt  }
0x6c: {  	_ =	shalt  }
0x6d: {  	_ =	shalt  }
0x6e: {  	_ =	shalt  }
0x6f: {  	_ =	shalt  }
0x70: {  	_ =	shalt  }
0x71: {  	_ =	shalt  }
0x72: {  	_ =	shalt  }
0x73: {  	_ =	shalt  }
0x74: {  	_ =	shalt  }
0x75: {  	_ =	shalt  }
0x76: {  	_ =	shalt  }
0x77: {  	_ =	shalt  }
0x78: {  	_ =	shalt  }
0x79: {  	_ =	shalt  }
0x7a: {  	_ =	shalt  }
0x7b: {  	_ =	shalt  }
0x7c: {  	_ =	shalt  }
0x7d: {  	_ =	shalt  }
0x7e: {  	_ =	shalt  }
0x7f: {  	_ =	shalt  }
0x80: {  	_ =	shalt  }
0x81: {  	_ =	shalt  }
0x82: {  	_ =	shalt  }
0x83: {  	_ =	shalt  }
0x84: {  	_ =	shalt  }
0x85: {  	_ =	shalt  }
0x86: {  	_ =	shalt  }
0x87: {  	_ =	shalt  }
.Lfunc_end0:
.L_simem_size_0:
called_computation_lowered:
.L_overlay_start_0:
0x88: {  	s2 =	sld [smem:$0x3FD9]  }
0x89: {  	s3 =	sld [smem:$0x3FFE];
	_ =	sdelay $0x1  }
0x8a: {  	s1 =	srdreg.scid  }
0x8b: {  	s0 =	sand.u32 $0x1, s1  }
0x8c: {  	s17 =	sshll.u32 s0, $0xA;
	s2 =	sadd.s32 s3, s2  }
0x8d: {  	s2 =	sadd.s32 s2, s17  }
0x8e: {  	[smem:$0x3FC6] =	sst s2  }
0x8f: {  	_ = 	snop  }
0x90: {  	s2 =	sld [smem:$0x3FC8];
	(tm) =	ssettm $0x1  }
0x91: {  	s18 =	sld [smem:$0x3FFB];
	_ =	sdelay $0x3  }
0x92: {  	_ =	strace s18  }
0x93: {  	s3 =	sld [smem:$0x3FFC];
	_ =	sdelay $0x3  }
0x94: {  	_ =	strace s3  }
0x95: {  	s3 =	sld [smem:$0x3FFD];
	_ =	sdelay $0x3  }
0x96: {  	_ =	strace s3  }
0x97: {  	_ =	strace $0x8FFFFFFF  }
0x98: {  	s19 =	sld [smem:$0x3FDB];
	_ =	sdelay $0x1  }
0x99: {  	s4 =	simm.s32 $_scs_section_size  }
0x9a: {  	s5 =	simm.s32 $_size__tile_overlayer_lowered;
	s6 =	simm.s32 $_tile_overlayer_lowered  }
0x9b: {  	s22 =	simm.s32 $0x1BFF;
	s21 =	sshll.u32 s6, $0x1;
	s3 =	sadd.s32 s4, s19  }
0x9c: {  	s7 =	simm.s32 $0x0;
	s20 =	sshll.u32 s5, $0x1;
	s5 =	sadd.s32 s21, s3  }
0x9d: {  	[timem:s7], [sflag:s22] =	dma.local [hbm:s5], s20  }
0x9e: {  	_ =	swait.ge [sflag:s22], s20  }
0x9f: {  	s4 =	ssub.s32 $0x0, s20;
	[sflag:s22] =	ssyncset.done $0x0  }
0xa0: {  	[sflag:s22] =	ssyncadd.s32 s4;
	_ =	sdelay $0x1  }
0xa1: {  	s23 =	simm.s32 $0x1B8B  }
0xa2: {  	_ =	swait.ge [sflag:s23], $0x1  }
0xa3: {  	[sflag:s23] =	ssyncset.done $0x0  }
0xa4: {  	s25 =	simm.s32 $0x1B8E;
	s24 =	sld [smem:$0x3FFE];
	[sflag:s23] =	ssyncadd.s32 $0xFFFFFFFF  }
0xa5: {  	s26 =	simm.s32 $execute0_lowered;
	[smem:$0x3FD2] =	sst s25  }
0xa6: {  	s5 =	sshll.u32 s26, $0x1;
	_ =	strace $0x80000046;
	[dreg:$0x1] =	wrdreg $0xFFFFFFFF  }
0xa7: {  	s28 =	simm.s32 $_size_execute0_lowered;
	s3 =	sadd.s32 s3, s5;
	[dreg:$0x0] =	wrdreg $0x0  }
0xa8: {  	s5 =	sshll.u32 s28, $0x1;
	[dreg:$0x2] =	wrdreg s3  }
0xa9: {  	[dreg:$0x3] =	wrdreg s5  }
0xaa: {  	[dreg:$0x4] =	wrdreg $0xC0  }
0xab: {  	_ =	task [dreg:s7], $0x5FFFF  }
0xac: {  	[dreg:$0x1] =	wrdreg $0xFFFFFFFF  }
0xad: {  	[dreg:$0x0] =	wrdreg $0x60  }
0xae: {  	[dreg:$0x2] =	wrdreg s2  }
0xaf: {  	[dreg:$0x3] =	wrdreg s24  }
0xb0: {  	[dreg:$0x4] =	wrdreg $0x9  }
0xb1: {  	_ =	task.clear_ibuf [dreg:s7], $0x5FFFF;
	_ =	strace $0x90000046  }
0xb2: {  	s29 =	simm.s32 $0x9;
	_ =	strace $0x80000048  }
0xb3: {  	_ =	swait.ge [sflag:s29], $0x1  }
0xb4: {  	[sflag:s29] =	ssyncadd.s32 $0xFFFFFFFF  }
0xb5: {  	_ =	strace $0x90000048  }
0xb6: {  	_ =	sfence  }
0xb7: {  	s30 =	sld [smem:$0x0];
	_ =	sdelay $0x2  }
0xb8: {  	s31 =	sshll.u32 s1, $0xD;
	s1 =	sshrl.u32 s1, $0x2  }
0xb9: {  	s3 =	sand.u32 $0x4000, s31;
	s1 =	sadd.s32 s1, s30  }
0xba: {  	s0 =	sor.u32 s3, s0;
	s1 =	sshll.u32 s1, $0x11  }
0xbb: {  	s0 =	sor.u32 s1, s0  }
0xbc: {  	s0 =	sadd.s32 $0x8F2B, s0  }
0xbd: {  	[sflag:s0] =	ssyncadd.remote.s32 $0x1  }
0xbe: {  	_ =	sfence.sel $0xFFFF  }
0xbf: {  	[dreg:$0x0] =	wrdreg $0xFFFFFFFF;
	(pc) =	sbr.abs _section_cstart, $3  }
0xc0: {  	[dreg:$0x1] =	wrdreg $0xFFFFFFFF  }
0xc1: {  	_ =	task.clear_ibuf [dreg:s7], $0x2FFFF;
	_ =	strace $0x9FFFFFFF  }
0xc2: {  	(tm) =	ssettm $0x7FFFFFFF  }
0xc3: {  	_ =	shalt  }
tec
execute0_lowered:
.L_overlay_start_1:
0x0: {  	(tag) =	ssettag $0x1  }
0x1: {  	s1 =	rddreg [dreg:$0x0]  }
0x2: {  	s0 =	rddreg [dreg:$0x1];
	s3 =	simm.s32 $0x0;
	s2 =	srdreg.scid;
	v1 =	vlaneseq.u32  }
0x3: {  	s4 =	stileid.u32;
	s17 =	simm.s32 $0x4000;
	s18 =	simm.s32 $0x6000;
	v0 =	vand.u32 $0x7, v1;
	v1 =	vshrl.u32 v1, $0x3  }
0x4: {  	s19 =	simm.s32 $0x1;
	s20 =	simm.s32 $0x8000;
	s21 =	simm.s32 $0x2;
	v50 =	vmul.u32 $0x2000, v1  }
0x5: {  	s22 =	simm.s32 $0xC000;
	s23 =	simm.s32 $0x3;
	[smem:$0x7FF] =	sst s3;
	v46 =	vmul.u32 $0x80, v0  }
0x6: {  	s24 =	simm.s32 $0x4;
	s25 =	simm.s32 $0x0;
	_ =	strace $0x80000047;
	[tilespmem:$0x1FFD0] =	vst v50  }
0x7: {  	s2 =	sand.u32 $0x1, s2;
	s5 =	sshll.u32 s4, $0x1;
	s4 =	sadd.s32 $0x1000, s0;
	v42 =	vor.u32 $0x2, v46;
	[tilespmem:$0x1FFE0] =	vst v46  }
0x8: {  	s8 =	sadd.s32 $0x400, s1;
	s6 =	ssub.s32 $0x2, s2;
	s2 =	sor.u32 s2, s5;
	v44 =	vor.u32 $0x7, v46;
	[tilespmem:$0x1FF70] =	vst v42  }
0x9: {  	s9 =	sadd.s32 $0xC00, s1;
	s14 =	sadd.s32 $0x1800, s0;
	s12 =	sshll.u32 s2, $0x12;
	v54 =	vor.u32 $0x6, v46;
	[tilespmem:$0x1FF80] =	vst v44  }
.Ltmp0:
0xa: {  	s5 =	sadd.s32 $0x800, s1;
	s28 =	sadd.s32 s1, s12;
	v51 =	vor.u32 $0x1, v46;
	[tilespmem:$0x1FF90] =	vst v54;
	(pc) =	sbr.rel .LBB2_1-.Ltmp0, $4  }
0xb: {  	s7 =	sshrl.u32 s6, $0x1;
	s29 =	sadd.s32 s12, s5;
	v61 =	vor.u32 $0x3, v46;
	[dreg:$0x3] =	wrdreg s28;
	[tilespmem:$0x1FFA0] =	vst v51  }
0xc: {  	s10 =	sshll.u32 s2, $0x6;
	s30 =	sadd.s32 s12, s8;
	v62 =	vor.u32 $0x4, v46;
	[dreg:$0x4] =	wrdreg s29;
	[tilespmem:$0x1FFB0] =	vst v61  }
0xd: {  	v2 =	vimm.s32 $0x0;
	vm0 =	vcmask $0x300;
	s15 =	ssub.s32 s6, s7;
	s31 =	sadd.s32 s12, s9;
	v63 =	vor.u32 $0x5, v46;
	[dreg:$0x5] =	wrdreg s30;
	[tilespmem:$0x1FFC0] =	vst v62  }
0xe: {  	v2 =	vsel vm0, $0x3, v2;
	s13 =	sor.u32 $0x1, s10;
	[dreg:$0x6] =	wrdreg s31;
	s15 =	smax.u32 s15, $0x1;
	[tilespmem:$0x1FFF0] =	vst v63  }
.LBB2_8:
0xf: {  	s25 =	sadd.s32 $0x1, s25  }
0x10: {  	_ =	swait.ge [sflag:s23], $0x4000;
	p0 =	sne.s32 s25, s15  }
.Ltmp1:
0x11: {  	[sflag:s23] =	ssyncset.done $0x0;
	(pc) =	sbr.rel @!p0 .LBB2_9-.Ltmp1, $4  }
0x12: {  	[sflag:s23] =	ssyncadd.s32 $0xFFFFC000  }
0x13: {  	_ =	swait.ge [sflag:s24], $0x4000  }
0x14: {  	[sflag:s24] =	ssyncset.done $0x0  }
0x15: {  	[sflag:s24] =	ssyncadd.s32 $0xFFFFC000  }
.LBB2_1:
0x16: {  	s0 =	rddreg [dreg:$0x3]  }
0x17: {  	[tilespmem:s3], [sflag:$0x1] =	stream.linear.gather [hbm4b:s0+s3], $0x2000, $0x38;
	[tilespmem:$0x10000] =	vst v63  }
0x18: {  	s29 =	rddreg [dreg:$0x4];
	s2 =	simm.s32 $0x2000  }
0x19: {  	[tilespmem:s2], [sflag:$0x1] =	stream.linear.gather [hbm4b:s29+s3], $0x2000, $0x38;
	[tilespmem:$0x10000] =	vst v63  }
0x1a: {  	s30 =	rddreg [dreg:$0x5]  }
0x1b: {  	[tilespmem:s17], [sflag:$0x2] =	stream.linear.gather [hbm4b:s30+s3], $0x2000, $0x38;
	[tilespmem:$0x10000] =	vst v63  }
0x1c: {  	s31 =	rddreg [dreg:$0x6];
	s26 =	simm.s32 $0x0  }
0x1d: {  	[tilespmem:s18], [sflag:$0x2] =	stream.linear.gather [hbm4b:s31+s3], $0x2000, $0x38;
	[tilespmem:$0x10000] =	vst v63  }
.LBB2_2:
0x1e: {  	s0 =	simm.s32 $0x8  }
0x1f: {  	s0 =	sand.u32 $0x68, s0  }
0x20: {  	s2 =	simm.s32 $0x0;
	v10 =	vmov s0  }
0x21: {  	_ =	swait.ge [sflag:s19], $0x2000;
	s11 =	simm.s32 $0x18;
	v11 =	vmov s2;
	v10 =	vshrl.u32 v10, $0x3  }
0x22: {  	[sflag:s19] =	ssyncset.done $0x0;
	s0 =	sand.u32 $0x78, s11;
	v11 =	vshll.u32 v11, $0xA;
	v10 =	vshll.u32 v10, v2  }
0x23: {  	[sflag:s19] =	ssyncadd.s32 $0xFFFFE000;
	v19 =	vadd.s32 v50, v11;
	v18 =	vbroadcast v10, $0x0;
	v10 =	vmov s0  }
0x24: {  	_ =	swait.ge [sflag:s19], $0x2000;
	v11 =	vor.u32 v46, v19;
	v10 =	vshrl.u32 v10, $0x3  }
0x25: {  	p0 =	seq.s32 s26, $0x0;
	s12 =	simm.s32 $0x0;
	[sflag:s19] =	ssyncset.done $0x0;
	v12 =	vor.u32 v11, v18;
	v10 =	vshll.u32 v10, v2  }
0x26: {  	s2 =	simm.s32 @!p0 $0x3;
	[sflag:s19] =	ssyncadd.s32 $0xFFFFE000;
	s0 =	sand.u32 $0x60, s12;
	v29 =	vbroadcast v10, $0x0  }
0x27: {  	_ =	swait.ge @!p0 [sflag:s2], $0x4000;
	v10 =	vmov s0  }
0x28: {  	s16 =	simm.s32 $0x10;
	[sflag:s2] =	ssyncset.done @!p0 $0x0;
	v10 =	vshrl.u32 v10, $0x3;
	v13 =	vor.u32 v11, v29  }
0x29: {  	[sflag:s2] =	ssyncadd.s32 @!p0 $0xFFFFC000;
	s0 =	sand.u32 $0x70, s16;
	v10 =	vshll.u32 v10, v2  }
0x2a: {  	v14 =	vmov s0;
	v32 =	vbroadcast v10, $0x0;
	v10 =	vor.u32 v51, v19;
	v12 =	vld.idx.msk [tilespmem:v12+s3+$0x0], $0xffff  }
0x2b: {  	v14 =	vshrl.u32 v14, $0x3;
	v15 =	vor.u32 v18, v10  }
0x2c: {  	v14 =	vshll.u32 v14, v2;
	v16 =	vor.u32 v32, v11  }
0x2d: {  	v33 =	vbroadcast v14, $0x0;
	v13 =	vld.idx.msk [tilespmem:v13+s3+$0x0], $0xffff  }
0x2e: {  	s28 =	simm.s32 $0x8100;
	v14 =	vor.u32 v61, v19;
	v20 =	vor.u32 v29, v10  }
0x2f: {  	s6 =	simm.s32 $0x28;
	v21 =	vor.u32 v18, v14;
	v11 =	vor.u32 v11, v33;
	[tilespmem:s28+$0xFFFFFF80] =	vst v12  }
0x30: {  	s0 =	sand.u32 $0x68, s6;
	v22 =	vor.u32 v32, v14;
	v23 =	vor.u32 v29, v14;
	v12 =	vor.u32 v42, v19;
	v15 =	vld.idx.msk [tilespmem:v15+s3+$0x0], $0xffff  }
0x31: {  	s7 =	simm.s32 $0x0;
	s11 =	simm.s32 $0x20;
	v25 =	vor.u32 v33, v14;
	v14 =	vmov s0;
	v16 =	vld.idx.msk [tilespmem:v16+s3+$0x0], $0xffff;
	v26 =	vor.u32 v18, v12  }
0x32: {  	v27 =	vor.u32 v32, v10;
	s0 =	sand.u32 $0x60, s11;
	v14 =	vshrl.u32 v14, $0x3;
	[tilespmem:s28+$0x80] =	vst v13;
	v13 =	vmov s7  }
0x33: {  	v31 =	vmov s0;
	v30 =	vshll.u32 v14, v2;
	v20 =	vld.idx.msk [tilespmem:v20+s3+$0x0], $0xffff;
	v13 =	vshll.u32 v13, $0xA  }
0x34: {  	v28 =	vor.u32 v29, v12;
	v11 =	vld.idx.msk [tilespmem:v11+s3+$0x0], $0xffff;
	v14 =	vadd.s32 v50, v13;
	v13 =	vbroadcast v30, $0x0  }
0x35: {  	v30 =	vor.u32 v33, v10;
	v10 =	vshrl.u32 v31, $0x3;
	[tilespmem:s28+$0xFFFFFF90] =	vst v15;
	v15 =	vor.u32 v46, v14  }
0x36: {  	[tilespmem:s28+$0xFFFFFF00] =	vst v16;
	v10 =	vshll.u32 v10, v2;
	v16 =	vld.idx.msk [tilespmem:v26+s3+$0x0], $0xffff;
	v26 =	vor.u32 v15, v13  }
0x37: {  	v1 =	vmov v44;
	v17 =	vor.u32 v62, v19;
	s12 =	simm.s32 $0x38;
	v27 =	vld.idx.msk [tilespmem:v27+s3+$0x0], $0xffff;
	v10 =	vbroadcast v10, $0x0  }
0x38: {  	v34 =	vor.u32 v63, v19;
	v44 =	vor.u32 v44, v19;
	s16 =	simm.s32 $0x30;
	s0 =	sand.u32 $0x78, s12;
	v36 =	vor.u32 v32, v12;
	[tilespmem:s28+$0x90] =	vst v20  }
0x39: {  	v54 =	vor.u32 v54, v19;
	s2 =	sand.u32 $0x70, s16;
	[tilespmem:s28+$0x0] =	vst v11;
	v11 =	vmov s0;
	v20 =	vld.idx.msk [tilespmem:v28+s3+$0x0], $0xffff;
	v28 =	vor.u32 v10, v15  }
0x3a: {  	v37 =	vor.u32 v33, v12;
	v12 =	vmov s2;
	v11 =	vshrl.u32 v11, $0x3;
	v30 =	vld.idx.msk [tilespmem:v30+s3+$0x0], $0xffff  }
0x3b: {  	v12 =	vshrl.u32 v12, $0x3;
	v40 =	vor.u32 v51, v14;
	v11 =	vshll.u32 v11, v2;
	v26 =	vld.idx.msk [tilespmem:v26+s3+$0x0], $0xffff;
	[tilespmem:s28+$0xFFFFFFA0] =	vst v16  }
0x3c: {  	v16 =	vshll.u32 v12, v2;
	v12 =	vbroadcast v11, $0x0;
	[tilespmem:s28+$0xFFFFFF10] =	vst v27;
	v27 =	vor.u32 v13, v40;
	v21 =	vld.idx.msk [tilespmem:v21+s3+$0x0], $0xffff  }
0x3d: {  	v24 =	vor.u32 v18, v17;
	v38 =	vor.u32 v18, v34;
	v41 =	vor.u32 v29, v34;
	v43 =	vld.idx.msk [tilespmem:v36+s3+$0x0], $0xffff  }
0x3e: {  	v35 =	vor.u32 v32, v17;
	v11 =	vbroadcast v16, $0x0;
	v57 =	vor.u32 v15, v12;
	[tilespmem:s28+$0xA0] =	vst v20;
	v20 =	vld.idx.msk [tilespmem:v28+s3+$0x0], $0xffff  }
0x3f: {  	v0 =	vmov v42;
	s29 =	simm.s32 $0x8300;
	v39 =	vor.u32 v32, v34;
	v42 =	vor.u32 v33, v17;
	[tilespmem:s28+$0x10] =	vst v30;
	v23 =	vld.idx.msk [tilespmem:v23+s3+$0x0], $0xffff  }
0x40: {  	v31 =	vor.u32 v29, v17;
	v28 =	vor.u32 v15, v11;
	[tilespmem:s29+$0xFFFFFF80] =	vst v26;
	v26 =	vld.idx.msk [tilespmem:v37+s3+$0x0], $0xffff  }
0x41: {  	v59 =	vor.u32 v10, v40;
	v30 =	vor.u32 v61, v14;
	v27 =	vld.idx.msk [tilespmem:v27+s3+$0x0], $0xffff;
	[tilespmem:s28+$0xFFFFFFB0] =	vst v21  }
0x42: {  	v52 =	vor.u32 v0, v14;
	v48 =	vor.u32 v13, v30;
	v4 =	vor.u32 v10, v30;
	v24 =	vld.idx.msk [tilespmem:v24+s3+$0x0], $0xffff  }
0x43: {  	v49 =	vor.u32 v12, v30;
	v37 =	vor.u32 v11, v30;
	[tilespmem:s28+$0xFFFFFF20] =	vst v43;
	v30 =	vld.idx.msk [tilespmem:v57+s3+$0x0], $0xffff  }
0x44: {  	v17 =	vor.u32 v32, v44;
	v45 =	vor.u32 v62, v14;
	v53 =	vor.u32 v13, v52;
	v22 =	vld.idx.msk [tilespmem:v22+s3+$0x0], $0xffff  }
0x45: {  	v47 =	vor.u32 v13, v45;
	v60 =	vor.u32 v10, v52;
	v28 =	vld.idx.msk [tilespmem:v28+s3+$0x0], $0xffff;
	[tilespmem:s29+$0xFFFFFF00] =	vst v20  }
0x46: {  	v36 =	vor.u32 v33, v34;
	v58 =	vor.u32 v12, v40;
	[tilespmem:s28+$0xB0] =	vst v23;
	v43 =	vld.idx.msk [tilespmem:v59+s3+$0x0], $0xffff  }
0x47: {  	v16 =	vor.u32 v33, v44;
	v3 =	vor.u32 v12, v45;
	[tilespmem:s28+$0x20] =	vst v26;
	v31 =	vld.idx.msk [tilespmem:v31+s3+$0x0], $0xffff  }
0x48: {  	s6 =	simm.s32 $0x0;
	v15 =	vor.u32 v18, v44;
	v40 =	vor.u32 v11, v40;
	v23 =	vld.idx.msk [tilespmem:v25+s3+$0x0], $0xffff;
	[tilespmem:s29+$0xFFFFFF90] =	vst v27  }
0x49: {  	v19 =	vmov s6;
	s2 =	simm.s32 $0x48;
	v18 =	vor.u32 v18, v54;
	v26 =	vor.u32 v63, v14;
	[tilespmem:s28+$0xFFFFFFC0] =	vst v24;
	v53 =	vld.idx.msk [tilespmem:v53+s3+$0x0], $0xffff  }
0x4a: {  	v19 =	vshll.u32 v19, $0xA;
	s7 =	simm.s32 $0x40;
	s0 =	sand.u32 $0x68, s2;
	v21 =	vor.u32 v10, v45;
	v5 =	vor.u32 v13, v26;
	[tilespmem:s29+$0x80] =	vst v30;
	v38 =	vld.idx.msk [tilespmem:v38+s3+$0x0], $0xffff  }
0x4b: {  	v25 =	vor.u32 v12, v26;
	v27 =	vmov s0;
	s0 =	sand.u32 $0x60, s7;
	v24 =	vor.u32 v10, v26;
	[tilespmem:s28+$0xFFFFFF30] =	vst v22;
	v34 =	vld.idx.msk [tilespmem:v58+s3+$0x0], $0xffff  }
0x4c: {  	v30 =	vor.u32 v12, v52;
	v27 =	vshrl.u32 v27, $0x3;
	v55 =	vmov s0;
	[tilespmem:s29+$0x0] =	vst v28;
	v35 =	vld.idx.msk [tilespmem:v35+s3+$0x0], $0xffff  }
0x4d: {  	v26 =	vor.u32 v11, v26;
	v22 =	vshll.u32 v27, v2;
	v20 =	vshrl.u32 v55, $0x3;
	v40 =	vld.idx.msk [tilespmem:v40+s3+$0x0], $0xffff;
	[tilespmem:s29+$0xFFFFFF10] =	vst v43  }
0x4e: {  	s11 =	simm.s32 $0x58;
	v27 =	vadd.s32 v50, v19;
	v19 =	vbroadcast v22, $0x0;
	v20 =	vshll.u32 v20, v2;
	[tilespmem:s28+$0xC0] =	vst v31;
	v60 =	vld.idx.msk [tilespmem:v60+s3+$0x0], $0xffff  }
0x4f: {  	s12 =	simm.s32 $0x50;
	s0 =	sand.u32 $0x78, s11;
	v28 =	vor.u32 v11, v45;
	v45 =	vor.u32 v46, v27;
	v22 =	vbroadcast v20, $0x0;
	v41 =	vld.idx.msk [tilespmem:v41+s3+$0x0], $0xffff;
	[tilespmem:s28+$0x30] =	vst v23  }
0x50: {  	s16 =	sand.u32 $0x70, s12;
	v52 =	vor.u32 v11, v52;
	v56 =	vmov s0;
	v31 =	vor.u32 v45, v19;
	v42 =	vld.idx.msk [tilespmem:v42+s3+$0x0], $0xffff;
	[tilespmem:s29+$0xFFFFFFA0] =	vst v53  }
0x51: {  	v58 =	vmov s16;
	v6 =	vshrl.u32 v56, $0x3;
	v57 =	vor.u32 v22, v45;
	[tilespmem:s29+$0x90] =	vst v34;
	v43 =	vld.idx.msk [tilespmem:v48+s3+$0x0], $0xffff  }
0x52: {  	v56 =	vor.u32 v29, v54;
	v7 =	vshrl.u32 v58, $0x3;
	v58 =	vor.u32 v51, v27;
	[tilespmem:s28+$0xFFFFFFD0] =	vst v38;
	v38 =	vld.idx.msk [tilespmem:v30+s3+$0x0], $0xffff  }
0x53: {  	v51 =	vor.u32 v29, v44;
	v46 =	vshll.u32 v7, v2;
	[tilespmem:s28+$0xFFFFFF40] =	vst v35;
	v55 =	vld.idx.msk [tilespmem:v18+s3+$0x0], $0xffff  }
0x54: {  	v7 =	vor.u32 v32, v54;
	v54 =	vor.u32 v33, v54;
	v39 =	vld.idx.msk [tilespmem:v39+s3+$0x0], $0xffff;
	[tilespmem:s29+$0x10] =	vst v40  }
0x55: {  	v35 =	vshll.u32 v6, v2;
	v6 =	vor.u32 v61, v27;
	[tilespmem:s29+$0xFFFFFF20] =	vst v60;
	v59 =	vld.idx.msk [tilespmem:v31+s3+$0x0], $0xffff  }
0x56: {  	v29 =	vbroadcast v46, $0x0;
	v61 =	vor.u32 v62, v27;
	v30 =	vor.u32 v1, v14;
	[tilespmem:s28+$0xD0] =	vst v41;
	v53 =	vld.idx.msk [tilespmem:v57+s3+$0x0], $0xffff  }
0x57: {  	v40 =	vor.u32 v19, v58;
	v34 =	vor.u32 v19, v6;
	v62 =	vld.idx.msk [tilespmem:v56+s3+$0x0], $0xffff;
	[tilespmem:s28+$0x40] =	vst v42  }
0x58: {  	v32 =	vor.u32 v19, v61;
	v41 =	vor.u32 v45, v29;
	[tilespmem:s29+$0xFFFFFFB0] =	vst v43;
	v46 =	vld.idx.msk [tilespmem:v36+s3+$0x0], $0xffff  }
0x59: {  	v20 =	vor.u32 v10, v30;
	v18 =	vor.u32 v13, v30;
	v31 =	vbroadcast v35, $0x0;
	[tilespmem:s28+$0xFFFFFFE0] =	vst v55;
	v55 =	vld.idx.msk [tilespmem:v52+s3+$0x0], $0xffff  }
0x5a: {  	v23 =	vor.u32 v11, v30;
	v35 =	vor.u32 v22, v6;
	[tilespmem:s29+$0xA0] =	vst v38;
	v47 =	vld.idx.msk [tilespmem:v47+s3+$0x0], $0xffff  }
0x5b: {  	v42 =	vor.u32 v63, v27;
	v44 =	vor.u32 v45, v31;
	[tilespmem:s28+$0xFFFFFF50] =	vst v39;
	v49 =	vld.idx.msk [tilespmem:v49+s3+$0x0], $0xffff  }
0x5c: {  	s30 =	simm.s32 $0x8500;
	v45 =	vor.u32 v22, v58;
	v38 =	vor.u32 v31, v6;
	v39 =	vor.u32 v29, v6;
	v6 =	vld.idx.msk [tilespmem:v7+s3+$0x0], $0xffff  }
0x5d: {  	v36 =	vor.u32 v31, v61;
	v33 =	vor.u32 v19, v42;
	[tilespmem:s30+$0xFFFFFF80] =	vst v59;
	v63 =	vld.idx.msk [tilespmem:v41+s3+$0x0], $0xffff  }
0x5e: {  	v43 =	vor.u32 v31, v42;
	v52 =	vor.u32 v31, v58;
	v59 =	vld.idx.msk [tilespmem:v4+s3+$0x0], $0xffff;
	[tilespmem:s28+$0xE0] =	vst v62  }
0x5f: {  	v7 =	vor.u32 v0, v27;
	v41 =	vor.u32 v29, v61;
	v50 =	vld.idx.msk [tilespmem:v40+s3+$0x0], $0xffff;
	[tilespmem:s30+$0xFFFFFF00] =	vst v53  }
0x60: {  	v57 =	vor.u32 v19, v7;
	v40 =	vor.u32 v22, v42;
	v56 =	vld.idx.msk [tilespmem:v44+s3+$0x0], $0xffff;
	[tilespmem:s28+$0x50] =	vst v46  }
0x61: {  	v53 =	vor.u32 v31, v7;
	v44 =	vor.u32 v22, v61;
	v60 =	vld.idx.msk [tilespmem:v51+s3+$0x0], $0xffff;
	[tilespmem:s29+$0x20] =	vst v55  }
0x62: {  	v46 =	vor.u32 v22, v7;
	v51 =	vor.u32 v1, v27;
	[tilespmem:s29+$0xFFFFFFC0] =	vst v47;
	v61 =	vld.idx.msk [tilespmem:v54+s3+$0x0], $0xffff  }
0x63: {  	v54 =	vor.u32 v22, v51;
	v48 =	vor.u32 v19, v51;
	[tilespmem:s29+$0xB0] =	vst v49;
	v55 =	vld.idx.msk [tilespmem:v37+s3+$0x0], $0xffff  }
0x64: {  	v47 =	vor.u32 v29, v51;
	v49 =	vor.u32 v29, v58;
	v58 =	vld.idx.msk [tilespmem:v5+s3+$0x0], $0xffff;
	[tilespmem:s28+$0xFFFFFF60] =	vst v6  }
0x65: {  	s31 =	sadd.s32 s10, s26;
	s2 =	simm.s32 $0x60;
	s0 =	simm.s32 $0x8;
	v37 =	vor.u32 v29, v42;
	v42 =	vor.u32 v29, v7;
	v62 =	vld.idx.msk [tilespmem:v3+s3+$0x0], $0xffff;
	[tilespmem:s30+$0xFFFFFF90] =	vst v50  }
.LBB2_3:
0x66: {  	v0 =	vld [tilespmem:$0x1FF90]  }
0x67: {  	v1 =	vld [tilespmem:$0x1FFD0]  }
0x68: {  	[tilespmem:s30+$0x80] =	vst v56;
	v8 =	vld [tilespmem:$0x1FF70]  }
0x69: {  	v52 =	vld.idx.msk [tilespmem:v52+s3+$0x0], $0xffff  }
0x6a: {  	[tilespmem:s30+$0x0] =	vst v63;
	v63 =	vld.idx.msk [tilespmem:v17+s3+$0x0], $0xffff  }
0x6b: {  	s16 =	sadd.s32 $0x8, s2;
	v17 =	vmov v20;
	v20 =	vmov v54;
	v54 =	vld.idx.msk [tilespmem:v57+s3+$0x0], $0xffff;
	[tilespmem:s28+$0xF0] =	vst v60  }
0x6c: {  	s0 =	sadd.s32 $0x4, s0;
	v50 =	vor.u32 v12, v30;
	s16 =	sand.u32 $0x68, s16;
	v60 =	vld.idx.msk [tilespmem:v15+s3+$0x0], $0xffff;
	[tilespmem:s28+$0x60] =	vst v61  }
0x6d: {  	s11 =	sadd.s32 $0x10, s2;
	s12 =	sshrl.u32 s0, $0x4;
	v15 =	vmovc v18;
	[tilespmem:s29+$0xFFFFFF30] =	vst v59;
	v56 =	vor.u32 v0, v14;
	v14 =	vmov v27;
	v27 =	vmov s16;
	v59 =	vld.idx.msk [tilespmem:v16+s3+$0x0], $0xffff  }
0x6e: {  	v18 =	vmovc v48;
	[tilespmem:s29+$0xFFFFFFD0] =	vst v58;
	s16 =	sand.u32 $0x70, s11;
	v48 =	vld.idx.msk [tilespmem:v21+s3+$0x0], $0xffff;
	v0 =	vor.u32 v13, v56;
	v13 =	vmovc v19;
	v19 =	vmov s12;
	v27 =	vshrl.u32 v27, $0x3  }
0x6f: {  	v30 =	vmovc v51;
	[tilespmem:s29+$0xC0] =	vst v62;
	v49 =	vld.idx.msk [tilespmem:v49+s3+$0x0], $0xffff;
	v51 =	vor.u32 v12, v56;
	v4 =	vmov s16;
	v19 =	vshll.u32 v19, $0xA  }
0x70: {  	v12 =	vmovc v31;
	v58 =	vld.idx.msk [tilespmem:v25+s3+$0x0], $0xffff;
	v31 =	vshll.u32 v27, v2;
	v27 =	vadd.s32 v1, v19;
	v1 =	vshrl.u32 v4, $0x3  }
0x71: {  	[tilespmem:s30+$0x90] =	vst v52;
	v5 =	vshll.u32 v1, v2;
	v1 =	vld [tilespmem:$0x1FFE0]  }
0x72: {  	s6 =	sadd.s32 $0x18, s2;
	s7 =	sand.u32 $0x60, s2;
	[tilespmem:s28+$0xFFFFFF70] =	vst v63;
	v53 =	vld.idx.msk [tilespmem:v53+s3+$0x0], $0xffff  }
0x73: {  	v7 =	vmov s7;
	s6 =	sand.u32 $0x78, s6;
	v45 =	vld.idx.msk [tilespmem:v45+s3+$0x0], $0xffff  }
0x74: {  	v6 =	vmov s6;
	[tilespmem:s29+$0x30] =	vst v55;
	v19 =	vbroadcast v31, $0x0;
	v31 =	vshrl.u32 v7, $0x3;
	v4 =	vld [tilespmem:$0x1FFA0]  }
0x75: {  	v57 =	vshrl.u32 v6, $0x3;
	v31 =	vshll.u32 v31, v2;
	[tilespmem:s28+$0x70] =	vst v59;
	v0 =	vld.idx.msk [tilespmem:v0+s3+$0x0], $0xffff  }
0x76: {  	v3 =	vshll.u32 v57, v2;
	v57 =	vbroadcast v31, $0x0;
	[tilespmem:s28+$0xFFFFFFF0] =	vst v60;
	s28 =	smov.u32 s29;
	v7 =	vor.u32 v1, v27;
	v1 =	vld [tilespmem:$0x1FFB0]  }
0x77: {  	v21 =	vmovc v44;
	v44 =	vbroadcast v5, $0x0;
	v31 =	vbroadcast v3, $0x0;
	[tilespmem:s28+$0xFFFFFF40] =	vst v48;
	v48 =	vld.idx.msk [tilespmem:v28+s3+$0x0], $0xffff;
	v61 =	vor.u32 v7, v19  }
0x78: {  	v28 =	vmov v41;
	v41 =	vld.idx.msk [tilespmem:v24+s3+$0x0], $0xffff;
	v59 =	vor.u32 v57, v7  }
0x79: {  	v16 =	vmovc v23;
	v23 =	vmov v47;
	[tilespmem:s30+$0xFFFFFF10] =	vst v45;
	v62 =	vor.u32 v7, v44;
	v47 =	vor.u32 v7, v31;
	v7 =	vld [tilespmem:$0x1FFF0]  }
0x7a: {  	v46 =	vld.idx.msk [tilespmem:v46+s3+$0x0], $0xffff  }
0x7b: {  	s29 =	smov.u32 s30;
	[tilespmem:s30+$0x10] =	vst v49;
	v52 =	vor.u32 v1, v27;
	v1 =	vld [tilespmem:$0x1FFC0]  }
0x7c: {  	v3 =	vor.u32 v11, v56;
	[tilespmem:s29+$0xA0] =	vst v53;
	v49 =	vor.u32 v4, v27;
	v61 =	vld.idx.msk [tilespmem:v61+s3+$0x0], $0xffff  }
0x7d: {  	v25 =	vmov v43;
	v5 =	vor.u32 v19, v49;
	v45 =	vor.u32 v57, v49;
	[tilespmem:s30+$0xFFFFFFA0] =	vst v54;
	v59 =	vld.idx.msk [tilespmem:v59+s3+$0x0], $0xffff  }
0x7e: {  	v11 =	vmov v29;
	v43 =	vor.u32 v19, v52;
	v53 =	vor.u32 v7, v27;
	v7 =	vld.idx.msk [tilespmem:v38+s3+$0x0], $0xffff;
	[tilespmem:s28+$0xD0] =	vst v58  }
0x7f: {  	v24 =	vmov v40;
	v60 =	vor.u32 v31, v52;
	v4 =	vor.u32 v44, v52;
	[tilespmem:s28+$0xFFFFFF50] =	vst v41;
	v54 =	vld.idx.msk [tilespmem:v34+s3+$0x0], $0xffff  }
0x80: {  	v9 =	vld [tilespmem:$0x1FF80];
	v34 =	vmovc v43;
	[tilespmem:s28+$0xFFFFFFE0] =	vst v0;
	v0 =	vor.u32 v19, v53;
	v38 =	vmov v60;
	v40 =	vor.u32 v57, v53  }
0x81: {  	v43 =	vor.u32 v31, v53;
	v58 =	vld.idx.msk [tilespmem:v51+s3+$0x0], $0xffff;
	v60 =	vor.u32 v10, v56;
	v55 =	vor.u32 v1, v27  }
0x82: {  	v29 =	vmov v44;
	s30 =	sadd.s32 $0x200, s30;
	[tilespmem:s29+$0xFFFFFF20] =	vst v46;
	v56 =	vld.idx.msk [tilespmem:v47+s3+$0x0], $0xffff;
	v63 =	vor.u32 v19, v55;
	v6 =	vor.u32 v31, v55  }
0x83: {  	v44 =	vor.u32 v57, v55;
	[tilespmem:s30+$0xFFFFFF80] =	vst v61;
	v41 =	vor.u32 v29, v55;
	v55 =	vld.idx.msk [tilespmem:v42+s3+$0x0], $0xffff  }
0x84: {  	v10 =	vmov v22;
	v51 =	vor.u32 v8, v27;
	v22 =	vmov v57;
	[tilespmem:s28+$0x40] =	vst v48;
	v5 =	vld.idx.msk [tilespmem:v5+s3+$0x0], $0xffff  }
0x85: {  	v46 =	vor.u32 v22, v51;
	v1 =	vor.u32 v57, v52;
	[tilespmem:s29+$0xB0] =	vst v7;
	v8 =	vld.idx.msk [tilespmem:v26+s3+$0x0], $0xffff  }
0x86: {  	v61 =	vor.u32 v29, v53;
	v57 =	vor.u32 v19, v51;
	[tilespmem:s29+$0xFFFFFFB0] =	vst v54;
	v7 =	vld.idx.msk [tilespmem:v60+s3+$0x0], $0xffff  }
0x87: {  	v42 =	vor.u32 v29, v51;
	v53 =	vor.u32 v31, v51;
	v51 =	vor.u32 v9, v27;
	v9 =	vld.idx.msk [tilespmem:v32+s3+$0x0], $0xffff  }
0x88: {  	[tilespmem:s28+$0xE0] =	vst v58;
	v32 =	vmov v63;
	v63 =	vld.idx.msk [tilespmem:v62+s3+$0x0], $0xffff  }
0x89: {  	p1 =	slt.u32 s0, $0x7C;
	[tilespmem:s30+$0xFFFFFF00] =	vst v59;
	v60 =	vld.idx.msk [tilespmem:v50+s3+$0x0], $0xffff  }
.Ltmp2:
0x8a: {  	v59 =	vld.idx.msk [tilespmem:v35+s3+$0x0], $0xffff;
	[tilespmem:s29+$0x20] =	vst v55;
	(pc) =	sbr.rel @p1 .LBB2_3-.Ltmp2, $4  }
0x8b: {  	v52 =	vor.u32 v31, v49;
	v55 =	vld.idx.msk [tilespmem:v39+s3+$0x0], $0xffff;
	[tilespmem:s28+$0x50] =	vst v8  }
0x8c: {  	v49 =	vor.u32 v29, v49;
	v26 =	vmov v37;
	v54 =	vor.u32 v22, v51;
	v62 =	vld.idx.msk [tilespmem:v36+s3+$0x0], $0xffff;
	[tilespmem:s28+$0xFFFFFF60] =	vst v7  }
0x8d: {  	v37 =	vmov v61;
	v48 =	vor.u32 v19, v51;
	v47 =	vor.u32 v29, v51;
	[tilespmem:s29+$0xFFFFFFC0] =	vst v9;
	v61 =	vld.idx.msk [tilespmem:v3+s3+$0x0], $0xffff  }
0x8e: {  	s2 =	sadd.s32 $0x20, s2;
	v35 =	vmovc v1;
	v36 =	vmov v6;
	v39 =	vmov v4;
	v58 =	vld.idx.msk [tilespmem:v33+s3+$0x0], $0xffff;
	v33 =	vmov v0;
	[tilespmem:s30+$0xFFFFFF90] =	vst v5  }
0x8f: {  	_ =	sdelay $0x1  }
0x90: {  	[tilespmem:s30+$0x0] =	vst v63  }
0x91: {  	[tilespmem:s30+$0x80] =	vst v56  }
0x92: {  	v0 =	vld.idx.msk [tilespmem:v17+s3+$0x0], $0xffff;
	[tilespmem:s28+$0xF0] =	vst v60  }
0x93: {  	[tilespmem:s29+$0xFFFFFF30] =	vst v59;
	v1 =	vld.idx.msk [tilespmem:v52+s3+$0x0], $0xffff  }
0x94: {  	v6 =	vld.idx.msk [tilespmem:v45+s3+$0x0], $0xffff;
	[tilespmem:s28+$0x60] =	vst v61  }
0x95: {  	[tilespmem:s29+$0xC0] =	vst v62;
	v3 =	vld.idx.msk [tilespmem:v16+s3+$0x0], $0xffff  }
0x96: {  	v56 =	vld [tilespmem:$0x1FF90]  }
0x97: {  	v7 =	vld.idx.msk [tilespmem:v49+s3+$0x0], $0xffff;
	[tilespmem:s29+$0xFFFFFFD0] =	vst v58  }
0x98: {  	[tilespmem:s30+$0x90] =	vst v1;
	v1 =	vld.idx.msk [tilespmem:v21+s3+$0x0], $0xffff  }
0x99: {  	[tilespmem:s28+$0xFFFFFF70] =	vst v0  }
0x9a: {  	v8 =	vld.idx.msk [tilespmem:v57+s3+$0x0], $0xffff;
	[tilespmem:s30+$0xFFFFFF10] =	vst v6  }
0x9b: {  	v4 =	vor.u32 v56, v14;
	[tilespmem:s28+$0x70] =	vst v3;
	v3 =	vld.idx.msk [tilespmem:v53+s3+$0x0], $0xffff  }
0x9c: {  	v5 =	vld.idx.msk [tilespmem:v15+s3+$0x0], $0xffff;
	[tilespmem:s30+$0x10] =	vst v7;
	v0 =	vor.u32 v13, v4  }
0x9d: {  	[tilespmem:s29+$0xFFFFFF40] =	vst v1;
	v1 =	vld.idx.msk [tilespmem:v42+s3+$0x0], $0xffff  }
0x9e: {  	[tilespmem:s29+$0x30] =	vst v55;
	v53 =	vld.idx.msk [tilespmem:v46+s3+$0x0], $0xffff  }
0x9f: {  	v55 =	vld.idx.msk [tilespmem:v25+s3+$0x0], $0xffff;
	[tilespmem:s30+$0xFFFFFFA0] =	vst v8  }
0xa0: {  	v59 =	vld.idx.msk [tilespmem:v34+s3+$0x0], $0xffff;
	[tilespmem:s30+$0xA0] =	vst v3;
	v3 =	vor.u32 v12, v4  }
0xa1: {  	[tilespmem:s28+$0xFFFFFFF0] =	vst v5;
	v0 =	vld.idx.msk [tilespmem:v0+s3+$0x0], $0xffff  }
0xa2: {  	v57 =	vld.idx.msk [tilespmem:v24+s3+$0x0], $0xffff;
	[tilespmem:s30+$0x20] =	vst v1  }
0xa3: {  	[tilespmem:s30+$0xFFFFFF20] =	vst v53;
	v58 =	vld.idx.msk [tilespmem:v39+s3+$0x0], $0xffff  }
0xa4: {  	[tilespmem:s29+$0xD0] =	vst v55;
	v1 =	vld.idx.msk [tilespmem:v35+s3+$0x0], $0xffff  }
0xa5: {  	[tilespmem:s30+$0xFFFFFFB0] =	vst v59;
	v3 =	vld.idx.msk [tilespmem:v3+s3+$0x0], $0xffff  }
0xa6: {  	v60 =	vor.u32 v10, v4;
	[tilespmem:s29+$0xFFFFFFE0] =	vst v0;
	v0 =	vld.idx.msk [tilespmem:v38+s3+$0x0], $0xffff  }
0xa7: {  	v8 =	vld.idx.msk [tilespmem:v28+s3+$0x0], $0xffff;
	[tilespmem:s29+$0xFFFFFF50] =	vst v57  }
0xa8: {  	v6 =	vld.idx.msk [tilespmem:v32+s3+$0x0], $0xffff;
	[tilespmem:s30+$0x30] =	vst v58  }
0xa9: {  	[tilespmem:s30+$0xFFFFFF30] =	vst v1;
	v5 =	vld.idx.msk [tilespmem:v41+s3+$0x0], $0xffff  }
0xaa: {  	v1 =	vld.idx.msk [tilespmem:v44+s3+$0x0], $0xffff;
	[tilespmem:s29+$0xE0] =	vst v3  }
0xab: {  	v3 =	vld.idx.msk [tilespmem:v60+s3+$0x0], $0xffff;
	[tilespmem:s30+$0xB0] =	vst v0;
	v0 =	vor.u32 v12, v30  }
0xac: {  	[tilespmem:s29+$0x40] =	vst v8;
	v9 =	vld.idx.msk [tilespmem:v36+s3+$0x0], $0xffff  }
0xad: {  	v8 =	vld.idx.msk [tilespmem:v26+s3+$0x0], $0xffff;
	[tilespmem:s30+$0xFFFFFFC0] =	vst v6  }
0xae: {  	v61 =	vor.u32 v56, v27;
	v4 =	vor.u32 v11, v4;
	v10 =	vld.idx.msk [tilespmem:v33+s3+$0x0], $0xffff;
	[tilespmem:s30+$0x40] =	vst v5  }
0xaf: {  	v7 =	vor.u32 v19, v61;
	[tilespmem:s30+$0xFFFFFF40] =	vst v1;
	v63 =	vld.idx.msk [tilespmem:v37+s3+$0x0], $0xffff  }
0xb0: {  	[tilespmem:s29+$0xFFFFFF60] =	vst v3;
	v0 =	vld.idx.msk [tilespmem:v0+s3+$0x0], $0xffff  }
0xb1: {  	v3 =	vor.u32 v29, v61;
	[tilespmem:s30+$0xC0] =	vst v9;
	v9 =	vld.idx.msk [tilespmem:v40+s3+$0x0], $0xffff  }
0xb2: {  	v62 =	vor.u32 v22, v61;
	[tilespmem:s29+$0x50] =	vst v8;
	v8 =	vld.idx.msk [tilespmem:v43+s3+$0x0], $0xffff  }
0xb3: {  	v4 =	vld.idx.msk [tilespmem:v4+s3+$0x0], $0xffff;
	[tilespmem:s30+$0xFFFFFFD0] =	vst v10;
	v1 =	vor.u32 v31, v61  }
0xb4: {  	v32 =	vld.idx.msk [tilespmem:v7+s3+$0x0], $0xffff;
	[tilespmem:s30+$0x50] =	vst v63  }
0xb5: {  	[tilespmem:s29+$0xF0] =	vst v0;
	v0 =	vld.idx.msk [tilespmem:v20+s3+$0x0], $0xffff  }
0xb6: {  	v3 =	vld.idx.msk [tilespmem:v3+s3+$0x0], $0xffff;
	[tilespmem:s30+$0xFFFFFF50] =	vst v9  }
0xb7: {  	[tilespmem:s30+$0xD0] =	vst v8;
	v5 =	vld.idx.msk [tilespmem:v62+s3+$0x0], $0xffff  }
0xb8: {  	[tilespmem:s29+$0x60] =	vst v4;
	v1 =	vld.idx.msk [tilespmem:v1+s3+$0x0], $0xffff  }
0xb9: {  	v33 =	vld.idx.msk [tilespmem:v23+s3+$0x0], $0xffff;
	[tilespmem:s30+$0xFFFFFFE0] =	vst v32;
	v8 =	vor.u32 v31, v51  }
0xba: {  	v4 =	vld.idx.msk [tilespmem:v48+s3+$0x0], $0xffff;
	[tilespmem:s29+$0xFFFFFF70] =	vst v0  }
0xbb: {  	v0 =	vld.idx.msk [tilespmem:v18+s3+$0x0], $0xffff;
	[tilespmem:s30+$0x60] =	vst v3  }
0xbc: {  	v3 =	vld.idx.msk [tilespmem:v47+s3+$0x0], $0xffff;
	[tilespmem:s30+$0xFFFFFF60] =	vst v5  }
0xbd: {  	[tilespmem:s30+$0xE0] =	vst v1;
	v5 =	vld.idx.msk [tilespmem:v54+s3+$0x0], $0xffff  }
0xbe: {  	[tilespmem:s29+$0x70] =	vst v33;
	v1 =	vld.idx.msk [tilespmem:v8+s3+$0x0], $0xffff  }
0xbf: {  	[tilespmem:s30+$0xFFFFFFF0] =	vst v4  }
0xc0: {  	[tilespmem:s29+$0xFFFFFFF0] =	vst v0  }
0xc1: {  	[tilespmem:s30+$0x70] =	vst v3  }
0xc2: {  	s28 =	sshll.u32 s31, $0xC;
	[tilespmem:s30+$0xFFFFFF70] =	vst v5  }
0xc3: {  	p1 =	seq.s32 s26, $0x3F;
	s0 =	sadd.s32 s4, s28;
	[tilespmem:s30+$0xF0] =	vst v1  }
0xc4: {  	[hbm4b:s0+s3] =	stream.linear.scatter [tilespmem:s20], [sflag:$0x3], $0x4000, $0x38;
	[tilespmem:$0x10000] =	vst v63  }
0xc5: {  	s0 =	sadd.s32 @!p1 s26, s13  }
0xc6: {  	s0 =	sshll.u32 @!p1 s0, $0xC  }
0xc7: {  	s0 =	sand.u32 @!p1 $0x1FFFF000, s0  }
0xc8: {  	s6 =	simm.s32 @!p1 $0x0;
	s2 =	sadd.s32 @!p1 s1, s0  }
0xc9: {  	[tilespmem:s6], [sflag:$0x1] =	stream.linear.gather @!p1 [hbm4b:s2+s6], $0x2000, $0x38;
	[tilespmem:$0x10000] =	vst v63  }
0xca: {  	s0 =	sadd.s32 @!p1 s0, s5;
	s2 =	simm.s32 @!p1 $0x2000  }
0xcb: {  	[tilespmem:s2], [sflag:$0x1] =	stream.linear.gather @!p1 [hbm4b:s0+s6], $0x2000, $0x38;
	[tilespmem:$0x10000] =	vst v63  }
0xcc: {  	_ =	swait.ge [sflag:s21], $0x2000  }
0xcd: {  	[sflag:s21] =	ssyncset.done $0x0  }
0xce: {  	[sflag:s21] =	ssyncadd.s32 $0xFFFFE000  }
0xcf: {  	s7 =	simm.s32 $0x0;
	s11 =	simm.s32 $0x8;
	v50 =	vld [tilespmem:$0x1FFD0];
	_ =	swait.ge [sflag:s21], $0x2000  }
0xd0: {  	s12 =	simm.s32 $0x0;
	s0 =	sand.u32 $0x60, s7;
	s2 =	sand.u32 $0x68, s11;
	v46 =	vld [tilespmem:$0x1FFE0]  }
0xd1: {  	s16 =	simm.s32 $0x10;
	v0 =	vmov s12;
	v1 =	vmov s0;
	v3 =	vmov s2  }
0xd2: {  	v0 =	vshll.u32 v0, $0xA;
	s0 =	sand.u32 $0x70, s16;
	v1 =	vshrl.u32 v1, $0x3;
	v3 =	vshrl.u32 v3, $0x3  }
0xd3: {  	v34 =	vmov s0;
	v1 =	vshll.u32 v1, v2;
	v3 =	vshll.u32 v3, v2  }
0xd4: {  	v12 =	vbroadcast v3, $0x0;
	v10 =	vadd.s32 v50, v0;
	v0 =	vshrl.u32 v34, $0x3  }
0xd5: {  	v11 =	vbroadcast v1, $0x0;
	[sflag:s21] =	ssyncset.done $0x0;
	v0 =	vshll.u32 v0, v2;
	v1 =	vor.u32 v46, v10  }
0xd6: {  	s0 =	simm.s32 @!p0 $0x4;
	[sflag:s21] =	ssyncadd.s32 $0xFFFFE000;
	v15 =	vbroadcast v0, $0x0;
	v0 =	vor.u32 v1, v12  }
0xd7: {  	_ =	swait.ge @!p0 [sflag:s0], $0x4000;
	v3 =	vor.u32 v11, v1  }
0xd8: {  	v51 =	vld [tilespmem:$0x1FFA0]  }
0xd9: {  	[sflag:s0] =	ssyncset.done @!p0 $0x0  }
0xda: {  	[sflag:s0] =	ssyncadd.s32 @!p0 $0xFFFFC000  }
0xdb: {  	v0 =	vld.idx.msk [tilespmem:v0+s17+$0x0], $0xffff  }
0xdc: {  	v35 =	vor.u32 v1, v15;
	v3 =	vld.idx.msk [tilespmem:v3+s17+$0x0], $0xffff  }
0xdd: {  	v37 =	vor.u32 v51, v10  }
0xde: {  	v38 =	vor.u32 v12, v37  }
0xdf: {  	s29 =	simm.s32 $0xC1F0;
	v8 =	vor.u32 v11, v37  }
0xe0: {  	[tilespmem:s29+$0xFFFFFE90] =	vst v0  }
0xe1: {  	v4 =	vld.idx.msk [tilespmem:v35+s17+$0x0], $0xffff;
	[tilespmem:s29+$0xFFFFFE10] =	vst v3  }
0xe2: {  	s6 =	simm.s32 $0x18;
	v42 =	vld [tilespmem:$0x1FF70]  }
0xe3: {  	s7 =	sand.u32 $0x78, s6;
	v3 =	vld.idx.msk [tilespmem:v38+s17+$0x0], $0xffff  }
0xe4: {  	v36 =	vmov s7;
	v43 =	vld.idx.msk [tilespmem:v8+s17+$0x0], $0xffff  }
0xe5: {  	v5 =	vshrl.u32 v36, $0x3  }
0xe6: {  	v5 =	vshll.u32 v5, v2;
	v39 =	vor.u32 v15, v37  }
0xe7: {  	v17 =	vbroadcast v5, $0x0;
	[tilespmem:s29+$0xFFFFFF10] =	vst v4  }
0xe8: {  	[tilespmem:s29+$0xFFFFFEA0] =	vst v3  }
0xe9: {  	v1 =	vor.u32 v1, v17;
	v0 =	vor.u32 v42, v10;
	[tilespmem:s29+$0xFFFFFE20] =	vst v43  }
0xea: {  	v44 =	vor.u32 v12, v0;
	v61 =	vld [tilespmem:$0x1FFB0]  }
0xeb: {  	v5 =	vld.idx.msk [tilespmem:v39+s17+$0x0], $0xffff;
	v8 =	vor.u32 v11, v0  }
0xec: {  	v9 =	vor.u32 v15, v0;
	_ =	sdelay $0x1  }
0xed: {  	v1 =	vld.idx.msk [tilespmem:v1+s17+$0x0], $0xffff  }
0xee: {  	v6 =	vor.u32 v17, v37;
	v3 =	vor.u32 v61, v10;
	v45 =	vld.idx.msk [tilespmem:v44+s17+$0x0], $0xffff  }
0xef: {  	[tilespmem:s29+$0xFFFFFF20] =	vst v5;
	v47 =	vld.idx.msk [tilespmem:v8+s17+$0x0], $0xffff;
	v48 =	vor.u32 v12, v3  }
0xf0: {  	v9 =	vld.idx.msk [tilespmem:v9+s17+$0x0], $0xffff;
	v13 =	vor.u32 v11, v3;
	_ =	sdelay $0x1  }
0xf1: {  	v62 =	vld [tilespmem:$0x1FFC0];
	[tilespmem:s29+$0xFFFFFF90] =	vst v1  }
0xf2: {  	v6 =	vld.idx.msk [tilespmem:v6+s17+$0x0], $0xffff;
	[tilespmem:s29+$0xFFFFFEB0] =	vst v45  }
0xf3: {  	s12 =	simm.s32 $0x20;
	s7 =	simm.s32 $0x30;
	[tilespmem:s29+$0xFFFFFE30] =	vst v47;
	v52 =	vld.idx.msk [tilespmem:v48+s17+$0x0], $0xffff  }
0xf4: {  	s16 =	simm.s32 $0x0;
	s2 =	sand.u32 $0x60, s12;
	s12 =	sand.u32 $0x70, s7;
	[tilespmem:s29+$0xFFFFFF30] =	vst v9;
	v9 =	vld.idx.msk [tilespmem:v13+s17+$0x0], $0xffff  }
0xf5: {  	s11 =	simm.s32 $0x38;
	v19 =	vmov s16;
	v49 =	vmov s12  }
0xf6: {  	v19 =	vshll.u32 v19, $0xA;
	s0 =	sand.u32 $0x78, s11;
	s11 =	simm.s32 $0x28;
	v4 =	vshrl.u32 v49, $0x3;
	v1 =	vor.u32 v15, v3  }
0xf7: {  	v21 =	vmov s2;
	v19 =	vadd.s32 v50, v19;
	s16 =	sand.u32 $0x68, s11;
	v4 =	vshll.u32 v4, v2;
	[tilespmem:s29+$0xFFFFFFA0] =	vst v6  }
0xf8: {  	v22 =	vmov s16;
	v25 =	vbroadcast v4, $0x0;
	v8 =	vor.u32 v62, v10;
	[tilespmem:s29+$0xFFFFFEC0] =	vst v52  }
0xf9: {  	v55 =	vor.u32 v46, v19;
	v16 =	vor.u32 v12, v8;
	v13 =	vshrl.u32 v22, $0x3;
	[tilespmem:s29+$0xFFFFFE40] =	vst v9  }
0xfa: {  	v53 =	vshrl.u32 v21, $0x3;
	v58 =	vor.u32 v55, v25;
	v13 =	vshll.u32 v13, v2;
	v63 =	vld [tilespmem:$0x1FFF0]  }
0xfb: {  	v54 =	vshll.u32 v53, v2;
	v14 =	vor.u32 v11, v8;
	v1 =	vld.idx.msk [tilespmem:v1+s17+$0x0], $0xffff;
	v24 =	vbroadcast v13, $0x0  }
0xfc: {  	v23 =	vbroadcast v54, $0x0;
	v20 =	vor.u32 v15, v8  }
0xfd: {  	v59 =	vor.u32 v55, v24  }
0xfe: {  	v13 =	vor.u32 v23, v55;
	v9 =	vld.idx.msk [tilespmem:v16+s17+$0x0], $0xffff  }
0xff: {  	v0 =	vor.u32 v17, v0;
	v4 =	vld.idx.msk [tilespmem:v58+s17+$0x0], $0xffff;
	v16 =	vor.u32 v63, v10  }
0x100: {  	v18 =	vmov s0;
	[tilespmem:s29+$0xFFFFFF40] =	vst v1;
	v1 =	vld.idx.msk [tilespmem:v14+s17+$0x0], $0xffff;
	v32 =	vor.u32 v12, v16  }
0x101: {  	v57 =	vshrl.u32 v18, $0x3;
	v14 =	vld.idx.msk [tilespmem:v20+s17+$0x0], $0xffff;
	v20 =	vor.u32 v51, v19;
	v18 =	vor.u32 v11, v16  }
0x102: {  	v6 =	vshll.u32 v57, v2;
	v21 =	vor.u32 v25, v20;
	v5 =	vld.idx.msk [tilespmem:v59+s17+$0x0], $0xffff  }
0x103: {  	v26 =	vbroadcast v6, $0x0;
	v13 =	vld.idx.msk [tilespmem:v13+s17+$0x0], $0xffff;
	[tilespmem:s29+$0xFFFFFED0] =	vst v9;
	v9 =	vor.u32 v24, v20  }
0x104: {  	v0 =	vld.idx.msk [tilespmem:v0+s17+$0x0], $0xffff;
	v22 =	vor.u32 v23, v20  }
0x105: {  	s30 =	simm.s32 $0xC3F0;
	v7 =	vor.u32 v55, v26;
	[tilespmem:s29+$0xFFFFFE50] =	vst v1;
	v1 =	vld.idx.msk [tilespmem:v32+s17+$0x0], $0xffff  }
0x106: {  	v3 =	vor.u32 v17, v3;
	[tilespmem:s30+$0xFFFFFF10] =	vst v4;
	v33 =	vld.idx.msk [tilespmem:v18+s17+$0x0], $0xffff  }
0x107: {  	v35 =	vld.idx.msk [tilespmem:v21+s17+$0x0], $0xffff;
	[tilespmem:s30+$0xFFFFFE90] =	vst v5;
	v18 =	vor.u32 v56, v10  }
0x108: {  	[tilespmem:s30+$0xFFFFFE10] =	vst v13;
	v21 =	vor.u32 v42, v19;
	v9 =	vld.idx.msk [tilespmem:v9+s17+$0x0], $0xffff;
	v27 =	vor.u32 v12, v18  }
0x109: {  	[tilespmem:s29+$0xFFFFFFB0] =	vst v0;
	v0 =	vld.idx.msk [tilespmem:v22+s17+$0x0], $0xffff;
	v13 =	vor.u32 v25, v21  }
0x10a: {  	v7 =	vld.idx.msk [tilespmem:v7+s17+$0x0], $0xffff;
	v28 =	vor.u32 v23, v21;
	[tilespmem:s29+$0xFFFFFEE0] =	vst v1  }
0x10b: {  	v3 =	vld.idx.msk [tilespmem:v3+s17+$0x0], $0xffff;
	v29 =	vor.u32 v15, v16;
	[tilespmem:s29+$0xFFFFFE60] =	vst v33  }
0x10c: {  	v44 =	vld [tilespmem:$0x1FF80];
	[tilespmem:s30+$0xFFFFFF20] =	vst v35  }
0x10d: {  	v22 =	vor.u32 v24, v21;
	v36 =	vld.idx.msk [tilespmem:v27+s17+$0x0], $0xffff;
	[tilespmem:s30+$0xFFFFFEA0] =	vst v9  }
0x10e: {  	v34 =	vor.u32 v11, v18;
	[tilespmem:s30+$0xFFFFFE20] =	vst v0;
	v9 =	vld.idx.msk [tilespmem:v13+s17+$0x0], $0xffff  }
0x10f: {  	v1 =	vor.u32 v26, v20;
	v27 =	vor.u32 v61, v19;
	[tilespmem:s29+$0xFFFFFF50] =	vst v14;
	v38 =	vld.idx.msk [tilespmem:v28+s17+$0x0], $0xffff  }
0x110: {  	v13 =	vor.u32 v23, v27;
	v29 =	vld.idx.msk [tilespmem:v29+s17+$0x0], $0xffff  }
0x111: {  	v30 =	vor.u32 v15, v18;
	v20 =	vor.u32 v44, v10  }
0x112: {  	[tilespmem:s30+$0xFFFFFF90] =	vst v7;
	v0 =	vld.idx.msk [tilespmem:v22+s17+$0x0], $0xffff;
	v10 =	vor.u32 v12, v20  }
0x113: {  	v4 =	vld.idx.msk [tilespmem:v34+s17+$0x0], $0xffff;
	[tilespmem:s29+$0xFFFFFFC0] =	vst v3;
	v12 =	vor.u32 v24, v27  }
0x114: {  	s16 =	simm.s32 $0x48;
	v1 =	vld.idx.msk [tilespmem:v1+s17+$0x0], $0xffff;
	v37 =	vor.u32 v11, v20;
	v11 =	vor.u32 v25, v27;
	[tilespmem:s30+$0xFFFFFE30] =	vst v38  }
0x115: {  	s16 =	sand.u32 $0x68, s16;
	v8 =	vor.u32 v17, v8;
	[tilespmem:s29+$0xFFFFFF60] =	vst v29;
	v43 =	vld.idx.msk [tilespmem:v13+s17+$0x0], $0xffff  }
0x116: {  	s12 =	simm.s32 $0x50;
	v16 =	vor.u32 v17, v16;
	v14 =	vmov s16;
	v22 =	vor.u32 v62, v19;
	[tilespmem:s29+$0xFFFFFEF0] =	vst v36;
	v29 =	vld.idx.msk [tilespmem:v30+s17+$0x0], $0xffff  }
0x117: {  	s12 =	sand.u32 $0x70, s12;
	v3 =	vshrl.u32 v14, $0x3;
	v28 =	vor.u32 v23, v22;
	v39 =	vor.u32 v24, v22;
	[tilespmem:s30+$0xFFFFFEB0] =	vst v0;
	v40 =	vld.idx.msk [tilespmem:v10+s17+$0x0], $0xffff  }
0x118: {  	s7 =	simm.s32 $0x40;
	s11 =	simm.s32 $0x0;
	v31 =	vor.u32 v25, v22;
	v3 =	vshll.u32 v3, v2;
	[tilespmem:s30+$0xFFFFFF30] =	vst v9;
	v41 =	vld.idx.msk [tilespmem:v12+s17+$0x0], $0xffff;
	v12 =	vmov s12  }
0x119: {  	s2 =	sand.u32 $0x60, s7;
	v9 =	vor.u32 v26, v21;
	v10 =	vmov s11;
	v0 =	vld.idx.msk [tilespmem:v11+s17+$0x0], $0xffff;
	v12 =	vshrl.u32 v12, $0x3  }
0x11a: {  	[tilespmem:s29+$0xFFFFFE70] =	vst v4;
	v11 =	vmov s2;
	v10 =	vshll.u32 v10, $0xA;
	v12 =	vshll.u32 v12, v2  }
0x11b: {  	[tilespmem:s30+$0xFFFFFFA0] =	vst v1;
	v1 =	vld.idx.msk [tilespmem:v8+s17+$0x0], $0xffff;
	v13 =	vshrl.u32 v11, $0x3;
	v11 =	vadd.s32 v50, v10;
	v10 =	vbroadcast v12, $0x0  }
0x11c: {  	s6 =	simm.s32 $0x58;
	v5 =	vld.idx.msk [tilespmem:v37+s17+$0x0], $0xffff;
	[tilespmem:s30+$0xFFFFFE40] =	vst v43;
	v8 =	vshll.u32 v13, v2;
	v13 =	vbroadcast v3, $0x0;
	v45 =	vor.u32 v46, v11  }
0x11d: {  	s0 =	sand.u32 $0x78, s6;
	[tilespmem:s29+$0xFFFFFF70] =	vst v29;
	v28 =	vld.idx.msk [tilespmem:v28+s17+$0x0], $0xffff;
	v12 =	vbroadcast v8, $0x0;
	v8 =	vor.u32 v45, v10  }
0x11e: {  	v21 =	vmov s0;
	[tilespmem:s30+$0xFFFFFF40] =	vst v0;
	v0 =	vld.idx.msk [tilespmem:v9+s17+$0x0], $0xffff;
	v9 =	vor.u32 v45, v13  }
0x11f: {  	v27 =	vor.u32 v26, v27;
	v3 =	vshrl.u32 v21, $0x3;
	[tilespmem:s30+$0xFFFFFEC0] =	vst v41;
	v21 =	vor.u32 v12, v45;
	v47 =	vld.idx.msk [tilespmem:v31+s17+$0x0], $0xffff  }
0x120: {  	v3 =	vshll.u32 v3, v2;
	[tilespmem:s29+$0xFFFFFFD0] =	vst v1;
	v6 =	vld.idx.msk [tilespmem:v39+s17+$0x0], $0xffff;
	v31 =	vor.u32 v63, v19  }
0x121: {  	v14 =	vbroadcast v3, $0x0;
	v48 =	vld.idx.msk [tilespmem:v16+s17+$0x0], $0xffff;
	[tilespmem:s29+$0xFFFFFF00] =	vst v40;
	v3 =	vor.u32 v24, v31  }
0x122: {  	[tilespmem:s29+$0xFFFFFE80] =	vst v5;
	v1 =	vor.u32 v23, v31;
	v49 =	vld.idx.msk [tilespmem:v8+s17+$0x0], $0xffff  }
0x123: {  	[tilespmem:s30+$0xFFFFFE50] =	vst v28;
	v8 =	vor.u32 v45, v14;
	v9 =	vld.idx.msk [tilespmem:v9+s17+$0x0], $0xffff  }
0x124: {  	v30 =	vor.u32 v51, v11;
	v52 =	vld.idx.msk [tilespmem:v21+s17+$0x0], $0xffff;
	[tilespmem:s30+$0xFFFFFFB0] =	vst v0;
	v0 =	vor.u32 v15, v20  }
0x125: {  	v55 =	vor.u32 v56, v19;
	v21 =	vor.u32 v10, v30;
	[tilespmem:s30+$0xFFFFFED0] =	vst v6;
	v28 =	vld.idx.msk [tilespmem:v27+s17+$0x0], $0xffff  }
0x126: {  	v57 =	vor.u32 v23, v55;
	v53 =	vor.u32 v13, v30;
	[tilespmem:s29+$0xFFFFFFE0] =	vst v48;
	v3 =	vld.idx.msk [tilespmem:v3+s17+$0x0], $0xffff  }
0x127: {  	s31 =	simm.s32 $0xC5F0;
	v18 =	vor.u32 v17, v18;
	v54 =	vor.u32 v12, v30;
	[tilespmem:s30+$0xFFFFFF50] =	vst v47;
	v1 =	vld.idx.msk [tilespmem:v1+s17+$0x0], $0xffff  }
0x128: {  	v17 =	vor.u32 v17, v20;
	v15 =	vor.u32 v24, v55;
	v8 =	vld.idx.msk [tilespmem:v8+s17+$0x0], $0xffff;
	[tilespmem:s31+$0xFFFFFF10] =	vst v49  }
0x129: {  	v29 =	vor.u32 v26, v55;
	v58 =	vor.u32 v42, v11;
	[tilespmem:s31+$0xFFFFFE90] =	vst v9;
	v36 =	vld.idx.msk [tilespmem:v0+s17+$0x0], $0xffff  }
0x12a: {  	v16 =	vor.u32 v26, v22;
	v9 =	vor.u32 v14, v30;
	[tilespmem:s31+$0xFFFFFE10] =	vst v52;
	v5 =	vld.idx.msk [tilespmem:v21+s17+$0x0], $0xffff  }
0x12b: {  	v22 =	vor.u32 v62, v11;
	v30 =	vor.u32 v10, v58;
	v6 =	vld.idx.msk [tilespmem:v53+s17+$0x0], $0xffff;
	[tilespmem:s30+$0xFFFFFEE0] =	vst v3  }
0x12c: {  	v59 =	vor.u32 v12, v58;
	v32 =	vld.idx.msk [tilespmem:v54+s17+$0x0], $0xffff;
	v3 =	vor.u32 v13, v58;
	[tilespmem:s30+$0xFFFFFE60] =	vst v1  }
0x12d: {  	v20 =	vor.u32 v12, v22;
	v1 =	vld.idx.msk [tilespmem:v15+s17+$0x0], $0xffff;
	[tilespmem:s31+$0xFFFFFF90] =	vst v8;
	v8 =	vor.u32 v44, v19  }
0x12e: {  	v27 =	vor.u32 v25, v31;
	v4 =	vld.idx.msk [tilespmem:v57+s17+$0x0], $0xffff;
	v19 =	vor.u32 v26, v31;
	v31 =	vor.u32 v24, v8  }
0x12f: {  	v0 =	vor.u32 v61, v11;
	v9 =	vld.idx.msk [tilespmem:v9+s17+$0x0], $0xffff;
	v60 =	vor.u32 v23, v8;
	[tilespmem:s31+$0xFFFFFF20] =	vst v5  }
0x130: {  	v21 =	vor.u32 v13, v22;
	v38 =	vor.u32 v10, v0;
	[tilespmem:s31+$0xFFFFFEA0] =	vst v6;
	v37 =	vld.idx.msk [tilespmem:v30+s17+$0x0], $0xffff  }
0x131: {  	v39 =	vor.u32 v13, v0;
	v24 =	vor.u32 v14, v22;
	[tilespmem:s31+$0xFFFFFE20] =	vst v32;
	v34 =	vld.idx.msk [tilespmem:v3+s17+$0x0], $0xffff  }
0x132: {  	v23 =	vor.u32 v25, v55;
	v15 =	vor.u32 v25, v8;
	v33 =	vld.idx.msk [tilespmem:v59+s17+$0x0], $0xffff;
	[tilespmem:s30+$0xFFFFFEF0] =	vst v1  }
0x133: {  	v25 =	vor.u32 v26, v8;
	v32 =	vor.u32 v12, v0;
	[tilespmem:s30+$0xFFFFFE70] =	vst v4;
	v35 =	vld.idx.msk [tilespmem:v31+s17+$0x0], $0xffff  }
0x134: {  	s0 =	simm.s32 $0x8;
	s2 =	simm.s32 $0x78;
	v54 =	vmov v56;
	v26 =	vor.u32 v14, v0;
	v30 =	vor.u32 v14, v58;
	[tilespmem:s31+$0xFFFFFFA0] =	vst v9;
	v31 =	vld.idx.msk [tilespmem:v60+s17+$0x0], $0xffff  }
.LBB2_5:
0x135: {  	s0 =	sadd.s32 $0x4, s0;
	s6 =	sadd.s32 $0xFFFFFFE8, s2;
	s7 =	sand.u32 $0x78, s2;
	[tilespmem:s29+$0xFFFFFF80] =	vst v36;
	v0 =	vld.idx.msk [tilespmem:v18+s17+$0x0], $0xffff;
	v18 =	vmov v29  }
0x136: {  	s12 =	sadd.s32 $0xFFFFFFF0, s2;
	v3 =	vor.u32 v10, v22;
	s11 =	sshrl.u32 s0, $0x4;
	s6 =	sand.u32 $0x60, s6;
	v1 =	vmov s7;
	[tilespmem:s31+$0xFFFFFF30] =	vst v37;
	v4 =	vld.idx.msk [tilespmem:v27+s17+$0x0], $0xffff  }
0x137: {  	s7 =	sadd.s32 $0xFFFFFFF8, s2;
	p0 =	slt.u32 s0, $0x7C;
	v5 =	vmov s11;
	v6 =	vmov s6;
	s6 =	sand.u32 $0x68, s12;
	v1 =	vshrl.u32 v1, $0x3;
	[tilespmem:s31+$0xFFFFFEB0] =	vst v34;
	v7 =	vld.idx.msk [tilespmem:v38+s17+$0x0], $0xffff  }
0x138: {  	v5 =	vshll.u32 v5, $0xA;
	v6 =	vshrl.u32 v6, $0x3;
	v8 =	vmov s6;
	s6 =	sand.u32 $0x70, s7;
	[tilespmem:s31+$0xFFFFFE30] =	vst v33;
	v9 =	vld.idx.msk [tilespmem:v39+s17+$0x0], $0xffff  }
0x139: {  	v1 =	vshll.u32 v1, v2;
	v6 =	vshll.u32 v6, v2;
	v22 =	vmov s6;
	v27 =	vld.idx.msk [tilespmem:v32+s17+$0x0], $0xffff;
	[tilespmem:s30+$0xFFFFFF00] =	vst v35  }
0x13a: {  	v5 =	vadd.s32 v50, v5;
	v6 =	vbroadcast v6, $0x0;
	v29 =	vshrl.u32 v22, $0x3;
	[tilespmem:s30+$0xFFFFFFC0] =	vst v28  }
0x13b: {  	v8 =	vshrl.u32 v8, $0x3;
	v22 =	vor.u32 v62, v5;
	v28 =	vshll.u32 v29, v2;
	v29 =	vld.idx.msk [tilespmem:v16+s17+$0x0], $0xffff;
	[tilespmem:s29+$0xFFFFFFF0] =	vst v0  }
0x13c: {  	v8 =	vshll.u32 v8, v2;
	v0 =	vor.u32 v6, v22;
	v32 =	vbroadcast v28, $0x0;
	[tilespmem:s30+$0xFFFFFE80] =	vst v31;
	v28 =	vld.idx.msk [tilespmem:v17+s17+$0x0], $0xffff  }
0x13d: {  	v8 =	vbroadcast v8, $0x0;
	v16 =	vmovc v24;
	v31 =	vor.u32 v46, v5;
	v17 =	vmov v25;
	[tilespmem:s31+$0xFFFFFF40] =	vst v7;
	v7 =	vld.idx.msk [tilespmem:v30+s17+$0x0], $0xffff  }
0x13e: {  	v25 =	vor.u32 v6, v31;
	v24 =	vor.u32 v31, v32;
	[tilespmem:s31+$0xFFFFFEC0] =	vst v9;
	v3 =	vld.idx.msk [tilespmem:v3+s17+$0x0], $0xffff  }
0x13f: {  	v9 =	vor.u32 v31, v8;
	[tilespmem:s31+$0xFFFFFE40] =	vst v27;
	v30 =	vld.idx.msk [tilespmem:v21+s17+$0x0], $0xffff;
	v21 =	vor.u32 v8, v22  }
0x140: {  	v34 =	vor.u32 v63, v11;
	v33 =	vld.idx.msk [tilespmem:v20+s17+$0x0], $0xffff;
	[tilespmem:s30+$0xFFFFFF60] =	vst v4;
	v20 =	vmov v0  }
0x141: {  	v0 =	vbroadcast v1, $0x0;
	v1 =	vor.u32 v12, v34;
	v4 =	vor.u32 v13, v34;
	v35 =	vld.idx.msk [tilespmem:v23+s17+$0x0], $0xffff;
	[tilespmem:s30+$0xFFFFFFD0] =	vst v29  }
0x142: {  	v27 =	vor.u32 v10, v34;
	v23 =	vld.idx.msk [tilespmem:v19+s17+$0x0], $0xffff;
	v19 =	vor.u32 v14, v34;
	[tilespmem:s29+$0x0] =	vst v28;
	s29 =	smov.u32 s30;
	s30 =	smov.u32 s31  }
0x143: {  	v29 =	vor.u32 v31, v0;
	v28 =	vld.idx.msk [tilespmem:v24+s17+$0x0], $0xffff;
	v24 =	vor.u32 v0, v22  }
0x144: {  	v31 =	vor.u32 v51, v5;
	v9 =	vld.idx.msk [tilespmem:v9+s17+$0x0], $0xffff;
	[tilespmem:s31+$0xFFFFFF50] =	vst v3  }
0x145: {  	v34 =	vor.u32 v32, v31;
	s31 =	sadd.s32 $0x200, s31;
	v3 =	vld.idx.msk [tilespmem:v25+s17+$0x0], $0xffff;
	v25 =	vor.u32 v6, v31;
	[tilespmem:s30+$0xFFFFFED0] =	vst v30  }
0x146: {  	v30 =	vor.u32 v8, v31;
	[tilespmem:s30+$0xFFFFFE50] =	vst v33;
	v4 =	vld.idx.msk [tilespmem:v4+s17+$0x0], $0xffff  }
0x147: {  	v33 =	vor.u32 v54, v11;
	v1 =	vld.idx.msk [tilespmem:v1+s17+$0x0], $0xffff;
	[tilespmem:s30+$0xFFFFFFB0] =	vst v7  }
0x148: {  	v36 =	vor.u32 v12, v33;
	v37 =	vor.u32 v13, v33;
	v7 =	vld.idx.msk [tilespmem:v29+s17+$0x0], $0xffff;
	[tilespmem:s29+$0xFFFFFFE0] =	vst v23  }
0x149: {  	v23 =	vor.u32 v10, v33;
	v29 =	vor.u32 v14, v33;
	[tilespmem:s31+$0xFFFFFF10] =	vst v28;
	v28 =	vld.idx.msk [tilespmem:v26+s17+$0x0], $0xffff  }
0x14a: {  	v26 =	vor.u32 v0, v31;
	[tilespmem:s31+$0xFFFFFE90] =	vst v9;
	v9 =	vld.idx.msk [tilespmem:v34+s17+$0x0], $0xffff  }
0x14b: {  	[tilespmem:s31+$0xFFFFFE10] =	vst v3;
	v3 =	vor.u32 v42, v5;
	v31 =	vld.idx.msk [tilespmem:v30+s17+$0x0], $0xffff  }
0x14c: {  	v33 =	vld.idx.msk [tilespmem:v25+s17+$0x0], $0xffff;
	v38 =	vor.u32 v6, v3;
	v34 =	vor.u32 v32, v3;
	[tilespmem:s30+$0xFFFFFEE0] =	vst v4  }
0x14d: {  	v4 =	vor.u32 v8, v3;
	v30 =	vor.u32 v0, v3;
	[tilespmem:s30+$0xFFFFFE60] =	vst v1;
	v1 =	vld.idx.msk [tilespmem:v37+s17+$0x0], $0xffff  }
0x14e: {  	[tilespmem:s31+$0xFFFFFF90] =	vst v7;
	v3 =	vld.idx.msk [tilespmem:v36+s17+$0x0], $0xffff;
	v7 =	vor.u32 v44, v11;
	v11 =	vmov v5  }
0x14f: {  	v5 =	vld.idx.msk [tilespmem:v26+s17+$0x0], $0xffff;
	v40 =	vor.u32 v12, v7;
	v41 =	vor.u32 v13, v7;
	[tilespmem:s29+$0xFFFFFF70] =	vst v35;
	v12 =	vmov v6  }
0x150: {  	v25 =	vor.u32 v14, v7;
	[tilespmem:s31+$0xFFFFFF20] =	vst v9;
	v36 =	vld.idx.msk [tilespmem:v15+s17+$0x0], $0xffff;
	v15 =	vor.u32 v10, v7;
	v10 =	vmov v32  }
.Ltmp3:
0x151: {  	v13 =	vmov v8;
	v14 =	vmov v0;
	[tilespmem:s31+$0xFFFFFEA0] =	vst v31;
	v37 =	vld.idx.msk [tilespmem:v34+s17+$0x0], $0xffff;
	(pc) =	sbr.rel @p0 .LBB2_5-.Ltmp3, $4  }
0x152: {  	v0 =	vor.u32 v61, v11;
	[tilespmem:s31+$0xFFFFFE20] =	vst v33;
	v34 =	vld.idx.msk [tilespmem:v4+s17+$0x0], $0xffff  }
0x153: {  	v32 =	vor.u32 v12, v0;
	v33 =	vld.idx.msk [tilespmem:v38+s17+$0x0], $0xffff;
	v38 =	vor.u32 v10, v0;
	[tilespmem:s30+$0xFFFFFEF0] =	vst v1  }
0x154: {  	v39 =	vor.u32 v13, v0;
	v26 =	vor.u32 v14, v0;
	[tilespmem:s30+$0xFFFFFE70] =	vst v3;
	v35 =	vld.idx.msk [tilespmem:v41+s17+$0x0], $0xffff  }
0x155: {  	s2 =	sadd.s32 $0x20, s2;
	[tilespmem:s31+$0xFFFFFFA0] =	vst v5;
	v31 =	vld.idx.msk [tilespmem:v40+s17+$0x0], $0xffff  }
0x156: {  	_ =	sdelay $0x2  }
0x157: {  	[tilespmem:s29+$0xFFFFFF80] =	vst v36  }
0x158: {  	[tilespmem:s31+$0xFFFFFF30] =	vst v37;
	v0 =	vld.idx.msk [tilespmem:v30+s17+$0x0], $0xffff  }
0x159: {  	v1 =	vld.idx.msk [tilespmem:v18+s17+$0x0], $0xffff;
	[tilespmem:s30+$0xFFFFFFC0] =	vst v28  }
0x15a: {  	[tilespmem:s31+$0xFFFFFEB0] =	vst v34  }
0x15b: {  	[tilespmem:s31+$0xFFFFFE30] =	vst v33;
	v3 =	vld.idx.msk [tilespmem:v39+s17+$0x0], $0xffff  }
0x15c: {  	v4 =	vld.idx.msk [tilespmem:v32+s17+$0x0], $0xffff;
	[tilespmem:s30+$0xFFFFFF00] =	vst v35  }
0x15d: {  	v5 =	vld.idx.msk [tilespmem:v38+s17+$0x0], $0xffff;
	[tilespmem:s31+$0xFFFFFFB0] =	vst v0  }
0x15e: {  	v0 =	vor.u32 v10, v22;
	[tilespmem:s29+$0xFFFFFFF0] =	vst v1;
	v1 =	vld.idx.msk [tilespmem:v26+s17+$0x0], $0xffff  }
0x15f: {  	v6 =	vld.idx.msk [tilespmem:v27+s17+$0x0], $0xffff;
	[tilespmem:s30+$0xFFFFFE80] =	vst v31  }
0x160: {  	v9 =	vld.idx.msk [tilespmem:v16+s17+$0x0], $0xffff;
	[tilespmem:s31+$0xFFFFFEC0] =	vst v3  }
0x161: {  	v38 =	vor.u32 v63, v11;
	[tilespmem:s31+$0xFFFFFE40] =	vst v4;
	v3 =	vld.idx.msk [tilespmem:v21+s17+$0x0], $0xffff  }
0x162: {  	v8 =	vor.u32 v13, v38;
	[tilespmem:s31+$0xFFFFFF40] =	vst v5;
	v7 =	vld.idx.msk [tilespmem:v20+s17+$0x0], $0xffff  }
0x163: {  	v39 =	vor.u32 v12, v38;
	v0 =	vld.idx.msk [tilespmem:v0+s17+$0x0], $0xffff;
	[tilespmem:s31+$0xFFFFFFC0] =	vst v1  }
0x164: {  	[tilespmem:s30+$0xFFFFFF60] =	vst v6;
	v1 =	vor.u32 v10, v38;
	v40 =	vld.idx.msk [tilespmem:v24+s17+$0x0], $0xffff  }
0x165: {  	v41 =	vld.idx.msk [tilespmem:v17+s17+$0x0], $0xffff;
	[tilespmem:s30+$0xFFFFFFD0] =	vst v9;
	v4 =	vor.u32 v14, v38  }
0x166: {  	v9 =	vld.idx.msk [tilespmem:v19+s17+$0x0], $0xffff;
	[tilespmem:s31+$0xFFFFFED0] =	vst v3  }
0x167: {  	v43 =	vor.u32 v54, v11;
	[tilespmem:s31+$0xFFFFFE50] =	vst v7;
	v3 =	vld.idx.msk [tilespmem:v8+s17+$0x0], $0xffff  }
0x168: {  	v45 =	vor.u32 v13, v43;
	v5 =	vld.idx.msk [tilespmem:v39+s17+$0x0], $0xffff;
	[tilespmem:s31+$0xFFFFFF50] =	vst v0  }
0x169: {  	v0 =	vor.u32 v12, v43;
	v1 =	vld.idx.msk [tilespmem:v1+s17+$0x0], $0xffff;
	[tilespmem:s31+$0xFFFFFFD0] =	vst v40  }
0x16a: {  	v47 =	vor.u32 v10, v43;
	[tilespmem:s29+$0x0] =	vst v41;
	v4 =	vld.idx.msk [tilespmem:v4+s17+$0x0], $0xffff  }
0x16b: {  	v48 =	vld.idx.msk [tilespmem:v23+s17+$0x0], $0xffff;
	[tilespmem:s30+$0xFFFFFFE0] =	vst v9;
	v7 =	vor.u32 v14, v43  }
0x16c: {  	v55 =	vld.idx.msk [tilespmem:v29+s17+$0x0], $0xffff;
	[tilespmem:s31+$0xFFFFFEE0] =	vst v3  }
0x16d: {  	v49 =	vor.u32 v44, v11;
	[tilespmem:s31+$0xFFFFFE60] =	vst v5;
	v3 =	vld.idx.msk [tilespmem:v45+s17+$0x0], $0xffff  }
0x16e: {  	v52 =	vor.u32 v13, v49;
	v0 =	vld.idx.msk [tilespmem:v0+s17+$0x0], $0xffff;
	[tilespmem:s31+$0xFFFFFF60] =	vst v1  }
0x16f: {  	v53 =	vor.u32 v12, v49;
	v1 =	vld.idx.msk [tilespmem:v47+s17+$0x0], $0xffff;
	[tilespmem:s31+$0xFFFFFFE0] =	vst v4  }
0x170: {  	v56 =	vor.u32 v10, v49;
	[tilespmem:s30+$0xFFFFFF70] =	vst v48;
	v57 =	vld.idx.msk [tilespmem:v7+s17+$0x0], $0xffff  }
0x171: {  	v58 =	vld.idx.msk [tilespmem:v15+s17+$0x0], $0xffff;
	[tilespmem:s30+$0xFFFFFFF0] =	vst v55;
	v5 =	vor.u32 v14, v49  }
0x172: {  	v59 =	vld.idx.msk [tilespmem:v25+s17+$0x0], $0xffff;
	[tilespmem:s31+$0xFFFFFEF0] =	vst v3  }
0x173: {  	[tilespmem:s31+$0xFFFFFE70] =	vst v0;
	v0 =	vld.idx.msk [tilespmem:v52+s17+$0x0], $0xffff  }
0x174: {  	v3 =	vld.idx.msk [tilespmem:v53+s17+$0x0], $0xffff;
	[tilespmem:s31+$0xFFFFFF70] =	vst v1  }
0x175: {  	v1 =	vld.idx.msk [tilespmem:v56+s17+$0x0], $0xffff;
	[tilespmem:s31+$0xFFFFFFF0] =	vst v57  }
0x176: {  	[tilespmem:s30+$0xFFFFFF80] =	vst v58;
	v60 =	vld.idx.msk [tilespmem:v5+s17+$0x0], $0xffff  }
0x177: {  	[tilespmem:s30+$0x0] =	vst v59  }
.Ltmp4:
0x178: {  	[tilespmem:s31+$0xFFFFFF00] =	vst v0;
	(pc) =	sbr.rel @p1 .LBB2_8-.Ltmp4, $4  }
0x179: {  	[tilespmem:s31+$0xFFFFFE80] =	vst v3  }
0x17a: {  	[tilespmem:s31+$0xFFFFFF80] =	vst v1  }
0x17b: {  	s0 =	sadd.s32 s28, s14;
	[tilespmem:s31+$0x0] =	vst v60  }
0x17c: {  	[hbm4b:s0+s3] =	stream.linear.scatter [tilespmem:s22], [sflag:$0x4], $0x4000, $0x38;
	[tilespmem:$0x10000] =	vst v63  }
0x17d: {  	s0 =	sadd.s32 s26, s13  }
0x17e: {  	s0 =	sshll.u32 s0, $0xC  }
.Ltmp5:
0x17f: {  	s0 =	sand.u32 $0x1FFFF000, s0;
	(pc) =	sbr.rel .LBB2_2-.Ltmp5, $4  }
0x180: {  	s2 =	sadd.s32 s0, s8  }
0x181: {  	[tilespmem:s17], [sflag:$0x2] =	stream.linear.gather [hbm4b:s2+s3], $0x2000, $0x38;
	[tilespmem:$0x10000] =	vst v63  }
0x182: {  	s26 =	sadd.s32 $0x1, s26;
	s0 =	sadd.s32 s0, s9  }
0x183: {  	[tilespmem:s18], [sflag:$0x2] =	stream.linear.gather [hbm4b:s0+s3], $0x2000, $0x38;
	[tilespmem:$0x10000] =	vst v63  }
.LBB2_9:
0x184: {  	_ =	sfence.sel $0x180000  }
0x185: {  	[bflag:$0x0] =	sbarrier.arrive $0xFFFF  }
0x186: {  	_ =	strace $0x90000047  }
0x187: {  	s0 =	stileid.u32;
	[bflag:$0x2] =	sbarrier.arrive $0xFFFF  }
0x188: {  	p0 =	sne.s32 s0, $0x0;
	s0 =	rddreg [dreg:$0x2]  }
0x189: {  	s0 =	sadd.s32 @!p0 $0x100000, s0  }
0x18a: {  	[sflag:s0] =	ssyncadd.tile.s32 @!p0 $0x1;
	_ =	shalt  }
.Lfunc_end2:
_tile_overlayer_lowered:
.L_overlay_start_2:
0x18b: {  	(tag) =	ssettag $0x2  }
0x18c: {  	s0 =	rddreg [dreg:$0x0];
	s2 =	stileid.u32  }
0x18d: {  	s1 =	rddreg [dreg:$0x1];
	p0 =	sne.s32 s2, $0x0  }
0x18e: {  	s3 =	rddreg [dreg:$0x2];
	[bflag:$0x3] =	sbarrier.arrive $0xFFFF;
	s2 =	simm.s32 @!p0 $0x1C05  }
0x18f: {  	[timem:s3], [sflag:s2] =	dma.local @!p0 [hbm:s0], s1  }
0x190: {  	s0 =	simm.s32 @!p0 $0x5  }
0x191: {  	_ =	swait.ge @!p0 [sflag:s0], s1  }
0x192: {  	s1 =	ssub.s32 @!p0 $0x0, s1;
	[sflag:s0] =	ssyncset.done @!p0 $0x0  }
0x193: {  	[sflag:s0] =	ssyncadd.s32 @!p0 s1  }
0x194: {  	[bflag:$0x3] =	sbarrier.arrive $0xFFFF  }
0x195: {  	_ =	shalt  }

// kernel: kernel.8.cloned.1.call-start
scs
__scs_entry_jumppad:
0x0: {  	(pc) =	sbr.rel $0x88, $3  }
0x1: {  	(tag) =	ssettag $0x0;
	lr =	simm.s32 $0x1  }
0x2: {  	[smem:$0x3F9F] =	sst lr;
	_ =	strace $0xD0000000  }
0x3: {  	_ = 	snop  }
0x4: {  	_ = 	snop  }
0x5: {  	_ = 	snop  }
0x6: {  	_ = 	snop  }
0x7: {  	_ = 	snop  }
__scs_overlays_trampoline_lowered:
0x8: {  	[smem:$0x3FAE] =	sst s0  }
0x9: {  	[smem:$0x3FAF] =	sst s1  }
0xa: {  	[smem:$0x3FB0] =	sst s2  }
0xb: {  	[smem:$0x3FB1] =	sst s3  }
0xc: {  	[smem:$0x3FB2] =	sst s4  }
0xd: {  	[smem:$0x3FB3] =	sst s5  }
0xe: {  	[smem:$0x3FB4] =	sst s6  }
0xf: {  	[smem:$0x3FB5] =	sst s7  }
0x10: {  	[smem:$0x3FB6] =	sst s8  }
0x11: {  	[smem:$0x3FB7] =	sst s9;
	s0 =	simm.s32 @!p0 $0x0  }
0x12: {  	s1 =	sld [smem:$0x3F9D];
	s0 =	simm.s32 @p0 $0x1  }
0x13: {  	[smem:$0x3FB8] =	sst s0;
	s0 =	simm.s32 @!p1 $0x0  }
0x14: {  	s2 =	sld [smem:$0x3F9C];
	s0 =	simm.s32 @p1 $0x1  }
0x15: {  	[smem:$0x3FB9] =	sst s0;
	s0 =	simm.s32 @!p2 $0x0  }
0x16: {  	s3 =	sld [smem:$0x3FDB];
	s0 =	simm.s32 @p2 $0x1  }
0x17: {  	s4 =	simm.s32 $0x1BF5;
	[smem:$0x3FBB] =	sst s0  }
0x18: {  	s0 =	sld [smem:$0x3F9E];
	_ =	swait.ge [sflag:s4], $0x0  }
0x19: {  	s7 =	sld [smem:$0x3F9F]  }
0x1a: {  	s8 =	sadd.s32 $0xFFFFE003, lr  }
0x1b: {  	s9 =	sadd.s32 $0xFFFFFEF7, lr;
	s5 =	simm.s32 $0xFFFFFFFF;
	p2 =	slt.u32 s8, $0xFFFFF086  }
0x1c: {  	p1 =	slt.u32 s9, $0xF7A;
	s5 =	simm.s32 @!p2 $0x0  }
0x1d: {  	s5 =	simm.s32 @p1 $0x1;
	p0 =	seq.s32 s7, s2  }
0x1e: {  	s7 =	smul.u32 @!p0 $0xF7A, s2;
	p2 =	seq.s32 @!p0 s5, $0x0  }
0x1f: {  	s9 =	smul.u32 $0xF7A, s1;
	s8 =	simm.s32 @!p0 $0x1BF5;
	p2 =	por !p2, p0  }
0x20: {  	[sflag:s8] =	ssyncset.s32 @!p0 $0xFFFFF086;
	s6 =	sadd.s32 @!p0 s3, s7;
	s7 =	simm.s32 @!p0 $0x108  }
0x21: {  	s3 =	sadd.s32 s3, s9;
	s6 =	sadd.s32 @!p0 $0x88, s6;
	s7 =	simm.s32 @p2 $0x1082  }
0x22: {  	[simem:s7], [sflag:s8] =	dma.local @!p0 [hbm:s6], $0xF7A  }
0x23: {  	s9 =	sor.u32 $0xD0000000, s2;
	s6 =	simm.s32 $0x108;
	_ =	swait.ge @!p0 [sflag:s8], $0x0  }
0x24: {  	s3 =	sadd.s32 $0x88, s3;
	s6 =	simm.s32 @!p1 $0x1082;
	[sflag:s4] =	ssyncset.s32 $0xFFFFF086  }
0x25: {  	[simem:s6], [sflag:s4] =	dma.local [hbm:s3], $0xF7A  }
0x26: {  	[smem:$0x3F9F] =	sst s1;
	(tag) =	ssettag s2;
	_ =	strace s9  }
0x27: {  	s1 =	sld [smem:$0x3FAF]  }
0x28: {  	s2 =	sld [smem:$0x3FB0]  }
0x29: {  	s4 =	sld [smem:$0x3FB2]  }
0x2a: {  	p0 =	seq.s32 s5, $0x0;
	s5 =	sld [smem:$0x3FB3]  }
0x2b: {  	s6 =	sld [smem:$0x3FB4]  }
0x2c: {  	s7 =	sld [smem:$0x3FB5]  }
0x2d: {  	s3 =	simm.s32 $0x108;
	s8 =	sld [smem:$0x3FB6]  }
0x2e: {  	s3 =	simm.s32 @!p0 $0x1082;
	s9 =	sld [smem:$0x3FB7]  }
0x2f: {  	lr =	sadd.s32 s0, s3;
	s0 =	sld [smem:$0x3FAE]  }
0x30: {  	s3 =	sld [smem:$0x3FB1]  }
0x31: {  	[smem:$0x3FBA] =	sst s10  }
0x32: {  	s10 =	sld [smem:$0x3FB8];
	_ =	sdelay $0x3  }
0x33: {  	p0 =	seq.s32 s10, $0x1;
	s10 =	sld [smem:$0x3FBA];
	_ =	sdelay $0x3  }
0x34: {  	[smem:$0x3FBA] =	sst s10  }
0x35: {  	s10 =	sld [smem:$0x3FB9];
	_ =	sdelay $0x3  }
0x36: {  	p1 =	seq.s32 s10, $0x1;
	s10 =	sld [smem:$0x3FBA];
	_ =	sdelay $0x3  }
0x37: {  	[smem:$0x3FBA] =	sst s10  }
0x38: {  	s10 =	sld [smem:$0x3FBB]  }
0x39: {  	_ = 	snop;
	(pc) =	sbr.ind lr, $3  }
0x3a: {  	_ = 	snop  }
0x3b: {  	_ = 	snop  }
0x3c: {  	p2 =	seq.s32 s10, $0x1;
	s10 =	sld [smem:$0x3FBA]  }
0x3d: {  	_ =	shalt  }
0x3e: {  	_ =	shalt  }
0x3f: {  	_ =	shalt  }
0x40: {  	_ =	shalt  }
0x41: {  	_ =	shalt  }
0x42: {  	_ =	shalt  }
0x43: {  	_ =	shalt  }
0x44: {  	_ =	shalt  }
0x45: {  	_ =	shalt  }
0x46: {  	_ =	shalt  }
0x47: {  	_ =	shalt  }
0x48: {  	_ =	shalt  }
0x49: {  	_ =	shalt  }
0x4a: {  	_ =	shalt  }
0x4b: {  	_ =	shalt  }
0x4c: {  	_ =	shalt  }
0x4d: {  	_ =	shalt  }
0x4e: {  	_ =	shalt  }
0x4f: {  	_ =	shalt  }
0x50: {  	_ =	shalt  }
0x51: {  	_ =	shalt  }
0x52: {  	_ =	shalt  }
0x53: {  	_ =	shalt  }
0x54: {  	_ =	shalt  }
0x55: {  	_ =	shalt  }
0x56: {  	_ =	shalt  }
0x57: {  	_ =	shalt  }
0x58: {  	_ =	shalt  }
0x59: {  	_ =	shalt  }
0x5a: {  	_ =	shalt  }
0x5b: {  	_ =	shalt  }
0x5c: {  	_ =	shalt  }
0x5d: {  	_ =	shalt  }
0x5e: {  	_ =	shalt  }
0x5f: {  	_ =	shalt  }
0x60: {  	_ =	shalt  }
0x61: {  	_ =	shalt  }
0x62: {  	_ =	shalt  }
0x63: {  	_ =	shalt  }
0x64: {  	_ =	shalt  }
0x65: {  	_ =	shalt  }
0x66: {  	_ =	shalt  }
0x67: {  	_ =	shalt  }
0x68: {  	_ =	shalt  }
0x69: {  	_ =	shalt  }
0x6a: {  	_ =	shalt  }
0x6b: {  	_ =	shalt  }
0x6c: {  	_ =	shalt  }
0x6d: {  	_ =	shalt  }
0x6e: {  	_ =	shalt  }
0x6f: {  	_ =	shalt  }
0x70: {  	_ =	shalt  }
0x71: {  	_ =	shalt  }
0x72: {  	_ =	shalt  }
0x73: {  	_ =	shalt  }
0x74: {  	_ =	shalt  }
0x75: {  	_ =	shalt  }
0x76: {  	_ =	shalt  }
0x77: {  	_ =	shalt  }
0x78: {  	_ =	shalt  }
0x79: {  	_ =	shalt  }
0x7a: {  	_ =	shalt  }
0x7b: {  	_ =	shalt  }
0x7c: {  	_ =	shalt  }
0x7d: {  	_ =	shalt  }
0x7e: {  	_ =	shalt  }
0x7f: {  	_ =	shalt  }
0x80: {  	_ =	shalt  }
0x81: {  	_ =	shalt  }
0x82: {  	_ =	shalt  }
0x83: {  	_ =	shalt  }
0x84: {  	_ =	shalt  }
0x85: {  	_ =	shalt  }
0x86: {  	_ =	shalt  }
0x87: {  	_ =	shalt  }
.Lfunc_end0:
.L_simem_size_0:
called_computation.1_lowered:
.L_overlay_start_0:
0x88: {  	s2 =	sld [smem:$0x3FD9]  }
0x89: {  	s3 =	sld [smem:$0x3FFE];
	_ =	sdelay $0x1  }
0x8a: {  	s1 =	srdreg.scid  }
0x8b: {  	s0 =	sand.u32 $0x1, s1  }
0x8c: {  	s17 =	sshll.u32 s0, $0xA;
	s2 =	sadd.s32 s3, s2  }
0x8d: {  	s2 =	sadd.s32 s2, s17  }
0x8e: {  	[smem:$0x3FC6] =	sst s2  }
0x8f: {  	_ = 	snop  }
0x90: {  	s2 =	sld [smem:$0x3FD0];
	(tm) =	ssettm $0x1  }
0x91: {  	s18 =	sld [smem:$0x3FFB];
	_ =	sdelay $0x3  }
0x92: {  	_ =	strace s18  }
0x93: {  	s3 =	sld [smem:$0x3FFC];
	_ =	sdelay $0x3  }
0x94: {  	_ =	strace s3  }
0x95: {  	s3 =	sld [smem:$0x3FFD];
	_ =	sdelay $0x3  }
0x96: {  	_ =	strace s3  }
0x97: {  	_ =	strace $0x8FFFFFFF  }
0x98: {  	s19 =	sld [smem:$0x3FDB];
	_ =	sdelay $0x1  }
0x99: {  	s4 =	simm.s32 $_scs_section_size  }
0x9a: {  	s5 =	simm.s32 $_size__tile_overlayer_lowered;
	s6 =	simm.s32 $_tile_overlayer_lowered  }
0x9b: {  	s22 =	simm.s32 $0x1BFF;
	s21 =	sshll.u32 s6, $0x1;
	s3 =	sadd.s32 s4, s19  }
0x9c: {  	s7 =	simm.s32 $0x0;
	s20 =	sshll.u32 s5, $0x1;
	s5 =	sadd.s32 s21, s3  }
0x9d: {  	[timem:s7], [sflag:s22] =	dma.local [hbm:s5], s20  }
0x9e: {  	_ =	swait.ge [sflag:s22], s20  }
0x9f: {  	s4 =	ssub.s32 $0x0, s20;
	[sflag:s22] =	ssyncset.done $0x0  }
0xa0: {  	[sflag:s22] =	ssyncadd.s32 s4;
	_ =	sdelay $0x1  }
0xa1: {  	s23 =	simm.s32 $0x1B8B  }
0xa2: {  	_ =	swait.ge [sflag:s23], $0x1  }
0xa3: {  	[sflag:s23] =	ssyncset.done $0x0  }
0xa4: {  	s25 =	simm.s32 $0x1B8E;
	s24 =	sld [smem:$0x3FFE];
	[sflag:s23] =	ssyncadd.s32 $0xFFFFFFFF  }
0xa5: {  	s26 =	simm.s32 $execute0_lowered;
	[smem:$0x3FD2] =	sst s25  }
0xa6: {  	s5 =	sshll.u32 s26, $0x1;
	_ =	strace $0x80000049;
	[dreg:$0x1] =	wrdreg $0xFFFFFFFF  }
0xa7: {  	s28 =	simm.s32 $_size_execute0_lowered;
	s3 =	sadd.s32 s3, s5;
	[dreg:$0x0] =	wrdreg $0x0  }
0xa8: {  	s5 =	sshll.u32 s28, $0x1;
	[dreg:$0x2] =	wrdreg s3  }
0xa9: {  	[dreg:$0x3] =	wrdreg s5  }
0xaa: {  	[dreg:$0x4] =	wrdreg $0xC0  }
0xab: {  	_ =	task [dreg:s7], $0x5FFFF  }
0xac: {  	[dreg:$0x1] =	wrdreg $0xFFFFFFFF  }
0xad: {  	[dreg:$0x0] =	wrdreg $0x60  }
0xae: {  	[dreg:$0x2] =	wrdreg s24  }
0xaf: {  	[dreg:$0x3] =	wrdreg s2  }
0xb0: {  	[dreg:$0x4] =	wrdreg $0x9  }
0xb1: {  	_ =	task.clear_ibuf [dreg:s7], $0x5FFFF;
	_ =	strace $0x90000049  }
0xb2: {  	s29 =	simm.s32 $0x9;
	_ =	strace $0x8000004B  }
0xb3: {  	_ =	swait.ge [sflag:s29], $0x1  }
0xb4: {  	[sflag:s29] =	ssyncadd.s32 $0xFFFFFFFF  }
0xb5: {  	_ =	strace $0x9000004B  }
0xb6: {  	_ =	sfence  }
0xb7: {  	s30 =	sld [smem:$0x0];
	_ =	sdelay $0x2  }
0xb8: {  	s31 =	sshll.u32 s1, $0xD;
	s1 =	sshrl.u32 s1, $0x2  }
0xb9: {  	s3 =	sand.u32 $0x4000, s31;
	s1 =	sadd.s32 s1, s30  }
0xba: {  	s0 =	sor.u32 s3, s0;
	s1 =	sshll.u32 s1, $0x11  }
0xbb: {  	s0 =	sor.u32 s1, s0  }
0xbc: {  	s0 =	sadd.s32 $0x8F2B, s0  }
0xbd: {  	[sflag:s0] =	ssyncadd.remote.s32 $0x1  }
0xbe: {  	_ =	sfence.sel $0xFFFF  }
0xbf: {  	[dreg:$0x0] =	wrdreg $0xFFFFFFFF;
	(pc) =	sbr.abs _section_cstart, $3  }
0xc0: {  	[dreg:$0x1] =	wrdreg $0xFFFFFFFF  }
0xc1: {  	_ =	task.clear_ibuf [dreg:s7], $0x2FFFF;
	_ =	strace $0x9FFFFFFF  }
0xc2: {  	(tm) =	ssettm $0x7FFFFFFF  }
0xc3: {  	_ =	shalt  }
tec
execute0_lowered:
.L_overlay_start_1:
0x0: {  	(tag) =	ssettag $0x1  }
0x1: {  	s0 =	rddreg [dreg:$0x0]  }
0x2: {  	s1 =	rddreg [dreg:$0x1];
	s3 =	simm.s32 $0x0;
	s2 =	srdreg.scid  }
0x3: {  	s5 =	stileid.u32;
	s15 =	simm.s32 $0x1000;
	s17 =	simm.s32 $0x1800  }
0x4: {  	s19 =	simm.s32 $0x80;
	s24 =	simm.s32 $0x2;
	s21 =	simm.s32 $0xF00  }
0x5: {  	s22 =	simm.s32 $0x11000;
	s23 =	simm.s32 $0xF80;
	s14 =	simm.s32 $0x12400  }
0x6: {  	s16 =	simm.s32 $0x6;
	s18 =	simm.s32 $0x4;
	s25 =	simm.s32 $0x12800  }
0x7: {  	s26 =	simm.s32 $0x12C00;
	s28 =	simm.s32 $0x7;
	s20 =	simm.s32 $0x0  }
0x8: {  	[smem:$0x7FF] =	sst s3;
	s4 =	sadd.s32 $0x1000, s0;
	s2 =	sand.u32 $0x1, s2  }
0x9: {  	s5 =	sshll.u32 s5, $0x1;
	s6 =	sadd.s32 $0x881000, s0;
	s8 =	sadd.s32 $0x801000, s0  }
0xa: {  	s12 =	sadd.s32 $0x801200, s0;
	s7 =	ssub.s32 $0x2, s2;
	s2 =	sor.u32 s2, s5  }
0xb: {  	_ =	strace $0x8000004A;
	s29 =	sshrl.u32 s7, $0x1;
	s9 =	sshll.u32 s2, $0xE  }
0xc: {  	s5 =	sshll.u32 s2, $0x6;
	s13 =	sshllo.u32 s2, $0x6;
	s11 =	sadd.s32 s6, s9  }
0xd: {  	v0 =	vlaneseq.u32;
	v44 =	vimm.s32 $0x0;
	v48 =	vimm.s32 $0x1;
	s10 =	sor.u32 $0x100, s9;
	s9 =	sadd.s32 s8, s9;
	[dreg:$0x3] =	wrdreg s11  }
.Ltmp0:
0xe: {  	v49 =	vimm.s32 $0x2;
	v50 =	vimm.s32 $0x3;
	v52 =	vimm.s32 $0x4;
	s7 =	ssub.s32 s7, s29;
	[dreg:$0x4] =	wrdreg s9;
	(pc) =	sbr.rel .LBB2_1-.Ltmp0, $4  }
0xf: {  	v56 =	vimm.s32 $0x5;
	v57 =	vimm.s32 $0x6;
	v59 =	vimm.s32 $0x7;
	s6 =	sadd.s32 s6, s10;
	s30 =	sadd.s32 s8, s10;
	s10 =	sadd.s32 $0x881200, s0  }
0x10: {  	v1 =	vimm.s32 $0x8;
	v2 =	vimm.s32 $0x9;
	v0 =	vmul.u32 $0x80, v0;
	s11 =	sadd.s32 $0x40000, s1;
	s31 =	smax.u32 s7, $0x1;
	[dreg:$0x5] =	wrdreg s6  }
0x11: {  	v3 =	vimm.s32 $0xA;
	v4 =	vimm.s32 $0xB;
	v5 =	vimm.s32 $0xC;
	s7 =	simm.s32 $0x5;
	s8 =	simm.s32 $0x3;
	[dreg:$0x6] =	wrdreg s30  }
0x12: {  	v6 =	vimm.s32 $0xD;
	v7 =	vimm.s32 $0xE;
	v8 =	vimm.s32 $0xF;
	[tilespmem:$0x1FFF0] =	vst v0;
	s9 =	simm.s32 $0x12000;
	[dreg:$0x7] =	wrdreg s31;
	s6 =	simm.s32 $0x11800  }
.LBB2_11:
0x13: {  	_ =	swait.ge [sflag:s28], $0x400  }
0x14: {  	[sflag:s28] =	ssyncset.done $0x0  }
0x15: {  	[sflag:s28] =	ssyncadd.s32 $0xFFFFFC00  }
0x16: {  	_ =	swait.ge [sflag:s28], $0x400  }
0x17: {  	[sflag:s28] =	ssyncset.done $0x0  }
0x18: {  	s2 =	simm.s32 $0x8;
	[sflag:s28] =	ssyncadd.s32 $0xFFFFFC00  }
0x19: {  	_ =	swait.ge [sflag:s2], $0x400  }
0x1a: {  	[sflag:s2] =	ssyncset.done $0x0  }
0x1b: {  	[sflag:s2] =	ssyncadd.s32 $0xFFFFFC00  }
0x1c: {  	_ =	swait.ge [sflag:s2], $0x400  }
0x1d: {  	s20 =	rddreg [dreg:$0x8]  }
0x1e: {  	s0 =	rddreg [dreg:$0x7];
	s20 =	sadd.s32 $0x1, s20  }
0x1f: {  	p0 =	sne.s32 s20, s0  }
.Ltmp1:
0x20: {  	_ = 	snop;
	(pc) =	sbr.rel @!p0 .LBB2_12-.Ltmp1, $3  }
0x21: {  	_ =	sdelay $0x1  }
0x22: {  	[sflag:s2] =	ssyncset.done $0x0  }
0x23: {  	v0 =	vmov v17;
	[sflag:s2] =	ssyncadd.s32 $0xFFFFFC00  }
.LBB2_1:
0x24: {  	[dreg:$0x8] =	wrdreg s20  }
0x25: {  	s0 =	rddreg [dreg:$0x3]  }
0x26: {  	[tilespmem:s3], [sflag:$0x1] =	stream.linear.gather [hbm4b:s0+s3], $0x800, $0x38;
	[tilespmem:$0x13000] =	vst v63  }
0x27: {  	s30 =	rddreg [dreg:$0x4]  }
0x28: {  	[tilespmem:s15], [sflag:$0x3] =	stream.linear.gather [hbm4b:s30+s3], $0x800, $0x38;
	[tilespmem:$0x13000] =	vst v63  }
0x29: {  	s31 =	rddreg [dreg:$0x5];
	s2 =	simm.s32 $0x800  }
0x2a: {  	[tilespmem:s2], [sflag:$0x2] =	stream.linear.gather [hbm4b:s31+s3], $0x800, $0x38;
	[tilespmem:$0x13000] =	vst v63  }
0x2b: {  	s20 =	simm.s32 $0x1;
	s2 =	rddreg [dreg:$0x6]  }
0x2c: {  	[tilespmem:s17], [sflag:$0x4] =	stream.linear.gather [hbm4b:s2+s3], $0x800, $0x38;
	[tilespmem:$0x13000] =	vst v63  }
0x2d: {  	_ =	swait.ge [sflag:s20], $0x800  }
0x2e: {  	[sflag:s20] =	ssyncset.done $0x0  }
0x2f: {  	s30 =	simm.s32 $0x2000;
	[sflag:s20] =	ssyncadd.s32 $0xFFFFF800  }
0x30: {  	[tilespmem:s30], [sflag:$0x5] =	stream.indirect.gather [hbm4b:s4+s19], $0x10, s3, s19, $0xb8;
	[tilespmem:$0x13000] =	vst v63  }
0x31: {  	s31 =	simm.s32 $0x2800  }
0x32: {  	[tilespmem:s31], [sflag:$0x5] =	stream.indirect.gather [hbm4b:s4+s19], $0x10, s19, s19, $0xb8;
	[tilespmem:$0x13000] =	vst v63  }
0x33: {  	s2 =	simm.s32 $0x100;
	s20 =	simm.s32 $0x3000  }
0x34: {  	[tilespmem:s20], [sflag:$0x5] =	stream.indirect.gather [hbm4b:s4+s19], $0x10, s2, s19, $0xb8;
	[tilespmem:$0x13000] =	vst v63  }
0x35: {  	s30 =	simm.s32 $0x180;
	s31 =	simm.s32 $0x3800  }
0x36: {  	[tilespmem:s31], [sflag:$0x5] =	stream.indirect.gather [hbm4b:s4+s19], $0x10, s30, s19, $0xb8;
	[tilespmem:$0x13000] =	vst v63  }
0x37: {  	s2 =	simm.s32 $0x200;
	s20 =	simm.s32 $0x4000  }
0x38: {  	[tilespmem:s20], [sflag:$0x5] =	stream.indirect.gather [hbm4b:s4+s19], $0x10, s2, s19, $0xb8;
	[tilespmem:$0x13000] =	vst v63  }
0x39: {  	s30 =	simm.s32 $0x280;
	s31 =	simm.s32 $0x4800  }
0x3a: {  	[tilespmem:s31], [sflag:$0x5] =	stream.indirect.gather [hbm4b:s4+s19], $0x10, s30, s19, $0xb8;
	[tilespmem:$0x13000] =	vst v63  }
0x3b: {  	s2 =	simm.s32 $0x300;
	s20 =	simm.s32 $0x5000  }
0x3c: {  	[tilespmem:s20], [sflag:$0x5] =	stream.indirect.gather [hbm4b:s4+s19], $0x10, s2, s19, $0xb8;
	[tilespmem:$0x13000] =	vst v63  }
0x3d: {  	s30 =	simm.s32 $0x380;
	s31 =	simm.s32 $0x5800  }
0x3e: {  	[tilespmem:s31], [sflag:$0x5] =	stream.indirect.gather [hbm4b:s4+s19], $0x10, s30, s19, $0xb8;
	[tilespmem:$0x13000] =	vst v63  }
0x3f: {  	s2 =	simm.s32 $0x400;
	s20 =	simm.s32 $0x6000  }
0x40: {  	[tilespmem:s20], [sflag:$0x5] =	stream.indirect.gather [hbm4b:s4+s19], $0x10, s2, s19, $0xb8;
	[tilespmem:$0x13000] =	vst v63  }
0x41: {  	s30 =	simm.s32 $0x480;
	s31 =	simm.s32 $0x6800  }
0x42: {  	[tilespmem:s31], [sflag:$0x5] =	stream.indirect.gather [hbm4b:s4+s19], $0x10, s30, s19, $0xb8;
	[tilespmem:$0x13000] =	vst v63  }
0x43: {  	s2 =	simm.s32 $0x500;
	s20 =	simm.s32 $0x7000  }
0x44: {  	[tilespmem:s20], [sflag:$0x5] =	stream.indirect.gather [hbm4b:s4+s19], $0x10, s2, s19, $0xb8;
	[tilespmem:$0x13000] =	vst v63  }
0x45: {  	s30 =	simm.s32 $0x580;
	s31 =	simm.s32 $0x7800  }
0x46: {  	[tilespmem:s31], [sflag:$0x5] =	stream.indirect.gather [hbm4b:s4+s19], $0x10, s30, s19, $0xb8;
	[tilespmem:$0x13000] =	vst v63  }
0x47: {  	s2 =	simm.s32 $0x600;
	s20 =	simm.s32 $0x8000  }
0x48: {  	[tilespmem:s20], [sflag:$0x5] =	stream.indirect.gather [hbm4b:s4+s19], $0x10, s2, s19, $0xb8;
	[tilespmem:$0x13000] =	vst v63  }
0x49: {  	s30 =	simm.s32 $0x680;
	s31 =	simm.s32 $0x8800  }
0x4a: {  	[tilespmem:s31], [sflag:$0x5] =	stream.indirect.gather [hbm4b:s4+s19], $0x10, s30, s19, $0xb8;
	[tilespmem:$0x13000] =	vst v63  }
0x4b: {  	s2 =	simm.s32 $0x700;
	s20 =	simm.s32 $0x9000  }
0x4c: {  	[tilespmem:s20], [sflag:$0x5] =	stream.indirect.gather [hbm4b:s4+s19], $0x10, s2, s19, $0xb8;
	[tilespmem:$0x13000] =	vst v63  }
0x4d: {  	s29 =	simm.s32 $0x0;
	s30 =	simm.s32 $0x780;
	s31 =	simm.s32 $0x9800  }
0x4e: {  	[tilespmem:s31], [sflag:$0x5] =	stream.indirect.gather [hbm4b:s4+s19], $0x10, s30, s19, $0xb8;
	[tilespmem:$0x13000] =	vst v63  }
.LBB2_2:
0x4f: {  	_ =	swait.ge [sflag:s24], $0x800  }
0x50: {  	[sflag:s24] =	ssyncset.done $0x0  }
0x51: {  	s0 =	simm.s32 $0x800;
	s2 =	simm.s32 $0xA000;
	[sflag:s24] =	ssyncadd.s32 $0xFFFFF800  }
0x52: {  	[tilespmem:s2], [sflag:$0x6] =	stream.indirect.gather [hbm4b:s4+s19], $0x10, s0, s19, $0xb8;
	[tilespmem:$0x13000] =	vst v63  }
0x53: {  	s20 =	simm.s32 $0xA800;
	s2 =	simm.s32 $0x880  }
0x54: {  	[tilespmem:s20], [sflag:$0x6] =	stream.indirect.gather [hbm4b:s4+s19], $0x10, s2, s19, $0xb8;
	[tilespmem:$0x13000] =	vst v63  }
0x55: {  	s2 =	simm.s32 $0x900;
	s20 =	simm.s32 $0xB000  }
0x56: {  	[tilespmem:s20], [sflag:$0x6] =	stream.indirect.gather [hbm4b:s4+s19], $0x10, s2, s19, $0xb8;
	[tilespmem:$0x13000] =	vst v63  }
0x57: {  	s2 =	simm.s32 $0x980;
	s20 =	simm.s32 $0xB800  }
0x58: {  	[tilespmem:s20], [sflag:$0x6] =	stream.indirect.gather [hbm4b:s4+s19], $0x10, s2, s19, $0xb8;
	[tilespmem:$0x13000] =	vst v63  }
0x59: {  	s2 =	simm.s32 $0xA00;
	s20 =	simm.s32 $0xC000  }
0x5a: {  	[tilespmem:s20], [sflag:$0x6] =	stream.indirect.gather [hbm4b:s4+s19], $0x10, s2, s19, $0xb8;
	[tilespmem:$0x13000] =	vst v63  }
0x5b: {  	s2 =	simm.s32 $0xA80;
	s20 =	simm.s32 $0xC800  }
0x5c: {  	[tilespmem:s20], [sflag:$0x6] =	stream.indirect.gather [hbm4b:s4+s19], $0x10, s2, s19, $0xb8;
	[tilespmem:$0x13000] =	vst v63  }
0x5d: {  	s2 =	simm.s32 $0xB00;
	s20 =	simm.s32 $0xD000  }
0x5e: {  	[tilespmem:s20], [sflag:$0x6] =	stream.indirect.gather [hbm4b:s4+s19], $0x10, s2, s19, $0xb8;
	[tilespmem:$0x13000] =	vst v63  }
0x5f: {  	s2 =	simm.s32 $0xB80;
	s20 =	simm.s32 $0xD800  }
0x60: {  	[tilespmem:s20], [sflag:$0x6] =	stream.indirect.gather [hbm4b:s4+s19], $0x10, s2, s19, $0xb8;
	[tilespmem:$0x13000] =	vst v63  }
0x61: {  	s2 =	simm.s32 $0xC00;
	s20 =	simm.s32 $0xE000  }
0x62: {  	[tilespmem:s20], [sflag:$0x6] =	stream.indirect.gather [hbm4b:s4+s19], $0x10, s2, s19, $0xb8;
	[tilespmem:$0x13000] =	vst v63  }
0x63: {  	s2 =	simm.s32 $0xC80;
	s20 =	simm.s32 $0xE800  }
0x64: {  	[tilespmem:s20], [sflag:$0x6] =	stream.indirect.gather [hbm4b:s4+s19], $0x10, s2, s19, $0xb8;
	[tilespmem:$0x13000] =	vst v63  }
0x65: {  	s2 =	simm.s32 $0xD00;
	s20 =	simm.s32 $0xF000  }
0x66: {  	[tilespmem:s20], [sflag:$0x6] =	stream.indirect.gather [hbm4b:s4+s19], $0x10, s2, s19, $0xb8;
	[tilespmem:$0x13000] =	vst v63  }
0x67: {  	s2 =	simm.s32 $0xD80;
	s20 =	simm.s32 $0xF800  }
0x68: {  	[tilespmem:s20], [sflag:$0x6] =	stream.indirect.gather [hbm4b:s4+s19], $0x10, s2, s19, $0xb8;
	[tilespmem:$0x13000] =	vst v63  }
0x69: {  	s2 =	simm.s32 $0xE00;
	s20 =	simm.s32 $0x10000  }
0x6a: {  	[tilespmem:s20], [sflag:$0x6] =	stream.indirect.gather [hbm4b:s4+s19], $0x10, s2, s19, $0xb8;
	[tilespmem:$0x13000] =	vst v63  }
0x6b: {  	s2 =	simm.s32 $0xE80;
	s20 =	simm.s32 $0x10800  }
0x6c: {  	[tilespmem:s20], [sflag:$0x6] =	stream.indirect.gather [hbm4b:s4+s19], $0x10, s2, s19, $0xb8;
	[tilespmem:$0x13000] =	vst v63  }
0x6d: {  	_ = 	snop  }
0x6e: {  	[tilespmem:s22], [sflag:$0x6] =	stream.indirect.gather [hbm4b:s4+s19], $0x10, s21, s19, $0xb8;
	[tilespmem:$0x13000] =	vst v63  }
0x6f: {  	_ = 	snop  }
0x70: {  	[tilespmem:s6], [sflag:$0x6] =	stream.indirect.gather [hbm4b:s4+s19], $0x10, s23, s19, $0xb8;
	[tilespmem:$0x13000] =	vst v63  }
0x71: {  	_ =	swait.ge [sflag:s7], $0x800  }
0x72: {  	[sflag:s7] =	ssyncset.done $0x0  }
0x73: {  	[sflag:s7] =	ssyncadd.s32 $0xFFFFF800  }
0x74: {  	_ =	swait.ge [sflag:s7], $0x800  }
0x75: {  	[sflag:s7] =	ssyncset.done $0x0  }
0x76: {  	[sflag:s7] =	ssyncadd.s32 $0xFFFFF800  }
0x77: {  	_ =	swait.ge [sflag:s7], $0x800  }
0x78: {  	[sflag:s7] =	ssyncset.done $0x0  }
0x79: {  	[sflag:s7] =	ssyncadd.s32 $0xFFFFF800  }
0x7a: {  	_ =	swait.ge [sflag:s7], $0x800  }
0x7b: {  	[sflag:s7] =	ssyncset.done $0x0  }
0x7c: {  	[sflag:s7] =	ssyncadd.s32 $0xFFFFF800  }
0x7d: {  	_ =	swait.ge [sflag:s7], $0x800  }
0x7e: {  	[sflag:s7] =	ssyncset.done $0x0  }
0x7f: {  	[sflag:s7] =	ssyncadd.s32 $0xFFFFF800  }
0x80: {  	_ =	swait.ge [sflag:s7], $0x800  }
0x81: {  	[sflag:s7] =	ssyncset.done $0x0  }
0x82: {  	[sflag:s7] =	ssyncadd.s32 $0xFFFFF800  }
0x83: {  	_ =	swait.ge [sflag:s7], $0x800  }
0x84: {  	[sflag:s7] =	ssyncset.done $0x0  }
0x85: {  	[sflag:s7] =	ssyncadd.s32 $0xFFFFF800  }
0x86: {  	_ =	swait.ge [sflag:s7], $0x800  }
0x87: {  	[sflag:s7] =	ssyncset.done $0x0  }
0x88: {  	[sflag:s7] =	ssyncadd.s32 $0xFFFFF800  }
0x89: {  	_ =	swait.ge [sflag:s7], $0x800  }
0x8a: {  	[sflag:s7] =	ssyncset.done $0x0  }
0x8b: {  	[sflag:s7] =	ssyncadd.s32 $0xFFFFF800  }
0x8c: {  	_ =	swait.ge [sflag:s7], $0x800  }
0x8d: {  	[sflag:s7] =	ssyncset.done $0x0  }
0x8e: {  	[sflag:s7] =	ssyncadd.s32 $0xFFFFF800  }
0x8f: {  	_ =	swait.ge [sflag:s7], $0x800  }
0x90: {  	[sflag:s7] =	ssyncset.done $0x0  }
0x91: {  	[sflag:s7] =	ssyncadd.s32 $0xFFFFF800  }
0x92: {  	_ =	swait.ge [sflag:s7], $0x800  }
0x93: {  	[sflag:s7] =	ssyncset.done $0x0  }
0x94: {  	[sflag:s7] =	ssyncadd.s32 $0xFFFFF800  }
0x95: {  	_ =	swait.ge [sflag:s7], $0x800  }
0x96: {  	[sflag:s7] =	ssyncset.done $0x0  }
0x97: {  	[sflag:s7] =	ssyncadd.s32 $0xFFFFF800  }
0x98: {  	_ =	swait.ge [sflag:s7], $0x800  }
0x99: {  	[sflag:s7] =	ssyncset.done $0x0  }
0x9a: {  	p0 =	seq.s32 s29, $0x1F;
	[sflag:s7] =	ssyncadd.s32 $0xFFFFF800  }
0x9b: {  	p1 =	seq.s32 @!p0 s29, $0x0;
	_ =	swait.ge [sflag:s7], $0x800  }
0x9c: {  	p1 =	por p0, !p1;
	[sflag:s7] =	ssyncset.done $0x0  }
.Ltmp2:
0x9d: {  	s20 =	sshll.u32 s29, $0x1;
	[sflag:s7] =	ssyncadd.s32 $0xFFFFF800;
	(pc) =	sbr.rel @!p1 .LBB2_3-.Ltmp2, $4  }
0x9e: {  	s30 =	sor.u32 s5, s20;
	_ =	swait.ge [sflag:s7], $0x800  }
0x9f: {  	s31 =	sshll.u32 @!p0 s30, $0x8;
	[sflag:s7] =	ssyncset.done $0x0  }
0xa0: {  	s2 =	simm.s32 @!p0 $0x0;
	s0 =	sadd.s32 @!p0 s31, s10;
	[sflag:s7] =	ssyncadd.s32 $0xFFFFF800  }
0xa1: {  	[tilespmem:s2], [sflag:$0x1] =	stream.linear.gather @!p0 [hbm4b:s0+s2], $0x800, $0x38;
	[tilespmem:$0x13000] =	vst v63  }
0xa2: {  	_ =	swait.ge [sflag:s28], $0x400  }
.Ltmp3:
0xa3: {  	[sflag:s28] =	ssyncset.done $0x0;
	(pc) =	sbr.rel .LBB2_5-.Ltmp3, $4  }
0xa4: {  	[sflag:s28] =	ssyncadd.s32 $0xFFFFFC00  }
0xa5: {  	_ =	swait.ge [sflag:s28], $0x400  }
0xa6: {  	[sflag:s28] =	ssyncset.done $0x0  }
0xa7: {  	p1 =	por $0x0, $0x0;
	[sflag:s28] =	ssyncadd.s32 $0xFFFFFC00  }
.LBB2_3:
0xa8: {  	p1 =	por @!p0 $0x1, $0x1  }
.LBB2_5:
0xa9: {  	s0 =	simm.s32 $0x0  }
0xaa: {  	v17 =	vmov s0  }
0xab: {  	v17 =	vand.u32 $0x7C, v17  }
0xac: {  	v17 =	vbroadcast v17, $0x0;
	_ =	sdelay $0x1  }
0xad: {  	v19 =	vor.u32 v0, v17;
	_ =	sdelay $0x1  }
0xae: {  	_ =	swait.ge [sflag:s8], $0x800  }
0xaf: {  	s2 =	simm.s32 $0x1;
	[sflag:s8] =	ssyncset.done $0x0  }
0xb0: {  	[sflag:s8] =	ssyncadd.s32 $0xFFFFF800;
	v17 =	vmov s2  }
0xb1: {  	v17 =	vand.u32 $0x7D, v17;
	v23 =	vld.idx.msk [tilespmem:v19+s15+$0x0], $0xffff  }
0xb2: {  	s20 =	simm.s32 $0x3;
	v17 =	vbroadcast v17, $0x0  }
0xb3: {  	v20 =	vmov s20;
	s2 =	simm.s32 $0x2  }
0xb4: {  	v21 =	vmov s2;
	v18 =	vor.u32 v0, v17;
	v17 =	vand.u32 $0x7F, v20  }
0xb5: {  	v20 =	vand.u32 $0x7E, v21;
	v17 =	vbroadcast v17, $0x0  }
0xb6: {  	v20 =	vbroadcast v20, $0x0;
	v43 =	vperm.xlane v23, v44  }
0xb7: {  	v21 =	vor.u32 v0, v17;
	v42 =	vperm.xlane v23, v48;
	v41 =	vperm.xlane v23, v49  }
0xb8: {  	v9 =	vor.u32 v0, v20;
	v40 =	vperm.xlane v23, v50;
	v39 =	vperm.xlane v23, v52  }
0xb9: {  	v22 =	vld.idx.msk [tilespmem:v18+s15+$0x0], $0xffff;
	v38 =	vperm.xlane v23, v56;
	v37 =	vperm.xlane v23, v57  }
0xba: {  	v36 =	vperm.xlane v23, v59;
	v35 =	vperm.xlane v23, v1  }
0xbb: {  	v34 =	vperm.xlane v23, v2;
	v33 =	vperm.xlane v23, v3  }
0xbc: {  	v32 =	vperm.xlane v23, v4;
	v30 =	vperm.xlane v23, v5;
	v46 =	vld.idx.msk [tilespmem:v21+s15+$0x0], $0xffff;
	[tilespmem:$0x1FFE0] =	vst v9  }
0xbd: {  	s0 =	simm.s32 $0x9830;
	v31 =	vperm.xlane v23, v6;
	v28 =	vperm.xlane v23, v7;
	v20 =	vld.idx.msk [tilespmem:v9+s15+$0x0], $0xffff  }
0xbe: {  	v29 =	vperm.xlane v23, v8;
	v47 =	vld [tilespmem:s0+$0xFFFF8800];
	v27 =	vperm.xlane v22, v44  }
0xbf: {  	v26 =	vperm.xlane v22, v48;
	v25 =	vperm.xlane v22, v49;
	v48 =	vld [tilespmem:s0+$0xFFFF9000]  }
0xc0: {  	s2 =	simm.s32 $0x4;
	v24 =	vperm.xlane v22, v50;
	v23 =	vperm.xlane v22, v52;
	v49 =	vld [tilespmem:s0+$0xFFFF9800]  }
.LBB2_6:
0xc1: {  	_ = 	snop  }
0xc2: {  	v45 =	vperm.xlane v22, v56;
	v44 =	vperm.xlane v22, v57;
	v50 =	vld [tilespmem:s0+$0xFFFFA000];
	v1 =	vimm.s32 $0x0  }
0xc3: {  	v11 =	vimm.s32 $0x1;
	v53 =	vld [tilespmem:s0+$0xFFFFA800];
	v12 =	vimm.s32 $0x2;
	v13 =	vimm.s32 $0x3  }
0xc4: {  	v2 =	vimm.s32 $0x5;
	v56 =	vld [tilespmem:s0+$0xFFFFB000];
	v14 =	vimm.s32 $0x4;
	v51 =	vperm.xlane v46, v1  }
0xc5: {  	v3 =	vimm.s32 $0x6;
	v59 =	vld [tilespmem:s0+$0xFFFFB800];
	v52 =	vperm.xlane v46, v11;
	v54 =	vperm.xlane v46, v12  }
0xc6: {  	v61 =	vld [tilespmem:s0+$0xFFFFC000];
	v15 =	vimm.s32 $0x7;
	v55 =	vperm.xlane v46, v13;
	v57 =	vperm.xlane v46, v14  }
0xc7: {  	v63 =	vld [tilespmem:s0+$0xFFFFC800];
	v0 =	vimm.s32 $0x8;
	v58 =	vperm.xlane v46, v2;
	v60 =	vperm.xlane v46, v3  }
0xc8: {  	v16 =	vimm.s32 $0x9;
	v6 =	vld [tilespmem:s0+$0xFFFFD800];
	v62 =	vperm.xlane v46, v15;
	v1 =	vperm.xlane v46, v0  }
0xc9: {  	v9 =	vld [tilespmem:s0+$0xFFFFE000];
	v2 =	vperm.xlane v46, v16;
	v11 =	vimm.s32 $0xA;
	v12 =	vimm.s32 $0xB  }
0xca: {  	v3 =	vld [tilespmem:s0+$0xFFFFD000];
	v15 =	vimm.s32 $0xC;
	v4 =	vperm.xlane v46, v11;
	v5 =	vperm.xlane v46, v12  }
0xcb: {  	v13 =	vimm.s32 $0xD;
	v7 =	vperm.xlane v46, v15;
	v47 =	vmul.f32 v51, v47;
	v51 =	vld [tilespmem:s0+$0xFFFFE800]  }
0xcc: {  	v14 =	vimm.s32 $0xE;
	v8 =	vperm.xlane v46, v13;
	v48 =	vmul.f32 v52, v48;
	v52 =	vld [tilespmem:s0+$0xFFFFF000]  }
0xcd: {  	v10 =	vperm.xlane v46, v14;
	v50 =	vmul.f32 v55, v50;
	v55 =	vld [tilespmem:s0+$0xFFFFF800]  }
0xce: {  	v49 =	vmul.f32 v54, v49;
	v54 =	vmul.f32 v58, v56;
	v58 =	vld [tilespmem:s0+$0x0]  }
0xcf: {  	v53 =	vmul.f32 v57, v53;
	v56 =	vmul.f32 v60, v59;
	v59 =	vld [tilespmem:s0+$0xFFFF87D0]  }
0xd0: {  	v17 =	vimm.s32 $0xF;
	v57 =	vmul.f32 v62, v61;
	v1 =	vmul.f32 v1, v63;
	v60 =	vld [tilespmem:s0+$0xFFFF8FD0]  }
0xd1: {  	v4 =	vmul.f32 v4, v6;
	v6 =	vld [tilespmem:s0+$0xFFFF97D0];
	v47 =	vadd.f32 v48, v47;
	v62 =	vadd.f32 v50, v49  }
0xd2: {  	v5 =	vmul.f32 v5, v9;
	v9 =	vld [tilespmem:s0+$0xFFFF9FD0];
	v50 =	vadd.f32 v54, v53;
	v63 =	vadd.f32 v57, v56  }
0xd3: {  	v46 =	vperm.xlane v46, v17;
	v49 =	vld [tilespmem:s0+$0xFFFFA7D0];
	v2 =	vmul.f32 v2, v3  }
0xd4: {  	v62 =	vadd.f32 v62, v47;
	v63 =	vadd.f32 v63, v50;
	v8 =	vmul.f32 v8, v52;
	v52 =	vld [tilespmem:s0+$0xFFFFAFD0]  }
0xd5: {  	v10 =	vmul.f32 v10, v55;
	v43 =	vmul.f32 v43, v59;
	v59 =	vadd.f32 v5, v4;
	v5 =	vld [tilespmem:s0+$0xFFFFB7D0]  }
0xd6: {  	v46 =	vmul.f32 v46, v58;
	v4 =	vmul.f32 v42, v60;
	v42 =	vld [tilespmem:s0+$0xFFFFE7D0]  }
0xd7: {  	v7 =	vmul.f32 v7, v51;
	v6 =	vmul.f32 v41, v6;
	v41 =	vadd.f32 v63, v62;
	v63 =	vld [tilespmem:s0+$0xFFFFDFD0]  }
0xd8: {  	v61 =	vimm.s32 $0x7;
	v1 =	vadd.f32 v2, v1;
	v60 =	vadd.f32 v46, v10;
	v10 =	vld [tilespmem:s0+$0xFFFFBFD0]  }
0xd9: {  	v53 =	vimm.s32 $0x2;
	v57 =	vimm.s32 $0x6;
	v7 =	vadd.f32 v8, v7;
	v46 =	vld [tilespmem:s0+$0xFFFFC7D0]  }
0xda: {  	v56 =	vimm.s32 $0x5;
	v48 =	vperm.xlane v22, v16;
	v1 =	vadd.f32 v59, v1;
	v59 =	vld [tilespmem:s0+$0xFFFFCFD0]  }
0xdb: {  	v3 =	vmov s2;
	v9 =	vmul.f32 v40, v9;
	v47 =	vadd.f32 v60, v7;
	v60 =	vld [tilespmem:s0+$0xFFFFD7D0]  }
0xdc: {  	v3 =	vand.u32 $0x7C, v3;
	v58 =	vmul.f32 v39, v49;
	v38 =	vmul.f32 v38, v52;
	v52 =	vld [tilespmem:s0+$0xFFFFF7D0]  }
0xdd: {  	v4 =	vadd.f32 v4, v43;
	v39 =	vperm.xlane v22, v61;
	v62 =	vmul.f32 v37, v5;
	v37 =	vld [tilespmem:s0+$0xFFFF9FE0]  }
0xde: {  	v6 =	vadd.f32 v9, v6;
	v9 =	vperm.xlane v22, v0;
	v1 =	vadd.f32 v47, v1;
	v47 =	vld [tilespmem:s0+$0xFFFFEFD0]  }
0xdf: {  	v55 =	vimm.s32 $0x3;
	v30 =	vmul.f32 v30, v42;
	v49 =	vmul.f32 v34, v59;
	v59 =	vld [tilespmem:s0+$0xFFFFFFD0]  }
0xe0: {  	v4 =	vadd.f32 v6, v4;
	v5 =	vmul.f32 v32, v63;
	v63 =	vperm.xlane v22, v12;
	v34 =	vld [tilespmem:s0+$0xFFFF97E0]  }
0xe1: {  	v10 =	vmul.f32 v36, v10;
	v7 =	vadd.f32 v38, v58;
	v46 =	vmul.f32 v35, v46;
	v38 =	vld [tilespmem:s0+$0xFFFFA7E0]  }
0xe2: {  	v35 =	vbroadcast v3, $0x0;
	v1 =	vadd.f32 v1, v41;
	v58 =	vmul.f32 v33, v60;
	v60 =	vld [tilespmem:s0+$0xFFFF87E0]  }
0xe3: {  	v2 =	vadd.f32 v10, v62;
	v3 =	vadd.f32 v49, v46;
	v62 =	vld [tilespmem:s0+$0xFFFF8FE0];
	v49 =	vperm.xlane v20, v55  }
0xe4: {  	v50 =	vimm.s32 $0x0;
	v41 =	vld [tilespmem:s0+$0xFFFFCFE0];
	[tilespmem:v21+s9+$0x0] =	vst.idx.msk $0xffff, v1;
	v21 =	vperm.xlane v22, v11;
	v36 =	vmul.f32 v28, v52  }
0xe5: {  	v46 =	vld [tilespmem:s0+$0xFFFFEFE0];
	v28 =	vperm.xlane v22, v15;
	v8 =	vmul.f32 v24, v37;
	v2 =	vadd.f32 v2, v7  }
0xe6: {  	v24 =	vld [tilespmem:s0+$0xFFFFC7E0];
	v31 =	vmul.f32 v31, v47;
	v1 =	vadd.f32 v5, v58;
	v10 =	vmul.f32 v29, v59  }
0xe7: {  	v47 =	vperm.xlane v20, v53;
	v2 =	vadd.f32 v2, v4;
	v7 =	vmul.f32 v27, v60;
	v27 =	vld [tilespmem:s0+$0xFFFFAFE0]  }
0xe8: {  	v29 =	vadd.f32 v31, v30;
	v5 =	vadd.f32 v10, v36;
	v40 =	vmul.f32 v26, v62;
	v26 =	vld [tilespmem:s0+$0xFFFFB7E0]  }
0xe9: {  	v1 =	vadd.f32 v1, v3;
	v30 =	vperm.xlane v22, v13;
	v4 =	vmul.f32 v25, v34;
	v25 =	vld [tilespmem:s0+$0xFFFFBFE0]  }
0xea: {  	v58 =	vld [tilespmem:s0+$0xFFFF87F0];
	v31 =	vperm.xlane v22, v14;
	v22 =	vperm.xlane v22, v17;
	v5 =	vadd.f32 v5, v29  }
0xeb: {  	v51 =	vimm.s32 $0x1;
	v3 =	vmul.f32 v23, v38;
	v6 =	vmul.f32 v48, v41;
	v48 =	vld [tilespmem:s0+$0xFFFFF7E0]  }
0xec: {  	v23 =	vperm.xlane v20, v50;
	v1 =	vadd.f32 v5, v1;
	v42 =	vmul.f32 v45, v27;
	v27 =	vld [tilespmem:s0+$0xFFFFD7E0]  }
0xed: {  	v7 =	vadd.f32 v40, v7;
	v29 =	vperm.xlane v20, v51;
	v43 =	vmul.f32 v44, v26;
	v26 =	vld [tilespmem:s0+$0xFFFFDFE0]  }
0xee: {  	v40 =	vperm.xlane v20, v15;
	v25 =	vmul.f32 v39, v25;
	v44 =	vld [tilespmem:s0+$0xFFFFE7E0];
	v1 =	vadd.f32 v1, v2  }
0xef: {  	v4 =	vadd.f32 v8, v4;
	v5 =	vmul.f32 v30, v46;
	v45 =	vmul.f32 v9, v24  }
0xf0: {  	v54 =	vimm.s32 $0x4;
	v9 =	vmul.f32 v31, v48;
	v3 =	vadd.f32 v42, v3;
	[tilespmem:v19+s9+$0x0] =	vst.idx.msk $0xffff, v1;
	v19 =	vld [tilespmem:s0+$0xFFFFFFE0]  }
0xf1: {  	v60 =	vld [tilespmem:s0+$0xFFFF97F0];
	v2 =	vadd.f32 v6, v45;
	v6 =	vmul.f32 v23, v58;
	v45 =	vperm.xlane v20, v14  }
0xf2: {  	v8 =	vadd.f32 v25, v43;
	v25 =	vld [tilespmem:s0+$0xFFFF8FF0];
	v52 =	vmul.f32 v21, v27;
	v21 =	vperm.xlane v20, v54  }
0xf3: {  	v4 =	vadd.f32 v4, v7;
	v23 =	vld [tilespmem:s0+$0xFFFFB7F0];
	v24 =	vmul.f32 v63, v26;
	v59 =	vmul.f32 v28, v44  }
0xf4: {  	s20 =	sadd.s32 $0x1, s2;
	v32 =	vld [tilespmem:s0+$0xFFFFBFF0];
	v3 =	vadd.f32 v8, v3;
	v26 =	vperm.xlane v20, v56;
	v27 =	vperm.xlane v20, v57  }
0xf5: {  	v62 =	vld [tilespmem:s0+$0xFFFFA7F0];
	v43 =	vmov s20;
	v28 =	vperm.xlane v20, v16;
	v19 =	vmul.f32 v22, v19  }
0xf6: {  	v63 =	vld [tilespmem:s0+$0xFFFFAFF0];
	v3 =	vadd.f32 v3, v4;
	v4 =	vmul.f32 v47, v60;
	v1 =	vadd.f32 v24, v52  }
0xf7: {  	v5 =	vadd.f32 v5, v59;
	v9 =	vadd.f32 v19, v9;
	v19 =	vmul.f32 v29, v25;
	v29 =	vld [tilespmem:$0x1FFF0]  }
0xf8: {  	v46 =	vand.u32 $0x7D, v43;
	v47 =	vperm.xlane v20, v17;
	v24 =	vld [tilespmem:s0+$0xFFFF9FF0];
	v38 =	vmul.f32 v27, v23  }
0xf9: {  	v34 =	vld [tilespmem:s0+$0xFFFFC7F0];
	s20 =	sadd.s32 $0x2, s2;
	v22 =	vperm.xlane v20, v61;
	v1 =	vadd.f32 v1, v2;
	v5 =	vadd.f32 v9, v5  }
0xfa: {  	v23 =	vld [tilespmem:s0+$0xFFFFDFF0];
	v52 =	vmov s20;
	v2 =	vmul.f32 v21, v62;
	v25 =	vperm.xlane v20, v0  }
0xfb: {  	v21 =	vld [tilespmem:s0+$0xFFFFCFF0];
	v36 =	vmul.f32 v26, v63;
	v26 =	vperm.xlane v20, v12;
	v1 =	vadd.f32 v5, v1  }
0xfc: {  	v37 =	vld [tilespmem:s0+$0xFFFFD7F0];
	v7 =	vmul.f32 v22, v32;
	v6 =	vadd.f32 v19, v6;
	v19 =	vor.u32 v29, v35  }
0xfd: {  	v22 =	vld [tilespmem:s0+$0xFFFFE7F0];
	v33 =	vmul.f32 v49, v24;
	v24 =	vperm.xlane v20, v11;
	v1 =	vadd.f32 v1, v3  }
0xfe: {  	v41 =	vld [tilespmem:s0+$0xFFFFEFF0];
	v2 =	vadd.f32 v36, v2;
	v39 =	vmul.f32 v25, v34;
	v7 =	vadd.f32 v7, v38  }
0xff: {  	s20 =	sadd.s32 $0x3, s2;
	v58 =	vand.u32 $0x7E, v52;
	v23 =	vmul.f32 v26, v23;
	v4 =	vadd.f32 v33, v4;
	[tilespmem:v18+s9+$0x0] =	vst.idx.msk $0xffff, v1;
	v18 =	vld [tilespmem:s0+$0xFFFFFFF0]  }
0x100: {  	v59 =	vmov s20;
	v25 =	vld [tilespmem:s0+$0xFFFFF7F0];
	v42 =	vmul.f32 v28, v21;
	v21 =	vperm.xlane v20, v13  }
0x101: {  	v44 =	vmul.f32 v24, v37;
	v2 =	vadd.f32 v7, v2;
	v4 =	vadd.f32 v4, v6;
	v48 =	vld.idx.msk [tilespmem:v19+s15+$0x0], $0xffff  }
0x102: {  	v49 =	vbroadcast v46, $0x0;
	v5 =	vmul.f32 v40, v22;
	v3 =	vadd.f32 v42, v39  }
0x103: {  	v6 =	vmul.f32 v21, v41;
	v1 =	vadd.f32 v23, v44;
	v2 =	vadd.f32 v2, v4  }
0x104: {  	v4 =	vand.u32 $0x7F, v59;
	v9 =	vmul.f32 v47, v18;
	v18 =	vor.u32 v29, v49  }
0x105: {  	v8 =	vmul.f32 v45, v25;
	v5 =	vadd.f32 v6, v5;
	v4 =	vbroadcast v4, $0x0  }
0x106: {  	v1 =	vadd.f32 v1, v3;
	v3 =	vbroadcast v58, $0x0;
	v43 =	vperm.xlane v48, v50  }
0x107: {  	v62 =	vld [tilespmem:$0x1FFE0];
	v60 =	vadd.f32 v9, v8;
	v42 =	vperm.xlane v48, v51;
	v41 =	vperm.xlane v48, v53  }
0x108: {  	v21 =	vor.u32 v29, v4;
	v40 =	vperm.xlane v48, v55;
	v39 =	vperm.xlane v48, v54  }
0x109: {  	v38 =	vperm.xlane v48, v56;
	v37 =	vperm.xlane v48, v57;
	v5 =	vadd.f32 v60, v5;
	v22 =	vld.idx.msk [tilespmem:v18+s15+$0x0], $0xffff  }
0x10a: {  	v3 =	vor.u32 v29, v3;
	v36 =	vperm.xlane v48, v61;
	v35 =	vperm.xlane v48, v0  }
0x10b: {  	p2 =	slt.u32 s2, $0x7C;
	s0 =	sadd.s32 $0x40, s0;
	v34 =	vperm.xlane v48, v16;
	v33 =	vperm.xlane v48, v11;
	v1 =	vadd.f32 v5, v1  }
.Ltmp4:
0x10c: {  	v47 =	vld [tilespmem:s0+$0xFFFF8800];
	v32 =	vperm.xlane v48, v12;
	v30 =	vperm.xlane v48, v15;
	(pc) =	sbr.rel @p2 .LBB2_6-.Ltmp4, $4  }
0x10d: {  	v49 =	vld [tilespmem:s0+$0xFFFF9800];
	v31 =	vperm.xlane v48, v13;
	v28 =	vperm.xlane v48, v14;
	v1 =	vadd.f32 v1, v2  }
0x10e: {  	v63 =	vmov v3;
	v29 =	vperm.xlane v48, v17;
	v48 =	vld [tilespmem:s0+$0xFFFF9000];
	v27 =	vperm.xlane v22, v50  }
0x10f: {  	v46 =	vld.idx.msk [tilespmem:v21+s15+$0x0], $0xffff;
	[tilespmem:v62+s9+$0x0] =	vst.idx.msk $0xffff, v1;
	v26 =	vperm.xlane v22, v51;
	v25 =	vperm.xlane v22, v53  }
0x110: {  	s2 =	sadd.s32 $0x4, s2;
	[tilespmem:$0x1FFE0] =	vst v63;
	v24 =	vperm.xlane v22, v55;
	v23 =	vperm.xlane v22, v54;
	v20 =	vld.idx.msk [tilespmem:v3+s15+$0x0], $0xffff  }
0x111: {  	v1 =	vld [tilespmem:s0+$0xFFFFA000]  }
0x112: {  	v2 =	vld [tilespmem:s0+$0xFFFFA800]  }
0x113: {  	v3 =	vld [tilespmem:s0+$0xFFFFB000]  }
0x114: {  	v4 =	vld [tilespmem:s0+$0xFFFFB800]  }
0x115: {  	v5 =	vld [tilespmem:s0+$0xFFFFC000]  }
0x116: {  	v6 =	vld [tilespmem:s0+$0xFFFFC800]  }
0x117: {  	v7 =	vld [tilespmem:s0+$0xFFFFD000];
	v44 =	vperm.xlane v46, v50;
	v45 =	vperm.xlane v46, v51  }
0x118: {  	v8 =	vld [tilespmem:s0+$0xFFFFD800];
	v57 =	vimm.s32 $0x6;
	v51 =	vperm.xlane v46, v53;
	v52 =	vperm.xlane v46, v55  }
0x119: {  	v9 =	vld [tilespmem:s0+$0xFFFFE000];
	v0 =	vimm.s32 $0x8;
	v54 =	vperm.xlane v46, v54;
	v55 =	vperm.xlane v46, v56  }
0x11a: {  	v10 =	vld [tilespmem:s0+$0xFFFFE800];
	v11 =	vimm.s32 $0x9;
	v57 =	vperm.xlane v46, v57;
	v58 =	vperm.xlane v46, v61  }
0x11b: {  	v59 =	vld [tilespmem:s0+$0xFFFF87D0];
	v12 =	vimm.s32 $0xA;
	v60 =	vperm.xlane v46, v0;
	v61 =	vperm.xlane v46, v11  }
0x11c: {  	v62 =	vld [tilespmem:s0+$0xFFFF8FD0];
	v63 =	vperm.xlane v46, v12;
	v44 =	vmul.f32 v44, v47  }
0x11d: {  	v13 =	vimm.s32 $0xB;
	v50 =	vld [tilespmem:s0+$0xFFFFF000];
	v45 =	vmul.f32 v45, v48;
	v48 =	vmul.f32 v51, v49  }
0x11e: {  	v53 =	vld [tilespmem:s0+$0xFFFFF800];
	v51 =	vperm.xlane v46, v13;
	v1 =	vmul.f32 v52, v1  }
0x11f: {  	v14 =	vimm.s32 $0xC;
	v56 =	vld [tilespmem:s0+$0x0];
	v2 =	vmul.f32 v54, v2;
	v3 =	vmul.f32 v55, v3  }
0x120: {  	v47 =	vld [tilespmem:s0+$0xFFFF97D0];
	v55 =	vperm.xlane v46, v14;
	v4 =	vmul.f32 v57, v4  }
0x121: {  	v16 =	vimm.s32 $0xE;
	v49 =	vld [tilespmem:s0+$0xFFFF9FD0];
	v5 =	vmul.f32 v58, v5;
	v6 =	vmul.f32 v60, v6  }
0x122: {  	v52 =	vld [tilespmem:s0+$0xFFFFA7D0];
	v14 =	vimm.s32 $0xD;
	v7 =	vmul.f32 v61, v7;
	v8 =	vmul.f32 v63, v8  }
0x123: {  	v15 =	vimm.s32 $0xF;
	v54 =	vld [tilespmem:s0+$0xFFFFAFD0];
	v63 =	vperm.xlane v46, v16;
	v60 =	vperm.xlane v46, v14  }
0x124: {  	v17 =	vimm.s32 $0xC;
	v57 =	vld [tilespmem:s0+$0xFFFFB7D0];
	v46 =	vperm.xlane v46, v15;
	v9 =	vmul.f32 v51, v9  }
0x125: {  	v58 =	vld [tilespmem:s0+$0xFFFFBFD0];
	v10 =	vmul.f32 v55, v10;
	v44 =	vadd.f32 v45, v44;
	v1 =	vadd.f32 v1, v48  }
0x126: {  	v61 =	vld [tilespmem:s0+$0xFFFFC7D0];
	v2 =	vadd.f32 v3, v2;
	v3 =	vadd.f32 v5, v4;
	v5 =	vmul.f32 v43, v59  }
0x127: {  	v51 =	vld [tilespmem:s0+$0xFFFFCFD0];
	v6 =	vadd.f32 v7, v6;
	v48 =	vmul.f32 v42, v62;
	v59 =	vimm.s32 $0x7  }
0x128: {  	v55 =	vld [tilespmem:s0+$0xFFFFD7D0];
	v50 =	vmul.f32 v60, v50;
	v53 =	vmul.f32 v63, v53;
	v63 =	vadd.f32 v9, v8  }
0x129: {  	v45 =	vld [tilespmem:s0+$0xFFFFE7D0];
	v46 =	vmul.f32 v46, v56;
	v1 =	vadd.f32 v1, v44;
	v2 =	vadd.f32 v3, v2  }
0x12a: {  	v4 =	vld [tilespmem:s0+$0xFFFFEFD0];
	v5 =	vadd.f32 v48, v5;
	v10 =	vadd.f32 v50, v10;
	v41 =	vmul.f32 v41, v47  }
0x12b: {  	v43 =	vld [tilespmem:s0+$0xFFFFFFD0];
	v56 =	vadd.f32 v46, v53;
	v40 =	vmul.f32 v40, v49;
	v7 =	vmul.f32 v39, v52  }
0x12c: {  	v62 =	vld [tilespmem:s0+$0xFFFF97E0];
	v52 =	vimm.s32 $0x1;
	v38 =	vmul.f32 v38, v54;
	v54 =	vimm.s32 $0x2  }
0x12d: {  	v42 =	vld [tilespmem:s0+$0xFFFFE7E0];
	v37 =	vmul.f32 v37, v57;
	v53 =	vimm.s32 $0x6;
	v35 =	vmul.f32 v35, v61  }
0x12e: {  	v60 =	vld [tilespmem:s0+$0xFFFFDFD0];
	v50 =	vimm.s32 $0x0;
	v6 =	vadd.f32 v63, v6;
	v63 =	vmul.f32 v36, v58  }
0x12f: {  	v8 =	vld [tilespmem:s0+$0xFFFFF7D0];
	v1 =	vadd.f32 v2, v1;
	v57 =	vperm.xlane v22, v53;
	v10 =	vadd.f32 v56, v10  }
0x130: {  	v3 =	vld [tilespmem:s0+$0xFFFF87E0];
	v56 =	vimm.s32 $0x4;
	v46 =	vmul.f32 v34, v51;
	v33 =	vmul.f32 v33, v55  }
0x131: {  	v44 =	vld [tilespmem:s0+$0xFFFF9FE0];
	v55 =	vimm.s32 $0x3;
	v30 =	vmul.f32 v30, v45;
	v4 =	vmul.f32 v31, v4  }
0x132: {  	v39 =	vld [tilespmem:s0+$0xFFFF8FE0];
	v40 =	vadd.f32 v40, v41;
	v29 =	vmul.f32 v29, v43;
	v25 =	vmul.f32 v25, v62  }
0x133: {  	v47 =	vld [tilespmem:s0+$0xFFFFA7E0];
	v7 =	vadd.f32 v38, v7;
	v62 =	vperm.xlane v22, v0;
	v43 =	vperm.xlane v22, v12  }
0x134: {  	v49 =	vld [tilespmem:s0+$0xFFFFAFE0];
	v41 =	vimm.s32 $0x5;
	v45 =	vperm.xlane v22, v13;
	v48 =	vmul.f32 v32, v60  }
0x135: {  	v61 =	vld [tilespmem:s0+$0xFFFFD7E0];
	v51 =	vperm.xlane v22, v41;
	v9 =	vadd.f32 v63, v37;
	v60 =	vperm.xlane v22, v59  }
0x136: {  	v58 =	vld [tilespmem:s0+$0xFFFFCFE0];
	v6 =	vadd.f32 v10, v6;
	v8 =	vmul.f32 v28, v8;
	v3 =	vmul.f32 v27, v3  }
0x137: {  	v31 =	vld [tilespmem:s0+$0xFFFFC7E0];
	v5 =	vadd.f32 v40, v5;
	v24 =	vmul.f32 v24, v44;
	v40 =	vperm.xlane v22, v11  }
0x138: {  	v63 =	vld [tilespmem:s0+$0xFFFFDFE0];
	v4 =	vadd.f32 v4, v30;
	v30 =	vperm.xlane v22, v17;
	v26 =	vmul.f32 v26, v39  }
0x139: {  	v28 =	vld [tilespmem:s0+$0xFFFFB7E0];
	v23 =	vmul.f32 v23, v47;
	v7 =	vadd.f32 v9, v7;
	v10 =	vadd.f32 v48, v33  }
0x13a: {  	v27 =	vld [tilespmem:s0+$0xFFFFBFE0];
	v33 =	vmul.f32 v43, v61;
	v1 =	vadd.f32 v6, v1;
	v6 =	vmul.f32 v51, v49  }
0x13b: {  	v44 =	vld [tilespmem:s0+$0xFFFFEFE0];
	v8 =	vadd.f32 v29, v8;
	v29 =	vperm.xlane v22, v14;
	v9 =	vmul.f32 v40, v58  }
0x13c: {  	v2 =	vadd.f32 v46, v35;
	v46 =	vld [tilespmem:s0+$0xFFFFF7E0];
	v49 =	vperm.xlane v22, v16;
	v30 =	vmul.f32 v30, v42  }
0x13d: {  	v47 =	vld [tilespmem:s0+$0xFFFFFFE0];
	v24 =	vadd.f32 v24, v25;
	v25 =	vperm.xlane v20, v54;
	v5 =	vadd.f32 v7, v5  }
0x13e: {  	v48 =	vld [tilespmem:s0+$0xFFFF87F0];
	v31 =	vmul.f32 v62, v31;
	v3 =	vadd.f32 v26, v3;
	v26 =	vperm.xlane v20, v50  }
0x13f: {  	v61 =	vld [tilespmem:s0+$0xFFFFA7F0];
	v7 =	vmul.f32 v45, v63;
	v6 =	vadd.f32 v6, v23;
	v23 =	vperm.xlane v20, v55  }
0x140: {  	v51 =	vld [tilespmem:s0+$0xFFFF8FF0];
	v2 =	vadd.f32 v10, v2;
	v28 =	vmul.f32 v57, v28;
	v27 =	vmul.f32 v60, v27  }
0x141: {  	v58 =	vld [tilespmem:s0+$0xFFFF9FF0];
	v4 =	vadd.f32 v8, v4;
	v57 =	vperm.xlane v22, v15;
	v60 =	vperm.xlane v20, v52  }
0x142: {  	v40 =	vld [tilespmem:s0+$0xFFFFBFF0];
	v29 =	vmul.f32 v29, v44;
	v10 =	vmul.f32 v49, v46;
	v3 =	vadd.f32 v24, v3  }
0x143: {  	v62 =	vld [tilespmem:s0+$0xFFFFAFF0];
	v24 =	vperm.xlane v20, v56;
	v9 =	vadd.f32 v9, v31;
	v31 =	vperm.xlane v20, v59  }
0x144: {  	v63 =	vld [tilespmem:s0+$0xFFFFB7F0];
	[tilespmem:v21+s9+$0x0] =	vst.idx.msk $0xffff, v1;
	v26 =	vmul.f32 v26, v48;
	v48 =	vperm.xlane v20, v41  }
0x145: {  	v22 =	vld [tilespmem:s0+$0xFFFF97F0];
	v2 =	vadd.f32 v4, v2;
	v8 =	vmul.f32 v57, v47;
	v4 =	vmul.f32 v60, v51  }
0x146: {  	v49 =	vld [tilespmem:s0+$0xFFFFC7F0];
	v27 =	vadd.f32 v27, v28;
	v28 =	vperm.xlane v20, v53;
	v23 =	vmul.f32 v23, v58  }
0x147: {  	v7 =	vadd.f32 v7, v33;
	v41 =	vld [tilespmem:s0+$0xFFFFFFF0];
	v24 =	vmul.f32 v24, v61;
	v58 =	vperm.xlane v20, v11  }
0x148: {  	v51 =	vld [tilespmem:s0+$0xFFFFD7F0];
	v29 =	vadd.f32 v29, v30;
	v30 =	vperm.xlane v20, v12;
	v31 =	vmul.f32 v31, v40  }
0x149: {  	v57 =	vld [tilespmem:s0+$0xFFFFDFF0];
	v2 =	vadd.f32 v2, v5;
	v5 =	vmul.f32 v48, v62;
	v62 =	vperm.xlane v20, v13  }
0x14a: {  	v60 =	vld [tilespmem:s0+$0xFFFFE7F0];
	v7 =	vadd.f32 v7, v9;
	v6 =	vadd.f32 v27, v6;
	v27 =	vperm.xlane v20, v0  }
0x14b: {  	v61 =	vld [tilespmem:s0+$0xFFFFEFF0];
	v28 =	vmul.f32 v28, v63;
	v8 =	vadd.f32 v8, v10;
	v4 =	vadd.f32 v4, v26  }
0x14c: {  	v63 =	vld [tilespmem:s0+$0xFFFFF7F0];
	v22 =	vmul.f32 v25, v22;
	v5 =	vadd.f32 v5, v24;
	v40 =	vmul.f32 v27, v49  }
0x14d: {  	v25 =	vld [tilespmem:s0+$0xFFFFCFF0];
	v27 =	vperm.xlane v20, v17;
	v8 =	vadd.f32 v8, v29;
	v29 =	vperm.xlane v20, v14  }
0x14e: {  	v3 =	vadd.f32 v6, v3;
	v26 =	vmul.f32 v30, v51;
	v30 =	vperm.xlane v20, v16  }
0x14f: {  	v10 =	vmul.f32 v62, v57;
	v20 =	vperm.xlane v20, v15;
	v43 =	vadd.f32 v8, v7  }
0x150: {  	v22 =	vadd.f32 v23, v22;
	v23 =	vmul.f32 v27, v60;
	v24 =	vmul.f32 v29, v61  }
0x151: {  	v27 =	vadd.f32 v31, v28;
	v28 =	vmul.f32 v30, v63;
	v46 =	vadd.f32 v43, v3  }
0x152: {  	[tilespmem:v19+s9+$0x0] =	vst.idx.msk $0xffff, v2;
	v20 =	vmul.f32 v20, v41;
	v25 =	vmul.f32 v58, v25  }
0x153: {  	v10 =	vadd.f32 v10, v26;
	v23 =	vadd.f32 v24, v23;
	[tilespmem:v18+s9+$0x0] =	vst.idx.msk $0xffff, v46  }
0x154: {  	v20 =	vadd.f32 v20, v28;
	v9 =	vadd.f32 v25, v40;
	v1 =	vld [tilespmem:$0x1FFE0]  }
0x155: {  	v4 =	vadd.f32 v22, v4;
	v5 =	vadd.f32 v27, v5  }
0x156: {  	v42 =	vadd.f32 v20, v23;
	v9 =	vadd.f32 v10, v9;
	_ =	sdelay $0x1  }
0x157: {  	v4 =	vadd.f32 v5, v4;
	v45 =	vadd.f32 v42, v9;
	_ =	sdelay $0x1  }
0x158: {  	v47 =	vadd.f32 v45, v4  }
0x159: {  	s20 =	sshll.u32 s30, $0x7  }
0x15a: {  	s2 =	sadd.s32 s1, s20;
	[tilespmem:v1+s9+$0x0] =	vst.idx.msk $0xffff, v47  }
0x15b: {  	[hbm4b:s2+s3] =	stream.linear.scatter [tilespmem:s9], [sflag:$0x7], $0x400, $0x38;
	[tilespmem:$0x13000] =	vst v63  }
0x15c: {  	s0 =	sadd.s32 s20, s11  }
0x15d: {  	[hbm4b:s0+s3] =	stream.linear.scatter [tilespmem:s14], [sflag:$0x7], $0x400, $0x38;
	[tilespmem:$0x13000] =	vst v63  }
0x15e: {  	s20 =	simm.s32 @!p0 $0x1000;
	s2 =	sadd.s32 @!p0 s31, s12;
	s0 =	simm.s32 @!p0 $0x0  }
0x15f: {  	[tilespmem:s20], [sflag:$0x3] =	stream.linear.gather @!p0 [hbm4b:s2+s0], $0x800, $0x38;
	[tilespmem:$0x13000] =	vst v63  }
0x160: {  	s2 =	simm.s32 @!p0 $0x1  }
0x161: {  	_ =	swait.ge @!p0 [sflag:s2], $0x800  }
0x162: {  	[sflag:s2] =	ssyncset.done @!p0 $0x0  }
0x163: {  	s20 =	simm.s32 @!p0 $0x2000;
	[sflag:s2] =	ssyncadd.s32 @!p0 $0xFFFFF800;
	s2 =	simm.s32 @!p0 $0x80  }
0x164: {  	[tilespmem:s20], [sflag:$0x5] =	stream.indirect.gather @!p0 [hbm4b:s4+s2], $0x10, s0, s2, $0xb8;
	[tilespmem:$0x13000] =	vst v63  }
0x165: {  	s20 =	simm.s32 @!p0 $0x2800  }
0x166: {  	[tilespmem:s20], [sflag:$0x5] =	stream.indirect.gather @!p0 [hbm4b:s4+s2], $0x10, s2, s2, $0xb8;
	[tilespmem:$0x13000] =	vst v63  }
0x167: {  	s31 =	simm.s32 @!p0 $0x3000;
	s20 =	simm.s32 @!p0 $0x100  }
0x168: {  	[tilespmem:s31], [sflag:$0x5] =	stream.indirect.gather @!p0 [hbm4b:s4+s2], $0x10, s20, s2, $0xb8;
	[tilespmem:$0x13000] =	vst v63  }
0x169: {  	s20 =	simm.s32 @!p0 $0x180;
	s31 =	simm.s32 @!p0 $0x3800  }
0x16a: {  	[tilespmem:s31], [sflag:$0x5] =	stream.indirect.gather @!p0 [hbm4b:s4+s2], $0x10, s20, s2, $0xb8;
	[tilespmem:$0x13000] =	vst v63  }
0x16b: {  	s20 =	simm.s32 @!p0 $0x200;
	s31 =	simm.s32 @!p0 $0x4000  }
0x16c: {  	[tilespmem:s31], [sflag:$0x5] =	stream.indirect.gather @!p0 [hbm4b:s4+s2], $0x10, s20, s2, $0xb8;
	[tilespmem:$0x13000] =	vst v63  }
0x16d: {  	s20 =	simm.s32 @!p0 $0x280;
	s31 =	simm.s32 @!p0 $0x4800  }
0x16e: {  	[tilespmem:s31], [sflag:$0x5] =	stream.indirect.gather @!p0 [hbm4b:s4+s2], $0x10, s20, s2, $0xb8;
	[tilespmem:$0x13000] =	vst v63  }
0x16f: {  	s20 =	simm.s32 @!p0 $0x300;
	s31 =	simm.s32 @!p0 $0x5000  }
0x170: {  	[tilespmem:s31], [sflag:$0x5] =	stream.indirect.gather @!p0 [hbm4b:s4+s2], $0x10, s20, s2, $0xb8;
	[tilespmem:$0x13000] =	vst v63  }
0x171: {  	s20 =	simm.s32 @!p0 $0x380;
	s31 =	simm.s32 @!p0 $0x5800  }
0x172: {  	[tilespmem:s31], [sflag:$0x5] =	stream.indirect.gather @!p0 [hbm4b:s4+s2], $0x10, s20, s2, $0xb8;
	[tilespmem:$0x13000] =	vst v63  }
0x173: {  	s20 =	simm.s32 @!p0 $0x400;
	s31 =	simm.s32 @!p0 $0x6000  }
0x174: {  	[tilespmem:s31], [sflag:$0x5] =	stream.indirect.gather @!p0 [hbm4b:s4+s2], $0x10, s20, s2, $0xb8;
	[tilespmem:$0x13000] =	vst v63  }
0x175: {  	s20 =	simm.s32 @!p0 $0x480;
	s31 =	simm.s32 @!p0 $0x6800  }
0x176: {  	[tilespmem:s31], [sflag:$0x5] =	stream.indirect.gather @!p0 [hbm4b:s4+s2], $0x10, s20, s2, $0xb8;
	[tilespmem:$0x13000] =	vst v63  }
0x177: {  	s20 =	simm.s32 @!p0 $0x500;
	s31 =	simm.s32 @!p0 $0x7000  }
0x178: {  	[tilespmem:s31], [sflag:$0x5] =	stream.indirect.gather @!p0 [hbm4b:s4+s2], $0x10, s20, s2, $0xb8;
	[tilespmem:$0x13000] =	vst v63  }
0x179: {  	s20 =	simm.s32 @!p0 $0x580;
	s31 =	simm.s32 @!p0 $0x7800  }
0x17a: {  	[tilespmem:s31], [sflag:$0x5] =	stream.indirect.gather @!p0 [hbm4b:s4+s2], $0x10, s20, s2, $0xb8;
	[tilespmem:$0x13000] =	vst v63  }
0x17b: {  	s20 =	simm.s32 @!p0 $0x600;
	s31 =	simm.s32 @!p0 $0x8000  }
0x17c: {  	[tilespmem:s31], [sflag:$0x5] =	stream.indirect.gather @!p0 [hbm4b:s4+s2], $0x10, s20, s2, $0xb8;
	[tilespmem:$0x13000] =	vst v63  }
0x17d: {  	s20 =	simm.s32 @!p0 $0x680;
	s31 =	simm.s32 @!p0 $0x8800  }
0x17e: {  	[tilespmem:s31], [sflag:$0x5] =	stream.indirect.gather @!p0 [hbm4b:s4+s2], $0x10, s20, s2, $0xb8;
	[tilespmem:$0x13000] =	vst v63  }
0x17f: {  	s20 =	simm.s32 @!p0 $0x700;
	s31 =	simm.s32 @!p0 $0x9000  }
0x180: {  	[tilespmem:s31], [sflag:$0x5] =	stream.indirect.gather @!p0 [hbm4b:s4+s2], $0x10, s20, s2, $0xb8;
	[tilespmem:$0x13000] =	vst v63  }
0x181: {  	s20 =	simm.s32 @!p0 $0x780;
	s31 =	simm.s32 @!p0 $0x9800  }
0x182: {  	[tilespmem:s31], [sflag:$0x5] =	stream.indirect.gather @!p0 [hbm4b:s4+s2], $0x10, s20, s2, $0xb8;
	[tilespmem:$0x13000] =	vst v63  }
0x183: {  	_ =	swait.ge [sflag:s16], $0x800  }
0x184: {  	[sflag:s16] =	ssyncset.done $0x0  }
0x185: {  	[sflag:s16] =	ssyncadd.s32 $0xFFFFF800  }
0x186: {  	_ =	swait.ge [sflag:s16], $0x800  }
0x187: {  	[sflag:s16] =	ssyncset.done $0x0  }
0x188: {  	[sflag:s16] =	ssyncadd.s32 $0xFFFFF800  }
0x189: {  	_ =	swait.ge [sflag:s16], $0x800  }
0x18a: {  	[sflag:s16] =	ssyncset.done $0x0  }
0x18b: {  	[sflag:s16] =	ssyncadd.s32 $0xFFFFF800  }
0x18c: {  	_ =	swait.ge [sflag:s16], $0x800  }
0x18d: {  	[sflag:s16] =	ssyncset.done $0x0  }
0x18e: {  	[sflag:s16] =	ssyncadd.s32 $0xFFFFF800  }
0x18f: {  	_ =	swait.ge [sflag:s16], $0x800  }
0x190: {  	[sflag:s16] =	ssyncset.done $0x0  }
0x191: {  	[sflag:s16] =	ssyncadd.s32 $0xFFFFF800  }
0x192: {  	_ =	swait.ge [sflag:s16], $0x800  }
0x193: {  	[sflag:s16] =	ssyncset.done $0x0  }
0x194: {  	[sflag:s16] =	ssyncadd.s32 $0xFFFFF800  }
0x195: {  	_ =	swait.ge [sflag:s16], $0x800  }
0x196: {  	[sflag:s16] =	ssyncset.done $0x0  }
0x197: {  	[sflag:s16] =	ssyncadd.s32 $0xFFFFF800  }
0x198: {  	_ =	swait.ge [sflag:s16], $0x800  }
0x199: {  	[sflag:s16] =	ssyncset.done $0x0  }
0x19a: {  	[sflag:s16] =	ssyncadd.s32 $0xFFFFF800  }
0x19b: {  	_ =	swait.ge [sflag:s16], $0x800  }
0x19c: {  	[sflag:s16] =	ssyncset.done $0x0  }
0x19d: {  	[sflag:s16] =	ssyncadd.s32 $0xFFFFF800  }
0x19e: {  	_ =	swait.ge [sflag:s16], $0x800  }
0x19f: {  	[sflag:s16] =	ssyncset.done $0x0  }
0x1a0: {  	[sflag:s16] =	ssyncadd.s32 $0xFFFFF800  }
0x1a1: {  	_ =	swait.ge [sflag:s16], $0x800  }
0x1a2: {  	[sflag:s16] =	ssyncset.done $0x0  }
0x1a3: {  	[sflag:s16] =	ssyncadd.s32 $0xFFFFF800  }
0x1a4: {  	_ =	swait.ge [sflag:s16], $0x800  }
0x1a5: {  	[sflag:s16] =	ssyncset.done $0x0  }
0x1a6: {  	[sflag:s16] =	ssyncadd.s32 $0xFFFFF800  }
0x1a7: {  	_ =	swait.ge [sflag:s16], $0x800  }
0x1a8: {  	[sflag:s16] =	ssyncset.done $0x0  }
0x1a9: {  	[sflag:s16] =	ssyncadd.s32 $0xFFFFF800  }
0x1aa: {  	_ =	swait.ge [sflag:s16], $0x800  }
0x1ab: {  	[sflag:s16] =	ssyncset.done $0x0  }
0x1ac: {  	[sflag:s16] =	ssyncadd.s32 $0xFFFFF800  }
0x1ad: {  	_ =	swait.ge [sflag:s16], $0x800  }
0x1ae: {  	[sflag:s16] =	ssyncset.done $0x0  }
0x1af: {  	s30 =	sor.u32 @!p0 $0x1, s30;
	[sflag:s16] =	ssyncadd.s32 $0xFFFFF800  }
0x1b0: {  	s30 =	smov.u32 @p0 s13;
	_ =	swait.ge [sflag:s16], $0x800  }
0x1b1: {  	s2 =	sshll.u32 @!p0 s30, $0x8;
	[sflag:s16] =	ssyncset.done $0x0  }
0x1b2: {  	s20 =	simm.s32 @!p0 $0x800;
	s2 =	sadd.s32 @!p0 s2, s10;
	[sflag:s16] =	ssyncadd.s32 $0xFFFFF800  }
0x1b3: {  	[tilespmem:s20], [sflag:$0x2] =	stream.linear.gather @!p0 [hbm4b:s2+s0], $0x800, $0x38;
	[tilespmem:$0x13000] =	vst v63  }
0x1b4: {  	s0 =	simm.s32 @!p1 $0x8  }
0x1b5: {  	_ =	swait.ge @!p1 [sflag:s0], $0x400  }
0x1b6: {  	[sflag:s0] =	ssyncset.done @!p1 $0x0  }
0x1b7: {  	[sflag:s0] =	ssyncadd.s32 @!p1 $0xFFFFFC00  }
0x1b8: {  	_ =	swait.ge @!p1 [sflag:s0], $0x400  }
0x1b9: {  	s31 =	simm.s32 $0x0;
	v49 =	vld [tilespmem:$0x1FFF0]  }
0x1ba: {  	v48 =	vmov s31  }
0x1bb: {  	v1 =	vand.u32 $0x7C, v48  }
0x1bc: {  	v1 =	vbroadcast v1, $0x0;
	_ =	sdelay $0x1  }
0x1bd: {  	[sflag:s0] =	ssyncset.done @!p1 $0x0;
	v19 =	vor.u32 v49, v1  }
0x1be: {  	[sflag:s0] =	ssyncadd.s32 @!p1 $0xFFFFFC00  }
0x1bf: {  	_ =	swait.ge [sflag:s18], $0x800  }
0x1c0: {  	s2 =	simm.s32 $0x1;
	[sflag:s18] =	ssyncset.done $0x0  }
0x1c1: {  	v51 =	vmov s2;
	[sflag:s18] =	ssyncadd.s32 $0xFFFFF800  }
0x1c2: {  	v1 =	vand.u32 $0x7D, v51;
	v57 =	vld.idx.msk [tilespmem:v19+s17+$0x0], $0xffff  }
0x1c3: {  	s20 =	simm.s32 $0x3;
	v1 =	vbroadcast v1, $0x0  }
0x1c4: {  	s31 =	simm.s32 $0x2;
	v58 =	vmov s20  }
0x1c5: {  	v60 =	vmov s31;
	v61 =	vand.u32 $0x7F, v58;
	v18 =	vor.u32 v49, v1  }
0x1c6: {  	v62 =	vand.u32 $0x7E, v60;
	v1 =	vbroadcast v61, $0x0  }
0x1c7: {  	v44 =	vimm.s32 $0x5;
	v3 =	vbroadcast v62, $0x0;
	v43 =	vperm.xlane v57, v50  }
0x1c8: {  	v21 =	vor.u32 v49, v1;
	v42 =	vperm.xlane v57, v52;
	v41 =	vperm.xlane v57, v54  }
0x1c9: {  	v63 =	vor.u32 v49, v3;
	v40 =	vperm.xlane v57, v55;
	v39 =	vperm.xlane v57, v56  }
0x1ca: {  	v22 =	vld.idx.msk [tilespmem:v18+s17+$0x0], $0xffff;
	v38 =	vperm.xlane v57, v44;
	v37 =	vperm.xlane v57, v53  }
0x1cb: {  	v36 =	vperm.xlane v57, v59;
	v35 =	vperm.xlane v57, v0  }
0x1cc: {  	v34 =	vperm.xlane v57, v11;
	v33 =	vperm.xlane v57, v12  }
0x1cd: {  	v32 =	vperm.xlane v57, v13;
	v30 =	vperm.xlane v57, v17;
	v46 =	vld.idx.msk [tilespmem:v21+s17+$0x0], $0xffff;
	[tilespmem:$0x1FFD0] =	vst v63  }
0x1ce: {  	s0 =	simm.s32 $0x11830;
	v31 =	vperm.xlane v57, v14;
	v28 =	vperm.xlane v57, v16;
	v20 =	vld.idx.msk [tilespmem:v63+s17+$0x0], $0xffff  }
0x1cf: {  	v29 =	vperm.xlane v57, v15;
	v47 =	vld [tilespmem:s0+$0xFFFF8800];
	v27 =	vperm.xlane v22, v50  }
0x1d0: {  	v48 =	vld [tilespmem:s0+$0xFFFF9000];
	v26 =	vperm.xlane v22, v52;
	v25 =	vperm.xlane v22, v54  }
0x1d1: {  	s2 =	simm.s32 $0x4;
	v49 =	vld [tilespmem:s0+$0xFFFF9800];
	v24 =	vperm.xlane v22, v55;
	v23 =	vperm.xlane v22, v56  }
.LBB2_8:
0x1d2: {  	v1 =	vld [tilespmem:s0+$0xFFFFA000]  }
0x1d3: {  	v4 =	vld [tilespmem:s0+$0xFFFFA800]  }
0x1d4: {  	v7 =	vld [tilespmem:s0+$0xFFFFB000]  }
0x1d5: {  	v0 =	vimm.s32 $0x5;
	v10 =	vld [tilespmem:s0+$0xFFFFB800]  }
0x1d6: {  	v44 =	vperm.xlane v22, v53;
	v51 =	vld [tilespmem:s0+$0xFFFFC000];
	v45 =	vperm.xlane v22, v0  }
0x1d7: {  	v62 =	vld [tilespmem:s0+$0xFFFFE000];
	v2 =	vperm.xlane v46, v50;
	v3 =	vperm.xlane v46, v52  }
0x1d8: {  	v5 =	vperm.xlane v46, v54;
	v50 =	vperm.xlane v46, v53;
	v53 =	vld [tilespmem:s0+$0xFFFFC800]  }
0x1d9: {  	v61 =	vimm.s32 $0x5;
	v6 =	vperm.xlane v46, v55;
	v8 =	vperm.xlane v46, v56;
	v56 =	vld [tilespmem:s0+$0xFFFFD000]  }
0x1da: {  	v17 =	vimm.s32 $0x8;
	v9 =	vperm.xlane v46, v61;
	v52 =	vperm.xlane v46, v59;
	v59 =	vld [tilespmem:s0+$0xFFFFD800]  }
0x1db: {  	v0 =	vimm.s32 $0x9;
	v54 =	vperm.xlane v46, v17;
	v2 =	vmul.f32 v2, v47;
	v47 =	vld [tilespmem:s0+$0xFFFFE800]  }
0x1dc: {  	v11 =	vimm.s32 $0xA;
	v55 =	vperm.xlane v46, v0;
	v1 =	vmul.f32 v6, v1;
	v6 =	vld [tilespmem:s0+$0xFFFFF000]  }
0x1dd: {  	v12 =	vimm.s32 $0xB;
	v57 =	vperm.xlane v46, v11;
	v4 =	vmul.f32 v8, v4;
	v8 =	vld [tilespmem:s0+$0xFFFFF800]  }
0x1de: {  	v15 =	vimm.s32 $0xC;
	v58 =	vperm.xlane v46, v12;
	v3 =	vmul.f32 v3, v48;
	v48 =	vld [tilespmem:s0+$0x0]  }
0x1df: {  	v13 =	vimm.s32 $0xD;
	v60 =	vperm.xlane v46, v15;
	v5 =	vmul.f32 v5, v49;
	v49 =	vld [tilespmem:s0+$0xFFFF87D0]  }
0x1e0: {  	v61 =	vperm.xlane v46, v13;
	v7 =	vmul.f32 v9, v7;
	v2 =	vadd.f32 v3, v2;
	v3 =	vld [tilespmem:s0+$0xFFFFA7D0]  }
0x1e1: {  	v9 =	vmul.f32 v50, v10;
	v50 =	vmul.f32 v54, v53;
	v53 =	vld [tilespmem:s0+$0xFFFF8FD0]  }
0x1e2: {  	v14 =	vimm.s32 $0xE;
	v10 =	vmul.f32 v52, v51;
	v51 =	vmul.f32 v55, v56;
	v56 =	vld [tilespmem:s0+$0xFFFF97D0]  }
0x1e3: {  	v16 =	vimm.s32 $0xF;
	v63 =	vperm.xlane v46, v14;
	v54 =	vmul.f32 v57, v59;
	v57 =	vld [tilespmem:s0+$0xFFFF9FD0]  }
0x1e4: {  	v46 =	vperm.xlane v46, v16;
	v47 =	vmul.f32 v60, v47;
	v60 =	vld [tilespmem:s0+$0xFFFFAFD0]  }
0x1e5: {  	v62 =	vmul.f32 v58, v62;
	v4 =	vadd.f32 v7, v4;
	v8 =	vmul.f32 v63, v8;
	v63 =	vld [tilespmem:s0+$0xFFFFB7D0]  }
0x1e6: {  	v58 =	vadd.f32 v10, v9;
	v6 =	vmul.f32 v61, v6;
	v61 =	vadd.f32 v51, v50;
	v51 =	vld [tilespmem:s0+$0xFFFFC7D0]  }
0x1e7: {  	v1 =	vadd.f32 v1, v5;
	v5 =	vmul.f32 v46, v48;
	v9 =	vmul.f32 v43, v49;
	v43 =	vld [tilespmem:s0+$0xFFFFD7E0]  }
0x1e8: {  	v52 =	vmov s2;
	v6 =	vadd.f32 v6, v47;
	v47 =	vadd.f32 v58, v4;
	v58 =	vld [tilespmem:s0+$0xFFFFCFD0]  }
0x1e9: {  	v1 =	vadd.f32 v1, v2;
	v5 =	vadd.f32 v5, v8;
	v8 =	vmul.f32 v41, v56;
	v41 =	vld [tilespmem:s0+$0xFFFFBFD0]  }
0x1ea: {  	v52 =	vand.u32 $0x7C, v52;
	v59 =	vimm.s32 $0x7;
	v49 =	vmul.f32 v40, v57;
	v40 =	vld [tilespmem:s0+$0xFFFFAFE0]  }
0x1eb: {  	v55 =	vimm.s32 $0x3;
	v62 =	vadd.f32 v62, v54;
	v1 =	vadd.f32 v47, v1;
	v47 =	vld [tilespmem:s0+$0xFFFFE7D0]  }
0x1ec: {  	v50 =	vimm.s32 $0x0;
	v46 =	vperm.xlane v22, v17;
	v10 =	vmul.f32 v38, v60;
	v60 =	vld [tilespmem:s0+$0xFFFFD7D0]  }
0x1ed: {  	v42 =	vmul.f32 v42, v53;
	v57 =	vadd.f32 v62, v61;
	v62 =	vmul.f32 v37, v63;
	v63 =	vld [tilespmem:s0+$0xFFFFDFD0]  }
0x1ee: {  	v3 =	vmul.f32 v39, v3;
	v5 =	vadd.f32 v5, v6;
	v4 =	vadd.f32 v49, v8;
	v49 =	vld [tilespmem:s0+$0xFFFFEFD0]  }
0x1ef: {  	v39 =	vperm.xlane v22, v59;
	v9 =	vadd.f32 v42, v9;
	v48 =	vmul.f32 v35, v51;
	v37 =	vld [tilespmem:s0+$0xFFFF97E0]  }
0x1f0: {  	v35 =	vbroadcast v52, $0x0;
	v38 =	vld [tilespmem:s0+$0xFFFFA7E0];
	v61 =	vadd.f32 v5, v57;
	v57 =	vperm.xlane v22, v0  }
0x1f1: {  	v51 =	vld [tilespmem:s0+$0xFFFFF7E0];
	v3 =	vadd.f32 v10, v3;
	v6 =	vmul.f32 v34, v58;
	v36 =	vmul.f32 v36, v41  }
0x1f2: {  	v4 =	vadd.f32 v4, v9;
	v58 =	vld [tilespmem:s0+$0xFFFFF7D0];
	v1 =	vadd.f32 v61, v1;
	v61 =	vperm.xlane v22, v11  }
0x1f3: {  	v34 =	vld [tilespmem:s0+$0xFFFFBFF0];
	v42 =	vmul.f32 v45, v40;
	v2 =	vadd.f32 v6, v48;
	v5 =	vadd.f32 v36, v62  }
0x1f4: {  	v54 =	vimm.s32 $0x2;
	[tilespmem:v21+s25+$0x0] =	vst.idx.msk $0xffff, v1;
	v60 =	vmul.f32 v33, v60;
	v21 =	vld [tilespmem:s0+$0xFFFFFFD0];
	v32 =	vmul.f32 v32, v63  }
0x1f5: {  	v48 =	vperm.xlane v20, v54;
	v62 =	vld [tilespmem:s0+$0xFFFF87E0];
	v63 =	vmul.f32 v30, v47;
	v3 =	vadd.f32 v5, v3  }
0x1f6: {  	v30 =	vld [tilespmem:s0+$0xFFFF8FE0];
	v36 =	vperm.xlane v22, v12;
	v7 =	vmul.f32 v31, v49;
	v1 =	vadd.f32 v32, v60  }
0x1f7: {  	v31 =	vperm.xlane v22, v15;
	v47 =	vld [tilespmem:s0+$0xFFFFEFE0];
	v10 =	vmul.f32 v28, v58;
	v3 =	vadd.f32 v3, v4  }
0x1f8: {  	v28 =	vld [tilespmem:s0+$0xFFFF9FE0];
	v1 =	vadd.f32 v1, v2;
	v4 =	vmul.f32 v25, v37;
	v2 =	vmul.f32 v23, v38  }
0x1f9: {  	v53 =	vimm.s32 $0x6;
	v60 =	vld [tilespmem:s0+$0xFFFF87F0];
	v23 =	vperm.xlane v20, v50;
	v21 =	vmul.f32 v29, v21  }
0x1fa: {  	v52 =	vimm.s32 $0x1;
	v58 =	vld [tilespmem:s0+$0xFFFFFFE0];
	v5 =	vmul.f32 v27, v62;
	v27 =	vperm.xlane v22, v13  }
0x1fb: {  	v25 =	vld [tilespmem:s0+$0xFFFFBFE0];
	v29 =	vperm.xlane v22, v14;
	v22 =	vperm.xlane v22, v16;
	v2 =	vadd.f32 v42, v2  }
0x1fc: {  	v42 =	vperm.xlane v20, v15;
	v10 =	vadd.f32 v21, v10;
	v21 =	vmul.f32 v26, v30;
	v26 =	vld [tilespmem:s0+$0xFFFFB7E0]  }
0x1fd: {  	v6 =	vadd.f32 v7, v63;
	v41 =	vmul.f32 v24, v28;
	v24 =	vld [tilespmem:s0+$0xFFFFC7E0];
	v28 =	vperm.xlane v20, v52  }
0x1fe: {  	v56 =	vimm.s32 $0x4;
	v9 =	vmul.f32 v29, v51;
	v8 =	vmul.f32 v23, v60;
	v23 =	vld [tilespmem:s0+$0xFFFFB7F0]  }
0x1ff: {  	v7 =	vmul.f32 v22, v58;
	v6 =	vadd.f32 v10, v6;
	v5 =	vadd.f32 v21, v5;
	v21 =	vld [tilespmem:s0+$0xFFFFCFE0]  }
0x200: {  	v30 =	vld [tilespmem:s0+$0xFFFFE7E0];
	v22 =	vperm.xlane v20, v59;
	v4 =	vadd.f32 v41, v4;
	v25 =	vmul.f32 v39, v25  }
0x201: {  	v7 =	vadd.f32 v7, v9;
	v1 =	vadd.f32 v6, v1;
	v45 =	vmul.f32 v44, v26;
	v26 =	vld [tilespmem:s0+$0xFFFFDFE0]  }
0x202: {  	s20 =	sadd.s32 $0x1, s2;
	v4 =	vadd.f32 v4, v5;
	v5 =	vmul.f32 v27, v47;
	v27 =	vperm.xlane v20, v53  }
0x203: {  	v63 =	vld [tilespmem:s0+$0xFFFFA7F0];
	v6 =	vmul.f32 v22, v34;
	v46 =	vmul.f32 v46, v24;
	v44 =	vmov s20  }
0x204: {  	v32 =	vld [tilespmem:s0+$0xFFFFAFF0];
	v1 =	vadd.f32 v1, v3;
	v40 =	vmul.f32 v27, v23;
	v49 =	vmul.f32 v57, v21  }
0x205: {  	v62 =	vld [tilespmem:s0+$0xFFFF97F0];
	v10 =	vadd.f32 v25, v45;
	v21 =	vperm.xlane v20, v55;
	v57 =	vmul.f32 v61, v43  }
0x206: {  	v29 =	vld [tilespmem:$0x1FFF0];
	v47 =	vand.u32 $0x7D, v44;
	v61 =	vmul.f32 v31, v30;
	v24 =	vmul.f32 v36, v26  }
0x207: {  	v25 =	vld [tilespmem:s0+$0xFFFF8FF0];
	v30 =	vimm.s32 $0x5;
	v51 =	vbroadcast v47, $0x0;
	[tilespmem:v19+s25+$0x0] =	vst.idx.msk $0xffff, v1;
	v2 =	vadd.f32 v10, v2  }
0x208: {  	v19 =	vperm.xlane v20, v56;
	v5 =	vadd.f32 v5, v61;
	v1 =	vadd.f32 v24, v57;
	v24 =	vld [tilespmem:s0+$0xFFFF9FF0]  }
0x209: {  	v3 =	vadd.f32 v49, v46;
	v46 =	vperm.xlane v20, v14;
	v26 =	vperm.xlane v20, v30  }
0x20a: {  	v37 =	vld [tilespmem:s0+$0xFFFFCFF0];
	v2 =	vadd.f32 v2, v4;
	v4 =	vmul.f32 v48, v62;
	v5 =	vadd.f32 v7, v5  }
0x20b: {  	v23 =	vld [tilespmem:s0+$0xFFFFDFF0];
	v1 =	vadd.f32 v1, v3;
	v3 =	vmul.f32 v19, v63;
	v19 =	vor.u32 v29, v35  }
0x20c: {  	v39 =	vld [tilespmem:s0+$0xFFFFD7F0];
	v6 =	vadd.f32 v6, v40;
	v48 =	vperm.xlane v20, v16;
	v33 =	vmul.f32 v28, v25  }
0x20d: {  	v38 =	vmul.f32 v26, v32;
	v1 =	vadd.f32 v5, v1;
	v36 =	vmul.f32 v21, v24;
	v21 =	vld [tilespmem:s0+$0xFFFFC7F0]  }
0x20e: {  	v22 =	vld [tilespmem:s0+$0xFFFFE7F0];
	v28 =	vperm.xlane v20, v0;
	v26 =	vperm.xlane v20, v12;
	v8 =	vadd.f32 v33, v8  }
0x20f: {  	v43 =	vld [tilespmem:s0+$0xFFFFEFF0];
	v25 =	vperm.xlane v20, v17;
	v3 =	vadd.f32 v38, v3;
	v1 =	vadd.f32 v1, v2  }
0x210: {  	s31 =	sadd.s32 $0x2, s2;
	v9 =	vmul.f32 v28, v37;
	v23 =	vmul.f32 v26, v23;
	v4 =	vadd.f32 v36, v4;
	v49 =	vld.idx.msk [tilespmem:v19+s17+$0x0], $0xffff  }
0x211: {  	v57 =	vmov s31;
	v24 =	vperm.xlane v20, v11;
	v3 =	vadd.f32 v6, v3;
	[tilespmem:v18+s25+$0x0] =	vst.idx.msk $0xffff, v1;
	v18 =	vld [tilespmem:s0+$0xFFFFFFF0]  }
0x212: {  	s31 =	sadd.s32 $0x3, s2;
	v4 =	vadd.f32 v4, v8;
	v41 =	vmul.f32 v25, v21;
	v21 =	vperm.xlane v20, v13;
	v25 =	vld [tilespmem:s0+$0xFFFFF7F0]  }
0x213: {  	v60 =	vmov s31;
	v5 =	vmul.f32 v42, v22;
	v45 =	vmul.f32 v24, v39  }
0x214: {  	v3 =	vadd.f32 v3, v4;
	v4 =	vand.u32 $0x7F, v60;
	v8 =	vmul.f32 v21, v43  }
0x215: {  	v4 =	vbroadcast v4, $0x0;
	v43 =	vperm.xlane v49, v50  }
0x216: {  	v42 =	vperm.xlane v49, v52;
	v7 =	vmul.f32 v48, v18;
	v18 =	vor.u32 v29, v51  }
0x217: {  	v2 =	vadd.f32 v9, v41;
	v41 =	vperm.xlane v49, v54;
	v10 =	vmul.f32 v46, v25  }
0x218: {  	v1 =	vadd.f32 v23, v45;
	v40 =	vperm.xlane v49, v55;
	v39 =	vperm.xlane v49, v56  }
0x219: {  	v62 =	vld [tilespmem:$0x1FFD0];
	v38 =	vperm.xlane v49, v30;
	v5 =	vadd.f32 v8, v5;
	v61 =	vadd.f32 v7, v10  }
0x21a: {  	v58 =	vand.u32 $0x7E, v57;
	v37 =	vperm.xlane v49, v53;
	v36 =	vperm.xlane v49, v59  }
0x21b: {  	v1 =	vadd.f32 v1, v2;
	v2 =	vbroadcast v58, $0x0;
	v22 =	vld.idx.msk [tilespmem:v18+s17+$0x0], $0xffff;
	v5 =	vadd.f32 v61, v5  }
0x21c: {  	v35 =	vperm.xlane v49, v17;
	v34 =	vperm.xlane v49, v0;
	v21 =	vor.u32 v29, v4  }
0x21d: {  	p1 =	slt.u32 s2, $0x7C;
	s0 =	sadd.s32 $0x40, s0;
	v33 =	vperm.xlane v49, v11;
	v2 =	vor.u32 v29, v2;
	v1 =	vadd.f32 v5, v1  }
.Ltmp5:
0x21e: {  	v47 =	vld [tilespmem:s0+$0xFFFF8800];
	v32 =	vperm.xlane v49, v12;
	v30 =	vperm.xlane v49, v15;
	(pc) =	sbr.rel @p1 .LBB2_8-.Ltmp5, $4  }
0x21f: {  	v31 =	vperm.xlane v49, v13;
	v28 =	vperm.xlane v49, v14;
	v48 =	vld [tilespmem:s0+$0xFFFF9000];
	v1 =	vadd.f32 v1, v3  }
0x220: {  	v29 =	vperm.xlane v49, v16;
	v49 =	vld [tilespmem:s0+$0xFFFF9800];
	v63 =	vmov v2;
	v27 =	vperm.xlane v22, v50  }
0x221: {  	v46 =	vld.idx.msk [tilespmem:v21+s17+$0x0], $0xffff;
	v26 =	vperm.xlane v22, v52;
	v25 =	vperm.xlane v22, v54;
	[tilespmem:v62+s25+$0x0] =	vst.idx.msk $0xffff, v1  }
0x222: {  	s2 =	sadd.s32 $0x4, s2;
	[tilespmem:$0x1FFD0] =	vst v63;
	v24 =	vperm.xlane v22, v55;
	v23 =	vperm.xlane v22, v56;
	v20 =	vld.idx.msk [tilespmem:v2+s17+$0x0], $0xffff  }
0x223: {  	v17 =	vld [tilespmem:$0x1FFF0]  }
0x224: {  	v1 =	vld [tilespmem:s0+$0xFFFFA000]  }
0x225: {  	v2 =	vld [tilespmem:s0+$0xFFFFA800]  }
0x226: {  	v3 =	vld [tilespmem:s0+$0xFFFFB000]  }
0x227: {  	v4 =	vld [tilespmem:s0+$0xFFFFB800]  }
0x228: {  	v5 =	vld [tilespmem:s0+$0xFFFFC000]  }
0x229: {  	v6 =	vld [tilespmem:s0+$0xFFFFC800]  }
0x22a: {  	v7 =	vld [tilespmem:s0+$0xFFFFD000];
	v0 =	vimm.s32 $0x5;
	v44 =	vperm.xlane v46, v50;
	v45 =	vperm.xlane v46, v52  }
0x22b: {  	v8 =	vld [tilespmem:s0+$0xFFFFD800];
	v57 =	vimm.s32 $0x6;
	v51 =	vperm.xlane v46, v54;
	v52 =	vperm.xlane v46, v55  }
0x22c: {  	v9 =	vld [tilespmem:s0+$0xFFFFE000];
	v11 =	vimm.s32 $0x8;
	v54 =	vperm.xlane v46, v56;
	v55 =	vperm.xlane v46, v0  }
0x22d: {  	v10 =	vld [tilespmem:s0+$0xFFFFE800];
	v12 =	vimm.s32 $0x9;
	v57 =	vperm.xlane v46, v57;
	v58 =	vperm.xlane v46, v59  }
0x22e: {  	v53 =	vld [tilespmem:s0+$0xFFFFF800];
	v63 =	vimm.s32 $0xA;
	v60 =	vperm.xlane v46, v11;
	v61 =	vperm.xlane v46, v12  }
0x22f: {  	v62 =	vld [tilespmem:s0+$0xFFFF8FD0];
	v63 =	vperm.xlane v46, v63;
	v44 =	vmul.f32 v44, v47  }
0x230: {  	v50 =	vld [tilespmem:s0+$0xFFFFF000];
	v12 =	vimm.s32 $0xB;
	v45 =	vmul.f32 v45, v48;
	v48 =	vmul.f32 v51, v49  }
0x231: {  	v56 =	vld [tilespmem:s0+$0x0];
	v51 =	vperm.xlane v46, v12;
	v1 =	vmul.f32 v52, v1  }
0x232: {  	v15 =	vimm.s32 $0xC;
	v59 =	vld [tilespmem:s0+$0xFFFF87D0];
	v2 =	vmul.f32 v54, v2;
	v3 =	vmul.f32 v55, v3  }
0x233: {  	v47 =	vld [tilespmem:s0+$0xFFFF97D0];
	v55 =	vperm.xlane v46, v15;
	v4 =	vmul.f32 v57, v4  }
0x234: {  	v13 =	vimm.s32 $0xD;
	v49 =	vld [tilespmem:s0+$0xFFFF9FD0];
	v5 =	vmul.f32 v58, v5;
	v6 =	vmul.f32 v60, v6  }
0x235: {  	v14 =	vimm.s32 $0xE;
	v52 =	vld [tilespmem:s0+$0xFFFFA7D0];
	v60 =	vperm.xlane v46, v13;
	v7 =	vmul.f32 v61, v7  }
0x236: {  	v16 =	vimm.s32 $0xF;
	v54 =	vld [tilespmem:s0+$0xFFFFAFD0];
	v8 =	vmul.f32 v63, v8;
	v63 =	vperm.xlane v46, v14  }
0x237: {  	v57 =	vld [tilespmem:s0+$0xFFFFB7D0];
	v46 =	vperm.xlane v46, v16;
	v9 =	vmul.f32 v51, v9  }
0x238: {  	v58 =	vld [tilespmem:s0+$0xFFFFBFD0];
	v10 =	vmul.f32 v55, v10;
	v44 =	vadd.f32 v45, v44;
	v1 =	vadd.f32 v1, v48  }
0x239: {  	v61 =	vld [tilespmem:s0+$0xFFFFC7D0];
	v53 =	vmul.f32 v63, v53;
	v2 =	vadd.f32 v3, v2;
	v3 =	vadd.f32 v5, v4  }
0x23a: {  	v51 =	vld [tilespmem:s0+$0xFFFFCFD0];
	v6 =	vadd.f32 v7, v6;
	v48 =	vimm.s32 $0x1;
	v50 =	vmul.f32 v60, v50  }
0x23b: {  	v55 =	vld [tilespmem:s0+$0xFFFFD7D0];
	v46 =	vmul.f32 v46, v56;
	v5 =	vmul.f32 v43, v59;
	v59 =	vimm.s32 $0x7  }
0x23c: {  	v45 =	vld [tilespmem:s0+$0xFFFFE7D0];
	v7 =	vadd.f32 v9, v8;
	v9 =	vmul.f32 v42, v62;
	v1 =	vadd.f32 v1, v44  }
0x23d: {  	v4 =	vld [tilespmem:s0+$0xFFFFEFD0];
	v2 =	vadd.f32 v3, v2;
	v44 =	vimm.s32 $0x0;
	v10 =	vadd.f32 v50, v10  }
0x23e: {  	v63 =	vld [tilespmem:s0+$0xFFFF9FE0];
	v56 =	vadd.f32 v46, v53;
	v41 =	vmul.f32 v41, v47;
	v40 =	vmul.f32 v40, v49  }
0x23f: {  	v60 =	vld [tilespmem:s0+$0xFFFFDFD0];
	v38 =	vmul.f32 v38, v54;
	v49 =	vimm.s32 $0x2;
	v37 =	vmul.f32 v37, v57  }
0x240: {  	v43 =	vld [tilespmem:s0+$0xFFFFFFD0];
	v57 =	vimm.s32 $0x6;
	v35 =	vmul.f32 v35, v61;
	v50 =	vimm.s32 $0x3  }
0x241: {  	v8 =	vld [tilespmem:s0+$0xFFFFF7D0];
	v61 =	vperm.xlane v22, v59;
	v6 =	vadd.f32 v7, v6;
	v7 =	vmul.f32 v39, v52  }
0x242: {  	v3 =	vld [tilespmem:s0+$0xFFFF87E0];
	v5 =	vadd.f32 v9, v5;
	v9 =	vmul.f32 v36, v58;
	v58 =	vperm.xlane v22, v57  }
0x243: {  	v62 =	vld [tilespmem:s0+$0xFFFF97E0];
	v1 =	vadd.f32 v2, v1;
	v2 =	vmul.f32 v34, v51;
	v33 =	vmul.f32 v33, v55  }
0x244: {  	v46 =	vld [tilespmem:s0+$0xFFFFA7E0];
	v10 =	vadd.f32 v56, v10;
	v30 =	vmul.f32 v30, v45;
	v4 =	vmul.f32 v31, v4  }
0x245: {  	v47 =	vld [tilespmem:s0+$0xFFFFAFE0];
	v40 =	vadd.f32 v40, v41;
	v55 =	vperm.xlane v22, v0;
	v24 =	vmul.f32 v24, v63  }
0x246: {  	v53 =	vld [tilespmem:s0+$0xFFFFBFE0];
	v45 =	vperm.xlane v22, v12;
	v7 =	vadd.f32 v38, v7;
	v29 =	vmul.f32 v29, v43  }
0x247: {  	v42 =	vld [tilespmem:s0+$0xFFFFEFE0];
	v9 =	vadd.f32 v9, v37;
	v6 =	vadd.f32 v10, v6;
	v10 =	vmul.f32 v32, v60  }
0x248: {  	v39 =	vld [tilespmem:s0+$0xFFFF8FE0];
	v38 =	vimm.s32 $0xA;
	v8 =	vmul.f32 v28, v8;
	v3 =	vmul.f32 v27, v3  }
0x249: {  	v51 =	vld [tilespmem:s0+$0xFFFFB7E0];
	v25 =	vmul.f32 v25, v62;
	v5 =	vadd.f32 v40, v5;
	v2 =	vadd.f32 v2, v35  }
0x24a: {  	v54 =	vld [tilespmem:s0+$0xFFFFC7E0];
	v4 =	vadd.f32 v4, v30;
	v23 =	vmul.f32 v23, v46;
	v31 =	vmul.f32 v55, v47  }
0x24b: {  	v63 =	vld [tilespmem:s0+$0xFFFFE7E0];
	v7 =	vadd.f32 v9, v7;
	v9 =	vperm.xlane v22, v11;
	v27 =	vmul.f32 v61, v53  }
0x24c: {  	v56 =	vld [tilespmem:s0+$0xFFFFCFE0];
	v47 =	vperm.xlane v22, v15;
	v61 =	vperm.xlane v20, v49;
	v1 =	vadd.f32 v6, v1  }
0x24d: {  	v43 =	vld [tilespmem:s0+$0xFFFFF7E0];
	v6 =	vmul.f32 v26, v39;
	v10 =	vadd.f32 v10, v33;
	v39 =	vimm.s32 $0x9  }
0x24e: {  	v60 =	vld [tilespmem:s0+$0xFFFFD7E0];
	v8 =	vadd.f32 v29, v8;
	v28 =	vmul.f32 v58, v51;
	v41 =	vperm.xlane v22, v39  }
0x24f: {  	v62 =	vld [tilespmem:s0+$0xFFFFDFE0];
	v5 =	vadd.f32 v7, v5;
	v7 =	vperm.xlane v22, v38;
	v9 =	vmul.f32 v9, v54  }
0x250: {  	v40 =	vld [tilespmem:s0+$0xFFFFBFF0];
	v24 =	vadd.f32 v24, v25;
	v29 =	vmul.f32 v47, v63;
	v58 =	vperm.xlane v20, v48  }
0x251: {  	v46 =	vld [tilespmem:s0+$0xFFFFFFE0];
	v63 =	vperm.xlane v20, v50;
	v47 =	vperm.xlane v20, v59;
	v2 =	vadd.f32 v10, v2  }
0x252: {  	v53 =	vld [tilespmem:s0+$0xFFFF8FF0];
	v10 =	vperm.xlane v22, v13;
	v4 =	vadd.f32 v8, v4;
	v8 =	vperm.xlane v22, v14  }
0x253: {  	v55 =	vld [tilespmem:s0+$0xFFFF9FF0];
	v3 =	vadd.f32 v6, v3;
	v6 =	vperm.xlane v22, v16;
	v33 =	vmul.f32 v41, v56  }
0x254: {  	v51 =	vld [tilespmem:s0+$0xFFFF87F0];
	v23 =	vadd.f32 v31, v23;
	v7 =	vmul.f32 v7, v60;
	v30 =	vmul.f32 v45, v62  }
0x255: {  	v52 =	vimm.s32 $0x4;
	v54 =	vld [tilespmem:s0+$0xFFFF97F0];
	[tilespmem:v21+s25+$0x0] =	vst.idx.msk $0xffff, v1;
	v45 =	vperm.xlane v20, v57;
	v10 =	vmul.f32 v10, v42  }
0x256: {  	v56 =	vld [tilespmem:s0+$0xFFFFA7F0];
	v2 =	vadd.f32 v4, v2;
	v4 =	vperm.xlane v20, v44;
	v8 =	vmul.f32 v8, v43  }
0x257: {  	v60 =	vld [tilespmem:s0+$0xFFFFAFF0];
	v27 =	vadd.f32 v27, v28;
	v6 =	vmul.f32 v6, v46;
	v25 =	vmul.f32 v58, v53  }
0x258: {  	v62 =	vld [tilespmem:s0+$0xFFFFB7F0];
	v3 =	vadd.f32 v24, v3;
	v42 =	vperm.xlane v20, v0;
	v22 =	vmul.f32 v63, v55  }
0x259: {  	v41 =	vld [tilespmem:s0+$0xFFFFC7F0];
	v53 =	vperm.xlane v20, v11;
	v55 =	vperm.xlane v20, v39;
	v9 =	vadd.f32 v33, v9  }
0x25a: {  	v43 =	vld [tilespmem:s0+$0xFFFFCFF0];
	v63 =	vperm.xlane v20, v16;
	v23 =	vadd.f32 v27, v23;
	v7 =	vadd.f32 v30, v7  }
0x25b: {  	v46 =	vld [tilespmem:s0+$0xFFFFD7F0];
	v27 =	vmul.f32 v47, v40;
	v4 =	vmul.f32 v4, v51;
	v2 =	vadd.f32 v2, v5  }
0x25c: {  	v58 =	vld [tilespmem:s0+$0xFFFFF7F0];
	v5 =	vperm.xlane v20, v52;
	v31 =	vmul.f32 v61, v54;
	v10 =	vadd.f32 v10, v29  }
0x25d: {  	v51 =	vld [tilespmem:s0+$0xFFFFDFF0];
	v6 =	vadd.f32 v6, v8;
	v8 =	vperm.xlane v20, v38;
	v61 =	vperm.xlane v20, v13  }
0x25e: {  	v54 =	vld [tilespmem:s0+$0xFFFFE7F0];
	v7 =	vadd.f32 v7, v9;
	v9 =	vperm.xlane v20, v12;
	v5 =	vmul.f32 v5, v56  }
0x25f: {  	v3 =	vadd.f32 v23, v3;
	v28 =	vmul.f32 v42, v60;
	v33 =	vmul.f32 v45, v62;
	v56 =	vld [tilespmem:s0+$0xFFFFEFF0]  }
0x260: {  	v30 =	vmul.f32 v53, v41;
	v60 =	vld [tilespmem:s0+$0xFFFFFFF0];
	v6 =	vadd.f32 v6, v10;
	v10 =	vperm.xlane v20, v15  }
0x261: {  	v4 =	vadd.f32 v25, v4;
	v22 =	vadd.f32 v22, v31;
	v62 =	vperm.xlane v20, v14  }
0x262: {  	[tilespmem:v19+s25+$0x0] =	vst.idx.msk $0xffff, v2;
	v24 =	vmul.f32 v55, v43;
	v6 =	vadd.f32 v6, v7  }
0x263: {  	v8 =	vmul.f32 v8, v46;
	v5 =	vadd.f32 v28, v5;
	v26 =	vmul.f32 v62, v58  }
0x264: {  	v9 =	vmul.f32 v9, v51;
	v10 =	vmul.f32 v10, v54;
	v1 =	vadd.f32 v6, v3  }
0x265: {  	v27 =	vadd.f32 v27, v33;
	v25 =	vmul.f32 v61, v56;
	v20 =	vmul.f32 v63, v60  }
0x266: {  	v24 =	vadd.f32 v24, v30;
	v8 =	vadd.f32 v9, v8;
	[tilespmem:v18+s25+$0x0] =	vst.idx.msk $0xffff, v1  }
0x267: {  	v9 =	vadd.f32 v25, v10;
	v10 =	vadd.f32 v20, v26;
	v0 =	vld [tilespmem:$0x1FFD0]  }
0x268: {  	v4 =	vadd.f32 v22, v4;
	v5 =	vadd.f32 v27, v5  }
0x269: {  	v8 =	vadd.f32 v8, v24;
	v9 =	vadd.f32 v10, v9;
	_ =	sdelay $0x1  }
0x26a: {  	v4 =	vadd.f32 v5, v4;
	v5 =	vadd.f32 v9, v8;
	_ =	sdelay $0x1  }
0x26b: {  	v2 =	vadd.f32 v5, v4  }
.Ltmp6:
0x26c: {  	s31 =	sshll.u32 s30, $0x7;
	(pc) =	sbr.rel @p0 .LBB2_11-.Ltmp6, $4  }
0x26d: {  	s2 =	sadd.s32 s1, s31;
	[tilespmem:v0+s25+$0x0] =	vst.idx.msk $0xffff, v2  }
0x26e: {  	v7 =	vimm.s32 $0xE;
	v3 =	vimm.s32 $0xA;
	v6 =	vimm.s32 $0xD;
	[hbm4b:s2+s3] =	stream.linear.scatter [tilespmem:s25], [sflag:$0x8], $0x400, $0x38;
	[tilespmem:$0x13000] =	vst v63  }
0x26f: {  	s0 =	sadd.s32 s31, s11;
	v56 =	vimm.s32 $0x5;
	v1 =	vimm.s32 $0x8;
	v8 =	vimm.s32 $0xF  }
0x270: {  	v4 =	vimm.s32 $0xB;
	v5 =	vimm.s32 $0xC;
	v2 =	vimm.s32 $0x9;
	[hbm4b:s0+s3] =	stream.linear.scatter [tilespmem:s26], [sflag:$0x8], $0x400, $0x38;
	[tilespmem:$0x13000] =	vst v63  }
.Ltmp7:
0x271: {  	(pc) =	sbr.rel .LBB2_2-.Ltmp7, $4  }
0x272: {  	_ = 	snop  }
0x273: {  	s0 =	sshll.u32 s30, $0x8  }
0x274: {  	s29 =	sadd.s32 $0x1, s29;
	s0 =	sadd.s32 s0, s12  }
0x275: {  	v0 =	vmov v17;
	[tilespmem:s17], [sflag:$0x4] =	stream.linear.gather [hbm4b:s0+s3], $0x800, $0x38;
	[tilespmem:$0x13000] =	vst v63  }
.LBB2_12:
0x276: {  	_ =	sfence.sel $0x180000  }
0x277: {  	[bflag:$0x0] =	sbarrier.arrive $0xFFFF  }
0x278: {  	_ =	strace $0x9000004A  }
0x279: {  	s0 =	stileid.u32;
	[bflag:$0x2] =	sbarrier.arrive $0xFFFF  }
0x27a: {  	p0 =	sne.s32 s0, $0x0;
	s0 =	rddreg [dreg:$0x2]  }
0x27b: {  	s0 =	sadd.s32 @!p0 $0x100000, s0  }
0x27c: {  	[sflag:s0] =	ssyncadd.tile.s32 @!p0 $0x1;
	_ =	shalt  }
.Lfunc_end2:
_tile_overlayer_lowered:
.L_overlay_start_2:
0x27d: {  	(tag) =	ssettag $0x2  }
0x27e: {  	s0 =	rddreg [dreg:$0x0];
	s2 =	stileid.u32  }
0x27f: {  	s1 =	rddreg [dreg:$0x1];
	p0 =	sne.s32 s2, $0x0  }
0x280: {  	s3 =	rddreg [dreg:$0x2];
	[bflag:$0x3] =	sbarrier.arrive $0xFFFF;
	s2 =	simm.s32 @!p0 $0x1C09  }
0x281: {  	[timem:s3], [sflag:s2] =	dma.local @!p0 [hbm:s0], s1  }
0x282: {  	s0 =	simm.s32 @!p0 $0x9  }
0x283: {  	_ =	swait.ge @!p0 [sflag:s0], s1  }
0x284: {  	s1 =	ssub.s32 @!p0 $0x0, s1;
	[sflag:s0] =	ssyncset.done @!p0 $0x0  }
0x285: {  	[sflag:s0] =	ssyncadd.s32 @!p0 s1  }
0x286: {  	[bflag:$0x3] =	sbarrier.arrive $0xFFFF  }
0x287: {  	_ =	shalt  }

</sc_bundles>
